<compile_context>
chip_gen: v7x
topology: tpu7x:2x2x1
jax: 0.10.2.dev20260603
libtpu: 0.0.44.dev20260713+nightly
codegen_flags: <defaults>
</compile_context>

<pallas_src>
import functools

import jax
import jax.numpy as jnp
from jax import lax
from jax.experimental import pallas as pl
from jax.experimental.pallas import tpu as pltpu
from jax.experimental.pallas import tpu_sc as plsc

N = 100000
D = 128
S = 512
NW = 32
RW = 3136
STRIDE = 3128
LAST_START = N - RW
CHUNK = 224
NCHUNK = RW // CHUNK
NBUF = 2
GROUP = 16
NJ = D // 16
NEG_INF = float("-inf")


def _stage1_body(feat_hbm, ids_hbm, part_hbm, bnd_hbm, ids_v, buf_v, loc_v,
                 acc_v, bnd_stage_v, sem0, sem1):
  c = lax.axis_index("c")
  s = lax.axis_index("s")
  w = s * 2 + c
  start = jnp.minimum(w * STRIDE, LAST_START)
  start = pl.multiple_of(start, 8)

  pltpu.sync_copy(ids_hbm.at[pl.ds(start, RW)], ids_v.at[pl.ds(0, RW)])

  def id_at(i):
    return ids_v[pl.ds(i, 16)][0]

  ninf = jnp.full((16,), NEG_INF, jnp.float32)

  first = id_at(0)
  last = ids_v[pl.ds(RW - 16, 16)][15]

  def init_body(i, _):
    for j in range(NJ):
      loc_v[pl.ds(i * D + j * 16, 16)] = ninf
    return 0

  lax.fori_loop(first, last + 1, init_body, 0)
  for j in range(NJ):
    acc_v[pl.ds(j * 16, 16)] = ninf

  def flush(s_cur):
    for j in range(NJ):
      loc_v[pl.ds(s_cur * D + j * 16, 16)] = acc_v[pl.ds(j * 16, 16)]

  def process_chunk(k, s_cur, parity):
    boff = parity * CHUNK * D

    def group_body(g, s_cur):
      ids16 = ids_v[pl.ds(k * CHUNK + g * GROUP, 16)]
      uniform = (ids16[0] == s_cur) & (ids16[15] == s_cur)

      def fast(s_cur):
        def load(j):
          return [
              buf_v[pl.ds(boff + (g * GROUP + r) * D + j * 16, 16)]
              for r in range(GROUP)
          ]

        def reduce(j, vals):
          while len(vals) > 1:
            vals = [
                jnp.maximum(vals[2 * i], vals[2 * i + 1])
                for i in range(len(vals) // 2)
            ]
          acc_v[pl.ds(j * 16, 16)] = jnp.maximum(
              acc_v[pl.ds(j * 16, 16)], vals[0])

        prev = load(0)
        for j in range(1, NJ):
          cur = load(j)
          reduce(j - 1, prev)
          prev = cur
        reduce(NJ - 1, prev)
        return s_cur

      def slow(s_cur):
        def row_body(r, s_cur):
          s_new = id_at(k * CHUNK + g * GROUP + r)

          @pl.when(s_new != s_cur)
          def _():
            flush(s_cur)
            for j in range(NJ):
              acc_v[pl.ds(j * 16, 16)] = ninf

          for j in range(NJ):
            v = buf_v[pl.ds(boff + (g * GROUP + r) * D + j * 16, 16)]
            acc_v[pl.ds(j * 16, 16)] = jnp.maximum(
                acc_v[pl.ds(j * 16, 16)], v)
          return s_new

        return lax.fori_loop(0, GROUP, row_body, s_cur)

      return lax.cond(uniform, fast, slow, s_cur)

    return lax.fori_loop(0, CHUNK // GROUP, group_body, s_cur)

  sems = (sem0, sem1)

  def start_copy_dyn(k, parity):
    kc = jnp.minimum(k, NCHUNK - 1)
    off = pl.multiple_of((start + kc * CHUNK) * D, 8)
    return pltpu.async_copy(
        feat_hbm.at[pl.ds(off, CHUNK * D)],
        buf_v.at[pl.ds(parity * CHUNK * D, CHUNK * D)],
        sems[parity],
    )

  def wait_copy(parity):
    pltpu.make_async_copy(
        feat_hbm.at[pl.ds(0, CHUNK * D)],
        buf_v.at[pl.ds(parity * CHUNK * D, CHUNK * D)],
        sems[parity],
    ).wait()

  for p in range(NBUF):
    start_copy_dyn(p, p)
  s_cur = id_at(0)

  def ring_body(kk, s_cur):
    k = kk * NBUF
    for p in range(NBUF):
      wait_copy(p)
      s_cur = process_chunk(k + p, s_cur, p)
      start_copy_dyn(k + p + NBUF, p)
    return s_cur

  s_cur = lax.fori_loop(0, NCHUNK // NBUF, ring_body, s_cur)
  for p in range(NBUF):
    wait_copy(p)

  flush(s_cur)
  WIN = 64
  for cw in range(S // WIN):
    @pl.when((first < (cw + 1) * WIN) & (last >= cw * WIN))
    def _(cw=cw):
      pltpu.sync_copy(
          loc_v.at[pl.ds(cw * WIN * D, WIN * D)],
          part_hbm.at[pl.ds(w * S * D + cw * WIN * D, WIN * D)],
      )
  lanes = jnp.arange(16, dtype=jnp.int32)
  bnd_stage_v[...] = jnp.where(lanes == 0, first,
                               jnp.where(lanes == 1, last, 0))
  pltpu.sync_copy(bnd_stage_v, bnd_hbm.at[pl.ds(w * 16, 16)])


_stage1 = functools.partial(
    pl.kernel,
    out_type=(
        jax.ShapeDtypeStruct((NW * S * D,), jnp.float32),
        jax.ShapeDtypeStruct((NW * 16,), jnp.int32),
    ),
    mesh=plsc.VectorSubcoreMesh(core_axis_name="c", subcore_axis_name="s"),
    scratch_types=[
        pltpu.VMEM((RW + 16,), jnp.int32),
        pltpu.VMEM((NBUF * CHUNK * D,), jnp.float32),
        pltpu.VMEM((S * D,), jnp.float32),
        pltpu.VMEM((D,), jnp.float32),
        pltpu.VMEM((16,), jnp.int32),
        pltpu.SemaphoreType.DMA,
        pltpu.SemaphoreType.DMA,
    ],
)(_stage1_body)


_MERGE_BS = 64


def _merge_body(part_ref, bnd_ref, out_ref):
  i = pl.program_id(0)
  shape3 = (NW, _MERGE_BS, D)
  seg = (jax.lax.broadcasted_iota(jnp.int32, shape3, 1) + i * _MERGE_BS)
  lo = jax.lax.broadcast_in_dim(bnd_ref[:, 0], shape3, (0,))
  hi = jax.lax.broadcast_in_dim(bnd_ref[:, 1], shape3, (0,))
  valid = (seg >= lo) & (seg <= hi)
  x = jnp.where(valid, part_ref[...], NEG_INF)
  out_ref[...] = jnp.max(x, axis=0)


def _merge(partials, bounds):
  return pl.pallas_call(
      _merge_body,
      grid=(S // _MERGE_BS,),
      in_specs=[
          pl.BlockSpec((NW, _MERGE_BS, D), lambda i: (0, i, 0)),
          pl.BlockSpec((NW, 16), lambda i: (0, 0)),
      ],
      out_specs=pl.BlockSpec((_MERGE_BS, D), lambda i: (i, 0)),
      out_shape=jax.ShapeDtypeStruct((S, D), jnp.float32),
  )(partials, bounds)


@jax.jit
def kernel(feat, segment_ids):
  partials, bounds = _stage1(feat.reshape(-1), segment_ids)
  return _merge(partials.reshape(NW, S, D), bounds.reshape(NW, 16))

# --- scband reference (transcript-rebuilt; emitter-appended) ---
"""Pipeline reference for scband-max-pool-79276506349840 (READ-ONLY COPY).

The authoritative reference and input builder live on the scoring server;
editing this copy changes nothing except your own understanding.
"""

import jax, jax.numpy as jnp
import numpy as np

N = 100000
D = 128
NUM_SEGMENTS = 512

def setup_inputs(seed: int = 0) -> dict:
    key = jax.random.key(seed)
    k1, k2 = jax.random.split(key)
    feat = jax.random.normal(k1, (N, D), dtype=jnp.float32)
    segment_ids = jnp.sort(jax.random.randint(k2, (N,), 0, NUM_SEGMENTS)).astype(jnp.int32)
    return {"feat": feat, "segment_ids": segment_ids}

def reference(feat, segment_ids):
    # DGL max_nodes readout: per-graph max over node features.
    # Equivalent to a segment max with graph-id as the segment id.
    readout = jax.ops.segment_max(
        feat, segment_ids, num_segments=NUM_SEGMENTS, indices_are_sorted=True
    )
    return readout

if __name__ == "__main__":
    import jax
    _d = setup_inputs()
    print(jax.jit(kernel)(*tuple(_d.values())))

</pallas_src>

<mosaic_0001>
#map = affine_map<(d0, d1) -> (0)>
module attributes {stable_mosaic.version = 14 : i64} {
  func.func @_stage1_body(%arg0: i32, %arg1: i32, %arg2: memref<12800000xf32, #tpu.memory_space<hbm>>, %arg3: memref<100000xi32, #tpu.memory_space<hbm>>, %arg4: memref<2097152xf32, #tpu.memory_space<hbm>>, %arg5: memref<512xi32, #tpu.memory_space<hbm>>, %arg6: memref<3152xi32, #tpu.memory_space<vmem>>, %arg7: memref<57344xf32, #tpu.memory_space<vmem>>, %arg8: memref<65536xf32, #tpu.memory_space<vmem>>, %arg9: memref<128xf32, #tpu.memory_space<vmem>>, %arg10: memref<16xi32, #tpu.memory_space<vmem>>, %arg11: memref<!tpu.dma_semaphore, #tpu.memory_space<semaphore_mem>>, %arg12: memref<!tpu.dma_semaphore, #tpu.memory_space<semaphore_mem>>) attributes {dimension_semantics = [#tpu.dimension_semantics<core_parallel>, #tpu.dimension_semantics<subcore_parallel>], iteration_bounds = array<i64: 2, 16>, scalar_prefetch = 0 : i64, scratch_operands = 7 : i64, tpu.core_type = #tpu.core_type<sc_vector_subcore>, window_params = [{transform_indices = #map}, {transform_indices = #map}, {transform_indices = #map}, {transform_indices = #map}]} {
    %mul3A = arith.constant 2 : i32
    %mul3A_0 = arith.muli %arg1, %mul3A : i32
    %add3A = arith.addi %mul3A_0, %arg0 : i32
    %mul3A_1 = arith.constant 3128 : i32
    %mul3A_2 = arith.muli %add3A, %mul3A_1 : i32
    %min3A = arith.constant 96864 : i32
    %min3A_3 = arith.minsi %mul3A_2, %min3A : i32
    %multiple_of3A = tpu.assume_multiple %min3A_3, 8 : i32
    "tpu.region"() ({
      %run_scoped3A = tpu.sem_alloc : memref<!tpu.dma_semaphore, #tpu.memory_space<semaphore_mem>>
      %dma_start3A_271 = arith.constant 0 : i32
      %dma_start3A_272 = tpu.memref_slice %arg6[%dma_start3A_271] : memref<3152xi32, #tpu.memory_space<vmem>> -> memref<3136xi32, #tpu.memory_space<vmem>>
      %dma_start3A_273 = tpu.memref_slice %arg3[%multiple_of3A] : memref<100000xi32, #tpu.memory_space<hbm>> -> memref<3136xi32, #tpu.memory_space<hbm>>
      %dma_start3A_274 = arith.constant 0 : i32
      %dma_start3A_275 = tpu.memref_slice %arg6[%dma_start3A_274] : memref<3152xi32, #tpu.memory_space<vmem>> -> memref<3136xi32, #tpu.memory_space<vmem>>
      %dma_start3A_276 = tpu.memref_slice %arg3[%multiple_of3A] : memref<100000xi32, #tpu.memory_space<hbm>> -> memref<3136xi32, #tpu.memory_space<hbm>>
      tpu.enqueue_dma source(%dma_start3A_276 : memref<3136xi32, #tpu.memory_space<hbm>>) target(%dma_start3A_275 : memref<3136xi32, #tpu.memory_space<vmem>>) target_semaphore(%run_scoped3A : memref<!tpu.dma_semaphore, #tpu.memory_space<semaphore_mem>>)
      %dma_wait3A_277 = arith.constant 0 : i32
      %dma_wait3A_278 = tpu.memref_slice %arg6[%dma_wait3A_277] : memref<3152xi32, #tpu.memory_space<vmem>> -> memref<3136xi32, #tpu.memory_space<vmem>>
      %dma_wait3A_279 = tpu.memref_slice %arg3[%multiple_of3A] : memref<100000xi32, #tpu.memory_space<hbm>> -> memref<3136xi32, #tpu.memory_space<hbm>>
      %dma_wait3A_280 = arith.constant 0 : i32
      %dma_wait3A_281 = tpu.memref_slice %arg6[%dma_wait3A_280] : memref<3152xi32, #tpu.memory_space<vmem>> -> memref<3136xi32, #tpu.memory_space<vmem>>
      %dma_wait3A_282 = tpu.memref_slice %arg3[%multiple_of3A] : memref<100000xi32, #tpu.memory_space<hbm>> -> memref<3136xi32, #tpu.memory_space<hbm>>
      tpu.wait_dma2 semaphore(%run_scoped3A : memref<!tpu.dma_semaphore, #tpu.memory_space<semaphore_mem>>) src(%dma_wait3A_282 : memref<3136xi32, #tpu.memory_space<hbm>>) dst(%dma_wait3A_281 : memref<3136xi32, #tpu.memory_space<vmem>>)
      tpu.yield
    }) : () -> ()
    %broadcast_in_dim3A = arith.constant 0xFF800000 : f32
    %broadcast_in_dim3A_4 = vector.broadcast %broadcast_in_dim3A : f32 to vector<16xf32>
    %get3A = arith.constant 0 : index
    %get3A_5 = tpu.vector_load %arg6[%get3A] {strides = array<i32>} : memref<3152xi32, #tpu.memory_space<vmem>>, vector<16xi32>,
    %get3A_6 = vector.shape_cast %get3A_5 : vector<16xi32> to vector<16xi32>
    %slice3A = vector.extract_strided_slice %get3A_6 {offsets = [0], sizes = [1], strides = [1]} : vector<16xi32> to vector<1xi32>
    %squeeze3A = vector.extract %slice3A[0] : i32 from vector<1xi32>
    %get3A_7 = arith.constant 3120 : index
    %get3A_8 = tpu.vector_load %arg6[%get3A_7] {strides = array<i32>} : memref<3152xi32, #tpu.memory_space<vmem>>, vector<16xi32>,
    %get3A_9 = vector.shape_cast %get3A_8 : vector<16xi32> to vector<16xi32>
    %slice3A_10 = vector.extract_strided_slice %get3A_9 {offsets = [15], sizes = [1], strides = [1]} : vector<16xi32> to vector<1xi32>
    %squeeze3A_11 = vector.extract %slice3A_10[0] : i32 from vector<1xi32>
    %add3A_12 = arith.constant 1 : i32
    %add3A_13 = arith.addi %squeeze3A_11, %add3A_12 : i32
    %while3A = arith.constant 0 : i32
    %while3A_14 = arith.subi %add3A_13, %squeeze3A : i32
    %while3A_15 = arith.addi %squeeze3A, %while3A_14 : i32
    %while3A_16 = arith.constant 1 : i32
    %while3A_17 = arith.divsi %while3A_14, %while3A_16 : i32
    %while3A_18 = arith.muli %while3A_17, %while3A_16 : i32
    %while3A_19 = arith.addi %squeeze3A, %while3A_18 : i32
    %while3A_20 = arith.constant 1 : i32
    %while3A_21 = scf.for %while3A_271 = %squeeze3A to %while3A_19 step %while3A_20 iter_args(%while3A_272 = %while3A) -> (i32)  : i32 {
      %mul3A_273 = arith.constant 128 : i32
      %mul3A_274 = arith.muli %while3A_271, %mul3A_273 : i32
      %add3A_275 = arith.constant 0 : i32
      %add3A_276 = arith.addi %mul3A_274, %add3A_275 : i32
      %swap3A_277 = arith.index_cast %add3A_276 : i32 to index
      %swap3A_278 = tpu.vector_load %arg8[%swap3A_277] {strides = array<i32>} : memref<65536xf32, #tpu.memory_space<vmem>>, vector<16xf32>,
      %swap3A_279 = vector.shape_cast %swap3A_278 : vector<16xf32> to vector<16xf32>
      %swap3A_280 = vector.shape_cast %broadcast_in_dim3A_4 : vector<16xf32> to vector<16xf32>
      tpu.vector_store %arg8[%swap3A_277], %swap3A_280 {strides = array<i32>} : memref<65536xf32, #tpu.memory_space<vmem>>, vector<16xf32>,
      %mul3A_281 = arith.constant 128 : i32
      %mul3A_282 = arith.muli %while3A_271, %mul3A_281 : i32
      %add3A_283 = arith.constant 16 : i32
      %add3A_284 = arith.addi %mul3A_282, %add3A_283 : i32
      %swap3A_285 = arith.index_cast %add3A_284 : i32 to index
      %swap3A_286 = tpu.vector_load %arg8[%swap3A_285] {strides = array<i32>} : memref<65536xf32, #tpu.memory_space<vmem>>, vector<16xf32>,
      %swap3A_287 = vector.shape_cast %swap3A_286 : vector<16xf32> to vector<16xf32>
      %swap3A_288 = vector.shape_cast %broadcast_in_dim3A_4 : vector<16xf32> to vector<16xf32>
      tpu.vector_store %arg8[%swap3A_285], %swap3A_288 {strides = array<i32>} : memref<65536xf32, #tpu.memory_space<vmem>>, vector<16xf32>,
      %mul3A_289 = arith.constant 128 : i32
      %mul3A_290 = arith.muli %while3A_271, %mul3A_289 : i32
      %add3A_291 = arith.constant 32 : i32
      %add3A_292 = arith.addi %mul3A_290, %add3A_291 : i32
      %swap3A_293 = arith.index_cast %add3A_292 : i32 to index
      %swap3A_294 = tpu.vector_load %arg8[%swap3A_293] {strides = array<i32>} : memref<65536xf32, #tpu.memory_space<vmem>>, vector<16xf32>,
      %swap3A_295 = vector.shape_cast %swap3A_294 : vector<16xf32> to vector<16xf32>
      %swap3A_296 = vector.shape_cast %broadcast_in_dim3A_4 : vector<16xf32> to vector<16xf32>
      tpu.vector_store %arg8[%swap3A_293], %swap3A_296 {strides = array<i32>} : memref<65536xf32, #tpu.memory_space<vmem>>, vector<16xf32>,
      %mul3A_297 = arith.constant 128 : i32
      %mul3A_298 = arith.muli %while3A_271, %mul3A_297 : i32
      %add3A_299 = arith.constant 48 : i32
      %add3A_300 = arith.addi %mul3A_298, %add3A_299 : i32
      %swap3A_301 = arith.index_cast %add3A_300 : i32 to index
      %swap3A_302 = tpu.vector_load %arg8[%swap3A_301] {strides = array<i32>} : memref<65536xf32, #tpu.memory_space<vmem>>, vector<16xf32>,
      %swap3A_303 = vector.shape_cast %swap3A_302 : vector<16xf32> to vector<16xf32>
      %swap3A_304 = vector.shape_cast %broadcast_in_dim3A_4 : vector<16xf32> to vector<16xf32>
      tpu.vector_store %arg8[%swap3A_301], %swap3A_304 {strides = array<i32>} : memref<65536xf32, #tpu.memory_space<vmem>>, vector<16xf32>,
      %mul3A_305 = arith.constant 128 : i32
      %mul3A_306 = arith.muli %while3A_271, %mul3A_305 : i32
      %add3A_307 = arith.constant 64 : i32
      %add3A_308 = arith.addi %mul3A_306, %add3A_307 : i32
      %swap3A_309 = arith.index_cast %add3A_308 : i32 to index
      %swap3A_310 = tpu.vector_load %arg8[%swap3A_309] {strides = array<i32>} : memref<65536xf32, #tpu.memory_space<vmem>>, vector<16xf32>,
      %swap3A_311 = vector.shape_cast %swap3A_310 : vector<16xf32> to vector<16xf32>
      %swap3A_312 = vector.shape_cast %broadcast_in_dim3A_4 : vector<16xf32> to vector<16xf32>
      tpu.vector_store %arg8[%swap3A_309], %swap3A_312 {strides = array<i32>} : memref<65536xf32, #tpu.memory_space<vmem>>, vector<16xf32>,
      %mul3A_313 = arith.constant 128 : i32
      %mul3A_314 = arith.muli %while3A_271, %mul3A_313 : i32
      %add3A_315 = arith.constant 80 : i32
      %add3A_316 = arith.addi %mul3A_314, %add3A_315 : i32
      %swap3A_317 = arith.index_cast %add3A_316 : i32 to index
      %swap3A_318 = tpu.vector_load %arg8[%swap3A_317] {strides = array<i32>} : memref<65536xf32, #tpu.memory_space<vmem>>, vector<16xf32>,
      %swap3A_319 = vector.shape_cast %swap3A_318 : vector<16xf32> to vector<16xf32>
      %swap3A_320 = vector.shape_cast %broadcast_in_dim3A_4 : vector<16xf32> to vector<16xf32>
      tpu.vector_store %arg8[%swap3A_317], %swap3A_320 {strides = array<i32>} : memref<65536xf32, #tpu.memory_space<vmem>>, vector<16xf32>,
      %mul3A_321 = arith.constant 128 : i32
      %mul3A_322 = arith.muli %while3A_271, %mul3A_321 : i32
      %add3A_323 = arith.constant 96 : i32
      %add3A_324 = arith.addi %mul3A_322, %add3A_323 : i32
      %swap3A_325 = arith.index_cast %add3A_324 : i32 to index
      %swap3A_326 = tpu.vector_load %arg8[%swap3A_325] {strides = array<i32>} : memref<65536xf32, #tpu.memory_space<vmem>>, vector<16xf32>,
      %swap3A_327 = vector.shape_cast %swap3A_326 : vector<16xf32> to vector<16xf32>
      %swap3A_328 = vector.shape_cast %broadcast_in_dim3A_4 : vector<16xf32> to vector<16xf32>
      tpu.vector_store %arg8[%swap3A_325], %swap3A_328 {strides = array<i32>} : memref<65536xf32, #tpu.memory_space<vmem>>, vector<16xf32>,
      %mul3A_329 = arith.constant 128 : i32
      %mul3A_330 = arith.muli %while3A_271, %mul3A_329 : i32
      %add3A_331 = arith.constant 112 : i32
      %add3A_332 = arith.addi %mul3A_330, %add3A_331 : i32
      %swap3A_333 = arith.index_cast %add3A_332 : i32 to index
      %swap3A_334 = tpu.vector_load %arg8[%swap3A_333] {strides = array<i32>} : memref<65536xf32, #tpu.memory_space<vmem>>, vector<16xf32>,
      %swap3A_335 = vector.shape_cast %swap3A_334 : vector<16xf32> to vector<16xf32>
      %swap3A_336 = vector.shape_cast %broadcast_in_dim3A_4 : vector<16xf32> to vector<16xf32>
      tpu.vector_store %arg8[%swap3A_333], %swap3A_336 {strides = array<i32>} : memref<65536xf32, #tpu.memory_space<vmem>>, vector<16xf32>,
      %while3A_337 = arith.constant 0 : i32
      scf.yield %while3A_337 : i32
    }
    %while3A_22 = arith.constant 1 : i32
    %while3A_23 = scf.for %while3A_271 = %while3A_19 to %while3A_15 step %while3A_22 iter_args(%while3A_272 = %while3A_21) -> (i32)  : i32 {
      %mul3A_273 = arith.constant 128 : i32
      %mul3A_274 = arith.muli %while3A_271, %mul3A_273 : i32
      %add3A_275 = arith.constant 0 : i32
      %add3A_276 = arith.addi %mul3A_274, %add3A_275 : i32
      %swap3A_277 = arith.index_cast %add3A_276 : i32 to index
      %swap3A_278 = tpu.vector_load %arg8[%swap3A_277] {strides = array<i32>} : memref<65536xf32, #tpu.memory_space<vmem>>, vector<16xf32>,
      %swap3A_279 = vector.shape_cast %swap3A_278 : vector<16xf32> to vector<16xf32>
      %swap3A_280 = vector.shape_cast %broadcast_in_dim3A_4 : vector<16xf32> to vector<16xf32>
      tpu.vector_store %arg8[%swap3A_277], %swap3A_280 {strides = array<i32>} : memref<65536xf32, #tpu.memory_space<vmem>>, vector<16xf32>,
      %mul3A_281 = arith.constant 128 : i32
      %mul3A_282 = arith.muli %while3A_271, %mul3A_281 : i32
      %add3A_283 = arith.constant 16 : i32
      %add3A_284 = arith.addi %mul3A_282, %add3A_283 : i32
      %swap3A_285 = arith.index_cast %add3A_284 : i32 to index
      %swap3A_286 = tpu.vector_load %arg8[%swap3A_285] {strides = array<i32>} : memref<65536xf32, #tpu.memory_space<vmem>>, vector<16xf32>,
      %swap3A_287 = vector.shape_cast %swap3A_286 : vector<16xf32> to vector<16xf32>
      %swap3A_288 = vector.shape_cast %broadcast_in_dim3A_4 : vector<16xf32> to vector<16xf32>
      tpu.vector_store %arg8[%swap3A_285], %swap3A_288 {strides = array<i32>} : memref<65536xf32, #tpu.memory_space<vmem>>, vector<16xf32>,
      %mul3A_289 = arith.constant 128 : i32
      %mul3A_290 = arith.muli %while3A_271, %mul3A_289 : i32
      %add3A_291 = arith.constant 32 : i32
      %add3A_292 = arith.addi %mul3A_290, %add3A_291 : i32
      %swap3A_293 = arith.index_cast %add3A_292 : i32 to index
      %swap3A_294 = tpu.vector_load %arg8[%swap3A_293] {strides = array<i32>} : memref<65536xf32, #tpu.memory_space<vmem>>, vector<16xf32>,
      %swap3A_295 = vector.shape_cast %swap3A_294 : vector<16xf32> to vector<16xf32>
      %swap3A_296 = vector.shape_cast %broadcast_in_dim3A_4 : vector<16xf32> to vector<16xf32>
      tpu.vector_store %arg8[%swap3A_293], %swap3A_296 {strides = array<i32>} : memref<65536xf32, #tpu.memory_space<vmem>>, vector<16xf32>,
      %mul3A_297 = arith.constant 128 : i32
      %mul3A_298 = arith.muli %while3A_271, %mul3A_297 : i32
      %add3A_299 = arith.constant 48 : i32
      %add3A_300 = arith.addi %mul3A_298, %add3A_299 : i32
      %swap3A_301 = arith.index_cast %add3A_300 : i32 to index
      %swap3A_302 = tpu.vector_load %arg8[%swap3A_301] {strides = array<i32>} : memref<65536xf32, #tpu.memory_space<vmem>>, vector<16xf32>,
      %swap3A_303 = vector.shape_cast %swap3A_302 : vector<16xf32> to vector<16xf32>
      %swap3A_304 = vector.shape_cast %broadcast_in_dim3A_4 : vector<16xf32> to vector<16xf32>
      tpu.vector_store %arg8[%swap3A_301], %swap3A_304 {strides = array<i32>} : memref<65536xf32, #tpu.memory_space<vmem>>, vector<16xf32>,
      %mul3A_305 = arith.constant 128 : i32
      %mul3A_306 = arith.muli %while3A_271, %mul3A_305 : i32
      %add3A_307 = arith.constant 64 : i32
      %add3A_308 = arith.addi %mul3A_306, %add3A_307 : i32
      %swap3A_309 = arith.index_cast %add3A_308 : i32 to index
      %swap3A_310 = tpu.vector_load %arg8[%swap3A_309] {strides = array<i32>} : memref<65536xf32, #tpu.memory_space<vmem>>, vector<16xf32>,
      %swap3A_311 = vector.shape_cast %swap3A_310 : vector<16xf32> to vector<16xf32>
      %swap3A_312 = vector.shape_cast %broadcast_in_dim3A_4 : vector<16xf32> to vector<16xf32>
      tpu.vector_store %arg8[%swap3A_309], %swap3A_312 {strides = array<i32>} : memref<65536xf32, #tpu.memory_space<vmem>>, vector<16xf32>,
      %mul3A_313 = arith.constant 128 : i32
      %mul3A_314 = arith.muli %while3A_271, %mul3A_313 : i32
      %add3A_315 = arith.constant 80 : i32
      %add3A_316 = arith.addi %mul3A_314, %add3A_315 : i32
      %swap3A_317 = arith.index_cast %add3A_316 : i32 to index
      %swap3A_318 = tpu.vector_load %arg8[%swap3A_317] {strides = array<i32>} : memref<65536xf32, #tpu.memory_space<vmem>>, vector<16xf32>,
      %swap3A_319 = vector.shape_cast %swap3A_318 : vector<16xf32> to vector<16xf32>
      %swap3A_320 = vector.shape_cast %broadcast_in_dim3A_4 : vector<16xf32> to vector<16xf32>
      tpu.vector_store %arg8[%swap3A_317], %swap3A_320 {strides = array<i32>} : memref<65536xf32, #tpu.memory_space<vmem>>, vector<16xf32>,
      %mul3A_321 = arith.constant 128 : i32
      %mul3A_322 = arith.muli %while3A_271, %mul3A_321 : i32
      %add3A_323 = arith.constant 96 : i32
      %add3A_324 = arith.addi %mul3A_322, %add3A_323 : i32
      %swap3A_325 = arith.index_cast %add3A_324 : i32 to index
      %swap3A_326 = tpu.vector_load %arg8[%swap3A_325] {strides = array<i32>} : memref<65536xf32, #tpu.memory_space<vmem>>, vector<16xf32>,
      %swap3A_327 = vector.shape_cast %swap3A_326 : vector<16xf32> to vector<16xf32>
      %swap3A_328 = vector.shape_cast %broadcast_in_dim3A_4 : vector<16xf32> to vector<16xf32>
      tpu.vector_store %arg8[%swap3A_325], %swap3A_328 {strides = array<i32>} : memref<65536xf32, #tpu.memory_space<vmem>>, vector<16xf32>,
      %mul3A_329 = arith.constant 128 : i32
      %mul3A_330 = arith.muli %while3A_271, %mul3A_329 : i32
      %add3A_331 = arith.constant 112 : i32
      %add3A_332 = arith.addi %mul3A_330, %add3A_331 : i32
      %swap3A_333 = arith.index_cast %add3A_332 : i32 to index
      %swap3A_334 = tpu.vector_load %arg8[%swap3A_333] {strides = array<i32>} : memref<65536xf32, #tpu.memory_space<vmem>>, vector<16xf32>,
      %swap3A_335 = vector.shape_cast %swap3A_334 : vector<16xf32> to vector<16xf32>
      %swap3A_336 = vector.shape_cast %broadcast_in_dim3A_4 : vector<16xf32> to vector<16xf32>
      tpu.vector_store %arg8[%swap3A_333], %swap3A_336 {strides = array<i32>} : memref<65536xf32, #tpu.memory_space<vmem>>, vector<16xf32>,
      %while3A_337 = arith.constant 0 : i32
      scf.yield %while3A_337 : i32
    }
    %swap3A = arith.constant 0 : index
    %swap3A_24 = tpu.vector_load %arg9[%swap3A] {strides = array<i32>} : memref<128xf32, #tpu.memory_space<vmem>>, vector<16xf32>,
    %swap3A_25 = vector.shape_cast %swap3A_24 : vector<16xf32> to vector<16xf32>
    %swap3A_26 = vector.shape_cast %broadcast_in_dim3A_4 : vector<16xf32> to vector<16xf32>
    tpu.vector_store %arg9[%swap3A], %swap3A_26 {strides = array<i32>} : memref<128xf32, #tpu.memory_space<vmem>>, vector<16xf32>,
    %swap3A_27 = arith.constant 16 : index
    %swap3A_28 = tpu.vector_load %arg9[%swap3A_27] {strides = array<i32>} : memref<128xf32, #tpu.memory_space<vmem>>, vector<16xf32>,
    %swap3A_29 = vector.shape_cast %swap3A_28 : vector<16xf32> to vector<16xf32>
    %swap3A_30 = vector.shape_cast %broadcast_in_dim3A_4 : vector<16xf32> to vector<16xf32>
    tpu.vector_store %arg9[%swap3A_27], %swap3A_30 {strides = array<i32>} : memref<128xf32, #tpu.memory_space<vmem>>, vector<16xf32>,
    %swap3A_31 = arith.constant 32 : index
    %swap3A_32 = tpu.vector_load %arg9[%swap3A_31] {strides = array<i32>} : memref<128xf32, #tpu.memory_space<vmem>>, vector<16xf32>,
    %swap3A_33 = vector.shape_cast %swap3A_32 : vector<16xf32> to vector<16xf32>
    %swap3A_34 = vector.shape_cast %broadcast_in_dim3A_4 : vector<16xf32> to vector<16xf32>
    tpu.vector_store %arg9[%swap3A_31], %swap3A_34 {strides = array<i32>} : memref<128xf32, #tpu.memory_space<vmem>>, vector<16xf32>,
    %swap3A_35 = arith.constant 48 : index
    %swap3A_36 = tpu.vector_load %arg9[%swap3A_35] {strides = array<i32>} : memref<128xf32, #tpu.memory_space<vmem>>, vector<16xf32>,
    %swap3A_37 = vector.shape_cast %swap3A_36 : vector<16xf32> to vector<16xf32>
    %swap3A_38 = vector.shape_cast %broadcast_in_dim3A_4 : vector<16xf32> to vector<16xf32>
    tpu.vector_store %arg9[%swap3A_35], %swap3A_38 {strides = array<i32>} : memref<128xf32, #tpu.memory_space<vmem>>, vector<16xf32>,
    %swap3A_39 = arith.constant 64 : index
    %swap3A_40 = tpu.vector_load %arg9[%swap3A_39] {strides = array<i32>} : memref<128xf32, #tpu.memory_space<vmem>>, vector<16xf32>,
    %swap3A_41 = vector.shape_cast %swap3A_40 : vector<16xf32> to vector<16xf32>
    %swap3A_42 = vector.shape_cast %broadcast_in_dim3A_4 : vector<16xf32> to vector<16xf32>
    tpu.vector_store %arg9[%swap3A_39], %swap3A_42 {strides = array<i32>} : memref<128xf32, #tpu.memory_space<vmem>>, vector<16xf32>,
    %swap3A_43 = arith.constant 80 : index
    %swap3A_44 = tpu.vector_load %arg9[%swap3A_43] {strides = array<i32>} : memref<128xf32, #tpu.memory_space<vmem>>, vector<16xf32>,
    %swap3A_45 = vector.shape_cast %swap3A_44 : vector<16xf32> to vector<16xf32>
    %swap3A_46 = vector.shape_cast %broadcast_in_dim3A_4 : vector<16xf32> to vector<16xf32>
    tpu.vector_store %arg9[%swap3A_43], %swap3A_46 {strides = array<i32>} : memref<128xf32, #tpu.memory_space<vmem>>, vector<16xf32>,
    %swap3A_47 = arith.constant 96 : index
    %swap3A_48 = tpu.vector_load %arg9[%swap3A_47] {strides = array<i32>} : memref<128xf32, #tpu.memory_space<vmem>>, vector<16xf32>,
    %swap3A_49 = vector.shape_cast %swap3A_48 : vector<16xf32> to vector<16xf32>
    %swap3A_50 = vector.shape_cast %broadcast_in_dim3A_4 : vector<16xf32> to vector<16xf32>
    tpu.vector_store %arg9[%swap3A_47], %swap3A_50 {strides = array<i32>} : memref<128xf32, #tpu.memory_space<vmem>>, vector<16xf32>,
    %swap3A_51 = arith.constant 112 : index
    %swap3A_52 = tpu.vector_load %arg9[%swap3A_51] {strides = array<i32>} : memref<128xf32, #tpu.memory_space<vmem>>, vector<16xf32>,
    %swap3A_53 = vector.shape_cast %swap3A_52 : vector<16xf32> to vector<16xf32>
    %swap3A_54 = vector.shape_cast %broadcast_in_dim3A_4 : vector<16xf32> to vector<16xf32>
    tpu.vector_store %arg9[%swap3A_51], %swap3A_54 {strides = array<i32>} : memref<128xf32, #tpu.memory_space<vmem>>, vector<16xf32>,
    %min3A_55 = arith.constant 0 : i32
    %min3A_56 = arith.constant 13 : i32
    %min3A_57 = arith.minsi %min3A_55, %min3A_56 : i32
    %mul3A_58 = arith.constant 224 : i32
    %mul3A_59 = arith.muli %min3A_57, %mul3A_58 : i32
    %add3A_60 = arith.addi %multiple_of3A, %mul3A_59 : i32
    %mul3A_61 = arith.constant 128 : i32
    %mul3A_62 = arith.muli %add3A_60, %mul3A_61 : i32
    %multiple_of3A_63 = tpu.assume_multiple %mul3A_62, 8 : i32
    %dma_start3A = arith.constant 0 : i32
    %dma_start3A_64 = tpu.memref_slice %arg7[%dma_start3A] : memref<57344xf32, #tpu.memory_space<vmem>> -> memref<28672xf32, #tpu.memory_space<vmem>>
    %dma_start3A_65 = tpu.memref_slice %arg2[%multiple_of3A_63] : memref<12800000xf32, #tpu.memory_space<hbm>> -> memref<28672xf32, #tpu.memory_space<hbm>>
    %dma_start3A_66 = arith.constant 0 : i32
    %dma_start3A_67 = tpu.memref_slice %arg7[%dma_start3A_66] : memref<57344xf32, #tpu.memory_space<vmem>> -> memref<28672xf32, #tpu.memory_space<vmem>>
    %dma_start3A_68 = tpu.memref_slice %arg2[%multiple_of3A_63] : memref<12800000xf32, #tpu.memory_space<hbm>> -> memref<28672xf32, #tpu.memory_space<hbm>>
    tpu.enqueue_dma source(%dma_start3A_68 : memref<28672xf32, #tpu.memory_space<hbm>>) target(%dma_start3A_67 : memref<28672xf32, #tpu.memory_space<vmem>>) target_semaphore(%arg11 : memref<!tpu.dma_semaphore, #tpu.memory_space<semaphore_mem>>)
    %min3A_69 = arith.constant 1 : i32
    %min3A_70 = arith.constant 13 : i32
    %min3A_71 = arith.minsi %min3A_69, %min3A_70 : i32
    %mul3A_72 = arith.constant 224 : i32
    %mul3A_73 = arith.muli %min3A_71, %mul3A_72 : i32
    %add3A_74 = arith.addi %multiple_of3A, %mul3A_73 : i32
    %mul3A_75 = arith.constant 128 : i32
    %mul3A_76 = arith.muli %add3A_74, %mul3A_75 : i32
    %multiple_of3A_77 = tpu.assume_multiple %mul3A_76, 8 : i32
    %dma_start3A_78 = arith.constant 28672 : i32
    %dma_start3A_79 = tpu.memref_slice %arg7[%dma_start3A_78] : memref<57344xf32, #tpu.memory_space<vmem>> -> memref<28672xf32, #tpu.memory_space<vmem>>
    %dma_start3A_80 = tpu.memref_slice %arg2[%multiple_of3A_77] : memref<12800000xf32, #tpu.memory_space<hbm>> -> memref<28672xf32, #tpu.memory_space<hbm>>
    %dma_start3A_81 = arith.constant 28672 : i32
    %dma_start3A_82 = tpu.memref_slice %arg7[%dma_start3A_81] : memref<57344xf32, #tpu.memory_space<vmem>> -> memref<28672xf32, #tpu.memory_space<vmem>>
    %dma_start3A_83 = tpu.memref_slice %arg2[%multiple_of3A_77] : memref<12800000xf32, #tpu.memory_space<hbm>> -> memref<28672xf32, #tpu.memory_space<hbm>>
    tpu.enqueue_dma source(%dma_start3A_83 : memref<28672xf32, #tpu.memory_space<hbm>>) target(%dma_start3A_82 : memref<28672xf32, #tpu.memory_space<vmem>>) target_semaphore(%arg12 : memref<!tpu.dma_semaphore, #tpu.memory_space<semaphore_mem>>)
    %get3A_84 = arith.constant 0 : index
    %get3A_85 = tpu.vector_load %arg6[%get3A_84] {strides = array<i32>} : memref<3152xi32, #tpu.memory_space<vmem>>, vector<16xi32>,
    %get3A_86 = vector.shape_cast %get3A_85 : vector<16xi32> to vector<16xi32>
    %slice3A_87 = vector.extract_strided_slice %get3A_86 {offsets = [0], sizes = [1], strides = [1]} : vector<16xi32> to vector<1xi32>
    %squeeze3A_88 = vector.extract %slice3A_87[0] : i32 from vector<1xi32>
    %scan3A = arith.constant 0 : i32
    %scan3A_89 = arith.constant 7 : i32
    %scan3A_90 = arith.addi %scan3A, %scan3A_89 : i32
    %scan3A_91 = arith.constant 1 : i32
    %scan3A_92 = scf.for %scan3A_271 = %scan3A to %scan3A_90 step %scan3A_91 iter_args(%scan3A_272 = %squeeze3A_88) -> (i32)  : i32 {
      %mul3A_273 = arith.constant 2 : i32
      %mul3A_274 = arith.muli %scan3A_271, %mul3A_273 : i32
      %dma_wait3A_275 = arith.constant 0 : i32
      %dma_wait3A_276 = tpu.memref_slice %arg7[%dma_wait3A_275] : memref<57344xf32, #tpu.memory_space<vmem>> -> memref<28672xf32, #tpu.memory_space<vmem>>
      %dma_wait3A_277 = arith.constant 0 : i32
      %dma_wait3A_278 = tpu.memref_slice %arg2[%dma_wait3A_277] : memref<12800000xf32, #tpu.memory_space<hbm>> -> memref<28672xf32, #tpu.memory_space<hbm>>
      %dma_wait3A_279 = arith.constant 0 : i32
      %dma_wait3A_280 = tpu.memref_slice %arg7[%dma_wait3A_279] : memref<57344xf32, #tpu.memory_space<vmem>> -> memref<28672xf32, #tpu.memory_space<vmem>>
      %dma_wait3A_281 = arith.constant 0 : i32
      %dma_wait3A_282 = tpu.memref_slice %arg2[%dma_wait3A_281] : memref<12800000xf32, #tpu.memory_space<hbm>> -> memref<28672xf32, #tpu.memory_space<hbm>>
      tpu.wait_dma2 semaphore(%arg11 : memref<!tpu.dma_semaphore, #tpu.memory_space<semaphore_mem>>) src(%dma_wait3A_282 : memref<28672xf32, #tpu.memory_space<hbm>>) dst(%dma_wait3A_280 : memref<28672xf32, #tpu.memory_space<vmem>>)
      %add3A_283 = arith.constant 0 : i32
      %add3A_284 = arith.addi %mul3A_274, %add3A_283 : i32
      %scan3A_285 = arith.constant 0 : i32
      %scan3A_286 = arith.constant 14 : i32
      %scan3A_287 = arith.addi %scan3A_285, %scan3A_286 : i32
      %scan3A_288 = arith.constant 1 : i32
      %scan3A_289 = scf.for %scan3A_343 = %scan3A_285 to %scan3A_287 step %scan3A_288 iter_args(%scan3A_344 = %scan3A_272) -> (i32)  : i32 {
        %mul3A_345 = arith.constant 224 : i32
        %mul3A_346 = arith.muli %add3A_284, %mul3A_345 : i32
        %mul3A_347 = arith.constant 16 : i32
        %mul3A_348 = arith.muli %scan3A_343, %mul3A_347 : i32
        %add3A_349 = arith.addi %mul3A_346, %mul3A_348 : i32
        %get3A_350 = arith.index_cast %add3A_349 : i32 to index
        %get3A_351 = tpu.vector_load %arg6[%get3A_350] {strides = array<i32>} : memref<3152xi32, #tpu.memory_space<vmem>>, vector<16xi32>,
        %get3A_352 = vector.shape_cast %get3A_351 : vector<16xi32> to vector<16xi32>
        %slice3A_353 = vector.extract_strided_slice %get3A_352 {offsets = [0], sizes = [1], strides = [1]} : vector<16xi32> to vector<1xi32>
        %squeeze3A_354 = vector.extract %slice3A_353[0] : i32 from vector<1xi32>
        %eq3A_355 = arith.cmpi eq, %squeeze3A_354, %scan3A_344 : i32
        %slice3A_356 = vector.extract_strided_slice %get3A_352 {offsets = [15], sizes = [1], strides = [1]} : vector<16xi32> to vector<1xi32>
        %squeeze3A_357 = vector.extract %slice3A_356[0] : i32 from vector<1xi32>
        %eq3A_358 = arith.cmpi eq, %squeeze3A_357, %scan3A_344 : i32
        %and3A_359 = arith.andi %eq3A_355, %eq3A_358 : i1
        %convert_element_type3A_360 = arith.extui %and3A_359 : i1 to i32
        %cond3A_361 = arith.constant 0 : i32
        %cond3A_362 = arith.cmpi ne, %convert_element_type3A_360, %cond3A_361 : i32
        %cond3A_363 = scf.if %cond3A_362 -> (i32) {
          %mul3A_364 = arith.constant 16 : i32
          %mul3A_365 = arith.muli %scan3A_343, %mul3A_364 : i32
          %add3A_366 = arith.constant 0 : i32
          %add3A_367 = arith.addi %mul3A_365, %add3A_366 : i32
          %mul3A_368 = arith.constant 128 : i32
          %mul3A_369 = arith.muli %add3A_367, %mul3A_368 : i32
          %add3A_370 = arith.constant 0 : i32
          %add3A_371 = arith.addi %add3A_370, %mul3A_369 : i32
          %add3A_372 = arith.constant 0 : i32
          %add3A_373 = arith.addi %add3A_371, %add3A_372 : i32
          %get3A_374 = arith.index_cast %add3A_373 : i32 to index
          %get3A_375 = tpu.vector_load %arg7[%get3A_374] {strides = array<i32>} : memref<57344xf32, #tpu.memory_space<vmem>>, vector<16xf32>,
          %get3A_376 = vector.shape_cast %get3A_375 : vector<16xf32> to vector<16xf32>
          %mul3A_377 = arith.constant 16 : i32
          %mul3A_378 = arith.muli %scan3A_343, %mul3A_377 : i32
          %add3A_379 = arith.constant 1 : i32
          %add3A_380 = arith.addi %mul3A_378, %add3A_379 : i32
          %mul3A_381 = arith.constant 128 : i32
          %mul3A_382 = arith.muli %add3A_380, %mul3A_381 : i32
          %add3A_383 = arith.constant 0 : i32
          %add3A_384 = arith.addi %add3A_383, %mul3A_382 : i32
          %add3A_385 = arith.constant 0 : i32
          %add3A_386 = arith.addi %add3A_384, %add3A_385 : i32
          %get3A_387 = arith.index_cast %add3A_386 : i32 to index
          %get3A_388 = tpu.vector_load %arg7[%get3A_387] {strides = array<i32>} : memref<57344xf32, #tpu.memory_space<vmem>>, vector<16xf32>,
          %get3A_389 = vector.shape_cast %get3A_388 : vector<16xf32> to vector<16xf32>
          %mul3A_390 = arith.constant 16 : i32
          %mul3A_391 = arith.muli %scan3A_343, %mul3A_390 : i32
          %add3A_392 = arith.constant 2 : i32
          %add3A_393 = arith.addi %mul3A_391, %add3A_392 : i32
          %mul3A_394 = arith.constant 128 : i32
          %mul3A_395 = arith.muli %add3A_393, %mul3A_394 : i32
          %add3A_396 = arith.constant 0 : i32
          %add3A_397 = arith.addi %add3A_396, %mul3A_395 : i32
          %add3A_398 = arith.constant 0 : i32
          %add3A_399 = arith.addi %add3A_397, %add3A_398 : i32
          %get3A_400 = arith.index_cast %add3A_399 : i32 to index
          %get3A_401 = tpu.vector_load %arg7[%get3A_400] {strides = array<i32>} : memref<57344xf32, #tpu.memory_space<vmem>>, vector<16xf32>,
          %get3A_402 = vector.shape_cast %get3A_401 : vector<16xf32> to vector<16xf32>
          %mul3A_403 = arith.constant 16 : i32
          %mul3A_404 = arith.muli %scan3A_343, %mul3A_403 : i32
          %add3A_405 = arith.constant 3 : i32
          %add3A_406 = arith.addi %mul3A_404, %add3A_405 : i32
          %mul3A_407 = arith.constant 128 : i32
          %mul3A_408 = arith.muli %add3A_406, %mul3A_407 : i32
          %add3A_409 = arith.constant 0 : i32
          %add3A_410 = arith.addi %add3A_409, %mul3A_408 : i32
          %add3A_411 = arith.constant 0 : i32
          %add3A_412 = arith.addi %add3A_410, %add3A_411 : i32
          %get3A_413 = arith.index_cast %add3A_412 : i32 to index
          %get3A_414 = tpu.vector_load %arg7[%get3A_413] {strides = array<i32>} : memref<57344xf32, #tpu.memory_space<vmem>>, vector<16xf32>,
          %get3A_415 = vector.shape_cast %get3A_414 : vector<16xf32> to vector<16xf32>
          %mul3A_416 = arith.constant 16 : i32
          %mul3A_417 = arith.muli %scan3A_343, %mul3A_416 : i32
          %add3A_418 = arith.constant 4 : i32
          %add3A_419 = arith.addi %mul3A_417, %add3A_418 : i32
          %mul3A_420 = arith.constant 128 : i32
          %mul3A_421 = arith.muli %add3A_419, %mul3A_420 : i32
          %add3A_422 = arith.constant 0 : i32
          %add3A_423 = arith.addi %add3A_422, %mul3A_421 : i32
          %add3A_424 = arith.constant 0 : i32
          %add3A_425 = arith.addi %add3A_423, %add3A_424 : i32
          %get3A_426 = arith.index_cast %add3A_425 : i32 to index
          %get3A_427 = tpu.vector_load %arg7[%get3A_426] {strides = array<i32>} : memref<57344xf32, #tpu.memory_space<vmem>>, vector<16xf32>,
          %get3A_428 = vector.shape_cast %get3A_427 : vector<16xf32> to vector<16xf32>
          %mul3A_429 = arith.constant 16 : i32
          %mul3A_430 = arith.muli %scan3A_343, %mul3A_429 : i32
          %add3A_431 = arith.constant 5 : i32
          %add3A_432 = arith.addi %mul3A_430, %add3A_431 : i32
          %mul3A_433 = arith.constant 128 : i32
          %mul3A_434 = arith.muli %add3A_432, %mul3A_433 : i32
          %add3A_435 = arith.constant 0 : i32
          %add3A_436 = arith.addi %add3A_435, %mul3A_434 : i32
          %add3A_437 = arith.constant 0 : i32
          %add3A_438 = arith.addi %add3A_436, %add3A_437 : i32
          %get3A_439 = arith.index_cast %add3A_438 : i32 to index
          %get3A_440 = tpu.vector_load %arg7[%get3A_439] {strides = array<i32>} : memref<57344xf32, #tpu.memory_space<vmem>>, vector<16xf32>,
          %get3A_441 = vector.shape_cast %get3A_440 : vector<16xf32> to vector<16xf32>
          %mul3A_442 = arith.constant 16 : i32
          %mul3A_443 = arith.muli %scan3A_343, %mul3A_442 : i32
          %add3A_444 = arith.constant 6 : i32
          %add3A_445 = arith.addi %mul3A_443, %add3A_444 : i32
          %mul3A_446 = arith.constant 128 : i32
          %mul3A_447 = arith.muli %add3A_445, %mul3A_446 : i32
          %add3A_448 = arith.constant 0 : i32
          %add3A_449 = arith.addi %add3A_448, %mul3A_447 : i32
          %add3A_450 = arith.constant 0 : i32
          %add3A_451 = arith.addi %add3A_449, %add3A_450 : i32
          %get3A_452 = arith.index_cast %add3A_451 : i32 to index
          %get3A_453 = tpu.vector_load %arg7[%get3A_452] {strides = array<i32>} : memref<57344xf32, #tpu.memory_space<vmem>>, vector<16xf32>,
          %get3A_454 = vector.shape_cast %get3A_453 : vector<16xf32> to vector<16xf32>
          %mul3A_455 = arith.constant 16 : i32
          %mul3A_456 = arith.muli %scan3A_343, %mul3A_455 : i32
          %add3A_457 = arith.constant 7 : i32
          %add3A_458 = arith.addi %mul3A_456, %add3A_457 : i32
          %mul3A_459 = arith.constant 128 : i32
          %mul3A_460 = arith.muli %add3A_458, %mul3A_459 : i32
          %add3A_461 = arith.constant 0 : i32
          %add3A_462 = arith.addi %add3A_461, %mul3A_460 : i32
          %add3A_463 = arith.constant 0 : i32
          %add3A_464 = arith.addi %add3A_462, %add3A_463 : i32
          %get3A_465 = arith.index_cast %add3A_464 : i32 to index
          %get3A_466 = tpu.vector_load %arg7[%get3A_465] {strides = array<i32>} : memref<57344xf32, #tpu.memory_space<vmem>>, vector<16xf32>,
          %get3A_467 = vector.shape_cast %get3A_466 : vector<16xf32> to vector<16xf32>
          %mul3A_468 = arith.constant 16 : i32
          %mul3A_469 = arith.muli %scan3A_343, %mul3A_468 : i32
          %add3A_470 = arith.constant 8 : i32
          %add3A_471 = arith.addi %mul3A_469, %add3A_470 : i32
          %mul3A_472 = arith.constant 128 : i32
          %mul3A_473 = arith.muli %add3A_471, %mul3A_472 : i32
          %add3A_474 = arith.constant 0 : i32
          %add3A_475 = arith.addi %add3A_474, %mul3A_473 : i32
          %add3A_476 = arith.constant 0 : i32
          %add3A_477 = arith.addi %add3A_475, %add3A_476 : i32
          %get3A_478 = arith.index_cast %add3A_477 : i32 to index
          %get3A_479 = tpu.vector_load %arg7[%get3A_478] {strides = array<i32>} : memref<57344xf32, #tpu.memory_space<vmem>>, vector<16xf32>,
          %get3A_480 = vector.shape_cast %get3A_479 : vector<16xf32> to vector<16xf32>
          %mul3A_481 = arith.constant 16 : i32
          %mul3A_482 = arith.muli %scan3A_343, %mul3A_481 : i32
          %add3A_483 = arith.constant 9 : i32
          %add3A_484 = arith.addi %mul3A_482, %add3A_483 : i32
          %mul3A_485 = arith.constant 128 : i32
          %mul3A_486 = arith.muli %add3A_484, %mul3A_485 : i32
          %add3A_487 = arith.constant 0 : i32
          %add3A_488 = arith.addi %add3A_487, %mul3A_486 : i32
          %add3A_489 = arith.constant 0 : i32
          %add3A_490 = arith.addi %add3A_488, %add3A_489 : i32
          %get3A_491 = arith.index_cast %add3A_490 : i32 to index
          %get3A_492 = tpu.vector_load %arg7[%get3A_491] {strides = array<i32>} : memref<57344xf32, #tpu.memory_space<vmem>>, vector<16xf32>,
          %get3A_493 = vector.shape_cast %get3A_492 : vector<16xf32> to vector<16xf32>
          %mul3A_494 = arith.constant 16 : i32
          %mul3A_495 = arith.muli %scan3A_343, %mul3A_494 : i32
          %add3A_496 = arith.constant 10 : i32
          %add3A_497 = arith.addi %mul3A_495, %add3A_496 : i32
          %mul3A_498 = arith.constant 128 : i32
          %mul3A_499 = arith.muli %add3A_497, %mul3A_498 : i32
          %add3A_500 = arith.constant 0 : i32
          %add3A_501 = arith.addi %add3A_500, %mul3A_499 : i32
          %add3A_502 = arith.constant 0 : i32
          %add3A_503 = arith.addi %add3A_501, %add3A_502 : i32
          %get3A_504 = arith.index_cast %add3A_503 : i32 to index
          %get3A_505 = tpu.vector_load %arg7[%get3A_504] {strides = array<i32>} : memref<57344xf32, #tpu.memory_space<vmem>>, vector<16xf32>,
          %get3A_506 = vector.shape_cast %get3A_505 : vector<16xf32> to vector<16xf32>
          %mul3A_507 = arith.constant 16 : i32
          %mul3A_508 = arith.muli %scan3A_343, %mul3A_507 : i32
          %add3A_509 = arith.constant 11 : i32
          %add3A_510 = arith.addi %mul3A_508, %add3A_509 : i32
          %mul3A_511 = arith.constant 128 : i32
          %mul3A_512 = arith.muli %add3A_510, %mul3A_511 : i32
          %add3A_513 = arith.constant 0 : i32
          %add3A_514 = arith.addi %add3A_513, %mul3A_512 : i32
          %add3A_515 = arith.constant 0 : i32
          %add3A_516 = arith.addi %add3A_514, %add3A_515 : i32
          %get3A_517 = arith.index_cast %add3A_516 : i32 to index
          %get3A_518 = tpu.vector_load %arg7[%get3A_517] {strides = array<i32>} : memref<57344xf32, #tpu.memory_space<vmem>>, vector<16xf32>,
          %get3A_519 = vector.shape_cast %get3A_518 : vector<16xf32> to vector<16xf32>
          %mul3A_520 = arith.constant 16 : i32
          %mul3A_521 = arith.muli %scan3A_343, %mul3A_520 : i32
          %add3A_522 = arith.constant 12 : i32
          %add3A_523 = arith.addi %mul3A_521, %add3A_522 : i32
          %mul3A_524 = arith.constant 128 : i32
          %mul3A_525 = arith.muli %add3A_523, %mul3A_524 : i32
          %add3A_526 = arith.constant 0 : i32
          %add3A_527 = arith.addi %add3A_526, %mul3A_525 : i32
          %add3A_528 = arith.constant 0 : i32
          %add3A_529 = arith.addi %add3A_527, %add3A_528 : i32
          %get3A_530 = arith.index_cast %add3A_529 : i32 to index
          %get3A_531 = tpu.vector_load %arg7[%get3A_530] {strides = array<i32>} : memref<57344xf32, #tpu.memory_space<vmem>>, vector<16xf32>,
          %get3A_532 = vector.shape_cast %get3A_531 : vector<16xf32> to vector<16xf32>
          %mul3A_533 = arith.constant 16 : i32
          %mul3A_534 = arith.muli %scan3A_343, %mul3A_533 : i32
          %add3A_535 = arith.constant 13 : i32
          %add3A_536 = arith.addi %mul3A_534, %add3A_535 : i32
          %mul3A_537 = arith.constant 128 : i32
          %mul3A_538 = arith.muli %add3A_536, %mul3A_537 : i32
          %add3A_539 = arith.constant 0 : i32
          %add3A_540 = arith.addi %add3A_539, %mul3A_538 : i32
          %add3A_541 = arith.constant 0 : i32
          %add3A_542 = arith.addi %add3A_540, %add3A_541 : i32
          %get3A_543 = arith.index_cast %add3A_542 : i32 to index
          %get3A_544 = tpu.vector_load %arg7[%get3A_543] {strides = array<i32>} : memref<57344xf32, #tpu.memory_space<vmem>>, vector<16xf32>,
          %get3A_545 = vector.shape_cast %get3A_544 : vector<16xf32> to vector<16xf32>
          %mul3A_546 = arith.constant 16 : i32
          %mul3A_547 = arith.muli %scan3A_343, %mul3A_546 : i32
          %add3A_548 = arith.constant 14 : i32
          %add3A_549 = arith.addi %mul3A_547, %add3A_548 : i32
          %mul3A_550 = arith.constant 128 : i32
          %mul3A_551 = arith.muli %add3A_549, %mul3A_550 : i32
          %add3A_552 = arith.constant 0 : i32
          %add3A_553 = arith.addi %add3A_552, %mul3A_551 : i32
          %add3A_554 = arith.constant 0 : i32
          %add3A_555 = arith.addi %add3A_553, %add3A_554 : i32
          %get3A_556 = arith.index_cast %add3A_555 : i32 to index
          %get3A_557 = tpu.vector_load %arg7[%get3A_556] {strides = array<i32>} : memref<57344xf32, #tpu.memory_space<vmem>>, vector<16xf32>,
          %get3A_558 = vector.shape_cast %get3A_557 : vector<16xf32> to vector<16xf32>
          %mul3A_559 = arith.constant 16 : i32
          %mul3A_560 = arith.muli %scan3A_343, %mul3A_559 : i32
          %add3A_561 = arith.constant 15 : i32
          %add3A_562 = arith.addi %mul3A_560, %add3A_561 : i32
          %mul3A_563 = arith.constant 128 : i32
          %mul3A_564 = arith.muli %add3A_562, %mul3A_563 : i32
          %add3A_565 = arith.constant 0 : i32
          %add3A_566 = arith.addi %add3A_565, %mul3A_564 : i32
          %add3A_567 = arith.constant 0 : i32
          %add3A_568 = arith.addi %add3A_566, %add3A_567 : i32
          %get3A_569 = arith.index_cast %add3A_568 : i32 to index
          %get3A_570 = tpu.vector_load %arg7[%get3A_569] {strides = array<i32>} : memref<57344xf32, #tpu.memory_space<vmem>>, vector<16xf32>,
          %get3A_571 = vector.shape_cast %get3A_570 : vector<16xf32> to vector<16xf32>
          %mul3A_572 = arith.constant 16 : i32
          %mul3A_573 = arith.muli %scan3A_343, %mul3A_572 : i32
          %add3A_574 = arith.constant 0 : i32
          %add3A_575 = arith.addi %mul3A_573, %add3A_574 : i32
          %mul3A_576 = arith.constant 128 : i32
          %mul3A_577 = arith.muli %add3A_575, %mul3A_576 : i32
          %add3A_578 = arith.constant 0 : i32
          %add3A_579 = arith.addi %add3A_578, %mul3A_577 : i32
          %add3A_580 = arith.constant 16 : i32
          %add3A_581 = arith.addi %add3A_579, %add3A_580 : i32
          %get3A_582 = arith.index_cast %add3A_581 : i32 to index
          %get3A_583 = tpu.vector_load %arg7[%get3A_582] {strides = array<i32>} : memref<57344xf32, #tpu.memory_space<vmem>>, vector<16xf32>,
          %get3A_584 = vector.shape_cast %get3A_583 : vector<16xf32> to vector<16xf32>
          %mul3A_585 = arith.constant 16 : i32
          %mul3A_586 = arith.muli %scan3A_343, %mul3A_585 : i32
          %add3A_587 = arith.constant 1 : i32
          %add3A_588 = arith.addi %mul3A_586, %add3A_587 : i32
          %mul3A_589 = arith.constant 128 : i32
          %mul3A_590 = arith.muli %add3A_588, %mul3A_589 : i32
          %add3A_591 = arith.constant 0 : i32
          %add3A_592 = arith.addi %add3A_591, %mul3A_590 : i32
          %add3A_593 = arith.constant 16 : i32
          %add3A_594 = arith.addi %add3A_592, %add3A_593 : i32
          %get3A_595 = arith.index_cast %add3A_594 : i32 to index
          %get3A_596 = tpu.vector_load %arg7[%get3A_595] {strides = array<i32>} : memref<57344xf32, #tpu.memory_space<vmem>>, vector<16xf32>,
          %get3A_597 = vector.shape_cast %get3A_596 : vector<16xf32> to vector<16xf32>
          %mul3A_598 = arith.constant 16 : i32
          %mul3A_599 = arith.muli %scan3A_343, %mul3A_598 : i32
          %add3A_600 = arith.constant 2 : i32
          %add3A_601 = arith.addi %mul3A_599, %add3A_600 : i32
          %mul3A_602 = arith.constant 128 : i32
          %mul3A_603 = arith.muli %add3A_601, %mul3A_602 : i32
          %add3A_604 = arith.constant 0 : i32
          %add3A_605 = arith.addi %add3A_604, %mul3A_603 : i32
          %add3A_606 = arith.constant 16 : i32
          %add3A_607 = arith.addi %add3A_605, %add3A_606 : i32
          %get3A_608 = arith.index_cast %add3A_607 : i32 to index
          %get3A_609 = tpu.vector_load %arg7[%get3A_608] {strides = array<i32>} : memref<57344xf32, #tpu.memory_space<vmem>>, vector<16xf32>,
          %get3A_610 = vector.shape_cast %get3A_609 : vector<16xf32> to vector<16xf32>
          %mul3A_611 = arith.constant 16 : i32
          %mul3A_612 = arith.muli %scan3A_343, %mul3A_611 : i32
          %add3A_613 = arith.constant 3 : i32
          %add3A_614 = arith.addi %mul3A_612, %add3A_613 : i32
          %mul3A_615 = arith.constant 128 : i32
          %mul3A_616 = arith.muli %add3A_614, %mul3A_615 : i32
          %add3A_617 = arith.constant 0 : i32
          %add3A_618 = arith.addi %add3A_617, %mul3A_616 : i32
          %add3A_619 = arith.constant 16 : i32
          %add3A_620 = arith.addi %add3A_618, %add3A_619 : i32
          %get3A_621 = arith.index_cast %add3A_620 : i32 to index
          %get3A_622 = tpu.vector_load %arg7[%get3A_621] {strides = array<i32>} : memref<57344xf32, #tpu.memory_space<vmem>>, vector<16xf32>,
          %get3A_623 = vector.shape_cast %get3A_622 : vector<16xf32> to vector<16xf32>
          %mul3A_624 = arith.constant 16 : i32
          %mul3A_625 = arith.muli %scan3A_343, %mul3A_624 : i32
          %add3A_626 = arith.constant 4 : i32
          %add3A_627 = arith.addi %mul3A_625, %add3A_626 : i32
          %mul3A_628 = arith.constant 128 : i32
          %mul3A_629 = arith.muli %add3A_627, %mul3A_628 : i32
          %add3A_630 = arith.constant 0 : i32
          %add3A_631 = arith.addi %add3A_630, %mul3A_629 : i32
          %add3A_632 = arith.constant 16 : i32
          %add3A_633 = arith.addi %add3A_631, %add3A_632 : i32
          %get3A_634 = arith.index_cast %add3A_633 : i32 to index
          %get3A_635 = tpu.vector_load %arg7[%get3A_634] {strides = array<i32>} : memref<57344xf32, #tpu.memory_space<vmem>>, vector<16xf32>,
          %get3A_636 = vector.shape_cast %get3A_635 : vector<16xf32> to vector<16xf32>
          %mul3A_637 = arith.constant 16 : i32
          %mul3A_638 = arith.muli %scan3A_343, %mul3A_637 : i32
          %add3A_639 = arith.constant 5 : i32
          %add3A_640 = arith.addi %mul3A_638, %add3A_639 : i32
          %mul3A_641 = arith.constant 128 : i32
          %mul3A_642 = arith.muli %add3A_640, %mul3A_641 : i32
          %add3A_643 = arith.constant 0 : i32
          %add3A_644 = arith.addi %add3A_643, %mul3A_642 : i32
          %add3A_645 = arith.constant 16 : i32
          %add3A_646 = arith.addi %add3A_644, %add3A_645 : i32
          %get3A_647 = arith.index_cast %add3A_646 : i32 to index
          %get3A_648 = tpu.vector_load %arg7[%get3A_647] {strides = array<i32>} : memref<57344xf32, #tpu.memory_space<vmem>>, vector<16xf32>,
          %get3A_649 = vector.shape_cast %get3A_648 : vector<16xf32> to vector<16xf32>
          %mul3A_650 = arith.constant 16 : i32
          %mul3A_651 = arith.muli %scan3A_343, %mul3A_650 : i32
          %add3A_652 = arith.constant 6 : i32
          %add3A_653 = arith.addi %mul3A_651, %add3A_652 : i32
          %mul3A_654 = arith.constant 128 : i32
          %mul3A_655 = arith.muli %add3A_653, %mul3A_654 : i32
          %add3A_656 = arith.constant 0 : i32
          %add3A_657 = arith.addi %add3A_656, %mul3A_655 : i32
          %add3A_658 = arith.constant 16 : i32
          %add3A_659 = arith.addi %add3A_657, %add3A_658 : i32
          %get3A_660 = arith.index_cast %add3A_659 : i32 to index
          %get3A_661 = tpu.vector_load %arg7[%get3A_660] {strides = array<i32>} : memref<57344xf32, #tpu.memory_space<vmem>>, vector<16xf32>,
          %get3A_662 = vector.shape_cast %get3A_661 : vector<16xf32> to vector<16xf32>
          %mul3A_663 = arith.constant 16 : i32
          %mul3A_664 = arith.muli %scan3A_343, %mul3A_663 : i32
          %add3A_665 = arith.constant 7 : i32
          %add3A_666 = arith.addi %mul3A_664, %add3A_665 : i32
          %mul3A_667 = arith.constant 128 : i32
          %mul3A_668 = arith.muli %add3A_666, %mul3A_667 : i32
          %add3A_669 = arith.constant 0 : i32
          %add3A_670 = arith.addi %add3A_669, %mul3A_668 : i32
          %add3A_671 = arith.constant 16 : i32
          %add3A_672 = arith.addi %add3A_670, %add3A_671 : i32
          %get3A_673 = arith.index_cast %add3A_672 : i32 to index
          %get3A_674 = tpu.vector_load %arg7[%get3A_673] {strides = array<i32>} : memref<57344xf32, #tpu.memory_space<vmem>>, vector<16xf32>,
          %get3A_675 = vector.shape_cast %get3A_674 : vector<16xf32> to vector<16xf32>
          %mul3A_676 = arith.constant 16 : i32
          %mul3A_677 = arith.muli %scan3A_343, %mul3A_676 : i32
          %add3A_678 = arith.constant 8 : i32
          %add3A_679 = arith.addi %mul3A_677, %add3A_678 : i32
          %mul3A_680 = arith.constant 128 : i32
          %mul3A_681 = arith.muli %add3A_679, %mul3A_680 : i32
          %add3A_682 = arith.constant 0 : i32
          %add3A_683 = arith.addi %add3A_682, %mul3A_681 : i32
          %add3A_684 = arith.constant 16 : i32
          %add3A_685 = arith.addi %add3A_683, %add3A_684 : i32
          %get3A_686 = arith.index_cast %add3A_685 : i32 to index
          %get3A_687 = tpu.vector_load %arg7[%get3A_686] {strides = array<i32>} : memref<57344xf32, #tpu.memory_space<vmem>>, vector<16xf32>,
          %get3A_688 = vector.shape_cast %get3A_687 : vector<16xf32> to vector<16xf32>
          %mul3A_689 = arith.constant 16 : i32
          %mul3A_690 = arith.muli %scan3A_343, %mul3A_689 : i32
          %add3A_691 = arith.constant 9 : i32
          %add3A_692 = arith.addi %mul3A_690, %add3A_691 : i32
          %mul3A_693 = arith.constant 128 : i32
          %mul3A_694 = arith.muli %add3A_692, %mul3A_693 : i32
          %add3A_695 = arith.constant 0 : i32
          %add3A_696 = arith.addi %add3A_695, %mul3A_694 : i32
          %add3A_697 = arith.constant 16 : i32
          %add3A_698 = arith.addi %add3A_696, %add3A_697 : i32
          %get3A_699 = arith.index_cast %add3A_698 : i32 to index
          %get3A_700 = tpu.vector_load %arg7[%get3A_699] {strides = array<i32>} : memref<57344xf32, #tpu.memory_space<vmem>>, vector<16xf32>,
          %get3A_701 = vector.shape_cast %get3A_700 : vector<16xf32> to vector<16xf32>
          %mul3A_702 = arith.constant 16 : i32
          %mul3A_703 = arith.muli %scan3A_343, %mul3A_702 : i32
          %add3A_704 = arith.constant 10 : i32
          %add3A_705 = arith.addi %mul3A_703, %add3A_704 : i32
          %mul3A_706 = arith.constant 128 : i32
          %mul3A_707 = arith.muli %add3A_705, %mul3A_706 : i32
          %add3A_708 = arith.constant 0 : i32
          %add3A_709 = arith.addi %add3A_708, %mul3A_707 : i32
          %add3A_710 = arith.constant 16 : i32
          %add3A_711 = arith.addi %add3A_709, %add3A_710 : i32
          %get3A_712 = arith.index_cast %add3A_711 : i32 to index
          %get3A_713 = tpu.vector_load %arg7[%get3A_712] {strides = array<i32>} : memref<57344xf32, #tpu.memory_space<vmem>>, vector<16xf32>,
          %get3A_714 = vector.shape_cast %get3A_713 : vector<16xf32> to vector<16xf32>
          %mul3A_715 = arith.constant 16 : i32
          %mul3A_716 = arith.muli %scan3A_343, %mul3A_715 : i32
          %add3A_717 = arith.constant 11 : i32
          %add3A_718 = arith.addi %mul3A_716, %add3A_717 : i32
          %mul3A_719 = arith.constant 128 : i32
          %mul3A_720 = arith.muli %add3A_718, %mul3A_719 : i32
          %add3A_721 = arith.constant 0 : i32
          %add3A_722 = arith.addi %add3A_721, %mul3A_720 : i32
          %add3A_723 = arith.constant 16 : i32
          %add3A_724 = arith.addi %add3A_722, %add3A_723 : i32
          %get3A_725 = arith.index_cast %add3A_724 : i32 to index
          %get3A_726 = tpu.vector_load %arg7[%get3A_725] {strides = array<i32>} : memref<57344xf32, #tpu.memory_space<vmem>>, vector<16xf32>,
          %get3A_727 = vector.shape_cast %get3A_726 : vector<16xf32> to vector<16xf32>
          %mul3A_728 = arith.constant 16 : i32
          %mul3A_729 = arith.muli %scan3A_343, %mul3A_728 : i32
          %add3A_730 = arith.constant 12 : i32
          %add3A_731 = arith.addi %mul3A_729, %add3A_730 : i32
          %mul3A_732 = arith.constant 128 : i32
          %mul3A_733 = arith.muli %add3A_731, %mul3A_732 : i32
          %add3A_734 = arith.constant 0 : i32
          %add3A_735 = arith.addi %add3A_734, %mul3A_733 : i32
          %add3A_736 = arith.constant 16 : i32
          %add3A_737 = arith.addi %add3A_735, %add3A_736 : i32
          %get3A_738 = arith.index_cast %add3A_737 : i32 to index
          %get3A_739 = tpu.vector_load %arg7[%get3A_738] {strides = array<i32>} : memref<57344xf32, #tpu.memory_space<vmem>>, vector<16xf32>,
          %get3A_740 = vector.shape_cast %get3A_739 : vector<16xf32> to vector<16xf32>
          %mul3A_741 = arith.constant 16 : i32
          %mul3A_742 = arith.muli %scan3A_343, %mul3A_741 : i32
          %add3A_743 = arith.constant 13 : i32
          %add3A_744 = arith.addi %mul3A_742, %add3A_743 : i32
          %mul3A_745 = arith.constant 128 : i32
          %mul3A_746 = arith.muli %add3A_744, %mul3A_745 : i32
          %add3A_747 = arith.constant 0 : i32
          %add3A_748 = arith.addi %add3A_747, %mul3A_746 : i32
          %add3A_749 = arith.constant 16 : i32
          %add3A_750 = arith.addi %add3A_748, %add3A_749 : i32
          %get3A_751 = arith.index_cast %add3A_750 : i32 to index
          %get3A_752 = tpu.vector_load %arg7[%get3A_751] {strides = array<i32>} : memref<57344xf32, #tpu.memory_space<vmem>>, vector<16xf32>,
          %get3A_753 = vector.shape_cast %get3A_752 : vector<16xf32> to vector<16xf32>
          %mul3A_754 = arith.constant 16 : i32
          %mul3A_755 = arith.muli %scan3A_343, %mul3A_754 : i32
          %add3A_756 = arith.constant 14 : i32
          %add3A_757 = arith.addi %mul3A_755, %add3A_756 : i32
          %mul3A_758 = arith.constant 128 : i32
          %mul3A_759 = arith.muli %add3A_757, %mul3A_758 : i32
          %add3A_760 = arith.constant 0 : i32
          %add3A_761 = arith.addi %add3A_760, %mul3A_759 : i32
          %add3A_762 = arith.constant 16 : i32
          %add3A_763 = arith.addi %add3A_761, %add3A_762 : i32
          %get3A_764 = arith.index_cast %add3A_763 : i32 to index
          %get3A_765 = tpu.vector_load %arg7[%get3A_764] {strides = array<i32>} : memref<57344xf32, #tpu.memory_space<vmem>>, vector<16xf32>,
          %get3A_766 = vector.shape_cast %get3A_765 : vector<16xf32> to vector<16xf32>
          %mul3A_767 = arith.constant 16 : i32
          %mul3A_768 = arith.muli %scan3A_343, %mul3A_767 : i32
          %add3A_769 = arith.constant 15 : i32
          %add3A_770 = arith.addi %mul3A_768, %add3A_769 : i32
          %mul3A_771 = arith.constant 128 : i32
          %mul3A_772 = arith.muli %add3A_770, %mul3A_771 : i32
          %add3A_773 = arith.constant 0 : i32
          %add3A_774 = arith.addi %add3A_773, %mul3A_772 : i32
          %add3A_775 = arith.constant 16 : i32
          %add3A_776 = arith.addi %add3A_774, %add3A_775 : i32
          %get3A_777 = arith.index_cast %add3A_776 : i32 to index
          %get3A_778 = tpu.vector_load %arg7[%get3A_777] {strides = array<i32>} : memref<57344xf32, #tpu.memory_space<vmem>>, vector<16xf32>,
          %get3A_779 = vector.shape_cast %get3A_778 : vector<16xf32> to vector<16xf32>
          %max3A = arith.maximumf %get3A_376, %get3A_389 : vector<16xf32>
          %max3A_780 = arith.maximumf %get3A_402, %get3A_415 : vector<16xf32>
          %max3A_781 = arith.maximumf %get3A_428, %get3A_441 : vector<16xf32>
          %max3A_782 = arith.maximumf %get3A_454, %get3A_467 : vector<16xf32>
          %max3A_783 = arith.maximumf %get3A_480, %get3A_493 : vector<16xf32>
          %max3A_784 = arith.maximumf %get3A_506, %get3A_519 : vector<16xf32>
          %max3A_785 = arith.maximumf %get3A_532, %get3A_545 : vector<16xf32>
          %max3A_786 = arith.maximumf %get3A_558, %get3A_571 : vector<16xf32>
          %max3A_787 = arith.maximumf %max3A, %max3A_780 : vector<16xf32>
          %max3A_788 = arith.maximumf %max3A_781, %max3A_782 : vector<16xf32>
          %max3A_789 = arith.maximumf %max3A_783, %max3A_784 : vector<16xf32>
          %max3A_790 = arith.maximumf %max3A_785, %max3A_786 : vector<16xf32>
          %max3A_791 = arith.maximumf %max3A_787, %max3A_788 : vector<16xf32>
          %max3A_792 = arith.maximumf %max3A_789, %max3A_790 : vector<16xf32>
          %max3A_793 = arith.maximumf %max3A_791, %max3A_792 : vector<16xf32>
          %get3A_794 = arith.constant 0 : index
          %get3A_795 = tpu.vector_load %arg9[%get3A_794] {strides = array<i32>} : memref<128xf32, #tpu.memory_space<vmem>>, vector<16xf32>,
          %get3A_796 = vector.shape_cast %get3A_795 : vector<16xf32> to vector<16xf32>
          %max3A_797 = arith.maximumf %get3A_796, %max3A_793 : vector<16xf32>
          %swap3A_798 = arith.constant 0 : index
          %swap3A_799 = tpu.vector_load %arg9[%swap3A_798] {strides = array<i32>} : memref<128xf32, #tpu.memory_space<vmem>>, vector<16xf32>,
          %swap3A_800 = vector.shape_cast %swap3A_799 : vector<16xf32> to vector<16xf32>
          %swap3A_801 = vector.shape_cast %max3A_797 : vector<16xf32> to vector<16xf32>
          tpu.vector_store %arg9[%swap3A_798], %swap3A_801 {strides = array<i32>} : memref<128xf32, #tpu.memory_space<vmem>>, vector<16xf32>,
          %mul3A_802 = arith.constant 16 : i32
          %mul3A_803 = arith.muli %scan3A_343, %mul3A_802 : i32
          %add3A_804 = arith.constant 0 : i32
          %add3A_805 = arith.addi %mul3A_803, %add3A_804 : i32
          %mul3A_806 = arith.constant 128 : i32
          %mul3A_807 = arith.muli %add3A_805, %mul3A_806 : i32
          %add3A_808 = arith.constant 0 : i32
          %add3A_809 = arith.addi %add3A_808, %mul3A_807 : i32
          %add3A_810 = arith.constant 32 : i32
          %add3A_811 = arith.addi %add3A_809, %add3A_810 : i32
          %get3A_812 = arith.index_cast %add3A_811 : i32 to index
          %get3A_813 = tpu.vector_load %arg7[%get3A_812] {strides = array<i32>} : memref<57344xf32, #tpu.memory_space<vmem>>, vector<16xf32>,
          %get3A_814 = vector.shape_cast %get3A_813 : vector<16xf32> to vector<16xf32>
          %mul3A_815 = arith.constant 16 : i32
          %mul3A_816 = arith.muli %scan3A_343, %mul3A_815 : i32
          %add3A_817 = arith.constant 1 : i32
          %add3A_818 = arith.addi %mul3A_816, %add3A_817 : i32
          %mul3A_819 = arith.constant 128 : i32
          %mul3A_820 = arith.muli %add3A_818, %mul3A_819 : i32
          %add3A_821 = arith.constant 0 : i32
          %add3A_822 = arith.addi %add3A_821, %mul3A_820 : i32
          %add3A_823 = arith.constant 32 : i32
          %add3A_824 = arith.addi %add3A_822, %add3A_823 : i32
          %get3A_825 = arith.index_cast %add3A_824 : i32 to index
          %get3A_826 = tpu.vector_load %arg7[%get3A_825] {strides = array<i32>} : memref<57344xf32, #tpu.memory_space<vmem>>, vector<16xf32>,
          %get3A_827 = vector.shape_cast %get3A_826 : vector<16xf32> to vector<16xf32>
          %mul3A_828 = arith.constant 16 : i32
          %mul3A_829 = arith.muli %scan3A_343, %mul3A_828 : i32
          %add3A_830 = arith.constant 2 : i32
          %add3A_831 = arith.addi %mul3A_829, %add3A_830 : i32
          %mul3A_832 = arith.constant 128 : i32
          %mul3A_833 = arith.muli %add3A_831, %mul3A_832 : i32
          %add3A_834 = arith.constant 0 : i32
          %add3A_835 = arith.addi %add3A_834, %mul3A_833 : i32
          %add3A_836 = arith.constant 32 : i32
          %add3A_837 = arith.addi %add3A_835, %add3A_836 : i32
          %get3A_838 = arith.index_cast %add3A_837 : i32 to index
          %get3A_839 = tpu.vector_load %arg7[%get3A_838] {strides = array<i32>} : memref<57344xf32, #tpu.memory_space<vmem>>, vector<16xf32>,
          %get3A_840 = vector.shape_cast %get3A_839 : vector<16xf32> to vector<16xf32>
          %mul3A_841 = arith.constant 16 : i32
          %mul3A_842 = arith.muli %scan3A_343, %mul3A_841 : i32
          %add3A_843 = arith.constant 3 : i32
          %add3A_844 = arith.addi %mul3A_842, %add3A_843 : i32
          %mul3A_845 = arith.constant 128 : i32
          %mul3A_846 = arith.muli %add3A_844, %mul3A_845 : i32
          %add3A_847 = arith.constant 0 : i32
          %add3A_848 = arith.addi %add3A_847, %mul3A_846 : i32
          %add3A_849 = arith.constant 32 : i32
          %add3A_850 = arith.addi %add3A_848, %add3A_849 : i32
          %get3A_851 = arith.index_cast %add3A_850 : i32 to index
          %get3A_852 = tpu.vector_load %arg7[%get3A_851] {strides = array<i32>} : memref<57344xf32, #tpu.memory_space<vmem>>, vector<16xf32>,
          %get3A_853 = vector.shape_cast %get3A_852 : vector<16xf32> to vector<16xf32>
          %mul3A_854 = arith.constant 16 : i32
          %mul3A_855 = arith.muli %scan3A_343, %mul3A_854 : i32
          %add3A_856 = arith.constant 4 : i32
          %add3A_857 = arith.addi %mul3A_855, %add3A_856 : i32
          %mul3A_858 = arith.constant 128 : i32
          %mul3A_859 = arith.muli %add3A_857, %mul3A_858 : i32
          %add3A_860 = arith.constant 0 : i32
          %add3A_861 = arith.addi %add3A_860, %mul3A_859 : i32
          %add3A_862 = arith.constant 32 : i32
          %add3A_863 = arith.addi %add3A_861, %add3A_862 : i32
          %get3A_864 = arith.index_cast %add3A_863 : i32 to index
          %get3A_865 = tpu.vector_load %arg7[%get3A_864] {strides = array<i32>} : memref<57344xf32, #tpu.memory_space<vmem>>, vector<16xf32>,
          %get3A_866 = vector.shape_cast %get3A_865 : vector<16xf32> to vector<16xf32>
          %mul3A_867 = arith.constant 16 : i32
          %mul3A_868 = arith.muli %scan3A_343, %mul3A_867 : i32
          %add3A_869 = arith.constant 5 : i32
          %add3A_870 = arith.addi %mul3A_868, %add3A_869 : i32
          %mul3A_871 = arith.constant 128 : i32
          %mul3A_872 = arith.muli %add3A_870, %mul3A_871 : i32
          %add3A_873 = arith.constant 0 : i32
          %add3A_874 = arith.addi %add3A_873, %mul3A_872 : i32
          %add3A_875 = arith.constant 32 : i32
          %add3A_876 = arith.addi %add3A_874, %add3A_875 : i32
          %get3A_877 = arith.index_cast %add3A_876 : i32 to index
          %get3A_878 = tpu.vector_load %arg7[%get3A_877] {strides = array<i32>} : memref<57344xf32, #tpu.memory_space<vmem>>, vector<16xf32>,
          %get3A_879 = vector.shape_cast %get3A_878 : vector<16xf32> to vector<16xf32>
          %mul3A_880 = arith.constant 16 : i32
          %mul3A_881 = arith.muli %scan3A_343, %mul3A_880 : i32
          %add3A_882 = arith.constant 6 : i32
          %add3A_883 = arith.addi %mul3A_881, %add3A_882 : i32
          %mul3A_884 = arith.constant 128 : i32
          %mul3A_885 = arith.muli %add3A_883, %mul3A_884 : i32
          %add3A_886 = arith.constant 0 : i32
          %add3A_887 = arith.addi %add3A_886, %mul3A_885 : i32
          %add3A_888 = arith.constant 32 : i32
          %add3A_889 = arith.addi %add3A_887, %add3A_888 : i32
          %get3A_890 = arith.index_cast %add3A_889 : i32 to index
          %get3A_891 = tpu.vector_load %arg7[%get3A_890] {strides = array<i32>} : memref<57344xf32, #tpu.memory_space<vmem>>, vector<16xf32>,
          %get3A_892 = vector.shape_cast %get3A_891 : vector<16xf32> to vector<16xf32>
          %mul3A_893 = arith.constant 16 : i32
          %mul3A_894 = arith.muli %scan3A_343, %mul3A_893 : i32
          %add3A_895 = arith.constant 7 : i32
          %add3A_896 = arith.addi %mul3A_894, %add3A_895 : i32
          %mul3A_897 = arith.constant 128 : i32
          %mul3A_898 = arith.muli %add3A_896, %mul3A_897 : i32
          %add3A_899 = arith.constant 0 : i32
          %add3A_900 = arith.addi %add3A_899, %mul3A_898 : i32
          %add3A_901 = arith.constant 32 : i32
          %add3A_902 = arith.addi %add3A_900, %add3A_901 : i32
          %get3A_903 = arith.index_cast %add3A_902 : i32 to index
          %get3A_904 = tpu.vector_load %arg7[%get3A_903] {strides = array<i32>} : memref<57344xf32, #tpu.memory_space<vmem>>, vector<16xf32>,
          %get3A_905 = vector.shape_cast %get3A_904 : vector<16xf32> to vector<16xf32>
          %mul3A_906 = arith.constant 16 : i32
          %mul3A_907 = arith.muli %scan3A_343, %mul3A_906 : i32
          %add3A_908 = arith.constant 8 : i32
          %add3A_909 = arith.addi %mul3A_907, %add3A_908 : i32
          %mul3A_910 = arith.constant 128 : i32
          %mul3A_911 = arith.muli %add3A_909, %mul3A_910 : i32
          %add3A_912 = arith.constant 0 : i32
          %add3A_913 = arith.addi %add3A_912, %mul3A_911 : i32
          %add3A_914 = arith.constant 32 : i32
          %add3A_915 = arith.addi %add3A_913, %add3A_914 : i32
          %get3A_916 = arith.index_cast %add3A_915 : i32 to index
          %get3A_917 = tpu.vector_load %arg7[%get3A_916] {strides = array<i32>} : memref<57344xf32, #tpu.memory_space<vmem>>, vector<16xf32>,
          %get3A_918 = vector.shape_cast %get3A_917 : vector<16xf32> to vector<16xf32>
          %mul3A_919 = arith.constant 16 : i32
          %mul3A_920 = arith.muli %scan3A_343, %mul3A_919 : i32
          %add3A_921 = arith.constant 9 : i32
          %add3A_922 = arith.addi %mul3A_920, %add3A_921 : i32
          %mul3A_923 = arith.constant 128 : i32
          %mul3A_924 = arith.muli %add3A_922, %mul3A_923 : i32
          %add3A_925 = arith.constant 0 : i32
          %add3A_926 = arith.addi %add3A_925, %mul3A_924 : i32
          %add3A_927 = arith.constant 32 : i32
          %add3A_928 = arith.addi %add3A_926, %add3A_927 : i32
          %get3A_929 = arith.index_cast %add3A_928 : i32 to index
          %get3A_930 = tpu.vector_load %arg7[%get3A_929] {strides = array<i32>} : memref<57344xf32, #tpu.memory_space<vmem>>, vector<16xf32>,
          %get3A_931 = vector.shape_cast %get3A_930 : vector<16xf32> to vector<16xf32>
          %mul3A_932 = arith.constant 16 : i32
          %mul3A_933 = arith.muli %scan3A_343, %mul3A_932 : i32
          %add3A_934 = arith.constant 10 : i32
          %add3A_935 = arith.addi %mul3A_933, %add3A_934 : i32
          %mul3A_936 = arith.constant 128 : i32
          %mul3A_937 = arith.muli %add3A_935, %mul3A_936 : i32
          %add3A_938 = arith.constant 0 : i32
          %add3A_939 = arith.addi %add3A_938, %mul3A_937 : i32
          %add3A_940 = arith.constant 32 : i32
          %add3A_941 = arith.addi %add3A_939, %add3A_940 : i32
          %get3A_942 = arith.index_cast %add3A_941 : i32 to index
          %get3A_943 = tpu.vector_load %arg7[%get3A_942] {strides = array<i32>} : memref<57344xf32, #tpu.memory_space<vmem>>, vector<16xf32>,
          %get3A_944 = vector.shape_cast %get3A_943 : vector<16xf32> to vector<16xf32>
          %mul3A_945 = arith.constant 16 : i32
          %mul3A_946 = arith.muli %scan3A_343, %mul3A_945 : i32
          %add3A_947 = arith.constant 11 : i32
          %add3A_948 = arith.addi %mul3A_946, %add3A_947 : i32
          %mul3A_949 = arith.constant 128 : i32
          %mul3A_950 = arith.muli %add3A_948, %mul3A_949 : i32
          %add3A_951 = arith.constant 0 : i32
          %add3A_952 = arith.addi %add3A_951, %mul3A_950 : i32
          %add3A_953 = arith.constant 32 : i32
          %add3A_954 = arith.addi %add3A_952, %add3A_953 : i32
          %get3A_955 = arith.index_cast %add3A_954 : i32 to index
          %get3A_956 = tpu.vector_load %arg7[%get3A_955] {strides = array<i32>} : memref<57344xf32, #tpu.memory_space<vmem>>, vector<16xf32>,
          %get3A_957 = vector.shape_cast %get3A_956 : vector<16xf32> to vector<16xf32>
          %mul3A_958 = arith.constant 16 : i32
          %mul3A_959 = arith.muli %scan3A_343, %mul3A_958 : i32
          %add3A_960 = arith.constant 12 : i32
          %add3A_961 = arith.addi %mul3A_959, %add3A_960 : i32
          %mul3A_962 = arith.constant 128 : i32
          %mul3A_963 = arith.muli %add3A_961, %mul3A_962 : i32
          %add3A_964 = arith.constant 0 : i32
          %add3A_965 = arith.addi %add3A_964, %mul3A_963 : i32
          %add3A_966 = arith.constant 32 : i32
          %add3A_967 = arith.addi %add3A_965, %add3A_966 : i32
          %get3A_968 = arith.index_cast %add3A_967 : i32 to index
          %get3A_969 = tpu.vector_load %arg7[%get3A_968] {strides = array<i32>} : memref<57344xf32, #tpu.memory_space<vmem>>, vector<16xf32>,
          %get3A_970 = vector.shape_cast %get3A_969 : vector<16xf32> to vector<16xf32>
          %mul3A_971 = arith.constant 16 : i32
          %mul3A_972 = arith.muli %scan3A_343, %mul3A_971 : i32
          %add3A_973 = arith.constant 13 : i32
          %add3A_974 = arith.addi %mul3A_972, %add3A_973 : i32
          %mul3A_975 = arith.constant 128 : i32
          %mul3A_976 = arith.muli %add3A_974, %mul3A_975 : i32
          %add3A_977 = arith.constant 0 : i32
          %add3A_978 = arith.addi %add3A_977, %mul3A_976 : i32
          %add3A_979 = arith.constant 32 : i32
          %add3A_980 = arith.addi %add3A_978, %add3A_979 : i32
          %get3A_981 = arith.index_cast %add3A_980 : i32 to index
          %get3A_982 = tpu.vector_load %arg7[%get3A_981] {strides = array<i32>} : memref<57344xf32, #tpu.memory_space<vmem>>, vector<16xf32>,
          %get3A_983 = vector.shape_cast %get3A_982 : vector<16xf32> to vector<16xf32>
          %mul3A_984 = arith.constant 16 : i32
          %mul3A_985 = arith.muli %scan3A_343, %mul3A_984 : i32
          %add3A_986 = arith.constant 14 : i32
          %add3A_987 = arith.addi %mul3A_985, %add3A_986 : i32
          %mul3A_988 = arith.constant 128 : i32
          %mul3A_989 = arith.muli %add3A_987, %mul3A_988 : i32
          %add3A_990 = arith.constant 0 : i32
          %add3A_991 = arith.addi %add3A_990, %mul3A_989 : i32
          %add3A_992 = arith.constant 32 : i32
          %add3A_993 = arith.addi %add3A_991, %add3A_992 : i32
          %get3A_994 = arith.index_cast %add3A_993 : i32 to index
          %get3A_995 = tpu.vector_load %arg7[%get3A_994] {strides = array<i32>} : memref<57344xf32, #tpu.memory_space<vmem>>, vector<16xf32>,
          %get3A_996 = vector.shape_cast %get3A_995 : vector<16xf32> to vector<16xf32>
          %mul3A_997 = arith.constant 16 : i32
          %mul3A_998 = arith.muli %scan3A_343, %mul3A_997 : i32
          %add3A_999 = arith.constant 15 : i32
          %add3A_1000 = arith.addi %mul3A_998, %add3A_999 : i32
          %mul3A_1001 = arith.constant 128 : i32
          %mul3A_1002 = arith.muli %add3A_1000, %mul3A_1001 : i32
          %add3A_1003 = arith.constant 0 : i32
          %add3A_1004 = arith.addi %add3A_1003, %mul3A_1002 : i32
          %add3A_1005 = arith.constant 32 : i32
          %add3A_1006 = arith.addi %add3A_1004, %add3A_1005 : i32
          %get3A_1007 = arith.index_cast %add3A_1006 : i32 to index
          %get3A_1008 = tpu.vector_load %arg7[%get3A_1007] {strides = array<i32>} : memref<57344xf32, #tpu.memory_space<vmem>>, vector<16xf32>,
          %get3A_1009 = vector.shape_cast %get3A_1008 : vector<16xf32> to vector<16xf32>
          %max3A_1010 = arith.maximumf %get3A_584, %get3A_597 : vector<16xf32>
          %max3A_1011 = arith.maximumf %get3A_610, %get3A_623 : vector<16xf32>
          %max3A_1012 = arith.maximumf %get3A_636, %get3A_649 : vector<16xf32>
          %max3A_1013 = arith.maximumf %get3A_662, %get3A_675 : vector<16xf32>
          %max3A_1014 = arith.maximumf %get3A_688, %get3A_701 : vector<16xf32>
          %max3A_1015 = arith.maximumf %get3A_714, %get3A_727 : vector<16xf32>
          %max3A_1016 = arith.maximumf %get3A_740, %get3A_753 : vector<16xf32>
          %max3A_1017 = arith.maximumf %get3A_766, %get3A_779 : vector<16xf32>
          %max3A_1018 = arith.maximumf %max3A_1010, %max3A_1011 : vector<16xf32>
          %max3A_1019 = arith.maximumf %max3A_1012, %max3A_1013 : vector<16xf32>
          %max3A_1020 = arith.maximumf %max3A_1014, %max3A_1015 : vector<16xf32>
          %max3A_1021 = arith.maximumf %max3A_1016, %max3A_1017 : vector<16xf32>
          %max3A_1022 = arith.maximumf %max3A_1018, %max3A_1019 : vector<16xf32>
          %max3A_1023 = arith.maximumf %max3A_1020, %max3A_1021 : vector<16xf32>
          %max3A_1024 = arith.maximumf %max3A_1022, %max3A_1023 : vector<16xf32>
          %get3A_1025 = arith.constant 16 : index
          %get3A_1026 = tpu.vector_load %arg9[%get3A_1025] {strides = array<i32>} : memref<128xf32, #tpu.memory_space<vmem>>, vector<16xf32>,
          %get3A_1027 = vector.shape_cast %get3A_1026 : vector<16xf32> to vector<16xf32>
          %max3A_1028 = arith.maximumf %get3A_1027, %max3A_1024 : vector<16xf32>
          %swap3A_1029 = arith.constant 16 : index
          %swap3A_1030 = tpu.vector_load %arg9[%swap3A_1029] {strides = array<i32>} : memref<128xf32, #tpu.memory_space<vmem>>, vector<16xf32>,
          %swap3A_1031 = vector.shape_cast %swap3A_1030 : vector<16xf32> to vector<16xf32>
          %swap3A_1032 = vector.shape_cast %max3A_1028 : vector<16xf32> to vector<16xf32>
          tpu.vector_store %arg9[%swap3A_1029], %swap3A_1032 {strides = array<i32>} : memref<128xf32, #tpu.memory_space<vmem>>, vector<16xf32>,
          %mul3A_1033 = arith.constant 16 : i32
          %mul3A_1034 = arith.muli %scan3A_343, %mul3A_1033 : i32
          %add3A_1035 = arith.constant 0 : i32
          %add3A_1036 = arith.addi %mul3A_1034, %add3A_1035 : i32
          %mul3A_1037 = arith.constant 128 : i32
          %mul3A_1038 = arith.muli %add3A_1036, %mul3A_1037 : i32
          %add3A_1039 = arith.constant 0 : i32
          %add3A_1040 = arith.addi %add3A_1039, %mul3A_1038 : i32
          %add3A_1041 = arith.constant 48 : i32
          %add3A_1042 = arith.addi %add3A_1040, %add3A_1041 : i32
          %get3A_1043 = arith.index_cast %add3A_1042 : i32 to index
          %get3A_1044 = tpu.vector_load %arg7[%get3A_1043] {strides = array<i32>} : memref<57344xf32, #tpu.memory_space<vmem>>, vector<16xf32>,
          %get3A_1045 = vector.shape_cast %get3A_1044 : vector<16xf32> to vector<16xf32>
          %mul3A_1046 = arith.constant 16 : i32
          %mul3A_1047 = arith.muli %scan3A_343, %mul3A_1046 : i32
          %add3A_1048 = arith.constant 1 : i32
          %add3A_1049 = arith.addi %mul3A_1047, %add3A_1048 : i32
          %mul3A_1050 = arith.constant 128 : i32
          %mul3A_1051 = arith.muli %add3A_1049, %mul3A_1050 : i32
          %add3A_1052 = arith.constant 0 : i32
          %add3A_1053 = arith.addi %add3A_1052, %mul3A_1051 : i32
          %add3A_1054 = arith.constant 48 : i32
          %add3A_1055 = arith.addi %add3A_1053, %add3A_1054 : i32
          %get3A_1056 = arith.index_cast %add3A_1055 : i32 to index
          %get3A_1057 = tpu.vector_load %arg7[%get3A_1056] {strides = array<i32>} : memref<57344xf32, #tpu.memory_space<vmem>>, vector<16xf32>,
          %get3A_1058 = vector.shape_cast %get3A_1057 : vector<16xf32> to vector<16xf32>
          %mul3A_1059 = arith.constant 16 : i32
          %mul3A_1060 = arith.muli %scan3A_343, %mul3A_1059 : i32
          %add3A_1061 = arith.constant 2 : i32
          %add3A_1062 = arith.addi %mul3A_1060, %add3A_1061 : i32
          %mul3A_1063 = arith.constant 128 : i32
          %mul3A_1064 = arith.muli %add3A_1062, %mul3A_1063 : i32
          %add3A_1065 = arith.constant 0 : i32
          %add3A_1066 = arith.addi %add3A_1065, %mul3A_1064 : i32
          %add3A_1067 = arith.constant 48 : i32
          %add3A_1068 = arith.addi %add3A_1066, %add3A_1067 : i32
          %get3A_1069 = arith.index_cast %add3A_1068 : i32 to index
          %get3A_1070 = tpu.vector_load %arg7[%get3A_1069] {strides = array<i32>} : memref<57344xf32, #tpu.memory_space<vmem>>, vector<16xf32>,
          %get3A_1071 = vector.shape_cast %get3A_1070 : vector<16xf32> to vector<16xf32>
          %mul3A_1072 = arith.constant 16 : i32
          %mul3A_1073 = arith.muli %scan3A_343, %mul3A_1072 : i32
          %add3A_1074 = arith.constant 3 : i32
          %add3A_1075 = arith.addi %mul3A_1073, %add3A_1074 : i32
          %mul3A_1076 = arith.constant 128 : i32
          %mul3A_1077 = arith.muli %add3A_1075, %mul3A_1076 : i32
          %add3A_1078 = arith.constant 0 : i32
          %add3A_1079 = arith.addi %add3A_1078, %mul3A_1077 : i32
          %add3A_1080 = arith.constant 48 : i32
          %add3A_1081 = arith.addi %add3A_1079, %add3A_1080 : i32
          %get3A_1082 = arith.index_cast %add3A_1081 : i32 to index
          %get3A_1083 = tpu.vector_load %arg7[%get3A_1082] {strides = array<i32>} : memref<57344xf32, #tpu.memory_space<vmem>>, vector<16xf32>,
          %get3A_1084 = vector.shape_cast %get3A_1083 : vector<16xf32> to vector<16xf32>
          %mul3A_1085 = arith.constant 16 : i32
          %mul3A_1086 = arith.muli %scan3A_343, %mul3A_1085 : i32
          %add3A_1087 = arith.constant 4 : i32
          %add3A_1088 = arith.addi %mul3A_1086, %add3A_1087 : i32
          %mul3A_1089 = arith.constant 128 : i32
          %mul3A_1090 = arith.muli %add3A_1088, %mul3A_1089 : i32
          %add3A_1091 = arith.constant 0 : i32
          %add3A_1092 = arith.addi %add3A_1091, %mul3A_1090 : i32
          %add3A_1093 = arith.constant 48 : i32
          %add3A_1094 = arith.addi %add3A_1092, %add3A_1093 : i32
          %get3A_1095 = arith.index_cast %add3A_1094 : i32 to index
          %get3A_1096 = tpu.vector_load %arg7[%get3A_1095] {strides = array<i32>} : memref<57344xf32, #tpu.memory_space<vmem>>, vector<16xf32>,
          %get3A_1097 = vector.shape_cast %get3A_1096 : vector<16xf32> to vector<16xf32>
          %mul3A_1098 = arith.constant 16 : i32
          %mul3A_1099 = arith.muli %scan3A_343, %mul3A_1098 : i32
          %add3A_1100 = arith.constant 5 : i32
          %add3A_1101 = arith.addi %mul3A_1099, %add3A_1100 : i32
          %mul3A_1102 = arith.constant 128 : i32
          %mul3A_1103 = arith.muli %add3A_1101, %mul3A_1102 : i32
          %add3A_1104 = arith.constant 0 : i32
          %add3A_1105 = arith.addi %add3A_1104, %mul3A_1103 : i32
          %add3A_1106 = arith.constant 48 : i32
          %add3A_1107 = arith.addi %add3A_1105, %add3A_1106 : i32
          %get3A_1108 = arith.index_cast %add3A_1107 : i32 to index
          %get3A_1109 = tpu.vector_load %arg7[%get3A_1108] {strides = array<i32>} : memref<57344xf32, #tpu.memory_space<vmem>>, vector<16xf32>,
          %get3A_1110 = vector.shape_cast %get3A_1109 : vector<16xf32> to vector<16xf32>
          %mul3A_1111 = arith.constant 16 : i32
          %mul3A_1112 = arith.muli %scan3A_343, %mul3A_1111 : i32
          %add3A_1113 = arith.constant 6 : i32
          %add3A_1114 = arith.addi %mul3A_1112, %add3A_1113 : i32
          %mul3A_1115 = arith.constant 128 : i32
          %mul3A_1116 = arith.muli %add3A_1114, %mul3A_1115 : i32
          %add3A_1117 = arith.constant 0 : i32
          %add3A_1118 = arith.addi %add3A_1117, %mul3A_1116 : i32
          %add3A_1119 = arith.constant 48 : i32
          %add3A_1120 = arith.addi %add3A_1118, %add3A_1119 : i32
          %get3A_1121 = arith.index_cast %add3A_1120 : i32 to index
          %get3A_1122 = tpu.vector_load %arg7[%get3A_1121] {strides = array<i32>} : memref<57344xf32, #tpu.memory_space<vmem>>, vector<16xf32>,
          %get3A_1123 = vector.shape_cast %get3A_1122 : vector<16xf32> to vector<16xf32>
          %mul3A_1124 = arith.constant 16 : i32
          %mul3A_1125 = arith.muli %scan3A_343, %mul3A_1124 : i32
          %add3A_1126 = arith.constant 7 : i32
          %add3A_1127 = arith.addi %mul3A_1125, %add3A_1126 : i32
          %mul3A_1128 = arith.constant 128 : i32
          %mul3A_1129 = arith.muli %add3A_1127, %mul3A_1128 : i32
          %add3A_1130 = arith.constant 0 : i32
          %add3A_1131 = arith.addi %add3A_1130, %mul3A_1129 : i32
          %add3A_1132 = arith.constant 48 : i32
          %add3A_1133 = arith.addi %add3A_1131, %add3A_1132 : i32
          %get3A_1134 = arith.index_cast %add3A_1133 : i32 to index
          %get3A_1135 = tpu.vector_load %arg7[%get3A_1134] {strides = array<i32>} : memref<57344xf32, #tpu.memory_space<vmem>>, vector<16xf32>,
          %get3A_1136 = vector.shape_cast %get3A_1135 : vector<16xf32> to vector<16xf32>
          %mul3A_1137 = arith.constant 16 : i32
          %mul3A_1138 = arith.muli %scan3A_343, %mul3A_1137 : i32
          %add3A_1139 = arith.constant 8 : i32
          %add3A_1140 = arith.addi %mul3A_1138, %add3A_1139 : i32
          %mul3A_1141 = arith.constant 128 : i32
          %mul3A_1142 = arith.muli %add3A_1140, %mul3A_1141 : i32
          %add3A_1143 = arith.constant 0 : i32
          %add3A_1144 = arith.addi %add3A_1143, %mul3A_1142 : i32
          %add3A_1145 = arith.constant 48 : i32
          %add3A_1146 = arith.addi %add3A_1144, %add3A_1145 : i32
          %get3A_1147 = arith.index_cast %add3A_1146 : i32 to index
          %get3A_1148 = tpu.vector_load %arg7[%get3A_1147] {strides = array<i32>} : memref<57344xf32, #tpu.memory_space<vmem>>, vector<16xf32>,
          %get3A_1149 = vector.shape_cast %get3A_1148 : vector<16xf32> to vector<16xf32>
          %mul3A_1150 = arith.constant 16 : i32
          %mul3A_1151 = arith.muli %scan3A_343, %mul3A_1150 : i32
          %add3A_1152 = arith.constant 9 : i32
          %add3A_1153 = arith.addi %mul3A_1151, %add3A_1152 : i32
          %mul3A_1154 = arith.constant 128 : i32
          %mul3A_1155 = arith.muli %add3A_1153, %mul3A_1154 : i32
          %add3A_1156 = arith.constant 0 : i32
          %add3A_1157 = arith.addi %add3A_1156, %mul3A_1155 : i32
          %add3A_1158 = arith.constant 48 : i32
          %add3A_1159 = arith.addi %add3A_1157, %add3A_1158 : i32
          %get3A_1160 = arith.index_cast %add3A_1159 : i32 to index
          %get3A_1161 = tpu.vector_load %arg7[%get3A_1160] {strides = array<i32>} : memref<57344xf32, #tpu.memory_space<vmem>>, vector<16xf32>,
          %get3A_1162 = vector.shape_cast %get3A_1161 : vector<16xf32> to vector<16xf32>
          %mul3A_1163 = arith.constant 16 : i32
          %mul3A_1164 = arith.muli %scan3A_343, %mul3A_1163 : i32
          %add3A_1165 = arith.constant 10 : i32
          %add3A_1166 = arith.addi %mul3A_1164, %add3A_1165 : i32
          %mul3A_1167 = arith.constant 128 : i32
          %mul3A_1168 = arith.muli %add3A_1166, %mul3A_1167 : i32
          %add3A_1169 = arith.constant 0 : i32
          %add3A_1170 = arith.addi %add3A_1169, %mul3A_1168 : i32
          %add3A_1171 = arith.constant 48 : i32
          %add3A_1172 = arith.addi %add3A_1170, %add3A_1171 : i32
          %get3A_1173 = arith.index_cast %add3A_1172 : i32 to index
          %get3A_1174 = tpu.vector_load %arg7[%get3A_1173] {strides = array<i32>} : memref<57344xf32, #tpu.memory_space<vmem>>, vector<16xf32>,
          %get3A_1175 = vector.shape_cast %get3A_1174 : vector<16xf32> to vector<16xf32>
          %mul3A_1176 = arith.constant 16 : i32
          %mul3A_1177 = arith.muli %scan3A_343, %mul3A_1176 : i32
          %add3A_1178 = arith.constant 11 : i32
          %add3A_1179 = arith.addi %mul3A_1177, %add3A_1178 : i32
          %mul3A_1180 = arith.constant 128 : i32
          %mul3A_1181 = arith.muli %add3A_1179, %mul3A_1180 : i32
          %add3A_1182 = arith.constant 0 : i32
          %add3A_1183 = arith.addi %add3A_1182, %mul3A_1181 : i32
          %add3A_1184 = arith.constant 48 : i32
          %add3A_1185 = arith.addi %add3A_1183, %add3A_1184 : i32
          %get3A_1186 = arith.index_cast %add3A_1185 : i32 to index
          %get3A_1187 = tpu.vector_load %arg7[%get3A_1186] {strides = array<i32>} : memref<57344xf32, #tpu.memory_space<vmem>>, vector<16xf32>,
          %get3A_1188 = vector.shape_cast %get3A_1187 : vector<16xf32> to vector<16xf32>
          %mul3A_1189 = arith.constant 16 : i32
          %mul3A_1190 = arith.muli %scan3A_343, %mul3A_1189 : i32
          %add3A_1191 = arith.constant 12 : i32
          %add3A_1192 = arith.addi %mul3A_1190, %add3A_1191 : i32
          %mul3A_1193 = arith.constant 128 : i32
          %mul3A_1194 = arith.muli %add3A_1192, %mul3A_1193 : i32
          %add3A_1195 = arith.constant 0 : i32
          %add3A_1196 = arith.addi %add3A_1195, %mul3A_1194 : i32
          %add3A_1197 = arith.constant 48 : i32
          %add3A_1198 = arith.addi %add3A_1196, %add3A_1197 : i32
          %get3A_1199 = arith.index_cast %add3A_1198 : i32 to index
          %get3A_1200 = tpu.vector_load %arg7[%get3A_1199] {strides = array<i32>} : memref<57344xf32, #tpu.memory_space<vmem>>, vector<16xf32>,
          %get3A_1201 = vector.shape_cast %get3A_1200 : vector<16xf32> to vector<16xf32>
          %mul3A_1202 = arith.constant 16 : i32
          %mul3A_1203 = arith.muli %scan3A_343, %mul3A_1202 : i32
          %add3A_1204 = arith.constant 13 : i32
          %add3A_1205 = arith.addi %mul3A_1203, %add3A_1204 : i32
          %mul3A_1206 = arith.constant 128 : i32
          %mul3A_1207 = arith.muli %add3A_1205, %mul3A_1206 : i32
          %add3A_1208 = arith.constant 0 : i32
          %add3A_1209 = arith.addi %add3A_1208, %mul3A_1207 : i32
          %add3A_1210 = arith.constant 48 : i32
          %add3A_1211 = arith.addi %add3A_1209, %add3A_1210 : i32
          %get3A_1212 = arith.index_cast %add3A_1211 : i32 to index
          %get3A_1213 = tpu.vector_load %arg7[%get3A_1212] {strides = array<i32>} : memref<57344xf32, #tpu.memory_space<vmem>>, vector<16xf32>,
          %get3A_1214 = vector.shape_cast %get3A_1213 : vector<16xf32> to vector<16xf32>
          %mul3A_1215 = arith.constant 16 : i32
          %mul3A_1216 = arith.muli %scan3A_343, %mul3A_1215 : i32
          %add3A_1217 = arith.constant 14 : i32
          %add3A_1218 = arith.addi %mul3A_1216, %add3A_1217 : i32
          %mul3A_1219 = arith.constant 128 : i32
          %mul3A_1220 = arith.muli %add3A_1218, %mul3A_1219 : i32
          %add3A_1221 = arith.constant 0 : i32
          %add3A_1222 = arith.addi %add3A_1221, %mul3A_1220 : i32
          %add3A_1223 = arith.constant 48 : i32
          %add3A_1224 = arith.addi %add3A_1222, %add3A_1223 : i32
          %get3A_1225 = arith.index_cast %add3A_1224 : i32 to index
          %get3A_1226 = tpu.vector_load %arg7[%get3A_1225] {strides = array<i32>} : memref<57344xf32, #tpu.memory_space<vmem>>, vector<16xf32>,
          %get3A_1227 = vector.shape_cast %get3A_1226 : vector<16xf32> to vector<16xf32>
          %mul3A_1228 = arith.constant 16 : i32
          %mul3A_1229 = arith.muli %scan3A_343, %mul3A_1228 : i32
          %add3A_1230 = arith.constant 15 : i32
          %add3A_1231 = arith.addi %mul3A_1229, %add3A_1230 : i32
          %mul3A_1232 = arith.constant 128 : i32
          %mul3A_1233 = arith.muli %add3A_1231, %mul3A_1232 : i32
          %add3A_1234 = arith.constant 0 : i32
          %add3A_1235 = arith.addi %add3A_1234, %mul3A_1233 : i32
          %add3A_1236 = arith.constant 48 : i32
          %add3A_1237 = arith.addi %add3A_1235, %add3A_1236 : i32
          %get3A_1238 = arith.index_cast %add3A_1237 : i32 to index
          %get3A_1239 = tpu.vector_load %arg7[%get3A_1238] {strides = array<i32>} : memref<57344xf32, #tpu.memory_space<vmem>>, vector<16xf32>,
          %get3A_1240 = vector.shape_cast %get3A_1239 : vector<16xf32> to vector<16xf32>
          %max3A_1241 = arith.maximumf %get3A_814, %get3A_827 : vector<16xf32>
          %max3A_1242 = arith.maximumf %get3A_840, %get3A_853 : vector<16xf32>
          %max3A_1243 = arith.maximumf %get3A_866, %get3A_879 : vector<16xf32>
          %max3A_1244 = arith.maximumf %get3A_892, %get3A_905 : vector<16xf32>
          %max3A_1245 = arith.maximumf %get3A_918, %get3A_931 : vector<16xf32>
          %max3A_1246 = arith.maximumf %get3A_944, %get3A_957 : vector<16xf32>
          %max3A_1247 = arith.maximumf %get3A_970, %get3A_983 : vector<16xf32>
          %max3A_1248 = arith.maximumf %get3A_996, %get3A_1009 : vector<16xf32>
          %max3A_1249 = arith.maximumf %max3A_1241, %max3A_1242 : vector<16xf32>
          %max3A_1250 = arith.maximumf %max3A_1243, %max3A_1244 : vector<16xf32>
          %max3A_1251 = arith.maximumf %max3A_1245, %max3A_1246 : vector<16xf32>
          %max3A_1252 = arith.maximumf %max3A_1247, %max3A_1248 : vector<16xf32>
          %max3A_1253 = arith.maximumf %max3A_1249, %max3A_1250 : vector<16xf32>
          %max3A_1254 = arith.maximumf %max3A_1251, %max3A_1252 : vector<16xf32>
          %max3A_1255 = arith.maximumf %max3A_1253, %max3A_1254 : vector<16xf32>
          %get3A_1256 = arith.constant 32 : index
          %get3A_1257 = tpu.vector_load %arg9[%get3A_1256] {strides = array<i32>} : memref<128xf32, #tpu.memory_space<vmem>>, vector<16xf32>,
          %get3A_1258 = vector.shape_cast %get3A_1257 : vector<16xf32> to vector<16xf32>
          %max3A_1259 = arith.maximumf %get3A_1258, %max3A_1255 : vector<16xf32>
          %swap3A_1260 = arith.constant 32 : index
          %swap3A_1261 = tpu.vector_load %arg9[%swap3A_1260] {strides = array<i32>} : memref<128xf32, #tpu.memory_space<vmem>>, vector<16xf32>,
          %swap3A_1262 = vector.shape_cast %swap3A_1261 : vector<16xf32> to vector<16xf32>
          %swap3A_1263 = vector.shape_cast %max3A_1259 : vector<16xf32> to vector<16xf32>
          tpu.vector_store %arg9[%swap3A_1260], %swap3A_1263 {strides = array<i32>} : memref<128xf32, #tpu.memory_space<vmem>>, vector<16xf32>,
          %mul3A_1264 = arith.constant 16 : i32
          %mul3A_1265 = arith.muli %scan3A_343, %mul3A_1264 : i32
          %add3A_1266 = arith.constant 0 : i32
          %add3A_1267 = arith.addi %mul3A_1265, %add3A_1266 : i32
          %mul3A_1268 = arith.constant 128 : i32
          %mul3A_1269 = arith.muli %add3A_1267, %mul3A_1268 : i32
          %add3A_1270 = arith.constant 0 : i32
          %add3A_1271 = arith.addi %add3A_1270, %mul3A_1269 : i32
          %add3A_1272 = arith.constant 64 : i32
          %add3A_1273 = arith.addi %add3A_1271, %add3A_1272 : i32
          %get3A_1274 = arith.index_cast %add3A_1273 : i32 to index
          %get3A_1275 = tpu.vector_load %arg7[%get3A_1274] {strides = array<i32>} : memref<57344xf32, #tpu.memory_space<vmem>>, vector<16xf32>,
          %get3A_1276 = vector.shape_cast %get3A_1275 : vector<16xf32> to vector<16xf32>
          %mul3A_1277 = arith.constant 16 : i32
          %mul3A_1278 = arith.muli %scan3A_343, %mul3A_1277 : i32
          %add3A_1279 = arith.constant 1 : i32
          %add3A_1280 = arith.addi %mul3A_1278, %add3A_1279 : i32
          %mul3A_1281 = arith.constant 128 : i32
          %mul3A_1282 = arith.muli %add3A_1280, %mul3A_1281 : i32
          %add3A_1283 = arith.constant 0 : i32
          %add3A_1284 = arith.addi %add3A_1283, %mul3A_1282 : i32
          %add3A_1285 = arith.constant 64 : i32
          %add3A_1286 = arith.addi %add3A_1284, %add3A_1285 : i32
          %get3A_1287 = arith.index_cast %add3A_1286 : i32 to index
          %get3A_1288 = tpu.vector_load %arg7[%get3A_1287] {strides = array<i32>} : memref<57344xf32, #tpu.memory_space<vmem>>, vector<16xf32>,
          %get3A_1289 = vector.shape_cast %get3A_1288 : vector<16xf32> to vector<16xf32>
          %mul3A_1290 = arith.constant 16 : i32
          %mul3A_1291 = arith.muli %scan3A_343, %mul3A_1290 : i32
          %add3A_1292 = arith.constant 2 : i32
          %add3A_1293 = arith.addi %mul3A_1291, %add3A_1292 : i32
          %mul3A_1294 = arith.constant 128 : i32
          %mul3A_1295 = arith.muli %add3A_1293, %mul3A_1294 : i32
          %add3A_1296 = arith.constant 0 : i32
          %add3A_1297 = arith.addi %add3A_1296, %mul3A_1295 : i32
          %add3A_1298 = arith.constant 64 : i32
          %add3A_1299 = arith.addi %add3A_1297, %add3A_1298 : i32
          %get3A_1300 = arith.index_cast %add3A_1299 : i32 to index
          %get3A_1301 = tpu.vector_load %arg7[%get3A_1300] {strides = array<i32>} : memref<57344xf32, #tpu.memory_space<vmem>>, vector<16xf32>,
          %get3A_1302 = vector.shape_cast %get3A_1301 : vector<16xf32> to vector<16xf32>
          %mul3A_1303 = arith.constant 16 : i32
          %mul3A_1304 = arith.muli %scan3A_343, %mul3A_1303 : i32
          %add3A_1305 = arith.constant 3 : i32
          %add3A_1306 = arith.addi %mul3A_1304, %add3A_1305 : i32
          %mul3A_1307 = arith.constant 128 : i32
          %mul3A_1308 = arith.muli %add3A_1306, %mul3A_1307 : i32
          %add3A_1309 = arith.constant 0 : i32
          %add3A_1310 = arith.addi %add3A_1309, %mul3A_1308 : i32
          %add3A_1311 = arith.constant 64 : i32
          %add3A_1312 = arith.addi %add3A_1310, %add3A_1311 : i32
          %get3A_1313 = arith.index_cast %add3A_1312 : i32 to index
          %get3A_1314 = tpu.vector_load %arg7[%get3A_1313] {strides = array<i32>} : memref<57344xf32, #tpu.memory_space<vmem>>, vector<16xf32>,
          %get3A_1315 = vector.shape_cast %get3A_1314 : vector<16xf32> to vector<16xf32>
          %mul3A_1316 = arith.constant 16 : i32
          %mul3A_1317 = arith.muli %scan3A_343, %mul3A_1316 : i32
          %add3A_1318 = arith.constant 4 : i32
          %add3A_1319 = arith.addi %mul3A_1317, %add3A_1318 : i32
          %mul3A_1320 = arith.constant 128 : i32
          %mul3A_1321 = arith.muli %add3A_1319, %mul3A_1320 : i32
          %add3A_1322 = arith.constant 0 : i32
          %add3A_1323 = arith.addi %add3A_1322, %mul3A_1321 : i32
          %add3A_1324 = arith.constant 64 : i32
          %add3A_1325 = arith.addi %add3A_1323, %add3A_1324 : i32
          %get3A_1326 = arith.index_cast %add3A_1325 : i32 to index
          %get3A_1327 = tpu.vector_load %arg7[%get3A_1326] {strides = array<i32>} : memref<57344xf32, #tpu.memory_space<vmem>>, vector<16xf32>,
          %get3A_1328 = vector.shape_cast %get3A_1327 : vector<16xf32> to vector<16xf32>
          %mul3A_1329 = arith.constant 16 : i32
          %mul3A_1330 = arith.muli %scan3A_343, %mul3A_1329 : i32
          %add3A_1331 = arith.constant 5 : i32
          %add3A_1332 = arith.addi %mul3A_1330, %add3A_1331 : i32
          %mul3A_1333 = arith.constant 128 : i32
          %mul3A_1334 = arith.muli %add3A_1332, %mul3A_1333 : i32
          %add3A_1335 = arith.constant 0 : i32
          %add3A_1336 = arith.addi %add3A_1335, %mul3A_1334 : i32
          %add3A_1337 = arith.constant 64 : i32
          %add3A_1338 = arith.addi %add3A_1336, %add3A_1337 : i32
          %get3A_1339 = arith.index_cast %add3A_1338 : i32 to index
          %get3A_1340 = tpu.vector_load %arg7[%get3A_1339] {strides = array<i32>} : memref<57344xf32, #tpu.memory_space<vmem>>, vector<16xf32>,
          %get3A_1341 = vector.shape_cast %get3A_1340 : vector<16xf32> to vector<16xf32>
          %mul3A_1342 = arith.constant 16 : i32
          %mul3A_1343 = arith.muli %scan3A_343, %mul3A_1342 : i32
          %add3A_1344 = arith.constant 6 : i32
          %add3A_1345 = arith.addi %mul3A_1343, %add3A_1344 : i32
          %mul3A_1346 = arith.constant 128 : i32
          %mul3A_1347 = arith.muli %add3A_1345, %mul3A_1346 : i32
          %add3A_1348 = arith.constant 0 : i32
          %add3A_1349 = arith.addi %add3A_1348, %mul3A_1347 : i32
          %add3A_1350 = arith.constant 64 : i32
          %add3A_1351 = arith.addi %add3A_1349, %add3A_1350 : i32
          %get3A_1352 = arith.index_cast %add3A_1351 : i32 to index
          %get3A_1353 = tpu.vector_load %arg7[%get3A_1352] {strides = array<i32>} : memref<57344xf32, #tpu.memory_space<vmem>>, vector<16xf32>,
          %get3A_1354 = vector.shape_cast %get3A_1353 : vector<16xf32> to vector<16xf32>
          %mul3A_1355 = arith.constant 16 : i32
          %mul3A_1356 = arith.muli %scan3A_343, %mul3A_1355 : i32
          %add3A_1357 = arith.constant 7 : i32
          %add3A_1358 = arith.addi %mul3A_1356, %add3A_1357 : i32
          %mul3A_1359 = arith.constant 128 : i32
          %mul3A_1360 = arith.muli %add3A_1358, %mul3A_1359 : i32
          %add3A_1361 = arith.constant 0 : i32
          %add3A_1362 = arith.addi %add3A_1361, %mul3A_1360 : i32
          %add3A_1363 = arith.constant 64 : i32
          %add3A_1364 = arith.addi %add3A_1362, %add3A_1363 : i32
          %get3A_1365 = arith.index_cast %add3A_1364 : i32 to index
          %get3A_1366 = tpu.vector_load %arg7[%get3A_1365] {strides = array<i32>} : memref<57344xf32, #tpu.memory_space<vmem>>, vector<16xf32>,
          %get3A_1367 = vector.shape_cast %get3A_1366 : vector<16xf32> to vector<16xf32>
          %mul3A_1368 = arith.constant 16 : i32
          %mul3A_1369 = arith.muli %scan3A_343, %mul3A_1368 : i32
          %add3A_1370 = arith.constant 8 : i32
          %add3A_1371 = arith.addi %mul3A_1369, %add3A_1370 : i32
          %mul3A_1372 = arith.constant 128 : i32
          %mul3A_1373 = arith.muli %add3A_1371, %mul3A_1372 : i32
          %add3A_1374 = arith.constant 0 : i32
          %add3A_1375 = arith.addi %add3A_1374, %mul3A_1373 : i32
          %add3A_1376 = arith.constant 64 : i32
          %add3A_1377 = arith.addi %add3A_1375, %add3A_1376 : i32
          %get3A_1378 = arith.index_cast %add3A_1377 : i32 to index
          %get3A_1379 = tpu.vector_load %arg7[%get3A_1378] {strides = array<i32>} : memref<57344xf32, #tpu.memory_space<vmem>>, vector<16xf32>,
          %get3A_1380 = vector.shape_cast %get3A_1379 : vector<16xf32> to vector<16xf32>
          %mul3A_1381 = arith.constant 16 : i32
          %mul3A_1382 = arith.muli %scan3A_343, %mul3A_1381 : i32
          %add3A_1383 = arith.constant 9 : i32
          %add3A_1384 = arith.addi %mul3A_1382, %add3A_1383 : i32
          %mul3A_1385 = arith.constant 128 : i32
          %mul3A_1386 = arith.muli %add3A_1384, %mul3A_1385 : i32
          %add3A_1387 = arith.constant 0 : i32
          %add3A_1388 = arith.addi %add3A_1387, %mul3A_1386 : i32
          %add3A_1389 = arith.constant 64 : i32
          %add3A_1390 = arith.addi %add3A_1388, %add3A_1389 : i32
          %get3A_1391 = arith.index_cast %add3A_1390 : i32 to index
          %get3A_1392 = tpu.vector_load %arg7[%get3A_1391] {strides = array<i32>} : memref<57344xf32, #tpu.memory_space<vmem>>, vector<16xf32>,
          %get3A_1393 = vector.shape_cast %get3A_1392 : vector<16xf32> to vector<16xf32>
          %mul3A_1394 = arith.constant 16 : i32
          %mul3A_1395 = arith.muli %scan3A_343, %mul3A_1394 : i32
          %add3A_1396 = arith.constant 10 : i32
          %add3A_1397 = arith.addi %mul3A_1395, %add3A_1396 : i32
          %mul3A_1398 = arith.constant 128 : i32
          %mul3A_1399 = arith.muli %add3A_1397, %mul3A_1398 : i32
          %add3A_1400 = arith.constant 0 : i32
          %add3A_1401 = arith.addi %add3A_1400, %mul3A_1399 : i32
          %add3A_1402 = arith.constant 64 : i32
          %add3A_1403 = arith.addi %add3A_1401, %add3A_1402 : i32
          %get3A_1404 = arith.index_cast %add3A_1403 : i32 to index
          %get3A_1405 = tpu.vector_load %arg7[%get3A_1404] {strides = array<i32>} : memref<57344xf32, #tpu.memory_space<vmem>>, vector<16xf32>,
          %get3A_1406 = vector.shape_cast %get3A_1405 : vector<16xf32> to vector<16xf32>
          %mul3A_1407 = arith.constant 16 : i32
          %mul3A_1408 = arith.muli %scan3A_343, %mul3A_1407 : i32
          %add3A_1409 = arith.constant 11 : i32
          %add3A_1410 = arith.addi %mul3A_1408, %add3A_1409 : i32
          %mul3A_1411 = arith.constant 128 : i32
          %mul3A_1412 = arith.muli %add3A_1410, %mul3A_1411 : i32
          %add3A_1413 = arith.constant 0 : i32
          %add3A_1414 = arith.addi %add3A_1413, %mul3A_1412 : i32
          %add3A_1415 = arith.constant 64 : i32
          %add3A_1416 = arith.addi %add3A_1414, %add3A_1415 : i32
          %get3A_1417 = arith.index_cast %add3A_1416 : i32 to index
          %get3A_1418 = tpu.vector_load %arg7[%get3A_1417] {strides = array<i32>} : memref<57344xf32, #tpu.memory_space<vmem>>, vector<16xf32>,
          %get3A_1419 = vector.shape_cast %get3A_1418 : vector<16xf32> to vector<16xf32>
          %mul3A_1420 = arith.constant 16 : i32
          %mul3A_1421 = arith.muli %scan3A_343, %mul3A_1420 : i32
          %add3A_1422 = arith.constant 12 : i32
          %add3A_1423 = arith.addi %mul3A_1421, %add3A_1422 : i32
          %mul3A_1424 = arith.constant 128 : i32
          %mul3A_1425 = arith.muli %add3A_1423, %mul3A_1424 : i32
          %add3A_1426 = arith.constant 0 : i32
          %add3A_1427 = arith.addi %add3A_1426, %mul3A_1425 : i32
          %add3A_1428 = arith.constant 64 : i32
          %add3A_1429 = arith.addi %add3A_1427, %add3A_1428 : i32
          %get3A_1430 = arith.index_cast %add3A_1429 : i32 to index
          %get3A_1431 = tpu.vector_load %arg7[%get3A_1430] {strides = array<i32>} : memref<57344xf32, #tpu.memory_space<vmem>>, vector<16xf32>,
          %get3A_1432 = vector.shape_cast %get3A_1431 : vector<16xf32> to vector<16xf32>
          %mul3A_1433 = arith.constant 16 : i32
          %mul3A_1434 = arith.muli %scan3A_343, %mul3A_1433 : i32
          %add3A_1435 = arith.constant 13 : i32
          %add3A_1436 = arith.addi %mul3A_1434, %add3A_1435 : i32
          %mul3A_1437 = arith.constant 128 : i32
          %mul3A_1438 = arith.muli %add3A_1436, %mul3A_1437 : i32
          %add3A_1439 = arith.constant 0 : i32
          %add3A_1440 = arith.addi %add3A_1439, %mul3A_1438 : i32
          %add3A_1441 = arith.constant 64 : i32
          %add3A_1442 = arith.addi %add3A_1440, %add3A_1441 : i32
          %get3A_1443 = arith.index_cast %add3A_1442 : i32 to index
          %get3A_1444 = tpu.vector_load %arg7[%get3A_1443] {strides = array<i32>} : memref<57344xf32, #tpu.memory_space<vmem>>, vector<16xf32>,
          %get3A_1445 = vector.shape_cast %get3A_1444 : vector<16xf32> to vector<16xf32>
          %mul3A_1446 = arith.constant 16 : i32
          %mul3A_1447 = arith.muli %scan3A_343, %mul3A_1446 : i32
          %add3A_1448 = arith.constant 14 : i32
          %add3A_1449 = arith.addi %mul3A_1447, %add3A_1448 : i32
          %mul3A_1450 = arith.constant 128 : i32
          %mul3A_1451 = arith.muli %add3A_1449, %mul3A_1450 : i32
          %add3A_1452 = arith.constant 0 : i32
          %add3A_1453 = arith.addi %add3A_1452, %mul3A_1451 : i32
          %add3A_1454 = arith.constant 64 : i32
          %add3A_1455 = arith.addi %add3A_1453, %add3A_1454 : i32
          %get3A_1456 = arith.index_cast %add3A_1455 : i32 to index
          %get3A_1457 = tpu.vector_load %arg7[%get3A_1456] {strides = array<i32>} : memref<57344xf32, #tpu.memory_space<vmem>>, vector<16xf32>,
          %get3A_1458 = vector.shape_cast %get3A_1457 : vector<16xf32> to vector<16xf32>
          %mul3A_1459 = arith.constant 16 : i32
          %mul3A_1460 = arith.muli %scan3A_343, %mul3A_1459 : i32
          %add3A_1461 = arith.constant 15 : i32
          %add3A_1462 = arith.addi %mul3A_1460, %add3A_1461 : i32
          %mul3A_1463 = arith.constant 128 : i32
          %mul3A_1464 = arith.muli %add3A_1462, %mul3A_1463 : i32
          %add3A_1465 = arith.constant 0 : i32
          %add3A_1466 = arith.addi %add3A_1465, %mul3A_1464 : i32
          %add3A_1467 = arith.constant 64 : i32
          %add3A_1468 = arith.addi %add3A_1466, %add3A_1467 : i32
          %get3A_1469 = arith.index_cast %add3A_1468 : i32 to index
          %get3A_1470 = tpu.vector_load %arg7[%get3A_1469] {strides = array<i32>} : memref<57344xf32, #tpu.memory_space<vmem>>, vector<16xf32>,
          %get3A_1471 = vector.shape_cast %get3A_1470 : vector<16xf32> to vector<16xf32>
          %max3A_1472 = arith.maximumf %get3A_1045, %get3A_1058 : vector<16xf32>
          %max3A_1473 = arith.maximumf %get3A_1071, %get3A_1084 : vector<16xf32>
          %max3A_1474 = arith.maximumf %get3A_1097, %get3A_1110 : vector<16xf32>
          %max3A_1475 = arith.maximumf %get3A_1123, %get3A_1136 : vector<16xf32>
          %max3A_1476 = arith.maximumf %get3A_1149, %get3A_1162 : vector<16xf32>
          %max3A_1477 = arith.maximumf %get3A_1175, %get3A_1188 : vector<16xf32>
          %max3A_1478 = arith.maximumf %get3A_1201, %get3A_1214 : vector<16xf32>
          %max3A_1479 = arith.maximumf %get3A_1227, %get3A_1240 : vector<16xf32>
          %max3A_1480 = arith.maximumf %max3A_1472, %max3A_1473 : vector<16xf32>
          %max3A_1481 = arith.maximumf %max3A_1474, %max3A_1475 : vector<16xf32>
          %max3A_1482 = arith.maximumf %max3A_1476, %max3A_1477 : vector<16xf32>
          %max3A_1483 = arith.maximumf %max3A_1478, %max3A_1479 : vector<16xf32>
          %max3A_1484 = arith.maximumf %max3A_1480, %max3A_1481 : vector<16xf32>
          %max3A_1485 = arith.maximumf %max3A_1482, %max3A_1483 : vector<16xf32>
          %max3A_1486 = arith.maximumf %max3A_1484, %max3A_1485 : vector<16xf32>
          %get3A_1487 = arith.constant 48 : index
          %get3A_1488 = tpu.vector_load %arg9[%get3A_1487] {strides = array<i32>} : memref<128xf32, #tpu.memory_space<vmem>>, vector<16xf32>,
          %get3A_1489 = vector.shape_cast %get3A_1488 : vector<16xf32> to vector<16xf32>
          %max3A_1490 = arith.maximumf %get3A_1489, %max3A_1486 : vector<16xf32>
          %swap3A_1491 = arith.constant 48 : index
          %swap3A_1492 = tpu.vector_load %arg9[%swap3A_1491] {strides = array<i32>} : memref<128xf32, #tpu.memory_space<vmem>>, vector<16xf32>,
          %swap3A_1493 = vector.shape_cast %swap3A_1492 : vector<16xf32> to vector<16xf32>
          %swap3A_1494 = vector.shape_cast %max3A_1490 : vector<16xf32> to vector<16xf32>
          tpu.vector_store %arg9[%swap3A_1491], %swap3A_1494 {strides = array<i32>} : memref<128xf32, #tpu.memory_space<vmem>>, vector<16xf32>,
          %mul3A_1495 = arith.constant 16 : i32
          %mul3A_1496 = arith.muli %scan3A_343, %mul3A_1495 : i32
          %add3A_1497 = arith.constant 0 : i32
          %add3A_1498 = arith.addi %mul3A_1496, %add3A_1497 : i32
          %mul3A_1499 = arith.constant 128 : i32
          %mul3A_1500 = arith.muli %add3A_1498, %mul3A_1499 : i32
          %add3A_1501 = arith.constant 0 : i32
          %add3A_1502 = arith.addi %add3A_1501, %mul3A_1500 : i32
          %add3A_1503 = arith.constant 80 : i32
          %add3A_1504 = arith.addi %add3A_1502, %add3A_1503 : i32
          %get3A_1505 = arith.index_cast %add3A_1504 : i32 to index
          %get3A_1506 = tpu.vector_load %arg7[%get3A_1505] {strides = array<i32>} : memref<57344xf32, #tpu.memory_space<vmem>>, vector<16xf32>,
          %get3A_1507 = vector.shape_cast %get3A_1506 : vector<16xf32> to vector<16xf32>
          %mul3A_1508 = arith.constant 16 : i32
          %mul3A_1509 = arith.muli %scan3A_343, %mul3A_1508 : i32
          %add3A_1510 = arith.constant 1 : i32
          %add3A_1511 = arith.addi %mul3A_1509, %add3A_1510 : i32
          %mul3A_1512 = arith.constant 128 : i32
          %mul3A_1513 = arith.muli %add3A_1511, %mul3A_1512 : i32
          %add3A_1514 = arith.constant 0 : i32
          %add3A_1515 = arith.addi %add3A_1514, %mul3A_1513 : i32
          %add3A_1516 = arith.constant 80 : i32
          %add3A_1517 = arith.addi %add3A_1515, %add3A_1516 : i32
          %get3A_1518 = arith.index_cast %add3A_1517 : i32 to index
          %get3A_1519 = tpu.vector_load %arg7[%get3A_1518] {strides = array<i32>} : memref<57344xf32, #tpu.memory_space<vmem>>, vector<16xf32>,
          %get3A_1520 = vector.shape_cast %get3A_1519 : vector<16xf32> to vector<16xf32>
          %mul3A_1521 = arith.constant 16 : i32
          %mul3A_1522 = arith.muli %scan3A_343, %mul3A_1521 : i32
          %add3A_1523 = arith.constant 2 : i32
          %add3A_1524 = arith.addi %mul3A_1522, %add3A_1523 : i32
          %mul3A_1525 = arith.constant 128 : i32
          %mul3A_1526 = arith.muli %add3A_1524, %mul3A_1525 : i32
          %add3A_1527 = arith.constant 0 : i32
          %add3A_1528 = arith.addi %add3A_1527, %mul3A_1526 : i32
          %add3A_1529 = arith.constant 80 : i32
          %add3A_1530 = arith.addi %add3A_1528, %add3A_1529 : i32
          %get3A_1531 = arith.index_cast %add3A_1530 : i32 to index
          %get3A_1532 = tpu.vector_load %arg7[%get3A_1531] {strides = array<i32>} : memref<57344xf32, #tpu.memory_space<vmem>>, vector<16xf32>,
          %get3A_1533 = vector.shape_cast %get3A_1532 : vector<16xf32> to vector<16xf32>
          %mul3A_1534 = arith.constant 16 : i32
          %mul3A_1535 = arith.muli %scan3A_343, %mul3A_1534 : i32
          %add3A_1536 = arith.constant 3 : i32
          %add3A_1537 = arith.addi %mul3A_1535, %add3A_1536 : i32
          %mul3A_1538 = arith.constant 128 : i32
          %mul3A_1539 = arith.muli %add3A_1537, %mul3A_1538 : i32
          %add3A_1540 = arith.constant 0 : i32
          %add3A_1541 = arith.addi %add3A_1540, %mul3A_1539 : i32
          %add3A_1542 = arith.constant 80 : i32
          %add3A_1543 = arith.addi %add3A_1541, %add3A_1542 : i32
          %get3A_1544 = arith.index_cast %add3A_1543 : i32 to index
          %get3A_1545 = tpu.vector_load %arg7[%get3A_1544] {strides = array<i32>} : memref<57344xf32, #tpu.memory_space<vmem>>, vector<16xf32>,
          %get3A_1546 = vector.shape_cast %get3A_1545 : vector<16xf32> to vector<16xf32>
          %mul3A_1547 = arith.constant 16 : i32
          %mul3A_1548 = arith.muli %scan3A_343, %mul3A_1547 : i32
          %add3A_1549 = arith.constant 4 : i32
          %add3A_1550 = arith.addi %mul3A_1548, %add3A_1549 : i32
          %mul3A_1551 = arith.constant 128 : i32
          %mul3A_1552 = arith.muli %add3A_1550, %mul3A_1551 : i32
          %add3A_1553 = arith.constant 0 : i32
          %add3A_1554 = arith.addi %add3A_1553, %mul3A_1552 : i32
          %add3A_1555 = arith.constant 80 : i32
          %add3A_1556 = arith.addi %add3A_1554, %add3A_1555 : i32
          %get3A_1557 = arith.index_cast %add3A_1556 : i32 to index
          %get3A_1558 = tpu.vector_load %arg7[%get3A_1557] {strides = array<i32>} : memref<57344xf32, #tpu.memory_space<vmem>>, vector<16xf32>,
          %get3A_1559 = vector.shape_cast %get3A_1558 : vector<16xf32> to vector<16xf32>
          %mul3A_1560 = arith.constant 16 : i32
          %mul3A_1561 = arith.muli %scan3A_343, %mul3A_1560 : i32
          %add3A_1562 = arith.constant 5 : i32
          %add3A_1563 = arith.addi %mul3A_1561, %add3A_1562 : i32
          %mul3A_1564 = arith.constant 128 : i32
          %mul3A_1565 = arith.muli %add3A_1563, %mul3A_1564 : i32
          %add3A_1566 = arith.constant 0 : i32
          %add3A_1567 = arith.addi %add3A_1566, %mul3A_1565 : i32
          %add3A_1568 = arith.constant 80 : i32
          %add3A_1569 = arith.addi %add3A_1567, %add3A_1568 : i32
          %get3A_1570 = arith.index_cast %add3A_1569 : i32 to index
          %get3A_1571 = tpu.vector_load %arg7[%get3A_1570] {strides = array<i32>} : memref<57344xf32, #tpu.memory_space<vmem>>, vector<16xf32>,
          %get3A_1572 = vector.shape_cast %get3A_1571 : vector<16xf32> to vector<16xf32>
          %mul3A_1573 = arith.constant 16 : i32
          %mul3A_1574 = arith.muli %scan3A_343, %mul3A_1573 : i32
          %add3A_1575 = arith.constant 6 : i32
          %add3A_1576 = arith.addi %mul3A_1574, %add3A_1575 : i32
          %mul3A_1577 = arith.constant 128 : i32
          %mul3A_1578 = arith.muli %add3A_1576, %mul3A_1577 : i32
          %add3A_1579 = arith.constant 0 : i32
          %add3A_1580 = arith.addi %add3A_1579, %mul3A_1578 : i32
          %add3A_1581 = arith.constant 80 : i32
          %add3A_1582 = arith.addi %add3A_1580, %add3A_1581 : i32
          %get3A_1583 = arith.index_cast %add3A_1582 : i32 to index
          %get3A_1584 = tpu.vector_load %arg7[%get3A_1583] {strides = array<i32>} : memref<57344xf32, #tpu.memory_space<vmem>>, vector<16xf32>,
          %get3A_1585 = vector.shape_cast %get3A_1584 : vector<16xf32> to vector<16xf32>
          %mul3A_1586 = arith.constant 16 : i32
          %mul3A_1587 = arith.muli %scan3A_343, %mul3A_1586 : i32
          %add3A_1588 = arith.constant 7 : i32
          %add3A_1589 = arith.addi %mul3A_1587, %add3A_1588 : i32
          %mul3A_1590 = arith.constant 128 : i32
          %mul3A_1591 = arith.muli %add3A_1589, %mul3A_1590 : i32
          %add3A_1592 = arith.constant 0 : i32
          %add3A_1593 = arith.addi %add3A_1592, %mul3A_1591 : i32
          %add3A_1594 = arith.constant 80 : i32
          %add3A_1595 = arith.addi %add3A_1593, %add3A_1594 : i32
          %get3A_1596 = arith.index_cast %add3A_1595 : i32 to index
          %get3A_1597 = tpu.vector_load %arg7[%get3A_1596] {strides = array<i32>} : memref<57344xf32, #tpu.memory_space<vmem>>, vector<16xf32>,
          %get3A_1598 = vector.shape_cast %get3A_1597 : vector<16xf32> to vector<16xf32>
          %mul3A_1599 = arith.constant 16 : i32
          %mul3A_1600 = arith.muli %scan3A_343, %mul3A_1599 : i32
          %add3A_1601 = arith.constant 8 : i32
          %add3A_1602 = arith.addi %mul3A_1600, %add3A_1601 : i32
          %mul3A_1603 = arith.constant 128 : i32
          %mul3A_1604 = arith.muli %add3A_1602, %mul3A_1603 : i32
          %add3A_1605 = arith.constant 0 : i32
          %add3A_1606 = arith.addi %add3A_1605, %mul3A_1604 : i32
          %add3A_1607 = arith.constant 80 : i32
          %add3A_1608 = arith.addi %add3A_1606, %add3A_1607 : i32
          %get3A_1609 = arith.index_cast %add3A_1608 : i32 to index
          %get3A_1610 = tpu.vector_load %arg7[%get3A_1609] {strides = array<i32>} : memref<57344xf32, #tpu.memory_space<vmem>>, vector<16xf32>,
          %get3A_1611 = vector.shape_cast %get3A_1610 : vector<16xf32> to vector<16xf32>
          %mul3A_1612 = arith.constant 16 : i32
          %mul3A_1613 = arith.muli %scan3A_343, %mul3A_1612 : i32
          %add3A_1614 = arith.constant 9 : i32
          %add3A_1615 = arith.addi %mul3A_1613, %add3A_1614 : i32
          %mul3A_1616 = arith.constant 128 : i32
          %mul3A_1617 = arith.muli %add3A_1615, %mul3A_1616 : i32
          %add3A_1618 = arith.constant 0 : i32
          %add3A_1619 = arith.addi %add3A_1618, %mul3A_1617 : i32
          %add3A_1620 = arith.constant 80 : i32
          %add3A_1621 = arith.addi %add3A_1619, %add3A_1620 : i32
          %get3A_1622 = arith.index_cast %add3A_1621 : i32 to index
          %get3A_1623 = tpu.vector_load %arg7[%get3A_1622] {strides = array<i32>} : memref<57344xf32, #tpu.memory_space<vmem>>, vector<16xf32>,
          %get3A_1624 = vector.shape_cast %get3A_1623 : vector<16xf32> to vector<16xf32>
          %mul3A_1625 = arith.constant 16 : i32
          %mul3A_1626 = arith.muli %scan3A_343, %mul3A_1625 : i32
          %add3A_1627 = arith.constant 10 : i32
          %add3A_1628 = arith.addi %mul3A_1626, %add3A_1627 : i32
          %mul3A_1629 = arith.constant 128 : i32
          %mul3A_1630 = arith.muli %add3A_1628, %mul3A_1629 : i32
          %add3A_1631 = arith.constant 0 : i32
          %add3A_1632 = arith.addi %add3A_1631, %mul3A_1630 : i32
          %add3A_1633 = arith.constant 80 : i32
          %add3A_1634 = arith.addi %add3A_1632, %add3A_1633 : i32
          %get3A_1635 = arith.index_cast %add3A_1634 : i32 to index
          %get3A_1636 = tpu.vector_load %arg7[%get3A_1635] {strides = array<i32>} : memref<57344xf32, #tpu.memory_space<vmem>>, vector<16xf32>,
          %get3A_1637 = vector.shape_cast %get3A_1636 : vector<16xf32> to vector<16xf32>
          %mul3A_1638 = arith.constant 16 : i32
          %mul3A_1639 = arith.muli %scan3A_343, %mul3A_1638 : i32
          %add3A_1640 = arith.constant 11 : i32
          %add3A_1641 = arith.addi %mul3A_1639, %add3A_1640 : i32
          %mul3A_1642 = arith.constant 128 : i32
          %mul3A_1643 = arith.muli %add3A_1641, %mul3A_1642 : i32
          %add3A_1644 = arith.constant 0 : i32
          %add3A_1645 = arith.addi %add3A_1644, %mul3A_1643 : i32
          %add3A_1646 = arith.constant 80 : i32
          %add3A_1647 = arith.addi %add3A_1645, %add3A_1646 : i32
          %get3A_1648 = arith.index_cast %add3A_1647 : i32 to index
          %get3A_1649 = tpu.vector_load %arg7[%get3A_1648] {strides = array<i32>} : memref<57344xf32, #tpu.memory_space<vmem>>, vector<16xf32>,
          %get3A_1650 = vector.shape_cast %get3A_1649 : vector<16xf32> to vector<16xf32>
          %mul3A_1651 = arith.constant 16 : i32
          %mul3A_1652 = arith.muli %scan3A_343, %mul3A_1651 : i32
          %add3A_1653 = arith.constant 12 : i32
          %add3A_1654 = arith.addi %mul3A_1652, %add3A_1653 : i32
          %mul3A_1655 = arith.constant 128 : i32
          %mul3A_1656 = arith.muli %add3A_1654, %mul3A_1655 : i32
          %add3A_1657 = arith.constant 0 : i32
          %add3A_1658 = arith.addi %add3A_1657, %mul3A_1656 : i32
          %add3A_1659 = arith.constant 80 : i32
          %add3A_1660 = arith.addi %add3A_1658, %add3A_1659 : i32
          %get3A_1661 = arith.index_cast %add3A_1660 : i32 to index
          %get3A_1662 = tpu.vector_load %arg7[%get3A_1661] {strides = array<i32>} : memref<57344xf32, #tpu.memory_space<vmem>>, vector<16xf32>,
          %get3A_1663 = vector.shape_cast %get3A_1662 : vector<16xf32> to vector<16xf32>
          %mul3A_1664 = arith.constant 16 : i32
          %mul3A_1665 = arith.muli %scan3A_343, %mul3A_1664 : i32
          %add3A_1666 = arith.constant 13 : i32
          %add3A_1667 = arith.addi %mul3A_1665, %add3A_1666 : i32
          %mul3A_1668 = arith.constant 128 : i32
          %mul3A_1669 = arith.muli %add3A_1667, %mul3A_1668 : i32
          %add3A_1670 = arith.constant 0 : i32
          %add3A_1671 = arith.addi %add3A_1670, %mul3A_1669 : i32
          %add3A_1672 = arith.constant 80 : i32
          %add3A_1673 = arith.addi %add3A_1671, %add3A_1672 : i32
          %get3A_1674 = arith.index_cast %add3A_1673 : i32 to index
          %get3A_1675 = tpu.vector_load %arg7[%get3A_1674] {strides = array<i32>} : memref<57344xf32, #tpu.memory_space<vmem>>, vector<16xf32>,
          %get3A_1676 = vector.shape_cast %get3A_1675 : vector<16xf32> to vector<16xf32>
          %mul3A_1677 = arith.constant 16 : i32
          %mul3A_1678 = arith.muli %scan3A_343, %mul3A_1677 : i32
          %add3A_1679 = arith.constant 14 : i32
          %add3A_1680 = arith.addi %mul3A_1678, %add3A_1679 : i32
          %mul3A_1681 = arith.constant 128 : i32
          %mul3A_1682 = arith.muli %add3A_1680, %mul3A_1681 : i32
          %add3A_1683 = arith.constant 0 : i32
          %add3A_1684 = arith.addi %add3A_1683, %mul3A_1682 : i32
          %add3A_1685 = arith.constant 80 : i32
          %add3A_1686 = arith.addi %add3A_1684, %add3A_1685 : i32
          %get3A_1687 = arith.index_cast %add3A_1686 : i32 to index
          %get3A_1688 = tpu.vector_load %arg7[%get3A_1687] {strides = array<i32>} : memref<57344xf32, #tpu.memory_space<vmem>>, vector<16xf32>,
          %get3A_1689 = vector.shape_cast %get3A_1688 : vector<16xf32> to vector<16xf32>
          %mul3A_1690 = arith.constant 16 : i32
          %mul3A_1691 = arith.muli %scan3A_343, %mul3A_1690 : i32
          %add3A_1692 = arith.constant 15 : i32
          %add3A_1693 = arith.addi %mul3A_1691, %add3A_1692 : i32
          %mul3A_1694 = arith.constant 128 : i32
          %mul3A_1695 = arith.muli %add3A_1693, %mul3A_1694 : i32
          %add3A_1696 = arith.constant 0 : i32
          %add3A_1697 = arith.addi %add3A_1696, %mul3A_1695 : i32
          %add3A_1698 = arith.constant 80 : i32
          %add3A_1699 = arith.addi %add3A_1697, %add3A_1698 : i32
          %get3A_1700 = arith.index_cast %add3A_1699 : i32 to index
          %get3A_1701 = tpu.vector_load %arg7[%get3A_1700] {strides = array<i32>} : memref<57344xf32, #tpu.memory_space<vmem>>, vector<16xf32>,
          %get3A_1702 = vector.shape_cast %get3A_1701 : vector<16xf32> to vector<16xf32>
          %max3A_1703 = arith.maximumf %get3A_1276, %get3A_1289 : vector<16xf32>
          %max3A_1704 = arith.maximumf %get3A_1302, %get3A_1315 : vector<16xf32>
          %max3A_1705 = arith.maximumf %get3A_1328, %get3A_1341 : vector<16xf32>
          %max3A_1706 = arith.maximumf %get3A_1354, %get3A_1367 : vector<16xf32>
          %max3A_1707 = arith.maximumf %get3A_1380, %get3A_1393 : vector<16xf32>
          %max3A_1708 = arith.maximumf %get3A_1406, %get3A_1419 : vector<16xf32>
          %max3A_1709 = arith.maximumf %get3A_1432, %get3A_1445 : vector<16xf32>
          %max3A_1710 = arith.maximumf %get3A_1458, %get3A_1471 : vector<16xf32>
          %max3A_1711 = arith.maximumf %max3A_1703, %max3A_1704 : vector<16xf32>
          %max3A_1712 = arith.maximumf %max3A_1705, %max3A_1706 : vector<16xf32>
          %max3A_1713 = arith.maximumf %max3A_1707, %max3A_1708 : vector<16xf32>
          %max3A_1714 = arith.maximumf %max3A_1709, %max3A_1710 : vector<16xf32>
          %max3A_1715 = arith.maximumf %max3A_1711, %max3A_1712 : vector<16xf32>
          %max3A_1716 = arith.maximumf %max3A_1713, %max3A_1714 : vector<16xf32>
          %max3A_1717 = arith.maximumf %max3A_1715, %max3A_1716 : vector<16xf32>
          %get3A_1718 = arith.constant 64 : index
          %get3A_1719 = tpu.vector_load %arg9[%get3A_1718] {strides = array<i32>} : memref<128xf32, #tpu.memory_space<vmem>>, vector<16xf32>,
          %get3A_1720 = vector.shape_cast %get3A_1719 : vector<16xf32> to vector<16xf32>
          %max3A_1721 = arith.maximumf %get3A_1720, %max3A_1717 : vector<16xf32>
          %swap3A_1722 = arith.constant 64 : index
          %swap3A_1723 = tpu.vector_load %arg9[%swap3A_1722] {strides = array<i32>} : memref<128xf32, #tpu.memory_space<vmem>>, vector<16xf32>,
          %swap3A_1724 = vector.shape_cast %swap3A_1723 : vector<16xf32> to vector<16xf32>
          %swap3A_1725 = vector.shape_cast %max3A_1721 : vector<16xf32> to vector<16xf32>
          tpu.vector_store %arg9[%swap3A_1722], %swap3A_1725 {strides = array<i32>} : memref<128xf32, #tpu.memory_space<vmem>>, vector<16xf32>,
          %mul3A_1726 = arith.constant 16 : i32
          %mul3A_1727 = arith.muli %scan3A_343, %mul3A_1726 : i32
          %add3A_1728 = arith.constant 0 : i32
          %add3A_1729 = arith.addi %mul3A_1727, %add3A_1728 : i32
          %mul3A_1730 = arith.constant 128 : i32
          %mul3A_1731 = arith.muli %add3A_1729, %mul3A_1730 : i32
          %add3A_1732 = arith.constant 0 : i32
          %add3A_1733 = arith.addi %add3A_1732, %mul3A_1731 : i32
          %add3A_1734 = arith.constant 96 : i32
          %add3A_1735 = arith.addi %add3A_1733, %add3A_1734 : i32
          %get3A_1736 = arith.index_cast %add3A_1735 : i32 to index
          %get3A_1737 = tpu.vector_load %arg7[%get3A_1736] {strides = array<i32>} : memref<57344xf32, #tpu.memory_space<vmem>>, vector<16xf32>,
          %get3A_1738 = vector.shape_cast %get3A_1737 : vector<16xf32> to vector<16xf32>
          %mul3A_1739 = arith.constant 16 : i32
          %mul3A_1740 = arith.muli %scan3A_343, %mul3A_1739 : i32
          %add3A_1741 = arith.constant 1 : i32
          %add3A_1742 = arith.addi %mul3A_1740, %add3A_1741 : i32
          %mul3A_1743 = arith.constant 128 : i32
          %mul3A_1744 = arith.muli %add3A_1742, %mul3A_1743 : i32
          %add3A_1745 = arith.constant 0 : i32
          %add3A_1746 = arith.addi %add3A_1745, %mul3A_1744 : i32
          %add3A_1747 = arith.constant 96 : i32
          %add3A_1748 = arith.addi %add3A_1746, %add3A_1747 : i32
          %get3A_1749 = arith.index_cast %add3A_1748 : i32 to index
          %get3A_1750 = tpu.vector_load %arg7[%get3A_1749] {strides = array<i32>} : memref<57344xf32, #tpu.memory_space<vmem>>, vector<16xf32>,
          %get3A_1751 = vector.shape_cast %get3A_1750 : vector<16xf32> to vector<16xf32>
          %mul3A_1752 = arith.constant 16 : i32
          %mul3A_1753 = arith.muli %scan3A_343, %mul3A_1752 : i32
          %add3A_1754 = arith.constant 2 : i32
          %add3A_1755 = arith.addi %mul3A_1753, %add3A_1754 : i32
          %mul3A_1756 = arith.constant 128 : i32
          %mul3A_1757 = arith.muli %add3A_1755, %mul3A_1756 : i32
          %add3A_1758 = arith.constant 0 : i32
          %add3A_1759 = arith.addi %add3A_1758, %mul3A_1757 : i32
          %add3A_1760 = arith.constant 96 : i32
          %add3A_1761 = arith.addi %add3A_1759, %add3A_1760 : i32
          %get3A_1762 = arith.index_cast %add3A_1761 : i32 to index
          %get3A_1763 = tpu.vector_load %arg7[%get3A_1762] {strides = array<i32>} : memref<57344xf32, #tpu.memory_space<vmem>>, vector<16xf32>,
          %get3A_1764 = vector.shape_cast %get3A_1763 : vector<16xf32> to vector<16xf32>
          %mul3A_1765 = arith.constant 16 : i32
          %mul3A_1766 = arith.muli %scan3A_343, %mul3A_1765 : i32
          %add3A_1767 = arith.constant 3 : i32
          %add3A_1768 = arith.addi %mul3A_1766, %add3A_1767 : i32
          %mul3A_1769 = arith.constant 128 : i32
          %mul3A_1770 = arith.muli %add3A_1768, %mul3A_1769 : i32
          %add3A_1771 = arith.constant 0 : i32
          %add3A_1772 = arith.addi %add3A_1771, %mul3A_1770 : i32
          %add3A_1773 = arith.constant 96 : i32
          %add3A_1774 = arith.addi %add3A_1772, %add3A_1773 : i32
          %get3A_1775 = arith.index_cast %add3A_1774 : i32 to index
          %get3A_1776 = tpu.vector_load %arg7[%get3A_1775] {strides = array<i32>} : memref<57344xf32, #tpu.memory_space<vmem>>, vector<16xf32>,
          %get3A_1777 = vector.shape_cast %get3A_1776 : vector<16xf32> to vector<16xf32>
          %mul3A_1778 = arith.constant 16 : i32
          %mul3A_1779 = arith.muli %scan3A_343, %mul3A_1778 : i32
          %add3A_1780 = arith.constant 4 : i32
          %add3A_1781 = arith.addi %mul3A_1779, %add3A_1780 : i32
          %mul3A_1782 = arith.constant 128 : i32
          %mul3A_1783 = arith.muli %add3A_1781, %mul3A_1782 : i32
          %add3A_1784 = arith.constant 0 : i32
          %add3A_1785 = arith.addi %add3A_1784, %mul3A_1783 : i32
          %add3A_1786 = arith.constant 96 : i32
          %add3A_1787 = arith.addi %add3A_1785, %add3A_1786 : i32
          %get3A_1788 = arith.index_cast %add3A_1787 : i32 to index
          %get3A_1789 = tpu.vector_load %arg7[%get3A_1788] {strides = array<i32>} : memref<57344xf32, #tpu.memory_space<vmem>>, vector<16xf32>,
          %get3A_1790 = vector.shape_cast %get3A_1789 : vector<16xf32> to vector<16xf32>
          %mul3A_1791 = arith.constant 16 : i32
          %mul3A_1792 = arith.muli %scan3A_343, %mul3A_1791 : i32
          %add3A_1793 = arith.constant 5 : i32
          %add3A_1794 = arith.addi %mul3A_1792, %add3A_1793 : i32
          %mul3A_1795 = arith.constant 128 : i32
          %mul3A_1796 = arith.muli %add3A_1794, %mul3A_1795 : i32
          %add3A_1797 = arith.constant 0 : i32
          %add3A_1798 = arith.addi %add3A_1797, %mul3A_1796 : i32
          %add3A_1799 = arith.constant 96 : i32
          %add3A_1800 = arith.addi %add3A_1798, %add3A_1799 : i32
          %get3A_1801 = arith.index_cast %add3A_1800 : i32 to index
          %get3A_1802 = tpu.vector_load %arg7[%get3A_1801] {strides = array<i32>} : memref<57344xf32, #tpu.memory_space<vmem>>, vector<16xf32>,
          %get3A_1803 = vector.shape_cast %get3A_1802 : vector<16xf32> to vector<16xf32>
          %mul3A_1804 = arith.constant 16 : i32
          %mul3A_1805 = arith.muli %scan3A_343, %mul3A_1804 : i32
          %add3A_1806 = arith.constant 6 : i32
          %add3A_1807 = arith.addi %mul3A_1805, %add3A_1806 : i32
          %mul3A_1808 = arith.constant 128 : i32
          %mul3A_1809 = arith.muli %add3A_1807, %mul3A_1808 : i32
          %add3A_1810 = arith.constant 0 : i32
          %add3A_1811 = arith.addi %add3A_1810, %mul3A_1809 : i32
          %add3A_1812 = arith.constant 96 : i32
          %add3A_1813 = arith.addi %add3A_1811, %add3A_1812 : i32
          %get3A_1814 = arith.index_cast %add3A_1813 : i32 to index
          %get3A_1815 = tpu.vector_load %arg7[%get3A_1814] {strides = array<i32>} : memref<57344xf32, #tpu.memory_space<vmem>>, vector<16xf32>,
          %get3A_1816 = vector.shape_cast %get3A_1815 : vector<16xf32> to vector<16xf32>
          %mul3A_1817 = arith.constant 16 : i32
          %mul3A_1818 = arith.muli %scan3A_343, %mul3A_1817 : i32
          %add3A_1819 = arith.constant 7 : i32
          %add3A_1820 = arith.addi %mul3A_1818, %add3A_1819 : i32
          %mul3A_1821 = arith.constant 128 : i32
          %mul3A_1822 = arith.muli %add3A_1820, %mul3A_1821 : i32
          %add3A_1823 = arith.constant 0 : i32
          %add3A_1824 = arith.addi %add3A_1823, %mul3A_1822 : i32
          %add3A_1825 = arith.constant 96 : i32
          %add3A_1826 = arith.addi %add3A_1824, %add3A_1825 : i32
          %get3A_1827 = arith.index_cast %add3A_1826 : i32 to index
          %get3A_1828 = tpu.vector_load %arg7[%get3A_1827] {strides = array<i32>} : memref<57344xf32, #tpu.memory_space<vmem>>, vector<16xf32>,
          %get3A_1829 = vector.shape_cast %get3A_1828 : vector<16xf32> to vector<16xf32>
          %mul3A_1830 = arith.constant 16 : i32
          %mul3A_1831 = arith.muli %scan3A_343, %mul3A_1830 : i32
          %add3A_1832 = arith.constant 8 : i32
          %add3A_1833 = arith.addi %mul3A_1831, %add3A_1832 : i32
          %mul3A_1834 = arith.constant 128 : i32
          %mul3A_1835 = arith.muli %add3A_1833, %mul3A_1834 : i32
          %add3A_1836 = arith.constant 0 : i32
          %add3A_1837 = arith.addi %add3A_1836, %mul3A_1835 : i32
          %add3A_1838 = arith.constant 96 : i32
          %add3A_1839 = arith.addi %add3A_1837, %add3A_1838 : i32
          %get3A_1840 = arith.index_cast %add3A_1839 : i32 to index
          %get3A_1841 = tpu.vector_load %arg7[%get3A_1840] {strides = array<i32>} : memref<57344xf32, #tpu.memory_space<vmem>>, vector<16xf32>,
          %get3A_1842 = vector.shape_cast %get3A_1841 : vector<16xf32> to vector<16xf32>
          %mul3A_1843 = arith.constant 16 : i32
          %mul3A_1844 = arith.muli %scan3A_343, %mul3A_1843 : i32
          %add3A_1845 = arith.constant 9 : i32
          %add3A_1846 = arith.addi %mul3A_1844, %add3A_1845 : i32
          %mul3A_1847 = arith.constant 128 : i32
          %mul3A_1848 = arith.muli %add3A_1846, %mul3A_1847 : i32
          %add3A_1849 = arith.constant 0 : i32
          %add3A_1850 = arith.addi %add3A_1849, %mul3A_1848 : i32
          %add3A_1851 = arith.constant 96 : i32
          %add3A_1852 = arith.addi %add3A_1850, %add3A_1851 : i32
          %get3A_1853 = arith.index_cast %add3A_1852 : i32 to index
          %get3A_1854 = tpu.vector_load %arg7[%get3A_1853] {strides = array<i32>} : memref<57344xf32, #tpu.memory_space<vmem>>, vector<16xf32>,
          %get3A_1855 = vector.shape_cast %get3A_1854 : vector<16xf32> to vector<16xf32>
          %mul3A_1856 = arith.constant 16 : i32
          %mul3A_1857 = arith.muli %scan3A_343, %mul3A_1856 : i32
          %add3A_1858 = arith.constant 10 : i32
          %add3A_1859 = arith.addi %mul3A_1857, %add3A_1858 : i32
          %mul3A_1860 = arith.constant 128 : i32
          %mul3A_1861 = arith.muli %add3A_1859, %mul3A_1860 : i32
          %add3A_1862 = arith.constant 0 : i32
          %add3A_1863 = arith.addi %add3A_1862, %mul3A_1861 : i32
          %add3A_1864 = arith.constant 96 : i32
          %add3A_1865 = arith.addi %add3A_1863, %add3A_1864 : i32
          %get3A_1866 = arith.index_cast %add3A_1865 : i32 to index
          %get3A_1867 = tpu.vector_load %arg7[%get3A_1866] {strides = array<i32>} : memref<57344xf32, #tpu.memory_space<vmem>>, vector<16xf32>,
          %get3A_1868 = vector.shape_cast %get3A_1867 : vector<16xf32> to vector<16xf32>
          %mul3A_1869 = arith.constant 16 : i32
          %mul3A_1870 = arith.muli %scan3A_343, %mul3A_1869 : i32
          %add3A_1871 = arith.constant 11 : i32
          %add3A_1872 = arith.addi %mul3A_1870, %add3A_1871 : i32
          %mul3A_1873 = arith.constant 128 : i32
          %mul3A_1874 = arith.muli %add3A_1872, %mul3A_1873 : i32
          %add3A_1875 = arith.constant 0 : i32
          %add3A_1876 = arith.addi %add3A_1875, %mul3A_1874 : i32
          %add3A_1877 = arith.constant 96 : i32
          %add3A_1878 = arith.addi %add3A_1876, %add3A_1877 : i32
          %get3A_1879 = arith.index_cast %add3A_1878 : i32 to index
          %get3A_1880 = tpu.vector_load %arg7[%get3A_1879] {strides = array<i32>} : memref<57344xf32, #tpu.memory_space<vmem>>, vector<16xf32>,
          %get3A_1881 = vector.shape_cast %get3A_1880 : vector<16xf32> to vector<16xf32>
          %mul3A_1882 = arith.constant 16 : i32
          %mul3A_1883 = arith.muli %scan3A_343, %mul3A_1882 : i32
          %add3A_1884 = arith.constant 12 : i32
          %add3A_1885 = arith.addi %mul3A_1883, %add3A_1884 : i32
          %mul3A_1886 = arith.constant 128 : i32
          %mul3A_1887 = arith.muli %add3A_1885, %mul3A_1886 : i32
          %add3A_1888 = arith.constant 0 : i32
          %add3A_1889 = arith.addi %add3A_1888, %mul3A_1887 : i32
          %add3A_1890 = arith.constant 96 : i32
          %add3A_1891 = arith.addi %add3A_1889, %add3A_1890 : i32
          %get3A_1892 = arith.index_cast %add3A_1891 : i32 to index
          %get3A_1893 = tpu.vector_load %arg7[%get3A_1892] {strides = array<i32>} : memref<57344xf32, #tpu.memory_space<vmem>>, vector<16xf32>,
          %get3A_1894 = vector.shape_cast %get3A_1893 : vector<16xf32> to vector<16xf32>
          %mul3A_1895 = arith.constant 16 : i32
          %mul3A_1896 = arith.muli %scan3A_343, %mul3A_1895 : i32
          %add3A_1897 = arith.constant 13 : i32
          %add3A_1898 = arith.addi %mul3A_1896, %add3A_1897 : i32
          %mul3A_1899 = arith.constant 128 : i32
          %mul3A_1900 = arith.muli %add3A_1898, %mul3A_1899 : i32
          %add3A_1901 = arith.constant 0 : i32
          %add3A_1902 = arith.addi %add3A_1901, %mul3A_1900 : i32
          %add3A_1903 = arith.constant 96 : i32
          %add3A_1904 = arith.addi %add3A_1902, %add3A_1903 : i32
          %get3A_1905 = arith.index_cast %add3A_1904 : i32 to index
          %get3A_1906 = tpu.vector_load %arg7[%get3A_1905] {strides = array<i32>} : memref<57344xf32, #tpu.memory_space<vmem>>, vector<16xf32>,
          %get3A_1907 = vector.shape_cast %get3A_1906 : vector<16xf32> to vector<16xf32>
          %mul3A_1908 = arith.constant 16 : i32
          %mul3A_1909 = arith.muli %scan3A_343, %mul3A_1908 : i32
          %add3A_1910 = arith.constant 14 : i32
          %add3A_1911 = arith.addi %mul3A_1909, %add3A_1910 : i32
          %mul3A_1912 = arith.constant 128 : i32
          %mul3A_1913 = arith.muli %add3A_1911, %mul3A_1912 : i32
          %add3A_1914 = arith.constant 0 : i32
          %add3A_1915 = arith.addi %add3A_1914, %mul3A_1913 : i32
          %add3A_1916 = arith.constant 96 : i32
          %add3A_1917 = arith.addi %add3A_1915, %add3A_1916 : i32
          %get3A_1918 = arith.index_cast %add3A_1917 : i32 to index
          %get3A_1919 = tpu.vector_load %arg7[%get3A_1918] {strides = array<i32>} : memref<57344xf32, #tpu.memory_space<vmem>>, vector<16xf32>,
          %get3A_1920 = vector.shape_cast %get3A_1919 : vector<16xf32> to vector<16xf32>
          %mul3A_1921 = arith.constant 16 : i32
          %mul3A_1922 = arith.muli %scan3A_343, %mul3A_1921 : i32
          %add3A_1923 = arith.constant 15 : i32
          %add3A_1924 = arith.addi %mul3A_1922, %add3A_1923 : i32
          %mul3A_1925 = arith.constant 128 : i32
          %mul3A_1926 = arith.muli %add3A_1924, %mul3A_1925 : i32
          %add3A_1927 = arith.constant 0 : i32
          %add3A_1928 = arith.addi %add3A_1927, %mul3A_1926 : i32
          %add3A_1929 = arith.constant 96 : i32
          %add3A_1930 = arith.addi %add3A_1928, %add3A_1929 : i32
          %get3A_1931 = arith.index_cast %add3A_1930 : i32 to index
          %get3A_1932 = tpu.vector_load %arg7[%get3A_1931] {strides = array<i32>} : memref<57344xf32, #tpu.memory_space<vmem>>, vector<16xf32>,
          %get3A_1933 = vector.shape_cast %get3A_1932 : vector<16xf32> to vector<16xf32>
          %max3A_1934 = arith.maximumf %get3A_1507, %get3A_1520 : vector<16xf32>
          %max3A_1935 = arith.maximumf %get3A_1533, %get3A_1546 : vector<16xf32>
          %max3A_1936 = arith.maximumf %get3A_1559, %get3A_1572 : vector<16xf32>
          %max3A_1937 = arith.maximumf %get3A_1585, %get3A_1598 : vector<16xf32>
          %max3A_1938 = arith.maximumf %get3A_1611, %get3A_1624 : vector<16xf32>
          %max3A_1939 = arith.maximumf %get3A_1637, %get3A_1650 : vector<16xf32>
          %max3A_1940 = arith.maximumf %get3A_1663, %get3A_1676 : vector<16xf32>
          %max3A_1941 = arith.maximumf %get3A_1689, %get3A_1702 : vector<16xf32>
          %max3A_1942 = arith.maximumf %max3A_1934, %max3A_1935 : vector<16xf32>
          %max3A_1943 = arith.maximumf %max3A_1936, %max3A_1937 : vector<16xf32>
          %max3A_1944 = arith.maximumf %max3A_1938, %max3A_1939 : vector<16xf32>
          %max3A_1945 = arith.maximumf %max3A_1940, %max3A_1941 : vector<16xf32>
          %max3A_1946 = arith.maximumf %max3A_1942, %max3A_1943 : vector<16xf32>
          %max3A_1947 = arith.maximumf %max3A_1944, %max3A_1945 : vector<16xf32>
          %max3A_1948 = arith.maximumf %max3A_1946, %max3A_1947 : vector<16xf32>
          %get3A_1949 = arith.constant 80 : index
          %get3A_1950 = tpu.vector_load %arg9[%get3A_1949] {strides = array<i32>} : memref<128xf32, #tpu.memory_space<vmem>>, vector<16xf32>,
          %get3A_1951 = vector.shape_cast %get3A_1950 : vector<16xf32> to vector<16xf32>
          %max3A_1952 = arith.maximumf %get3A_1951, %max3A_1948 : vector<16xf32>
          %swap3A_1953 = arith.constant 80 : index
          %swap3A_1954 = tpu.vector_load %arg9[%swap3A_1953] {strides = array<i32>} : memref<128xf32, #tpu.memory_space<vmem>>, vector<16xf32>,
          %swap3A_1955 = vector.shape_cast %swap3A_1954 : vector<16xf32> to vector<16xf32>
          %swap3A_1956 = vector.shape_cast %max3A_1952 : vector<16xf32> to vector<16xf32>
          tpu.vector_store %arg9[%swap3A_1953], %swap3A_1956 {strides = array<i32>} : memref<128xf32, #tpu.memory_space<vmem>>, vector<16xf32>,
          %mul3A_1957 = arith.constant 16 : i32
          %mul3A_1958 = arith.muli %scan3A_343, %mul3A_1957 : i32
          %add3A_1959 = arith.constant 0 : i32
          %add3A_1960 = arith.addi %mul3A_1958, %add3A_1959 : i32
          %mul3A_1961 = arith.constant 128 : i32
          %mul3A_1962 = arith.muli %add3A_1960, %mul3A_1961 : i32
          %add3A_1963 = arith.constant 0 : i32
          %add3A_1964 = arith.addi %add3A_1963, %mul3A_1962 : i32
          %add3A_1965 = arith.constant 112 : i32
          %add3A_1966 = arith.addi %add3A_1964, %add3A_1965 : i32
          %get3A_1967 = arith.index_cast %add3A_1966 : i32 to index
          %get3A_1968 = tpu.vector_load %arg7[%get3A_1967] {strides = array<i32>} : memref<57344xf32, #tpu.memory_space<vmem>>, vector<16xf32>,
          %get3A_1969 = vector.shape_cast %get3A_1968 : vector<16xf32> to vector<16xf32>
          %mul3A_1970 = arith.constant 16 : i32
          %mul3A_1971 = arith.muli %scan3A_343, %mul3A_1970 : i32
          %add3A_1972 = arith.constant 1 : i32
          %add3A_1973 = arith.addi %mul3A_1971, %add3A_1972 : i32
          %mul3A_1974 = arith.constant 128 : i32
          %mul3A_1975 = arith.muli %add3A_1973, %mul3A_1974 : i32
          %add3A_1976 = arith.constant 0 : i32
          %add3A_1977 = arith.addi %add3A_1976, %mul3A_1975 : i32
          %add3A_1978 = arith.constant 112 : i32
          %add3A_1979 = arith.addi %add3A_1977, %add3A_1978 : i32
          %get3A_1980 = arith.index_cast %add3A_1979 : i32 to index
          %get3A_1981 = tpu.vector_load %arg7[%get3A_1980] {strides = array<i32>} : memref<57344xf32, #tpu.memory_space<vmem>>, vector<16xf32>,
          %get3A_1982 = vector.shape_cast %get3A_1981 : vector<16xf32> to vector<16xf32>
          %mul3A_1983 = arith.constant 16 : i32
          %mul3A_1984 = arith.muli %scan3A_343, %mul3A_1983 : i32
          %add3A_1985 = arith.constant 2 : i32
          %add3A_1986 = arith.addi %mul3A_1984, %add3A_1985 : i32
          %mul3A_1987 = arith.constant 128 : i32
          %mul3A_1988 = arith.muli %add3A_1986, %mul3A_1987 : i32
          %add3A_1989 = arith.constant 0 : i32
          %add3A_1990 = arith.addi %add3A_1989, %mul3A_1988 : i32
          %add3A_1991 = arith.constant 112 : i32
          %add3A_1992 = arith.addi %add3A_1990, %add3A_1991 : i32
          %get3A_1993 = arith.index_cast %add3A_1992 : i32 to index
          %get3A_1994 = tpu.vector_load %arg7[%get3A_1993] {strides = array<i32>} : memref<57344xf32, #tpu.memory_space<vmem>>, vector<16xf32>,
          %get3A_1995 = vector.shape_cast %get3A_1994 : vector<16xf32> to vector<16xf32>
          %mul3A_1996 = arith.constant 16 : i32
          %mul3A_1997 = arith.muli %scan3A_343, %mul3A_1996 : i32
          %add3A_1998 = arith.constant 3 : i32
          %add3A_1999 = arith.addi %mul3A_1997, %add3A_1998 : i32
          %mul3A_2000 = arith.constant 128 : i32
          %mul3A_2001 = arith.muli %add3A_1999, %mul3A_2000 : i32
          %add3A_2002 = arith.constant 0 : i32
          %add3A_2003 = arith.addi %add3A_2002, %mul3A_2001 : i32
          %add3A_2004 = arith.constant 112 : i32
          %add3A_2005 = arith.addi %add3A_2003, %add3A_2004 : i32
          %get3A_2006 = arith.index_cast %add3A_2005 : i32 to index
          %get3A_2007 = tpu.vector_load %arg7[%get3A_2006] {strides = array<i32>} : memref<57344xf32, #tpu.memory_space<vmem>>, vector<16xf32>,
          %get3A_2008 = vector.shape_cast %get3A_2007 : vector<16xf32> to vector<16xf32>
          %mul3A_2009 = arith.constant 16 : i32
          %mul3A_2010 = arith.muli %scan3A_343, %mul3A_2009 : i32
          %add3A_2011 = arith.constant 4 : i32
          %add3A_2012 = arith.addi %mul3A_2010, %add3A_2011 : i32
          %mul3A_2013 = arith.constant 128 : i32
          %mul3A_2014 = arith.muli %add3A_2012, %mul3A_2013 : i32
          %add3A_2015 = arith.constant 0 : i32
          %add3A_2016 = arith.addi %add3A_2015, %mul3A_2014 : i32
          %add3A_2017 = arith.constant 112 : i32
          %add3A_2018 = arith.addi %add3A_2016, %add3A_2017 : i32
          %get3A_2019 = arith.index_cast %add3A_2018 : i32 to index
          %get3A_2020 = tpu.vector_load %arg7[%get3A_2019] {strides = array<i32>} : memref<57344xf32, #tpu.memory_space<vmem>>, vector<16xf32>,
          %get3A_2021 = vector.shape_cast %get3A_2020 : vector<16xf32> to vector<16xf32>
          %mul3A_2022 = arith.constant 16 : i32
          %mul3A_2023 = arith.muli %scan3A_343, %mul3A_2022 : i32
          %add3A_2024 = arith.constant 5 : i32
          %add3A_2025 = arith.addi %mul3A_2023, %add3A_2024 : i32
          %mul3A_2026 = arith.constant 128 : i32
          %mul3A_2027 = arith.muli %add3A_2025, %mul3A_2026 : i32
          %add3A_2028 = arith.constant 0 : i32
          %add3A_2029 = arith.addi %add3A_2028, %mul3A_2027 : i32
          %add3A_2030 = arith.constant 112 : i32
          %add3A_2031 = arith.addi %add3A_2029, %add3A_2030 : i32
          %get3A_2032 = arith.index_cast %add3A_2031 : i32 to index
          %get3A_2033 = tpu.vector_load %arg7[%get3A_2032] {strides = array<i32>} : memref<57344xf32, #tpu.memory_space<vmem>>, vector<16xf32>,
          %get3A_2034 = vector.shape_cast %get3A_2033 : vector<16xf32> to vector<16xf32>
          %mul3A_2035 = arith.constant 16 : i32
          %mul3A_2036 = arith.muli %scan3A_343, %mul3A_2035 : i32
          %add3A_2037 = arith.constant 6 : i32
          %add3A_2038 = arith.addi %mul3A_2036, %add3A_2037 : i32
          %mul3A_2039 = arith.constant 128 : i32
          %mul3A_2040 = arith.muli %add3A_2038, %mul3A_2039 : i32
          %add3A_2041 = arith.constant 0 : i32
          %add3A_2042 = arith.addi %add3A_2041, %mul3A_2040 : i32
          %add3A_2043 = arith.constant 112 : i32
          %add3A_2044 = arith.addi %add3A_2042, %add3A_2043 : i32
          %get3A_2045 = arith.index_cast %add3A_2044 : i32 to index
          %get3A_2046 = tpu.vector_load %arg7[%get3A_2045] {strides = array<i32>} : memref<57344xf32, #tpu.memory_space<vmem>>, vector<16xf32>,
          %get3A_2047 = vector.shape_cast %get3A_2046 : vector<16xf32> to vector<16xf32>
          %mul3A_2048 = arith.constant 16 : i32
          %mul3A_2049 = arith.muli %scan3A_343, %mul3A_2048 : i32
          %add3A_2050 = arith.constant 7 : i32
          %add3A_2051 = arith.addi %mul3A_2049, %add3A_2050 : i32
          %mul3A_2052 = arith.constant 128 : i32
          %mul3A_2053 = arith.muli %add3A_2051, %mul3A_2052 : i32
          %add3A_2054 = arith.constant 0 : i32
          %add3A_2055 = arith.addi %add3A_2054, %mul3A_2053 : i32
          %add3A_2056 = arith.constant 112 : i32
          %add3A_2057 = arith.addi %add3A_2055, %add3A_2056 : i32
          %get3A_2058 = arith.index_cast %add3A_2057 : i32 to index
          %get3A_2059 = tpu.vector_load %arg7[%get3A_2058] {strides = array<i32>} : memref<57344xf32, #tpu.memory_space<vmem>>, vector<16xf32>,
          %get3A_2060 = vector.shape_cast %get3A_2059 : vector<16xf32> to vector<16xf32>
          %mul3A_2061 = arith.constant 16 : i32
          %mul3A_2062 = arith.muli %scan3A_343, %mul3A_2061 : i32
          %add3A_2063 = arith.constant 8 : i32
          %add3A_2064 = arith.addi %mul3A_2062, %add3A_2063 : i32
          %mul3A_2065 = arith.constant 128 : i32
          %mul3A_2066 = arith.muli %add3A_2064, %mul3A_2065 : i32
          %add3A_2067 = arith.constant 0 : i32
          %add3A_2068 = arith.addi %add3A_2067, %mul3A_2066 : i32
          %add3A_2069 = arith.constant 112 : i32
          %add3A_2070 = arith.addi %add3A_2068, %add3A_2069 : i32
          %get3A_2071 = arith.index_cast %add3A_2070 : i32 to index
          %get3A_2072 = tpu.vector_load %arg7[%get3A_2071] {strides = array<i32>} : memref<57344xf32, #tpu.memory_space<vmem>>, vector<16xf32>,
          %get3A_2073 = vector.shape_cast %get3A_2072 : vector<16xf32> to vector<16xf32>
          %mul3A_2074 = arith.constant 16 : i32
          %mul3A_2075 = arith.muli %scan3A_343, %mul3A_2074 : i32
          %add3A_2076 = arith.constant 9 : i32
          %add3A_2077 = arith.addi %mul3A_2075, %add3A_2076 : i32
          %mul3A_2078 = arith.constant 128 : i32
          %mul3A_2079 = arith.muli %add3A_2077, %mul3A_2078 : i32
          %add3A_2080 = arith.constant 0 : i32
          %add3A_2081 = arith.addi %add3A_2080, %mul3A_2079 : i32
          %add3A_2082 = arith.constant 112 : i32
          %add3A_2083 = arith.addi %add3A_2081, %add3A_2082 : i32
          %get3A_2084 = arith.index_cast %add3A_2083 : i32 to index
          %get3A_2085 = tpu.vector_load %arg7[%get3A_2084] {strides = array<i32>} : memref<57344xf32, #tpu.memory_space<vmem>>, vector<16xf32>,
          %get3A_2086 = vector.shape_cast %get3A_2085 : vector<16xf32> to vector<16xf32>
          %mul3A_2087 = arith.constant 16 : i32
          %mul3A_2088 = arith.muli %scan3A_343, %mul3A_2087 : i32
          %add3A_2089 = arith.constant 10 : i32
          %add3A_2090 = arith.addi %mul3A_2088, %add3A_2089 : i32
          %mul3A_2091 = arith.constant 128 : i32
          %mul3A_2092 = arith.muli %add3A_2090, %mul3A_2091 : i32
          %add3A_2093 = arith.constant 0 : i32
          %add3A_2094 = arith.addi %add3A_2093, %mul3A_2092 : i32
          %add3A_2095 = arith.constant 112 : i32
          %add3A_2096 = arith.addi %add3A_2094, %add3A_2095 : i32
          %get3A_2097 = arith.index_cast %add3A_2096 : i32 to index
          %get3A_2098 = tpu.vector_load %arg7[%get3A_2097] {strides = array<i32>} : memref<57344xf32, #tpu.memory_space<vmem>>, vector<16xf32>,
          %get3A_2099 = vector.shape_cast %get3A_2098 : vector<16xf32> to vector<16xf32>
          %mul3A_2100 = arith.constant 16 : i32
          %mul3A_2101 = arith.muli %scan3A_343, %mul3A_2100 : i32
          %add3A_2102 = arith.constant 11 : i32
          %add3A_2103 = arith.addi %mul3A_2101, %add3A_2102 : i32
          %mul3A_2104 = arith.constant 128 : i32
          %mul3A_2105 = arith.muli %add3A_2103, %mul3A_2104 : i32
          %add3A_2106 = arith.constant 0 : i32
          %add3A_2107 = arith.addi %add3A_2106, %mul3A_2105 : i32
          %add3A_2108 = arith.constant 112 : i32
          %add3A_2109 = arith.addi %add3A_2107, %add3A_2108 : i32
          %get3A_2110 = arith.index_cast %add3A_2109 : i32 to index
          %get3A_2111 = tpu.vector_load %arg7[%get3A_2110] {strides = array<i32>} : memref<57344xf32, #tpu.memory_space<vmem>>, vector<16xf32>,
          %get3A_2112 = vector.shape_cast %get3A_2111 : vector<16xf32> to vector<16xf32>
          %mul3A_2113 = arith.constant 16 : i32
          %mul3A_2114 = arith.muli %scan3A_343, %mul3A_2113 : i32
          %add3A_2115 = arith.constant 12 : i32
          %add3A_2116 = arith.addi %mul3A_2114, %add3A_2115 : i32
          %mul3A_2117 = arith.constant 128 : i32
          %mul3A_2118 = arith.muli %add3A_2116, %mul3A_2117 : i32
          %add3A_2119 = arith.constant 0 : i32
          %add3A_2120 = arith.addi %add3A_2119, %mul3A_2118 : i32
          %add3A_2121 = arith.constant 112 : i32
          %add3A_2122 = arith.addi %add3A_2120, %add3A_2121 : i32
          %get3A_2123 = arith.index_cast %add3A_2122 : i32 to index
          %get3A_2124 = tpu.vector_load %arg7[%get3A_2123] {strides = array<i32>} : memref<57344xf32, #tpu.memory_space<vmem>>, vector<16xf32>,
          %get3A_2125 = vector.shape_cast %get3A_2124 : vector<16xf32> to vector<16xf32>
          %mul3A_2126 = arith.constant 16 : i32
          %mul3A_2127 = arith.muli %scan3A_343, %mul3A_2126 : i32
          %add3A_2128 = arith.constant 13 : i32
          %add3A_2129 = arith.addi %mul3A_2127, %add3A_2128 : i32
          %mul3A_2130 = arith.constant 128 : i32
          %mul3A_2131 = arith.muli %add3A_2129, %mul3A_2130 : i32
          %add3A_2132 = arith.constant 0 : i32
          %add3A_2133 = arith.addi %add3A_2132, %mul3A_2131 : i32
          %add3A_2134 = arith.constant 112 : i32
          %add3A_2135 = arith.addi %add3A_2133, %add3A_2134 : i32
          %get3A_2136 = arith.index_cast %add3A_2135 : i32 to index
          %get3A_2137 = tpu.vector_load %arg7[%get3A_2136] {strides = array<i32>} : memref<57344xf32, #tpu.memory_space<vmem>>, vector<16xf32>,
          %get3A_2138 = vector.shape_cast %get3A_2137 : vector<16xf32> to vector<16xf32>
          %mul3A_2139 = arith.constant 16 : i32
          %mul3A_2140 = arith.muli %scan3A_343, %mul3A_2139 : i32
          %add3A_2141 = arith.constant 14 : i32
          %add3A_2142 = arith.addi %mul3A_2140, %add3A_2141 : i32
          %mul3A_2143 = arith.constant 128 : i32
          %mul3A_2144 = arith.muli %add3A_2142, %mul3A_2143 : i32
          %add3A_2145 = arith.constant 0 : i32
          %add3A_2146 = arith.addi %add3A_2145, %mul3A_2144 : i32
          %add3A_2147 = arith.constant 112 : i32
          %add3A_2148 = arith.addi %add3A_2146, %add3A_2147 : i32
          %get3A_2149 = arith.index_cast %add3A_2148 : i32 to index
          %get3A_2150 = tpu.vector_load %arg7[%get3A_2149] {strides = array<i32>} : memref<57344xf32, #tpu.memory_space<vmem>>, vector<16xf32>,
          %get3A_2151 = vector.shape_cast %get3A_2150 : vector<16xf32> to vector<16xf32>
          %mul3A_2152 = arith.constant 16 : i32
          %mul3A_2153 = arith.muli %scan3A_343, %mul3A_2152 : i32
          %add3A_2154 = arith.constant 15 : i32
          %add3A_2155 = arith.addi %mul3A_2153, %add3A_2154 : i32
          %mul3A_2156 = arith.constant 128 : i32
          %mul3A_2157 = arith.muli %add3A_2155, %mul3A_2156 : i32
          %add3A_2158 = arith.constant 0 : i32
          %add3A_2159 = arith.addi %add3A_2158, %mul3A_2157 : i32
          %add3A_2160 = arith.constant 112 : i32
          %add3A_2161 = arith.addi %add3A_2159, %add3A_2160 : i32
          %get3A_2162 = arith.index_cast %add3A_2161 : i32 to index
          %get3A_2163 = tpu.vector_load %arg7[%get3A_2162] {strides = array<i32>} : memref<57344xf32, #tpu.memory_space<vmem>>, vector<16xf32>,
          %get3A_2164 = vector.shape_cast %get3A_2163 : vector<16xf32> to vector<16xf32>
          %max3A_2165 = arith.maximumf %get3A_1738, %get3A_1751 : vector<16xf32>
          %max3A_2166 = arith.maximumf %get3A_1764, %get3A_1777 : vector<16xf32>
          %max3A_2167 = arith.maximumf %get3A_1790, %get3A_1803 : vector<16xf32>
          %max3A_2168 = arith.maximumf %get3A_1816, %get3A_1829 : vector<16xf32>
          %max3A_2169 = arith.maximumf %get3A_1842, %get3A_1855 : vector<16xf32>
          %max3A_2170 = arith.maximumf %get3A_1868, %get3A_1881 : vector<16xf32>
          %max3A_2171 = arith.maximumf %get3A_1894, %get3A_1907 : vector<16xf32>
          %max3A_2172 = arith.maximumf %get3A_1920, %get3A_1933 : vector<16xf32>
          %max3A_2173 = arith.maximumf %max3A_2165, %max3A_2166 : vector<16xf32>
          %max3A_2174 = arith.maximumf %max3A_2167, %max3A_2168 : vector<16xf32>
          %max3A_2175 = arith.maximumf %max3A_2169, %max3A_2170 : vector<16xf32>
          %max3A_2176 = arith.maximumf %max3A_2171, %max3A_2172 : vector<16xf32>
          %max3A_2177 = arith.maximumf %max3A_2173, %max3A_2174 : vector<16xf32>
          %max3A_2178 = arith.maximumf %max3A_2175, %max3A_2176 : vector<16xf32>
          %max3A_2179 = arith.maximumf %max3A_2177, %max3A_2178 : vector<16xf32>
          %get3A_2180 = arith.constant 96 : index
          %get3A_2181 = tpu.vector_load %arg9[%get3A_2180] {strides = array<i32>} : memref<128xf32, #tpu.memory_space<vmem>>, vector<16xf32>,
          %get3A_2182 = vector.shape_cast %get3A_2181 : vector<16xf32> to vector<16xf32>
          %max3A_2183 = arith.maximumf %get3A_2182, %max3A_2179 : vector<16xf32>
          %swap3A_2184 = arith.constant 96 : index
          %swap3A_2185 = tpu.vector_load %arg9[%swap3A_2184] {strides = array<i32>} : memref<128xf32, #tpu.memory_space<vmem>>, vector<16xf32>,
          %swap3A_2186 = vector.shape_cast %swap3A_2185 : vector<16xf32> to vector<16xf32>
          %swap3A_2187 = vector.shape_cast %max3A_2183 : vector<16xf32> to vector<16xf32>
          tpu.vector_store %arg9[%swap3A_2184], %swap3A_2187 {strides = array<i32>} : memref<128xf32, #tpu.memory_space<vmem>>, vector<16xf32>,
          %max3A_2188 = arith.maximumf %get3A_1969, %get3A_1982 : vector<16xf32>
          %max3A_2189 = arith.maximumf %get3A_1995, %get3A_2008 : vector<16xf32>
          %max3A_2190 = arith.maximumf %get3A_2021, %get3A_2034 : vector<16xf32>
          %max3A_2191 = arith.maximumf %get3A_2047, %get3A_2060 : vector<16xf32>
          %max3A_2192 = arith.maximumf %get3A_2073, %get3A_2086 : vector<16xf32>
          %max3A_2193 = arith.maximumf %get3A_2099, %get3A_2112 : vector<16xf32>
          %max3A_2194 = arith.maximumf %get3A_2125, %get3A_2138 : vector<16xf32>
          %max3A_2195 = arith.maximumf %get3A_2151, %get3A_2164 : vector<16xf32>
          %max3A_2196 = arith.maximumf %max3A_2188, %max3A_2189 : vector<16xf32>
          %max3A_2197 = arith.maximumf %max3A_2190, %max3A_2191 : vector<16xf32>
          %max3A_2198 = arith.maximumf %max3A_2192, %max3A_2193 : vector<16xf32>
          %max3A_2199 = arith.maximumf %max3A_2194, %max3A_2195 : vector<16xf32>
          %max3A_2200 = arith.maximumf %max3A_2196, %max3A_2197 : vector<16xf32>
          %max3A_2201 = arith.maximumf %max3A_2198, %max3A_2199 : vector<16xf32>
          %max3A_2202 = arith.maximumf %max3A_2200, %max3A_2201 : vector<16xf32>
          %get3A_2203 = arith.constant 112 : index
          %get3A_2204 = tpu.vector_load %arg9[%get3A_2203] {strides = array<i32>} : memref<128xf32, #tpu.memory_space<vmem>>, vector<16xf32>,
          %get3A_2205 = vector.shape_cast %get3A_2204 : vector<16xf32> to vector<16xf32>
          %max3A_2206 = arith.maximumf %get3A_2205, %max3A_2202 : vector<16xf32>
          %swap3A_2207 = arith.constant 112 : index
          %swap3A_2208 = tpu.vector_load %arg9[%swap3A_2207] {strides = array<i32>} : memref<128xf32, #tpu.memory_space<vmem>>, vector<16xf32>,
          %swap3A_2209 = vector.shape_cast %swap3A_2208 : vector<16xf32> to vector<16xf32>
          %swap3A_2210 = vector.shape_cast %max3A_2206 : vector<16xf32> to vector<16xf32>
          tpu.vector_store %arg9[%swap3A_2207], %swap3A_2210 {strides = array<i32>} : memref<128xf32, #tpu.memory_space<vmem>>, vector<16xf32>,
          scf.yield %scan3A_344 : i32
        } else {
          %scan3A_364 = arith.constant 0 : i32
          %scan3A_365 = arith.constant 16 : i32
          %scan3A_366 = arith.addi %scan3A_364, %scan3A_365 : i32
          %scan3A_367 = arith.constant 1 : i32
          %scan3A_368 = scf.for %scan3A_370 = %scan3A_364 to %scan3A_366 step %scan3A_367 iter_args(%scan3A_371 = %scan3A_344) -> (i32)  : i32 {
            %mul3A_372 = arith.constant 224 : i32
            %mul3A_373 = arith.muli %add3A_284, %mul3A_372 : i32
            %mul3A_374 = arith.constant 16 : i32
            %mul3A_375 = arith.muli %scan3A_343, %mul3A_374 : i32
            %add3A_376 = arith.addi %mul3A_373, %mul3A_375 : i32
            %add3A_377 = arith.addi %add3A_376, %scan3A_370 : i32
            %get3A_378 = arith.index_cast %add3A_377 : i32 to index
            %get3A_379 = tpu.vector_load %arg6[%get3A_378] {strides = array<i32>} : memref<3152xi32, #tpu.memory_space<vmem>>, vector<16xi32>,
            %get3A_380 = vector.shape_cast %get3A_379 : vector<16xi32> to vector<16xi32>
            %slice3A_381 = vector.extract_strided_slice %get3A_380 {offsets = [0], sizes = [1], strides = [1]} : vector<16xi32> to vector<1xi32>
            %squeeze3A_382 = vector.extract %slice3A_381[0] : i32 from vector<1xi32>
            %ne3A = arith.cmpi ne, %squeeze3A_382, %scan3A_371 : i32
            %convert_element_type3A_383 = arith.extui %ne3A : i1 to i32
            %cond3A_384 = arith.constant 0 : i32
            %cond3A_385 = arith.cmpi ne, %convert_element_type3A_383, %cond3A_384 : i32
            scf.if %cond3A_385 {
              %get3A_545 = arith.constant 0 : index
              %get3A_546 = tpu.vector_load %arg9[%get3A_545] {strides = array<i32>} : memref<128xf32, #tpu.memory_space<vmem>>, vector<16xf32>,
              %get3A_547 = vector.shape_cast %get3A_546 : vector<16xf32> to vector<16xf32>
              %mul3A_548 = arith.constant 128 : i32
              %mul3A_549 = arith.muli %scan3A_371, %mul3A_548 : i32
              %add3A_550 = arith.constant 0 : i32
              %add3A_551 = arith.addi %mul3A_549, %add3A_550 : i32
              %swap3A_552 = arith.index_cast %add3A_551 : i32 to index
              %swap3A_553 = tpu.vector_load %arg8[%swap3A_552] {strides = array<i32>} : memref<65536xf32, #tpu.memory_space<vmem>>, vector<16xf32>,
              %swap3A_554 = vector.shape_cast %swap3A_553 : vector<16xf32> to vector<16xf32>
              %swap3A_555 = vector.shape_cast %get3A_547 : vector<16xf32> to vector<16xf32>
              tpu.vector_store %arg8[%swap3A_552], %swap3A_555 {strides = array<i32>} : memref<65536xf32, #tpu.memory_space<vmem>>, vector<16xf32>,
              %get3A_556 = arith.constant 16 : index
              %get3A_557 = tpu.vector_load %arg9[%get3A_556] {strides = array<i32>} : memref<128xf32, #tpu.memory_space<vmem>>, vector<16xf32>,
              %get3A_558 = vector.shape_cast %get3A_557 : vector<16xf32> to vector<16xf32>
              %mul3A_559 = arith.constant 128 : i32
              %mul3A_560 = arith.muli %scan3A_371, %mul3A_559 : i32
              %add3A_561 = arith.constant 16 : i32
              %add3A_562 = arith.addi %mul3A_560, %add3A_561 : i32
              %swap3A_563 = arith.index_cast %add3A_562 : i32 to index
              %swap3A_564 = tpu.vector_load %arg8[%swap3A_563] {strides = array<i32>} : memref<65536xf32, #tpu.memory_space<vmem>>, vector<16xf32>,
              %swap3A_565 = vector.shape_cast %swap3A_564 : vector<16xf32> to vector<16xf32>
              %swap3A_566 = vector.shape_cast %get3A_558 : vector<16xf32> to vector<16xf32>
              tpu.vector_store %arg8[%swap3A_563], %swap3A_566 {strides = array<i32>} : memref<65536xf32, #tpu.memory_space<vmem>>, vector<16xf32>,
              %get3A_567 = arith.constant 32 : index
              %get3A_568 = tpu.vector_load %arg9[%get3A_567] {strides = array<i32>} : memref<128xf32, #tpu.memory_space<vmem>>, vector<16xf32>,
              %get3A_569 = vector.shape_cast %get3A_568 : vector<16xf32> to vector<16xf32>
              %mul3A_570 = arith.constant 128 : i32
              %mul3A_571 = arith.muli %scan3A_371, %mul3A_570 : i32
              %add3A_572 = arith.constant 32 : i32
              %add3A_573 = arith.addi %mul3A_571, %add3A_572 : i32
              %swap3A_574 = arith.index_cast %add3A_573 : i32 to index
              %swap3A_575 = tpu.vector_load %arg8[%swap3A_574] {strides = array<i32>} : memref<65536xf32, #tpu.memory_space<vmem>>, vector<16xf32>,
              %swap3A_576 = vector.shape_cast %swap3A_575 : vector<16xf32> to vector<16xf32>
              %swap3A_577 = vector.shape_cast %get3A_569 : vector<16xf32> to vector<16xf32>
              tpu.vector_store %arg8[%swap3A_574], %swap3A_577 {strides = array<i32>} : memref<65536xf32, #tpu.memory_space<vmem>>, vector<16xf32>,
              %get3A_578 = arith.constant 48 : index
              %get3A_579 = tpu.vector_load %arg9[%get3A_578] {strides = array<i32>} : memref<128xf32, #tpu.memory_space<vmem>>, vector<16xf32>,
              %get3A_580 = vector.shape_cast %get3A_579 : vector<16xf32> to vector<16xf32>
              %mul3A_581 = arith.constant 128 : i32
              %mul3A_582 = arith.muli %scan3A_371, %mul3A_581 : i32
              %add3A_583 = arith.constant 48 : i32
              %add3A_584 = arith.addi %mul3A_582, %add3A_583 : i32
              %swap3A_585 = arith.index_cast %add3A_584 : i32 to index
              %swap3A_586 = tpu.vector_load %arg8[%swap3A_585] {strides = array<i32>} : memref<65536xf32, #tpu.memory_space<vmem>>, vector<16xf32>,
              %swap3A_587 = vector.shape_cast %swap3A_586 : vector<16xf32> to vector<16xf32>
              %swap3A_588 = vector.shape_cast %get3A_580 : vector<16xf32> to vector<16xf32>
              tpu.vector_store %arg8[%swap3A_585], %swap3A_588 {strides = array<i32>} : memref<65536xf32, #tpu.memory_space<vmem>>, vector<16xf32>,
              %get3A_589 = arith.constant 64 : index
              %get3A_590 = tpu.vector_load %arg9[%get3A_589] {strides = array<i32>} : memref<128xf32, #tpu.memory_space<vmem>>, vector<16xf32>,
              %get3A_591 = vector.shape_cast %get3A_590 : vector<16xf32> to vector<16xf32>
              %mul3A_592 = arith.constant 128 : i32
              %mul3A_593 = arith.muli %scan3A_371, %mul3A_592 : i32
              %add3A_594 = arith.constant 64 : i32
              %add3A_595 = arith.addi %mul3A_593, %add3A_594 : i32
              %swap3A_596 = arith.index_cast %add3A_595 : i32 to index
              %swap3A_597 = tpu.vector_load %arg8[%swap3A_596] {strides = array<i32>} : memref<65536xf32, #tpu.memory_space<vmem>>, vector<16xf32>,
              %swap3A_598 = vector.shape_cast %swap3A_597 : vector<16xf32> to vector<16xf32>
              %swap3A_599 = vector.shape_cast %get3A_591 : vector<16xf32> to vector<16xf32>
              tpu.vector_store %arg8[%swap3A_596], %swap3A_599 {strides = array<i32>} : memref<65536xf32, #tpu.memory_space<vmem>>, vector<16xf32>,
              %get3A_600 = arith.constant 80 : index
              %get3A_601 = tpu.vector_load %arg9[%get3A_600] {strides = array<i32>} : memref<128xf32, #tpu.memory_space<vmem>>, vector<16xf32>,
              %get3A_602 = vector.shape_cast %get3A_601 : vector<16xf32> to vector<16xf32>
              %mul3A_603 = arith.constant 128 : i32
              %mul3A_604 = arith.muli %scan3A_371, %mul3A_603 : i32
              %add3A_605 = arith.constant 80 : i32
              %add3A_606 = arith.addi %mul3A_604, %add3A_605 : i32
              %swap3A_607 = arith.index_cast %add3A_606 : i32 to index
              %swap3A_608 = tpu.vector_load %arg8[%swap3A_607] {strides = array<i32>} : memref<65536xf32, #tpu.memory_space<vmem>>, vector<16xf32>,
              %swap3A_609 = vector.shape_cast %swap3A_608 : vector<16xf32> to vector<16xf32>
              %swap3A_610 = vector.shape_cast %get3A_602 : vector<16xf32> to vector<16xf32>
              tpu.vector_store %arg8[%swap3A_607], %swap3A_610 {strides = array<i32>} : memref<65536xf32, #tpu.memory_space<vmem>>, vector<16xf32>,
              %get3A_611 = arith.constant 96 : index
              %get3A_612 = tpu.vector_load %arg9[%get3A_611] {strides = array<i32>} : memref<128xf32, #tpu.memory_space<vmem>>, vector<16xf32>,
              %get3A_613 = vector.shape_cast %get3A_612 : vector<16xf32> to vector<16xf32>
              %mul3A_614 = arith.constant 128 : i32
              %mul3A_615 = arith.muli %scan3A_371, %mul3A_614 : i32
              %add3A_616 = arith.constant 96 : i32
              %add3A_617 = arith.addi %mul3A_615, %add3A_616 : i32
              %swap3A_618 = arith.index_cast %add3A_617 : i32 to index
              %swap3A_619 = tpu.vector_load %arg8[%swap3A_618] {strides = array<i32>} : memref<65536xf32, #tpu.memory_space<vmem>>, vector<16xf32>,
              %swap3A_620 = vector.shape_cast %swap3A_619 : vector<16xf32> to vector<16xf32>
              %swap3A_621 = vector.shape_cast %get3A_613 : vector<16xf32> to vector<16xf32>
              tpu.vector_store %arg8[%swap3A_618], %swap3A_621 {strides = array<i32>} : memref<65536xf32, #tpu.memory_space<vmem>>, vector<16xf32>,
              %get3A_622 = arith.constant 112 : index
              %get3A_623 = tpu.vector_load %arg9[%get3A_622] {strides = array<i32>} : memref<128xf32, #tpu.memory_space<vmem>>, vector<16xf32>,
              %get3A_624 = vector.shape_cast %get3A_623 : vector<16xf32> to vector<16xf32>
              %mul3A_625 = arith.constant 128 : i32
              %mul3A_626 = arith.muli %scan3A_371, %mul3A_625 : i32
              %add3A_627 = arith.constant 112 : i32
              %add3A_628 = arith.addi %mul3A_626, %add3A_627 : i32
              %swap3A_629 = arith.index_cast %add3A_628 : i32 to index
              %swap3A_630 = tpu.vector_load %arg8[%swap3A_629] {strides = array<i32>} : memref<65536xf32, #tpu.memory_space<vmem>>, vector<16xf32>,
              %swap3A_631 = vector.shape_cast %swap3A_630 : vector<16xf32> to vector<16xf32>
              %swap3A_632 = vector.shape_cast %get3A_624 : vector<16xf32> to vector<16xf32>
              tpu.vector_store %arg8[%swap3A_629], %swap3A_632 {strides = array<i32>} : memref<65536xf32, #tpu.memory_space<vmem>>, vector<16xf32>,
              %swap3A_633 = arith.constant 0 : index
              %swap3A_634 = tpu.vector_load %arg9[%swap3A_633] {strides = array<i32>} : memref<128xf32, #tpu.memory_space<vmem>>, vector<16xf32>,
              %swap3A_635 = vector.shape_cast %swap3A_634 : vector<16xf32> to vector<16xf32>
              %swap3A_636 = vector.shape_cast %broadcast_in_dim3A_4 : vector<16xf32> to vector<16xf32>
              tpu.vector_store %arg9[%swap3A_633], %swap3A_636 {strides = array<i32>} : memref<128xf32, #tpu.memory_space<vmem>>, vector<16xf32>,
              %swap3A_637 = arith.constant 16 : index
              %swap3A_638 = tpu.vector_load %arg9[%swap3A_637] {strides = array<i32>} : memref<128xf32, #tpu.memory_space<vmem>>, vector<16xf32>,
              %swap3A_639 = vector.shape_cast %swap3A_638 : vector<16xf32> to vector<16xf32>
              %swap3A_640 = vector.shape_cast %broadcast_in_dim3A_4 : vector<16xf32> to vector<16xf32>
              tpu.vector_store %arg9[%swap3A_637], %swap3A_640 {strides = array<i32>} : memref<128xf32, #tpu.memory_space<vmem>>, vector<16xf32>,
              %swap3A_641 = arith.constant 32 : index
              %swap3A_642 = tpu.vector_load %arg9[%swap3A_641] {strides = array<i32>} : memref<128xf32, #tpu.memory_space<vmem>>, vector<16xf32>,
              %swap3A_643 = vector.shape_cast %swap3A_642 : vector<16xf32> to vector<16xf32>
              %swap3A_644 = vector.shape_cast %broadcast_in_dim3A_4 : vector<16xf32> to vector<16xf32>
              tpu.vector_store %arg9[%swap3A_641], %swap3A_644 {strides = array<i32>} : memref<128xf32, #tpu.memory_space<vmem>>, vector<16xf32>,
              %swap3A_645 = arith.constant 48 : index
              %swap3A_646 = tpu.vector_load %arg9[%swap3A_645] {strides = array<i32>} : memref<128xf32, #tpu.memory_space<vmem>>, vector<16xf32>,
              %swap3A_647 = vector.shape_cast %swap3A_646 : vector<16xf32> to vector<16xf32>
              %swap3A_648 = vector.shape_cast %broadcast_in_dim3A_4 : vector<16xf32> to vector<16xf32>
              tpu.vector_store %arg9[%swap3A_645], %swap3A_648 {strides = array<i32>} : memref<128xf32, #tpu.memory_space<vmem>>, vector<16xf32>,
              %swap3A_649 = arith.constant 64 : index
              %swap3A_650 = tpu.vector_load %arg9[%swap3A_649] {strides = array<i32>} : memref<128xf32, #tpu.memory_space<vmem>>, vector<16xf32>,
              %swap3A_651 = vector.shape_cast %swap3A_650 : vector<16xf32> to vector<16xf32>
              %swap3A_652 = vector.shape_cast %broadcast_in_dim3A_4 : vector<16xf32> to vector<16xf32>
              tpu.vector_store %arg9[%swap3A_649], %swap3A_652 {strides = array<i32>} : memref<128xf32, #tpu.memory_space<vmem>>, vector<16xf32>,
              %swap3A_653 = arith.constant 80 : index
              %swap3A_654 = tpu.vector_load %arg9[%swap3A_653] {strides = array<i32>} : memref<128xf32, #tpu.memory_space<vmem>>, vector<16xf32>,
              %swap3A_655 = vector.shape_cast %swap3A_654 : vector<16xf32> to vector<16xf32>
              %swap3A_656 = vector.shape_cast %broadcast_in_dim3A_4 : vector<16xf32> to vector<16xf32>
              tpu.vector_store %arg9[%swap3A_653], %swap3A_656 {strides = array<i32>} : memref<128xf32, #tpu.memory_space<vmem>>, vector<16xf32>,
              %swap3A_657 = arith.constant 96 : index
              %swap3A_658 = tpu.vector_load %arg9[%swap3A_657] {strides = array<i32>} : memref<128xf32, #tpu.memory_space<vmem>>, vector<16xf32>,
              %swap3A_659 = vector.shape_cast %swap3A_658 : vector<16xf32> to vector<16xf32>
              %swap3A_660 = vector.shape_cast %broadcast_in_dim3A_4 : vector<16xf32> to vector<16xf32>
              tpu.vector_store %arg9[%swap3A_657], %swap3A_660 {strides = array<i32>} : memref<128xf32, #tpu.memory_space<vmem>>, vector<16xf32>,
              %swap3A_661 = arith.constant 112 : index
              %swap3A_662 = tpu.vector_load %arg9[%swap3A_661] {strides = array<i32>} : memref<128xf32, #tpu.memory_space<vmem>>, vector<16xf32>,
              %swap3A_663 = vector.shape_cast %swap3A_662 : vector<16xf32> to vector<16xf32>
              %swap3A_664 = vector.shape_cast %broadcast_in_dim3A_4 : vector<16xf32> to vector<16xf32>
              tpu.vector_store %arg9[%swap3A_661], %swap3A_664 {strides = array<i32>} : memref<128xf32, #tpu.memory_space<vmem>>, vector<16xf32>,
            } else {
            }
            %mul3A_386 = arith.constant 16 : i32
            %mul3A_387 = arith.muli %scan3A_343, %mul3A_386 : i32
            %add3A_388 = arith.addi %mul3A_387, %scan3A_370 : i32
            %mul3A_389 = arith.constant 128 : i32
            %mul3A_390 = arith.muli %add3A_388, %mul3A_389 : i32
            %add3A_391 = arith.constant 0 : i32
            %add3A_392 = arith.addi %add3A_391, %mul3A_390 : i32
            %add3A_393 = arith.constant 0 : i32
            %add3A_394 = arith.addi %add3A_392, %add3A_393 : i32
            %get3A_395 = arith.index_cast %add3A_394 : i32 to index
            %get3A_396 = tpu.vector_load %arg7[%get3A_395] {strides = array<i32>} : memref<57344xf32, #tpu.memory_space<vmem>>, vector<16xf32>,
            %get3A_397 = vector.shape_cast %get3A_396 : vector<16xf32> to vector<16xf32>
            %get3A_398 = arith.constant 0 : index
            %get3A_399 = tpu.vector_load %arg9[%get3A_398] {strides = array<i32>} : memref<128xf32, #tpu.memory_space<vmem>>, vector<16xf32>,
            %get3A_400 = vector.shape_cast %get3A_399 : vector<16xf32> to vector<16xf32>
            %max3A = arith.maximumf %get3A_400, %get3A_397 : vector<16xf32>
            %swap3A_401 = arith.constant 0 : index
            %swap3A_402 = tpu.vector_load %arg9[%swap3A_401] {strides = array<i32>} : memref<128xf32, #tpu.memory_space<vmem>>, vector<16xf32>,
            %swap3A_403 = vector.shape_cast %swap3A_402 : vector<16xf32> to vector<16xf32>
            %swap3A_404 = vector.shape_cast %max3A : vector<16xf32> to vector<16xf32>
            tpu.vector_store %arg9[%swap3A_401], %swap3A_404 {strides = array<i32>} : memref<128xf32, #tpu.memory_space<vmem>>, vector<16xf32>,
            %mul3A_405 = arith.constant 16 : i32
            %mul3A_406 = arith.muli %scan3A_343, %mul3A_405 : i32
            %add3A_407 = arith.addi %mul3A_406, %scan3A_370 : i32
            %mul3A_408 = arith.constant 128 : i32
            %mul3A_409 = arith.muli %add3A_407, %mul3A_408 : i32
            %add3A_410 = arith.constant 0 : i32
            %add3A_411 = arith.addi %add3A_410, %mul3A_409 : i32
            %add3A_412 = arith.constant 16 : i32
            %add3A_413 = arith.addi %add3A_411, %add3A_412 : i32
            %get3A_414 = arith.index_cast %add3A_413 : i32 to index
            %get3A_415 = tpu.vector_load %arg7[%get3A_414] {strides = array<i32>} : memref<57344xf32, #tpu.memory_space<vmem>>, vector<16xf32>,
            %get3A_416 = vector.shape_cast %get3A_415 : vector<16xf32> to vector<16xf32>
            %get3A_417 = arith.constant 16 : index
            %get3A_418 = tpu.vector_load %arg9[%get3A_417] {strides = array<i32>} : memref<128xf32, #tpu.memory_space<vmem>>, vector<16xf32>,
            %get3A_419 = vector.shape_cast %get3A_418 : vector<16xf32> to vector<16xf32>
            %max3A_420 = arith.maximumf %get3A_419, %get3A_416 : vector<16xf32>
            %swap3A_421 = arith.constant 16 : index
            %swap3A_422 = tpu.vector_load %arg9[%swap3A_421] {strides = array<i32>} : memref<128xf32, #tpu.memory_space<vmem>>, vector<16xf32>,
            %swap3A_423 = vector.shape_cast %swap3A_422 : vector<16xf32> to vector<16xf32>
            %swap3A_424 = vector.shape_cast %max3A_420 : vector<16xf32> to vector<16xf32>
            tpu.vector_store %arg9[%swap3A_421], %swap3A_424 {strides = array<i32>} : memref<128xf32, #tpu.memory_space<vmem>>, vector<16xf32>,
            %mul3A_425 = arith.constant 16 : i32
            %mul3A_426 = arith.muli %scan3A_343, %mul3A_425 : i32
            %add3A_427 = arith.addi %mul3A_426, %scan3A_370 : i32
            %mul3A_428 = arith.constant 128 : i32
            %mul3A_429 = arith.muli %add3A_427, %mul3A_428 : i32
            %add3A_430 = arith.constant 0 : i32
            %add3A_431 = arith.addi %add3A_430, %mul3A_429 : i32
            %add3A_432 = arith.constant 32 : i32
            %add3A_433 = arith.addi %add3A_431, %add3A_432 : i32
            %get3A_434 = arith.index_cast %add3A_433 : i32 to index
            %get3A_435 = tpu.vector_load %arg7[%get3A_434] {strides = array<i32>} : memref<57344xf32, #tpu.memory_space<vmem>>, vector<16xf32>,
            %get3A_436 = vector.shape_cast %get3A_435 : vector<16xf32> to vector<16xf32>
            %get3A_437 = arith.constant 32 : index
            %get3A_438 = tpu.vector_load %arg9[%get3A_437] {strides = array<i32>} : memref<128xf32, #tpu.memory_space<vmem>>, vector<16xf32>,
            %get3A_439 = vector.shape_cast %get3A_438 : vector<16xf32> to vector<16xf32>
            %max3A_440 = arith.maximumf %get3A_439, %get3A_436 : vector<16xf32>
            %swap3A_441 = arith.constant 32 : index
            %swap3A_442 = tpu.vector_load %arg9[%swap3A_441] {strides = array<i32>} : memref<128xf32, #tpu.memory_space<vmem>>, vector<16xf32>,
            %swap3A_443 = vector.shape_cast %swap3A_442 : vector<16xf32> to vector<16xf32>
            %swap3A_444 = vector.shape_cast %max3A_440 : vector<16xf32> to vector<16xf32>
            tpu.vector_store %arg9[%swap3A_441], %swap3A_444 {strides = array<i32>} : memref<128xf32, #tpu.memory_space<vmem>>, vector<16xf32>,
            %mul3A_445 = arith.constant 16 : i32
            %mul3A_446 = arith.muli %scan3A_343, %mul3A_445 : i32
            %add3A_447 = arith.addi %mul3A_446, %scan3A_370 : i32
            %mul3A_448 = arith.constant 128 : i32
            %mul3A_449 = arith.muli %add3A_447, %mul3A_448 : i32
            %add3A_450 = arith.constant 0 : i32
            %add3A_451 = arith.addi %add3A_450, %mul3A_449 : i32
            %add3A_452 = arith.constant 48 : i32
            %add3A_453 = arith.addi %add3A_451, %add3A_452 : i32
            %get3A_454 = arith.index_cast %add3A_453 : i32 to index
            %get3A_455 = tpu.vector_load %arg7[%get3A_454] {strides = array<i32>} : memref<57344xf32, #tpu.memory_space<vmem>>, vector<16xf32>,
            %get3A_456 = vector.shape_cast %get3A_455 : vector<16xf32> to vector<16xf32>
            %get3A_457 = arith.constant 48 : index
            %get3A_458 = tpu.vector_load %arg9[%get3A_457] {strides = array<i32>} : memref<128xf32, #tpu.memory_space<vmem>>, vector<16xf32>,
            %get3A_459 = vector.shape_cast %get3A_458 : vector<16xf32> to vector<16xf32>
            %max3A_460 = arith.maximumf %get3A_459, %get3A_456 : vector<16xf32>
            %swap3A_461 = arith.constant 48 : index
            %swap3A_462 = tpu.vector_load %arg9[%swap3A_461] {strides = array<i32>} : memref<128xf32, #tpu.memory_space<vmem>>, vector<16xf32>,
            %swap3A_463 = vector.shape_cast %swap3A_462 : vector<16xf32> to vector<16xf32>
            %swap3A_464 = vector.shape_cast %max3A_460 : vector<16xf32> to vector<16xf32>
            tpu.vector_store %arg9[%swap3A_461], %swap3A_464 {strides = array<i32>} : memref<128xf32, #tpu.memory_space<vmem>>, vector<16xf32>,
            %mul3A_465 = arith.constant 16 : i32
            %mul3A_466 = arith.muli %scan3A_343, %mul3A_465 : i32
            %add3A_467 = arith.addi %mul3A_466, %scan3A_370 : i32
            %mul3A_468 = arith.constant 128 : i32
            %mul3A_469 = arith.muli %add3A_467, %mul3A_468 : i32
            %add3A_470 = arith.constant 0 : i32
            %add3A_471 = arith.addi %add3A_470, %mul3A_469 : i32
            %add3A_472 = arith.constant 64 : i32
            %add3A_473 = arith.addi %add3A_471, %add3A_472 : i32
            %get3A_474 = arith.index_cast %add3A_473 : i32 to index
            %get3A_475 = tpu.vector_load %arg7[%get3A_474] {strides = array<i32>} : memref<57344xf32, #tpu.memory_space<vmem>>, vector<16xf32>,
            %get3A_476 = vector.shape_cast %get3A_475 : vector<16xf32> to vector<16xf32>
            %get3A_477 = arith.constant 64 : index
            %get3A_478 = tpu.vector_load %arg9[%get3A_477] {strides = array<i32>} : memref<128xf32, #tpu.memory_space<vmem>>, vector<16xf32>,
            %get3A_479 = vector.shape_cast %get3A_478 : vector<16xf32> to vector<16xf32>
            %max3A_480 = arith.maximumf %get3A_479, %get3A_476 : vector<16xf32>
            %swap3A_481 = arith.constant 64 : index
            %swap3A_482 = tpu.vector_load %arg9[%swap3A_481] {strides = array<i32>} : memref<128xf32, #tpu.memory_space<vmem>>, vector<16xf32>,
            %swap3A_483 = vector.shape_cast %swap3A_482 : vector<16xf32> to vector<16xf32>
            %swap3A_484 = vector.shape_cast %max3A_480 : vector<16xf32> to vector<16xf32>
            tpu.vector_store %arg9[%swap3A_481], %swap3A_484 {strides = array<i32>} : memref<128xf32, #tpu.memory_space<vmem>>, vector<16xf32>,
            %mul3A_485 = arith.constant 16 : i32
            %mul3A_486 = arith.muli %scan3A_343, %mul3A_485 : i32
            %add3A_487 = arith.addi %mul3A_486, %scan3A_370 : i32
            %mul3A_488 = arith.constant 128 : i32
            %mul3A_489 = arith.muli %add3A_487, %mul3A_488 : i32
            %add3A_490 = arith.constant 0 : i32
            %add3A_491 = arith.addi %add3A_490, %mul3A_489 : i32
            %add3A_492 = arith.constant 80 : i32
            %add3A_493 = arith.addi %add3A_491, %add3A_492 : i32
            %get3A_494 = arith.index_cast %add3A_493 : i32 to index
            %get3A_495 = tpu.vector_load %arg7[%get3A_494] {strides = array<i32>} : memref<57344xf32, #tpu.memory_space<vmem>>, vector<16xf32>,
            %get3A_496 = vector.shape_cast %get3A_495 : vector<16xf32> to vector<16xf32>
            %get3A_497 = arith.constant 80 : index
            %get3A_498 = tpu.vector_load %arg9[%get3A_497] {strides = array<i32>} : memref<128xf32, #tpu.memory_space<vmem>>, vector<16xf32>,
            %get3A_499 = vector.shape_cast %get3A_498 : vector<16xf32> to vector<16xf32>
            %max3A_500 = arith.maximumf %get3A_499, %get3A_496 : vector<16xf32>
            %swap3A_501 = arith.constant 80 : index
            %swap3A_502 = tpu.vector_load %arg9[%swap3A_501] {strides = array<i32>} : memref<128xf32, #tpu.memory_space<vmem>>, vector<16xf32>,
            %swap3A_503 = vector.shape_cast %swap3A_502 : vector<16xf32> to vector<16xf32>
            %swap3A_504 = vector.shape_cast %max3A_500 : vector<16xf32> to vector<16xf32>
            tpu.vector_store %arg9[%swap3A_501], %swap3A_504 {strides = array<i32>} : memref<128xf32, #tpu.memory_space<vmem>>, vector<16xf32>,
            %mul3A_505 = arith.constant 16 : i32
            %mul3A_506 = arith.muli %scan3A_343, %mul3A_505 : i32
            %add3A_507 = arith.addi %mul3A_506, %scan3A_370 : i32
            %mul3A_508 = arith.constant 128 : i32
            %mul3A_509 = arith.muli %add3A_507, %mul3A_508 : i32
            %add3A_510 = arith.constant 0 : i32
            %add3A_511 = arith.addi %add3A_510, %mul3A_509 : i32
            %add3A_512 = arith.constant 96 : i32
            %add3A_513 = arith.addi %add3A_511, %add3A_512 : i32
            %get3A_514 = arith.index_cast %add3A_513 : i32 to index
            %get3A_515 = tpu.vector_load %arg7[%get3A_514] {strides = array<i32>} : memref<57344xf32, #tpu.memory_space<vmem>>, vector<16xf32>,
            %get3A_516 = vector.shape_cast %get3A_515 : vector<16xf32> to vector<16xf32>
            %get3A_517 = arith.constant 96 : index
            %get3A_518 = tpu.vector_load %arg9[%get3A_517] {strides = array<i32>} : memref<128xf32, #tpu.memory_space<vmem>>, vector<16xf32>,
            %get3A_519 = vector.shape_cast %get3A_518 : vector<16xf32> to vector<16xf32>
            %max3A_520 = arith.maximumf %get3A_519, %get3A_516 : vector<16xf32>
            %swap3A_521 = arith.constant 96 : index
            %swap3A_522 = tpu.vector_load %arg9[%swap3A_521] {strides = array<i32>} : memref<128xf32, #tpu.memory_space<vmem>>, vector<16xf32>,
            %swap3A_523 = vector.shape_cast %swap3A_522 : vector<16xf32> to vector<16xf32>
            %swap3A_524 = vector.shape_cast %max3A_520 : vector<16xf32> to vector<16xf32>
            tpu.vector_store %arg9[%swap3A_521], %swap3A_524 {strides = array<i32>} : memref<128xf32, #tpu.memory_space<vmem>>, vector<16xf32>,
            %mul3A_525 = arith.constant 16 : i32
            %mul3A_526 = arith.muli %scan3A_343, %mul3A_525 : i32
            %add3A_527 = arith.addi %mul3A_526, %scan3A_370 : i32
            %mul3A_528 = arith.constant 128 : i32
            %mul3A_529 = arith.muli %add3A_527, %mul3A_528 : i32
            %add3A_530 = arith.constant 0 : i32
            %add3A_531 = arith.addi %add3A_530, %mul3A_529 : i32
            %add3A_532 = arith.constant 112 : i32
            %add3A_533 = arith.addi %add3A_531, %add3A_532 : i32
            %get3A_534 = arith.index_cast %add3A_533 : i32 to index
            %get3A_535 = tpu.vector_load %arg7[%get3A_534] {strides = array<i32>} : memref<57344xf32, #tpu.memory_space<vmem>>, vector<16xf32>,
            %get3A_536 = vector.shape_cast %get3A_535 : vector<16xf32> to vector<16xf32>
            %get3A_537 = arith.constant 112 : index
            %get3A_538 = tpu.vector_load %arg9[%get3A_537] {strides = array<i32>} : memref<128xf32, #tpu.memory_space<vmem>>, vector<16xf32>,
            %get3A_539 = vector.shape_cast %get3A_538 : vector<16xf32> to vector<16xf32>
            %max3A_540 = arith.maximumf %get3A_539, %get3A_536 : vector<16xf32>
            %swap3A_541 = arith.constant 112 : index
            %swap3A_542 = tpu.vector_load %arg9[%swap3A_541] {strides = array<i32>} : memref<128xf32, #tpu.memory_space<vmem>>, vector<16xf32>,
            %swap3A_543 = vector.shape_cast %swap3A_542 : vector<16xf32> to vector<16xf32>
            %swap3A_544 = vector.shape_cast %max3A_540 : vector<16xf32> to vector<16xf32>
            tpu.vector_store %arg9[%swap3A_541], %swap3A_544 {strides = array<i32>} : memref<128xf32, #tpu.memory_space<vmem>>, vector<16xf32>,
            scf.yield %squeeze3A_382 : i32
          }
          %scan3A_369 = arith.constant 16 : i32
          scf.yield %scan3A_368 : i32
        }
        scf.yield %cond3A_363 : i32
      }
      %scan3A_290 = arith.constant 14 : i32
      %add3A_291 = arith.constant 0 : i32
      %add3A_292 = arith.addi %mul3A_274, %add3A_291 : i32
      %add3A_293 = arith.constant 2 : i32
      %add3A_294 = arith.addi %add3A_292, %add3A_293 : i32
      %min3A_295 = arith.constant 13 : i32
      %min3A_296 = arith.minsi %add3A_294, %min3A_295 : i32
      %mul3A_297 = arith.constant 224 : i32
      %mul3A_298 = arith.muli %min3A_296, %mul3A_297 : i32
      %add3A_299 = arith.addi %multiple_of3A, %mul3A_298 : i32
      %mul3A_300 = arith.constant 128 : i32
      %mul3A_301 = arith.muli %add3A_299, %mul3A_300 : i32
      %multiple_of3A_302 = tpu.assume_multiple %mul3A_301, 8 : i32
      %dma_start3A_303 = arith.constant 0 : i32
      %dma_start3A_304 = tpu.memref_slice %arg7[%dma_start3A_303] : memref<57344xf32, #tpu.memory_space<vmem>> -> memref<28672xf32, #tpu.memory_space<vmem>>
      %dma_start3A_305 = tpu.memref_slice %arg2[%multiple_of3A_302] : memref<12800000xf32, #tpu.memory_space<hbm>> -> memref<28672xf32, #tpu.memory_space<hbm>>
      %dma_start3A_306 = arith.constant 0 : i32
      %dma_start3A_307 = tpu.memref_slice %arg7[%dma_start3A_306] : memref<57344xf32, #tpu.memory_space<vmem>> -> memref<28672xf32, #tpu.memory_space<vmem>>
      %dma_start3A_308 = tpu.memref_slice %arg2[%multiple_of3A_302] : memref<12800000xf32, #tpu.memory_space<hbm>> -> memref<28672xf32, #tpu.memory_space<hbm>>
      tpu.enqueue_dma source(%dma_start3A_308 : memref<28672xf32, #tpu.memory_space<hbm>>) target(%dma_start3A_307 : memref<28672xf32, #tpu.memory_space<vmem>>) target_semaphore(%arg11 : memref<!tpu.dma_semaphore, #tpu.memory_space<semaphore_mem>>)
      %dma_wait3A_309 = arith.constant 28672 : i32
      %dma_wait3A_310 = tpu.memref_slice %arg7[%dma_wait3A_309] : memref<57344xf32, #tpu.memory_space<vmem>> -> memref<28672xf32, #tpu.memory_space<vmem>>
      %dma_wait3A_311 = arith.constant 0 : i32
      %dma_wait3A_312 = tpu.memref_slice %arg2[%dma_wait3A_311] : memref<12800000xf32, #tpu.memory_space<hbm>> -> memref<28672xf32, #tpu.memory_space<hbm>>
      %dma_wait3A_313 = arith.constant 28672 : i32
      %dma_wait3A_314 = tpu.memref_slice %arg7[%dma_wait3A_313] : memref<57344xf32, #tpu.memory_space<vmem>> -> memref<28672xf32, #tpu.memory_space<vmem>>
      %dma_wait3A_315 = arith.constant 0 : i32
      %dma_wait3A_316 = tpu.memref_slice %arg2[%dma_wait3A_315] : memref<12800000xf32, #tpu.memory_space<hbm>> -> memref<28672xf32, #tpu.memory_space<hbm>>
      tpu.wait_dma2 semaphore(%arg12 : memref<!tpu.dma_semaphore, #tpu.memory_space<semaphore_mem>>) src(%dma_wait3A_316 : memref<28672xf32, #tpu.memory_space<hbm>>) dst(%dma_wait3A_314 : memref<28672xf32, #tpu.memory_space<vmem>>)
      %add3A_317 = arith.constant 1 : i32
      %add3A_318 = arith.addi %mul3A_274, %add3A_317 : i32
      %scan3A_319 = arith.constant 0 : i32
      %scan3A_320 = arith.constant 14 : i32
      %scan3A_321 = arith.addi %scan3A_319, %scan3A_320 : i32
      %scan3A_322 = arith.constant 1 : i32
      %scan3A_323 = scf.for %scan3A_343 = %scan3A_319 to %scan3A_321 step %scan3A_322 iter_args(%scan3A_344 = %scan3A_289) -> (i32)  : i32 {
        %mul3A_345 = arith.constant 224 : i32
        %mul3A_346 = arith.muli %add3A_318, %mul3A_345 : i32
        %mul3A_347 = arith.constant 16 : i32
        %mul3A_348 = arith.muli %scan3A_343, %mul3A_347 : i32
        %add3A_349 = arith.addi %mul3A_346, %mul3A_348 : i32
        %get3A_350 = arith.index_cast %add3A_349 : i32 to index
        %get3A_351 = tpu.vector_load %arg6[%get3A_350] {strides = array<i32>} : memref<3152xi32, #tpu.memory_space<vmem>>, vector<16xi32>,
        %get3A_352 = vector.shape_cast %get3A_351 : vector<16xi32> to vector<16xi32>
        %slice3A_353 = vector.extract_strided_slice %get3A_352 {offsets = [0], sizes = [1], strides = [1]} : vector<16xi32> to vector<1xi32>
        %squeeze3A_354 = vector.extract %slice3A_353[0] : i32 from vector<1xi32>
        %eq3A_355 = arith.cmpi eq, %squeeze3A_354, %scan3A_344 : i32
        %slice3A_356 = vector.extract_strided_slice %get3A_352 {offsets = [15], sizes = [1], strides = [1]} : vector<16xi32> to vector<1xi32>
        %squeeze3A_357 = vector.extract %slice3A_356[0] : i32 from vector<1xi32>
        %eq3A_358 = arith.cmpi eq, %squeeze3A_357, %scan3A_344 : i32
        %and3A_359 = arith.andi %eq3A_355, %eq3A_358 : i1
        %convert_element_type3A_360 = arith.extui %and3A_359 : i1 to i32
        %cond3A_361 = arith.constant 0 : i32
        %cond3A_362 = arith.cmpi ne, %convert_element_type3A_360, %cond3A_361 : i32
        %cond3A_363 = scf.if %cond3A_362 -> (i32) {
          %mul3A_364 = arith.constant 16 : i32
          %mul3A_365 = arith.muli %scan3A_343, %mul3A_364 : i32
          %add3A_366 = arith.constant 0 : i32
          %add3A_367 = arith.addi %mul3A_365, %add3A_366 : i32
          %mul3A_368 = arith.constant 128 : i32
          %mul3A_369 = arith.muli %add3A_367, %mul3A_368 : i32
          %add3A_370 = arith.constant 28672 : i32
          %add3A_371 = arith.addi %add3A_370, %mul3A_369 : i32
          %add3A_372 = arith.constant 0 : i32
          %add3A_373 = arith.addi %add3A_371, %add3A_372 : i32
          %get3A_374 = arith.index_cast %add3A_373 : i32 to index
          %get3A_375 = tpu.vector_load %arg7[%get3A_374] {strides = array<i32>} : memref<57344xf32, #tpu.memory_space<vmem>>, vector<16xf32>,
          %get3A_376 = vector.shape_cast %get3A_375 : vector<16xf32> to vector<16xf32>
          %mul3A_377 = arith.constant 16 : i32
          %mul3A_378 = arith.muli %scan3A_343, %mul3A_377 : i32
          %add3A_379 = arith.constant 1 : i32
          %add3A_380 = arith.addi %mul3A_378, %add3A_379 : i32
          %mul3A_381 = arith.constant 128 : i32
          %mul3A_382 = arith.muli %add3A_380, %mul3A_381 : i32
          %add3A_383 = arith.constant 28672 : i32
          %add3A_384 = arith.addi %add3A_383, %mul3A_382 : i32
          %add3A_385 = arith.constant 0 : i32
          %add3A_386 = arith.addi %add3A_384, %add3A_385 : i32
          %get3A_387 = arith.index_cast %add3A_386 : i32 to index
          %get3A_388 = tpu.vector_load %arg7[%get3A_387] {strides = array<i32>} : memref<57344xf32, #tpu.memory_space<vmem>>, vector<16xf32>,
          %get3A_389 = vector.shape_cast %get3A_388 : vector<16xf32> to vector<16xf32>
          %mul3A_390 = arith.constant 16 : i32
          %mul3A_391 = arith.muli %scan3A_343, %mul3A_390 : i32
          %add3A_392 = arith.constant 2 : i32
          %add3A_393 = arith.addi %mul3A_391, %add3A_392 : i32
          %mul3A_394 = arith.constant 128 : i32
          %mul3A_395 = arith.muli %add3A_393, %mul3A_394 : i32
          %add3A_396 = arith.constant 28672 : i32
          %add3A_397 = arith.addi %add3A_396, %mul3A_395 : i32
          %add3A_398 = arith.constant 0 : i32
          %add3A_399 = arith.addi %add3A_397, %add3A_398 : i32
          %get3A_400 = arith.index_cast %add3A_399 : i32 to index
          %get3A_401 = tpu.vector_load %arg7[%get3A_400] {strides = array<i32>} : memref<57344xf32, #tpu.memory_space<vmem>>, vector<16xf32>,
          %get3A_402 = vector.shape_cast %get3A_401 : vector<16xf32> to vector<16xf32>
          %mul3A_403 = arith.constant 16 : i32
          %mul3A_404 = arith.muli %scan3A_343, %mul3A_403 : i32
          %add3A_405 = arith.constant 3 : i32
          %add3A_406 = arith.addi %mul3A_404, %add3A_405 : i32
          %mul3A_407 = arith.constant 128 : i32
          %mul3A_408 = arith.muli %add3A_406, %mul3A_407 : i32
          %add3A_409 = arith.constant 28672 : i32
          %add3A_410 = arith.addi %add3A_409, %mul3A_408 : i32
          %add3A_411 = arith.constant 0 : i32
          %add3A_412 = arith.addi %add3A_410, %add3A_411 : i32
          %get3A_413 = arith.index_cast %add3A_412 : i32 to index
          %get3A_414 = tpu.vector_load %arg7[%get3A_413] {strides = array<i32>} : memref<57344xf32, #tpu.memory_space<vmem>>, vector<16xf32>,
          %get3A_415 = vector.shape_cast %get3A_414 : vector<16xf32> to vector<16xf32>
          %mul3A_416 = arith.constant 16 : i32
          %mul3A_417 = arith.muli %scan3A_343, %mul3A_416 : i32
          %add3A_418 = arith.constant 4 : i32
          %add3A_419 = arith.addi %mul3A_417, %add3A_418 : i32
          %mul3A_420 = arith.constant 128 : i32
          %mul3A_421 = arith.muli %add3A_419, %mul3A_420 : i32
          %add3A_422 = arith.constant 28672 : i32
          %add3A_423 = arith.addi %add3A_422, %mul3A_421 : i32
          %add3A_424 = arith.constant 0 : i32
          %add3A_425 = arith.addi %add3A_423, %add3A_424 : i32
          %get3A_426 = arith.index_cast %add3A_425 : i32 to index
          %get3A_427 = tpu.vector_load %arg7[%get3A_426] {strides = array<i32>} : memref<57344xf32, #tpu.memory_space<vmem>>, vector<16xf32>,
          %get3A_428 = vector.shape_cast %get3A_427 : vector<16xf32> to vector<16xf32>
          %mul3A_429 = arith.constant 16 : i32
          %mul3A_430 = arith.muli %scan3A_343, %mul3A_429 : i32
          %add3A_431 = arith.constant 5 : i32
          %add3A_432 = arith.addi %mul3A_430, %add3A_431 : i32
          %mul3A_433 = arith.constant 128 : i32
          %mul3A_434 = arith.muli %add3A_432, %mul3A_433 : i32
          %add3A_435 = arith.constant 28672 : i32
          %add3A_436 = arith.addi %add3A_435, %mul3A_434 : i32
          %add3A_437 = arith.constant 0 : i32
          %add3A_438 = arith.addi %add3A_436, %add3A_437 : i32
          %get3A_439 = arith.index_cast %add3A_438 : i32 to index
          %get3A_440 = tpu.vector_load %arg7[%get3A_439] {strides = array<i32>} : memref<57344xf32, #tpu.memory_space<vmem>>, vector<16xf32>,
          %get3A_441 = vector.shape_cast %get3A_440 : vector<16xf32> to vector<16xf32>
          %mul3A_442 = arith.constant 16 : i32
          %mul3A_443 = arith.muli %scan3A_343, %mul3A_442 : i32
          %add3A_444 = arith.constant 6 : i32
          %add3A_445 = arith.addi %mul3A_443, %add3A_444 : i32
          %mul3A_446 = arith.constant 128 : i32
          %mul3A_447 = arith.muli %add3A_445, %mul3A_446 : i32
          %add3A_448 = arith.constant 28672 : i32
          %add3A_449 = arith.addi %add3A_448, %mul3A_447 : i32
          %add3A_450 = arith.constant 0 : i32
          %add3A_451 = arith.addi %add3A_449, %add3A_450 : i32
          %get3A_452 = arith.index_cast %add3A_451 : i32 to index
          %get3A_453 = tpu.vector_load %arg7[%get3A_452] {strides = array<i32>} : memref<57344xf32, #tpu.memory_space<vmem>>, vector<16xf32>,
          %get3A_454 = vector.shape_cast %get3A_453 : vector<16xf32> to vector<16xf32>
          %mul3A_455 = arith.constant 16 : i32
          %mul3A_456 = arith.muli %scan3A_343, %mul3A_455 : i32
          %add3A_457 = arith.constant 7 : i32
          %add3A_458 = arith.addi %mul3A_456, %add3A_457 : i32
          %mul3A_459 = arith.constant 128 : i32
          %mul3A_460 = arith.muli %add3A_458, %mul3A_459 : i32
          %add3A_461 = arith.constant 28672 : i32
          %add3A_462 = arith.addi %add3A_461, %mul3A_460 : i32
          %add3A_463 = arith.constant 0 : i32
          %add3A_464 = arith.addi %add3A_462, %add3A_463 : i32
          %get3A_465 = arith.index_cast %add3A_464 : i32 to index
          %get3A_466 = tpu.vector_load %arg7[%get3A_465] {strides = array<i32>} : memref<57344xf32, #tpu.memory_space<vmem>>, vector<16xf32>,
          %get3A_467 = vector.shape_cast %get3A_466 : vector<16xf32> to vector<16xf32>
          %mul3A_468 = arith.constant 16 : i32
          %mul3A_469 = arith.muli %scan3A_343, %mul3A_468 : i32
          %add3A_470 = arith.constant 8 : i32
          %add3A_471 = arith.addi %mul3A_469, %add3A_470 : i32
          %mul3A_472 = arith.constant 128 : i32
          %mul3A_473 = arith.muli %add3A_471, %mul3A_472 : i32
          %add3A_474 = arith.constant 28672 : i32
          %add3A_475 = arith.addi %add3A_474, %mul3A_473 : i32
          %add3A_476 = arith.constant 0 : i32
          %add3A_477 = arith.addi %add3A_475, %add3A_476 : i32
          %get3A_478 = arith.index_cast %add3A_477 : i32 to index
          %get3A_479 = tpu.vector_load %arg7[%get3A_478] {strides = array<i32>} : memref<57344xf32, #tpu.memory_space<vmem>>, vector<16xf32>,
          %get3A_480 = vector.shape_cast %get3A_479 : vector<16xf32> to vector<16xf32>
          %mul3A_481 = arith.constant 16 : i32
          %mul3A_482 = arith.muli %scan3A_343, %mul3A_481 : i32
          %add3A_483 = arith.constant 9 : i32
          %add3A_484 = arith.addi %mul3A_482, %add3A_483 : i32
          %mul3A_485 = arith.constant 128 : i32
          %mul3A_486 = arith.muli %add3A_484, %mul3A_485 : i32
          %add3A_487 = arith.constant 28672 : i32
          %add3A_488 = arith.addi %add3A_487, %mul3A_486 : i32
          %add3A_489 = arith.constant 0 : i32
          %add3A_490 = arith.addi %add3A_488, %add3A_489 : i32
          %get3A_491 = arith.index_cast %add3A_490 : i32 to index
          %get3A_492 = tpu.vector_load %arg7[%get3A_491] {strides = array<i32>} : memref<57344xf32, #tpu.memory_space<vmem>>, vector<16xf32>,
          %get3A_493 = vector.shape_cast %get3A_492 : vector<16xf32> to vector<16xf32>
          %mul3A_494 = arith.constant 16 : i32
          %mul3A_495 = arith.muli %scan3A_343, %mul3A_494 : i32
          %add3A_496 = arith.constant 10 : i32
          %add3A_497 = arith.addi %mul3A_495, %add3A_496 : i32
          %mul3A_498 = arith.constant 128 : i32
          %mul3A_499 = arith.muli %add3A_497, %mul3A_498 : i32
          %add3A_500 = arith.constant 28672 : i32
          %add3A_501 = arith.addi %add3A_500, %mul3A_499 : i32
          %add3A_502 = arith.constant 0 : i32
          %add3A_503 = arith.addi %add3A_501, %add3A_502 : i32
          %get3A_504 = arith.index_cast %add3A_503 : i32 to index
          %get3A_505 = tpu.vector_load %arg7[%get3A_504] {strides = array<i32>} : memref<57344xf32, #tpu.memory_space<vmem>>, vector<16xf32>,
          %get3A_506 = vector.shape_cast %get3A_505 : vector<16xf32> to vector<16xf32>
          %mul3A_507 = arith.constant 16 : i32
          %mul3A_508 = arith.muli %scan3A_343, %mul3A_507 : i32
          %add3A_509 = arith.constant 11 : i32
          %add3A_510 = arith.addi %mul3A_508, %add3A_509 : i32
          %mul3A_511 = arith.constant 128 : i32
          %mul3A_512 = arith.muli %add3A_510, %mul3A_511 : i32
          %add3A_513 = arith.constant 28672 : i32
          %add3A_514 = arith.addi %add3A_513, %mul3A_512 : i32
          %add3A_515 = arith.constant 0 : i32
          %add3A_516 = arith.addi %add3A_514, %add3A_515 : i32
          %get3A_517 = arith.index_cast %add3A_516 : i32 to index
          %get3A_518 = tpu.vector_load %arg7[%get3A_517] {strides = array<i32>} : memref<57344xf32, #tpu.memory_space<vmem>>, vector<16xf32>,
          %get3A_519 = vector.shape_cast %get3A_518 : vector<16xf32> to vector<16xf32>
          %mul3A_520 = arith.constant 16 : i32
          %mul3A_521 = arith.muli %scan3A_343, %mul3A_520 : i32
          %add3A_522 = arith.constant 12 : i32
          %add3A_523 = arith.addi %mul3A_521, %add3A_522 : i32
          %mul3A_524 = arith.constant 128 : i32
          %mul3A_525 = arith.muli %add3A_523, %mul3A_524 : i32
          %add3A_526 = arith.constant 28672 : i32
          %add3A_527 = arith.addi %add3A_526, %mul3A_525 : i32
          %add3A_528 = arith.constant 0 : i32
          %add3A_529 = arith.addi %add3A_527, %add3A_528 : i32
          %get3A_530 = arith.index_cast %add3A_529 : i32 to index
          %get3A_531 = tpu.vector_load %arg7[%get3A_530] {strides = array<i32>} : memref<57344xf32, #tpu.memory_space<vmem>>, vector<16xf32>,
          %get3A_532 = vector.shape_cast %get3A_531 : vector<16xf32> to vector<16xf32>
          %mul3A_533 = arith.constant 16 : i32
          %mul3A_534 = arith.muli %scan3A_343, %mul3A_533 : i32
          %add3A_535 = arith.constant 13 : i32
          %add3A_536 = arith.addi %mul3A_534, %add3A_535 : i32
          %mul3A_537 = arith.constant 128 : i32
          %mul3A_538 = arith.muli %add3A_536, %mul3A_537 : i32
          %add3A_539 = arith.constant 28672 : i32
          %add3A_540 = arith.addi %add3A_539, %mul3A_538 : i32
          %add3A_541 = arith.constant 0 : i32
          %add3A_542 = arith.addi %add3A_540, %add3A_541 : i32
          %get3A_543 = arith.index_cast %add3A_542 : i32 to index
          %get3A_544 = tpu.vector_load %arg7[%get3A_543] {strides = array<i32>} : memref<57344xf32, #tpu.memory_space<vmem>>, vector<16xf32>,
          %get3A_545 = vector.shape_cast %get3A_544 : vector<16xf32> to vector<16xf32>
          %mul3A_546 = arith.constant 16 : i32
          %mul3A_547 = arith.muli %scan3A_343, %mul3A_546 : i32
          %add3A_548 = arith.constant 14 : i32
          %add3A_549 = arith.addi %mul3A_547, %add3A_548 : i32
          %mul3A_550 = arith.constant 128 : i32
          %mul3A_551 = arith.muli %add3A_549, %mul3A_550 : i32
          %add3A_552 = arith.constant 28672 : i32
          %add3A_553 = arith.addi %add3A_552, %mul3A_551 : i32
          %add3A_554 = arith.constant 0 : i32
          %add3A_555 = arith.addi %add3A_553, %add3A_554 : i32
          %get3A_556 = arith.index_cast %add3A_555 : i32 to index
          %get3A_557 = tpu.vector_load %arg7[%get3A_556] {strides = array<i32>} : memref<57344xf32, #tpu.memory_space<vmem>>, vector<16xf32>,
          %get3A_558 = vector.shape_cast %get3A_557 : vector<16xf32> to vector<16xf32>
          %mul3A_559 = arith.constant 16 : i32
          %mul3A_560 = arith.muli %scan3A_343, %mul3A_559 : i32
          %add3A_561 = arith.constant 15 : i32
          %add3A_562 = arith.addi %mul3A_560, %add3A_561 : i32
          %mul3A_563 = arith.constant 128 : i32
          %mul3A_564 = arith.muli %add3A_562, %mul3A_563 : i32
          %add3A_565 = arith.constant 28672 : i32
          %add3A_566 = arith.addi %add3A_565, %mul3A_564 : i32
          %add3A_567 = arith.constant 0 : i32
          %add3A_568 = arith.addi %add3A_566, %add3A_567 : i32
          %get3A_569 = arith.index_cast %add3A_568 : i32 to index
          %get3A_570 = tpu.vector_load %arg7[%get3A_569] {strides = array<i32>} : memref<57344xf32, #tpu.memory_space<vmem>>, vector<16xf32>,
          %get3A_571 = vector.shape_cast %get3A_570 : vector<16xf32> to vector<16xf32>
          %mul3A_572 = arith.constant 16 : i32
          %mul3A_573 = arith.muli %scan3A_343, %mul3A_572 : i32
          %add3A_574 = arith.constant 0 : i32
          %add3A_575 = arith.addi %mul3A_573, %add3A_574 : i32
          %mul3A_576 = arith.constant 128 : i32
          %mul3A_577 = arith.muli %add3A_575, %mul3A_576 : i32
          %add3A_578 = arith.constant 28672 : i32
          %add3A_579 = arith.addi %add3A_578, %mul3A_577 : i32
          %add3A_580 = arith.constant 16 : i32
          %add3A_581 = arith.addi %add3A_579, %add3A_580 : i32
          %get3A_582 = arith.index_cast %add3A_581 : i32 to index
          %get3A_583 = tpu.vector_load %arg7[%get3A_582] {strides = array<i32>} : memref<57344xf32, #tpu.memory_space<vmem>>, vector<16xf32>,
          %get3A_584 = vector.shape_cast %get3A_583 : vector<16xf32> to vector<16xf32>
          %mul3A_585 = arith.constant 16 : i32
          %mul3A_586 = arith.muli %scan3A_343, %mul3A_585 : i32
          %add3A_587 = arith.constant 1 : i32
          %add3A_588 = arith.addi %mul3A_586, %add3A_587 : i32
          %mul3A_589 = arith.constant 128 : i32
          %mul3A_590 = arith.muli %add3A_588, %mul3A_589 : i32
          %add3A_591 = arith.constant 28672 : i32
          %add3A_592 = arith.addi %add3A_591, %mul3A_590 : i32
          %add3A_593 = arith.constant 16 : i32
          %add3A_594 = arith.addi %add3A_592, %add3A_593 : i32
          %get3A_595 = arith.index_cast %add3A_594 : i32 to index
          %get3A_596 = tpu.vector_load %arg7[%get3A_595] {strides = array<i32>} : memref<57344xf32, #tpu.memory_space<vmem>>, vector<16xf32>,
          %get3A_597 = vector.shape_cast %get3A_596 : vector<16xf32> to vector<16xf32>
          %mul3A_598 = arith.constant 16 : i32
          %mul3A_599 = arith.muli %scan3A_343, %mul3A_598 : i32
          %add3A_600 = arith.constant 2 : i32
          %add3A_601 = arith.addi %mul3A_599, %add3A_600 : i32
          %mul3A_602 = arith.constant 128 : i32
          %mul3A_603 = arith.muli %add3A_601, %mul3A_602 : i32
          %add3A_604 = arith.constant 28672 : i32
          %add3A_605 = arith.addi %add3A_604, %mul3A_603 : i32
          %add3A_606 = arith.constant 16 : i32
          %add3A_607 = arith.addi %add3A_605, %add3A_606 : i32
          %get3A_608 = arith.index_cast %add3A_607 : i32 to index
          %get3A_609 = tpu.vector_load %arg7[%get3A_608] {strides = array<i32>} : memref<57344xf32, #tpu.memory_space<vmem>>, vector<16xf32>,
          %get3A_610 = vector.shape_cast %get3A_609 : vector<16xf32> to vector<16xf32>
          %mul3A_611 = arith.constant 16 : i32
          %mul3A_612 = arith.muli %scan3A_343, %mul3A_611 : i32
          %add3A_613 = arith.constant 3 : i32
          %add3A_614 = arith.addi %mul3A_612, %add3A_613 : i32
          %mul3A_615 = arith.constant 128 : i32
          %mul3A_616 = arith.muli %add3A_614, %mul3A_615 : i32
          %add3A_617 = arith.constant 28672 : i32
          %add3A_618 = arith.addi %add3A_617, %mul3A_616 : i32
          %add3A_619 = arith.constant 16 : i32
          %add3A_620 = arith.addi %add3A_618, %add3A_619 : i32
          %get3A_621 = arith.index_cast %add3A_620 : i32 to index
          %get3A_622 = tpu.vector_load %arg7[%get3A_621] {strides = array<i32>} : memref<57344xf32, #tpu.memory_space<vmem>>, vector<16xf32>,
          %get3A_623 = vector.shape_cast %get3A_622 : vector<16xf32> to vector<16xf32>
          %mul3A_624 = arith.constant 16 : i32
          %mul3A_625 = arith.muli %scan3A_343, %mul3A_624 : i32
          %add3A_626 = arith.constant 4 : i32
          %add3A_627 = arith.addi %mul3A_625, %add3A_626 : i32
          %mul3A_628 = arith.constant 128 : i32
          %mul3A_629 = arith.muli %add3A_627, %mul3A_628 : i32
          %add3A_630 = arith.constant 28672 : i32
          %add3A_631 = arith.addi %add3A_630, %mul3A_629 : i32
          %add3A_632 = arith.constant 16 : i32
          %add3A_633 = arith.addi %add3A_631, %add3A_632 : i32
          %get3A_634 = arith.index_cast %add3A_633 : i32 to index
          %get3A_635 = tpu.vector_load %arg7[%get3A_634] {strides = array<i32>} : memref<57344xf32, #tpu.memory_space<vmem>>, vector<16xf32>,
          %get3A_636 = vector.shape_cast %get3A_635 : vector<16xf32> to vector<16xf32>
          %mul3A_637 = arith.constant 16 : i32
          %mul3A_638 = arith.muli %scan3A_343, %mul3A_637 : i32
          %add3A_639 = arith.constant 5 : i32
          %add3A_640 = arith.addi %mul3A_638, %add3A_639 : i32
          %mul3A_641 = arith.constant 128 : i32
          %mul3A_642 = arith.muli %add3A_640, %mul3A_641 : i32
          %add3A_643 = arith.constant 28672 : i32
          %add3A_644 = arith.addi %add3A_643, %mul3A_642 : i32
          %add3A_645 = arith.constant 16 : i32
          %add3A_646 = arith.addi %add3A_644, %add3A_645 : i32
          %get3A_647 = arith.index_cast %add3A_646 : i32 to index
          %get3A_648 = tpu.vector_load %arg7[%get3A_647] {strides = array<i32>} : memref<57344xf32, #tpu.memory_space<vmem>>, vector<16xf32>,
          %get3A_649 = vector.shape_cast %get3A_648 : vector<16xf32> to vector<16xf32>
          %mul3A_650 = arith.constant 16 : i32
          %mul3A_651 = arith.muli %scan3A_343, %mul3A_650 : i32
          %add3A_652 = arith.constant 6 : i32
          %add3A_653 = arith.addi %mul3A_651, %add3A_652 : i32
          %mul3A_654 = arith.constant 128 : i32
          %mul3A_655 = arith.muli %add3A_653, %mul3A_654 : i32
          %add3A_656 = arith.constant 28672 : i32
          %add3A_657 = arith.addi %add3A_656, %mul3A_655 : i32
          %add3A_658 = arith.constant 16 : i32
          %add3A_659 = arith.addi %add3A_657, %add3A_658 : i32
          %get3A_660 = arith.index_cast %add3A_659 : i32 to index
          %get3A_661 = tpu.vector_load %arg7[%get3A_660] {strides = array<i32>} : memref<57344xf32, #tpu.memory_space<vmem>>, vector<16xf32>,
          %get3A_662 = vector.shape_cast %get3A_661 : vector<16xf32> to vector<16xf32>
          %mul3A_663 = arith.constant 16 : i32
          %mul3A_664 = arith.muli %scan3A_343, %mul3A_663 : i32
          %add3A_665 = arith.constant 7 : i32
          %add3A_666 = arith.addi %mul3A_664, %add3A_665 : i32
          %mul3A_667 = arith.constant 128 : i32
          %mul3A_668 = arith.muli %add3A_666, %mul3A_667 : i32
          %add3A_669 = arith.constant 28672 : i32
          %add3A_670 = arith.addi %add3A_669, %mul3A_668 : i32
          %add3A_671 = arith.constant 16 : i32
          %add3A_672 = arith.addi %add3A_670, %add3A_671 : i32
          %get3A_673 = arith.index_cast %add3A_672 : i32 to index
          %get3A_674 = tpu.vector_load %arg7[%get3A_673] {strides = array<i32>} : memref<57344xf32, #tpu.memory_space<vmem>>, vector<16xf32>,
          %get3A_675 = vector.shape_cast %get3A_674 : vector<16xf32> to vector<16xf32>
          %mul3A_676 = arith.constant 16 : i32
          %mul3A_677 = arith.muli %scan3A_343, %mul3A_676 : i32
          %add3A_678 = arith.constant 8 : i32
          %add3A_679 = arith.addi %mul3A_677, %add3A_678 : i32
          %mul3A_680 = arith.constant 128 : i32
          %mul3A_681 = arith.muli %add3A_679, %mul3A_680 : i32
          %add3A_682 = arith.constant 28672 : i32
          %add3A_683 = arith.addi %add3A_682, %mul3A_681 : i32
          %add3A_684 = arith.constant 16 : i32
          %add3A_685 = arith.addi %add3A_683, %add3A_684 : i32
          %get3A_686 = arith.index_cast %add3A_685 : i32 to index
          %get3A_687 = tpu.vector_load %arg7[%get3A_686] {strides = array<i32>} : memref<57344xf32, #tpu.memory_space<vmem>>, vector<16xf32>,
          %get3A_688 = vector.shape_cast %get3A_687 : vector<16xf32> to vector<16xf32>
          %mul3A_689 = arith.constant 16 : i32
          %mul3A_690 = arith.muli %scan3A_343, %mul3A_689 : i32
          %add3A_691 = arith.constant 9 : i32
          %add3A_692 = arith.addi %mul3A_690, %add3A_691 : i32
          %mul3A_693 = arith.constant 128 : i32
          %mul3A_694 = arith.muli %add3A_692, %mul3A_693 : i32
          %add3A_695 = arith.constant 28672 : i32
          %add3A_696 = arith.addi %add3A_695, %mul3A_694 : i32
          %add3A_697 = arith.constant 16 : i32
          %add3A_698 = arith.addi %add3A_696, %add3A_697 : i32
          %get3A_699 = arith.index_cast %add3A_698 : i32 to index
          %get3A_700 = tpu.vector_load %arg7[%get3A_699] {strides = array<i32>} : memref<57344xf32, #tpu.memory_space<vmem>>, vector<16xf32>,
          %get3A_701 = vector.shape_cast %get3A_700 : vector<16xf32> to vector<16xf32>
          %mul3A_702 = arith.constant 16 : i32
          %mul3A_703 = arith.muli %scan3A_343, %mul3A_702 : i32
          %add3A_704 = arith.constant 10 : i32
          %add3A_705 = arith.addi %mul3A_703, %add3A_704 : i32
          %mul3A_706 = arith.constant 128 : i32
          %mul3A_707 = arith.muli %add3A_705, %mul3A_706 : i32
          %add3A_708 = arith.constant 28672 : i32
          %add3A_709 = arith.addi %add3A_708, %mul3A_707 : i32
          %add3A_710 = arith.constant 16 : i32
          %add3A_711 = arith.addi %add3A_709, %add3A_710 : i32
          %get3A_712 = arith.index_cast %add3A_711 : i32 to index
          %get3A_713 = tpu.vector_load %arg7[%get3A_712] {strides = array<i32>} : memref<57344xf32, #tpu.memory_space<vmem>>, vector<16xf32>,
          %get3A_714 = vector.shape_cast %get3A_713 : vector<16xf32> to vector<16xf32>
          %mul3A_715 = arith.constant 16 : i32
          %mul3A_716 = arith.muli %scan3A_343, %mul3A_715 : i32
          %add3A_717 = arith.constant 11 : i32
          %add3A_718 = arith.addi %mul3A_716, %add3A_717 : i32
          %mul3A_719 = arith.constant 128 : i32
          %mul3A_720 = arith.muli %add3A_718, %mul3A_719 : i32
          %add3A_721 = arith.constant 28672 : i32
          %add3A_722 = arith.addi %add3A_721, %mul3A_720 : i32
          %add3A_723 = arith.constant 16 : i32
          %add3A_724 = arith.addi %add3A_722, %add3A_723 : i32
          %get3A_725 = arith.index_cast %add3A_724 : i32 to index
          %get3A_726 = tpu.vector_load %arg7[%get3A_725] {strides = array<i32>} : memref<57344xf32, #tpu.memory_space<vmem>>, vector<16xf32>,
          %get3A_727 = vector.shape_cast %get3A_726 : vector<16xf32> to vector<16xf32>
          %mul3A_728 = arith.constant 16 : i32
          %mul3A_729 = arith.muli %scan3A_343, %mul3A_728 : i32
          %add3A_730 = arith.constant 12 : i32
          %add3A_731 = arith.addi %mul3A_729, %add3A_730 : i32
          %mul3A_732 = arith.constant 128 : i32
          %mul3A_733 = arith.muli %add3A_731, %mul3A_732 : i32
          %add3A_734 = arith.constant 28672 : i32
          %add3A_735 = arith.addi %add3A_734, %mul3A_733 : i32
          %add3A_736 = arith.constant 16 : i32
          %add3A_737 = arith.addi %add3A_735, %add3A_736 : i32
          %get3A_738 = arith.index_cast %add3A_737 : i32 to index
          %get3A_739 = tpu.vector_load %arg7[%get3A_738] {strides = array<i32>} : memref<57344xf32, #tpu.memory_space<vmem>>, vector<16xf32>,
          %get3A_740 = vector.shape_cast %get3A_739 : vector<16xf32> to vector<16xf32>
          %mul3A_741 = arith.constant 16 : i32
          %mul3A_742 = arith.muli %scan3A_343, %mul3A_741 : i32
          %add3A_743 = arith.constant 13 : i32
          %add3A_744 = arith.addi %mul3A_742, %add3A_743 : i32
          %mul3A_745 = arith.constant 128 : i32
          %mul3A_746 = arith.muli %add3A_744, %mul3A_745 : i32
          %add3A_747 = arith.constant 28672 : i32
          %add3A_748 = arith.addi %add3A_747, %mul3A_746 : i32
          %add3A_749 = arith.constant 16 : i32
          %add3A_750 = arith.addi %add3A_748, %add3A_749 : i32
          %get3A_751 = arith.index_cast %add3A_750 : i32 to index
          %get3A_752 = tpu.vector_load %arg7[%get3A_751] {strides = array<i32>} : memref<57344xf32, #tpu.memory_space<vmem>>, vector<16xf32>,
          %get3A_753 = vector.shape_cast %get3A_752 : vector<16xf32> to vector<16xf32>
          %mul3A_754 = arith.constant 16 : i32
          %mul3A_755 = arith.muli %scan3A_343, %mul3A_754 : i32
          %add3A_756 = arith.constant 14 : i32
          %add3A_757 = arith.addi %mul3A_755, %add3A_756 : i32
          %mul3A_758 = arith.constant 128 : i32
          %mul3A_759 = arith.muli %add3A_757, %mul3A_758 : i32
          %add3A_760 = arith.constant 28672 : i32
          %add3A_761 = arith.addi %add3A_760, %mul3A_759 : i32
          %add3A_762 = arith.constant 16 : i32
          %add3A_763 = arith.addi %add3A_761, %add3A_762 : i32
          %get3A_764 = arith.index_cast %add3A_763 : i32 to index
          %get3A_765 = tpu.vector_load %arg7[%get3A_764] {strides = array<i32>} : memref<57344xf32, #tpu.memory_space<vmem>>, vector<16xf32>,
          %get3A_766 = vector.shape_cast %get3A_765 : vector<16xf32> to vector<16xf32>
          %mul3A_767 = arith.constant 16 : i32
          %mul3A_768 = arith.muli %scan3A_343, %mul3A_767 : i32
          %add3A_769 = arith.constant 15 : i32
          %add3A_770 = arith.addi %mul3A_768, %add3A_769 : i32
          %mul3A_771 = arith.constant 128 : i32
          %mul3A_772 = arith.muli %add3A_770, %mul3A_771 : i32
          %add3A_773 = arith.constant 28672 : i32
          %add3A_774 = arith.addi %add3A_773, %mul3A_772 : i32
          %add3A_775 = arith.constant 16 : i32
          %add3A_776 = arith.addi %add3A_774, %add3A_775 : i32
          %get3A_777 = arith.index_cast %add3A_776 : i32 to index
          %get3A_778 = tpu.vector_load %arg7[%get3A_777] {strides = array<i32>} : memref<57344xf32, #tpu.memory_space<vmem>>, vector<16xf32>,
          %get3A_779 = vector.shape_cast %get3A_778 : vector<16xf32> to vector<16xf32>
          %max3A = arith.maximumf %get3A_376, %get3A_389 : vector<16xf32>
          %max3A_780 = arith.maximumf %get3A_402, %get3A_415 : vector<16xf32>
          %max3A_781 = arith.maximumf %get3A_428, %get3A_441 : vector<16xf32>
          %max3A_782 = arith.maximumf %get3A_454, %get3A_467 : vector<16xf32>
          %max3A_783 = arith.maximumf %get3A_480, %get3A_493 : vector<16xf32>
          %max3A_784 = arith.maximumf %get3A_506, %get3A_519 : vector<16xf32>
          %max3A_785 = arith.maximumf %get3A_532, %get3A_545 : vector<16xf32>
          %max3A_786 = arith.maximumf %get3A_558, %get3A_571 : vector<16xf32>
          %max3A_787 = arith.maximumf %max3A, %max3A_780 : vector<16xf32>
          %max3A_788 = arith.maximumf %max3A_781, %max3A_782 : vector<16xf32>
          %max3A_789 = arith.maximumf %max3A_783, %max3A_784 : vector<16xf32>
          %max3A_790 = arith.maximumf %max3A_785, %max3A_786 : vector<16xf32>
          %max3A_791 = arith.maximumf %max3A_787, %max3A_788 : vector<16xf32>
          %max3A_792 = arith.maximumf %max3A_789, %max3A_790 : vector<16xf32>
          %max3A_793 = arith.maximumf %max3A_791, %max3A_792 : vector<16xf32>
          %get3A_794 = arith.constant 0 : index
          %get3A_795 = tpu.vector_load %arg9[%get3A_794] {strides = array<i32>} : memref<128xf32, #tpu.memory_space<vmem>>, vector<16xf32>,
          %get3A_796 = vector.shape_cast %get3A_795 : vector<16xf32> to vector<16xf32>
          %max3A_797 = arith.maximumf %get3A_796, %max3A_793 : vector<16xf32>
          %swap3A_798 = arith.constant 0 : index
          %swap3A_799 = tpu.vector_load %arg9[%swap3A_798] {strides = array<i32>} : memref<128xf32, #tpu.memory_space<vmem>>, vector<16xf32>,
          %swap3A_800 = vector.shape_cast %swap3A_799 : vector<16xf32> to vector<16xf32>
          %swap3A_801 = vector.shape_cast %max3A_797 : vector<16xf32> to vector<16xf32>
          tpu.vector_store %arg9[%swap3A_798], %swap3A_801 {strides = array<i32>} : memref<128xf32, #tpu.memory_space<vmem>>, vector<16xf32>,
          %mul3A_802 = arith.constant 16 : i32
          %mul3A_803 = arith.muli %scan3A_343, %mul3A_802 : i32
          %add3A_804 = arith.constant 0 : i32
          %add3A_805 = arith.addi %mul3A_803, %add3A_804 : i32
          %mul3A_806 = arith.constant 128 : i32
          %mul3A_807 = arith.muli %add3A_805, %mul3A_806 : i32
          %add3A_808 = arith.constant 28672 : i32
          %add3A_809 = arith.addi %add3A_808, %mul3A_807 : i32
          %add3A_810 = arith.constant 32 : i32
          %add3A_811 = arith.addi %add3A_809, %add3A_810 : i32
          %get3A_812 = arith.index_cast %add3A_811 : i32 to index
          %get3A_813 = tpu.vector_load %arg7[%get3A_812] {strides = array<i32>} : memref<57344xf32, #tpu.memory_space<vmem>>, vector<16xf32>,
          %get3A_814 = vector.shape_cast %get3A_813 : vector<16xf32> to vector<16xf32>
          %mul3A_815 = arith.constant 16 : i32
          %mul3A_816 = arith.muli %scan3A_343, %mul3A_815 : i32
          %add3A_817 = arith.constant 1 : i32
          %add3A_818 = arith.addi %mul3A_816, %add3A_817 : i32
          %mul3A_819 = arith.constant 128 : i32
          %mul3A_820 = arith.muli %add3A_818, %mul3A_819 : i32
          %add3A_821 = arith.constant 28672 : i32
          %add3A_822 = arith.addi %add3A_821, %mul3A_820 : i32
          %add3A_823 = arith.constant 32 : i32
          %add3A_824 = arith.addi %add3A_822, %add3A_823 : i32
          %get3A_825 = arith.index_cast %add3A_824 : i32 to index
          %get3A_826 = tpu.vector_load %arg7[%get3A_825] {strides = array<i32>} : memref<57344xf32, #tpu.memory_space<vmem>>, vector<16xf32>,
          %get3A_827 = vector.shape_cast %get3A_826 : vector<16xf32> to vector<16xf32>
          %mul3A_828 = arith.constant 16 : i32
          %mul3A_829 = arith.muli %scan3A_343, %mul3A_828 : i32
          %add3A_830 = arith.constant 2 : i32
          %add3A_831 = arith.addi %mul3A_829, %add3A_830 : i32
          %mul3A_832 = arith.constant 128 : i32
          %mul3A_833 = arith.muli %add3A_831, %mul3A_832 : i32
          %add3A_834 = arith.constant 28672 : i32
          %add3A_835 = arith.addi %add3A_834, %mul3A_833 : i32
          %add3A_836 = arith.constant 32 : i32
          %add3A_837 = arith.addi %add3A_835, %add3A_836 : i32
          %get3A_838 = arith.index_cast %add3A_837 : i32 to index
          %get3A_839 = tpu.vector_load %arg7[%get3A_838] {strides = array<i32>} : memref<57344xf32, #tpu.memory_space<vmem>>, vector<16xf32>,
          %get3A_840 = vector.shape_cast %get3A_839 : vector<16xf32> to vector<16xf32>
          %mul3A_841 = arith.constant 16 : i32
          %mul3A_842 = arith.muli %scan3A_343, %mul3A_841 : i32
          %add3A_843 = arith.constant 3 : i32
          %add3A_844 = arith.addi %mul3A_842, %add3A_843 : i32
          %mul3A_845 = arith.constant 128 : i32
          %mul3A_846 = arith.muli %add3A_844, %mul3A_845 : i32
          %add3A_847 = arith.constant 28672 : i32
          %add3A_848 = arith.addi %add3A_847, %mul3A_846 : i32
          %add3A_849 = arith.constant 32 : i32
          %add3A_850 = arith.addi %add3A_848, %add3A_849 : i32
          %get3A_851 = arith.index_cast %add3A_850 : i32 to index
          %get3A_852 = tpu.vector_load %arg7[%get3A_851] {strides = array<i32>} : memref<57344xf32, #tpu.memory_space<vmem>>, vector<16xf32>,
          %get3A_853 = vector.shape_cast %get3A_852 : vector<16xf32> to vector<16xf32>
          %mul3A_854 = arith.constant 16 : i32
          %mul3A_855 = arith.muli %scan3A_343, %mul3A_854 : i32
          %add3A_856 = arith.constant 4 : i32
          %add3A_857 = arith.addi %mul3A_855, %add3A_856 : i32
          %mul3A_858 = arith.constant 128 : i32
          %mul3A_859 = arith.muli %add3A_857, %mul3A_858 : i32
          %add3A_860 = arith.constant 28672 : i32
          %add3A_861 = arith.addi %add3A_860, %mul3A_859 : i32
          %add3A_862 = arith.constant 32 : i32
          %add3A_863 = arith.addi %add3A_861, %add3A_862 : i32
          %get3A_864 = arith.index_cast %add3A_863 : i32 to index
          %get3A_865 = tpu.vector_load %arg7[%get3A_864] {strides = array<i32>} : memref<57344xf32, #tpu.memory_space<vmem>>, vector<16xf32>,
          %get3A_866 = vector.shape_cast %get3A_865 : vector<16xf32> to vector<16xf32>
          %mul3A_867 = arith.constant 16 : i32
          %mul3A_868 = arith.muli %scan3A_343, %mul3A_867 : i32
          %add3A_869 = arith.constant 5 : i32
          %add3A_870 = arith.addi %mul3A_868, %add3A_869 : i32
          %mul3A_871 = arith.constant 128 : i32
          %mul3A_872 = arith.muli %add3A_870, %mul3A_871 : i32
          %add3A_873 = arith.constant 28672 : i32
          %add3A_874 = arith.addi %add3A_873, %mul3A_872 : i32
          %add3A_875 = arith.constant 32 : i32
          %add3A_876 = arith.addi %add3A_874, %add3A_875 : i32
          %get3A_877 = arith.index_cast %add3A_876 : i32 to index
          %get3A_878 = tpu.vector_load %arg7[%get3A_877] {strides = array<i32>} : memref<57344xf32, #tpu.memory_space<vmem>>, vector<16xf32>,
          %get3A_879 = vector.shape_cast %get3A_878 : vector<16xf32> to vector<16xf32>
          %mul3A_880 = arith.constant 16 : i32
          %mul3A_881 = arith.muli %scan3A_343, %mul3A_880 : i32
          %add3A_882 = arith.constant 6 : i32
          %add3A_883 = arith.addi %mul3A_881, %add3A_882 : i32
          %mul3A_884 = arith.constant 128 : i32
          %mul3A_885 = arith.muli %add3A_883, %mul3A_884 : i32
          %add3A_886 = arith.constant 28672 : i32
          %add3A_887 = arith.addi %add3A_886, %mul3A_885 : i32
          %add3A_888 = arith.constant 32 : i32
          %add3A_889 = arith.addi %add3A_887, %add3A_888 : i32
          %get3A_890 = arith.index_cast %add3A_889 : i32 to index
          %get3A_891 = tpu.vector_load %arg7[%get3A_890] {strides = array<i32>} : memref<57344xf32, #tpu.memory_space<vmem>>, vector<16xf32>,
          %get3A_892 = vector.shape_cast %get3A_891 : vector<16xf32> to vector<16xf32>
          %mul3A_893 = arith.constant 16 : i32
          %mul3A_894 = arith.muli %scan3A_343, %mul3A_893 : i32
          %add3A_895 = arith.constant 7 : i32
          %add3A_896 = arith.addi %mul3A_894, %add3A_895 : i32
          %mul3A_897 = arith.constant 128 : i32
          %mul3A_898 = arith.muli %add3A_896, %mul3A_897 : i32
          %add3A_899 = arith.constant 28672 : i32
          %add3A_900 = arith.addi %add3A_899, %mul3A_898 : i32
          %add3A_901 = arith.constant 32 : i32
          %add3A_902 = arith.addi %add3A_900, %add3A_901 : i32
          %get3A_903 = arith.index_cast %add3A_902 : i32 to index
          %get3A_904 = tpu.vector_load %arg7[%get3A_903] {strides = array<i32>} : memref<57344xf32, #tpu.memory_space<vmem>>, vector<16xf32>,
          %get3A_905 = vector.shape_cast %get3A_904 : vector<16xf32> to vector<16xf32>
          %mul3A_906 = arith.constant 16 : i32
          %mul3A_907 = arith.muli %scan3A_343, %mul3A_906 : i32
          %add3A_908 = arith.constant 8 : i32
          %add3A_909 = arith.addi %mul3A_907, %add3A_908 : i32
          %mul3A_910 = arith.constant 128 : i32
          %mul3A_911 = arith.muli %add3A_909, %mul3A_910 : i32
          %add3A_912 = arith.constant 28672 : i32
          %add3A_913 = arith.addi %add3A_912, %mul3A_911 : i32
          %add3A_914 = arith.constant 32 : i32
          %add3A_915 = arith.addi %add3A_913, %add3A_914 : i32
          %get3A_916 = arith.index_cast %add3A_915 : i32 to index
          %get3A_917 = tpu.vector_load %arg7[%get3A_916] {strides = array<i32>} : memref<57344xf32, #tpu.memory_space<vmem>>, vector<16xf32>,
          %get3A_918 = vector.shape_cast %get3A_917 : vector<16xf32> to vector<16xf32>
          %mul3A_919 = arith.constant 16 : i32
          %mul3A_920 = arith.muli %scan3A_343, %mul3A_919 : i32
          %add3A_921 = arith.constant 9 : i32
          %add3A_922 = arith.addi %mul3A_920, %add3A_921 : i32
          %mul3A_923 = arith.constant 128 : i32
          %mul3A_924 = arith.muli %add3A_922, %mul3A_923 : i32
          %add3A_925 = arith.constant 28672 : i32
          %add3A_926 = arith.addi %add3A_925, %mul3A_924 : i32
          %add3A_927 = arith.constant 32 : i32
          %add3A_928 = arith.addi %add3A_926, %add3A_927 : i32
          %get3A_929 = arith.index_cast %add3A_928 : i32 to index
          %get3A_930 = tpu.vector_load %arg7[%get3A_929] {strides = array<i32>} : memref<57344xf32, #tpu.memory_space<vmem>>, vector<16xf32>,
          %get3A_931 = vector.shape_cast %get3A_930 : vector<16xf32> to vector<16xf32>
          %mul3A_932 = arith.constant 16 : i32
          %mul3A_933 = arith.muli %scan3A_343, %mul3A_932 : i32
          %add3A_934 = arith.constant 10 : i32
          %add3A_935 = arith.addi %mul3A_933, %add3A_934 : i32
          %mul3A_936 = arith.constant 128 : i32
          %mul3A_937 = arith.muli %add3A_935, %mul3A_936 : i32
          %add3A_938 = arith.constant 28672 : i32
          %add3A_939 = arith.addi %add3A_938, %mul3A_937 : i32
          %add3A_940 = arith.constant 32 : i32
          %add3A_941 = arith.addi %add3A_939, %add3A_940 : i32
          %get3A_942 = arith.index_cast %add3A_941 : i32 to index
          %get3A_943 = tpu.vector_load %arg7[%get3A_942] {strides = array<i32>} : memref<57344xf32, #tpu.memory_space<vmem>>, vector<16xf32>,
          %get3A_944 = vector.shape_cast %get3A_943 : vector<16xf32> to vector<16xf32>
          %mul3A_945 = arith.constant 16 : i32
          %mul3A_946 = arith.muli %scan3A_343, %mul3A_945 : i32
          %add3A_947 = arith.constant 11 : i32
          %add3A_948 = arith.addi %mul3A_946, %add3A_947 : i32
          %mul3A_949 = arith.constant 128 : i32
          %mul3A_950 = arith.muli %add3A_948, %mul3A_949 : i32
          %add3A_951 = arith.constant 28672 : i32
          %add3A_952 = arith.addi %add3A_951, %mul3A_950 : i32
          %add3A_953 = arith.constant 32 : i32
          %add3A_954 = arith.addi %add3A_952, %add3A_953 : i32
          %get3A_955 = arith.index_cast %add3A_954 : i32 to index
          %get3A_956 = tpu.vector_load %arg7[%get3A_955] {strides = array<i32>} : memref<57344xf32, #tpu.memory_space<vmem>>, vector<16xf32>,
          %get3A_957 = vector.shape_cast %get3A_956 : vector<16xf32> to vector<16xf32>
          %mul3A_958 = arith.constant 16 : i32
          %mul3A_959 = arith.muli %scan3A_343, %mul3A_958 : i32
          %add3A_960 = arith.constant 12 : i32
          %add3A_961 = arith.addi %mul3A_959, %add3A_960 : i32
          %mul3A_962 = arith.constant 128 : i32
          %mul3A_963 = arith.muli %add3A_961, %mul3A_962 : i32
          %add3A_964 = arith.constant 28672 : i32
          %add3A_965 = arith.addi %add3A_964, %mul3A_963 : i32
          %add3A_966 = arith.constant 32 : i32
          %add3A_967 = arith.addi %add3A_965, %add3A_966 : i32
          %get3A_968 = arith.index_cast %add3A_967 : i32 to index
          %get3A_969 = tpu.vector_load %arg7[%get3A_968] {strides = array<i32>} : memref<57344xf32, #tpu.memory_space<vmem>>, vector<16xf32>,
          %get3A_970 = vector.shape_cast %get3A_969 : vector<16xf32> to vector<16xf32>
          %mul3A_971 = arith.constant 16 : i32
          %mul3A_972 = arith.muli %scan3A_343, %mul3A_971 : i32
          %add3A_973 = arith.constant 13 : i32
          %add3A_974 = arith.addi %mul3A_972, %add3A_973 : i32
          %mul3A_975 = arith.constant 128 : i32
          %mul3A_976 = arith.muli %add3A_974, %mul3A_975 : i32
          %add3A_977 = arith.constant 28672 : i32
          %add3A_978 = arith.addi %add3A_977, %mul3A_976 : i32
          %add3A_979 = arith.constant 32 : i32
          %add3A_980 = arith.addi %add3A_978, %add3A_979 : i32
          %get3A_981 = arith.index_cast %add3A_980 : i32 to index
          %get3A_982 = tpu.vector_load %arg7[%get3A_981] {strides = array<i32>} : memref<57344xf32, #tpu.memory_space<vmem>>, vector<16xf32>,
          %get3A_983 = vector.shape_cast %get3A_982 : vector<16xf32> to vector<16xf32>
          %mul3A_984 = arith.constant 16 : i32
          %mul3A_985 = arith.muli %scan3A_343, %mul3A_984 : i32
          %add3A_986 = arith.constant 14 : i32
          %add3A_987 = arith.addi %mul3A_985, %add3A_986 : i32
          %mul3A_988 = arith.constant 128 : i32
          %mul3A_989 = arith.muli %add3A_987, %mul3A_988 : i32
          %add3A_990 = arith.constant 28672 : i32
          %add3A_991 = arith.addi %add3A_990, %mul3A_989 : i32
          %add3A_992 = arith.constant 32 : i32
          %add3A_993 = arith.addi %add3A_991, %add3A_992 : i32
          %get3A_994 = arith.index_cast %add3A_993 : i32 to index
          %get3A_995 = tpu.vector_load %arg7[%get3A_994] {strides = array<i32>} : memref<57344xf32, #tpu.memory_space<vmem>>, vector<16xf32>,
          %get3A_996 = vector.shape_cast %get3A_995 : vector<16xf32> to vector<16xf32>
          %mul3A_997 = arith.constant 16 : i32
          %mul3A_998 = arith.muli %scan3A_343, %mul3A_997 : i32
          %add3A_999 = arith.constant 15 : i32
          %add3A_1000 = arith.addi %mul3A_998, %add3A_999 : i32
          %mul3A_1001 = arith.constant 128 : i32
          %mul3A_1002 = arith.muli %add3A_1000, %mul3A_1001 : i32
          %add3A_1003 = arith.constant 28672 : i32
          %add3A_1004 = arith.addi %add3A_1003, %mul3A_1002 : i32
          %add3A_1005 = arith.constant 32 : i32
          %add3A_1006 = arith.addi %add3A_1004, %add3A_1005 : i32
          %get3A_1007 = arith.index_cast %add3A_1006 : i32 to index
          %get3A_1008 = tpu.vector_load %arg7[%get3A_1007] {strides = array<i32>} : memref<57344xf32, #tpu.memory_space<vmem>>, vector<16xf32>,
          %get3A_1009 = vector.shape_cast %get3A_1008 : vector<16xf32> to vector<16xf32>
          %max3A_1010 = arith.maximumf %get3A_584, %get3A_597 : vector<16xf32>
          %max3A_1011 = arith.maximumf %get3A_610, %get3A_623 : vector<16xf32>
          %max3A_1012 = arith.maximumf %get3A_636, %get3A_649 : vector<16xf32>
          %max3A_1013 = arith.maximumf %get3A_662, %get3A_675 : vector<16xf32>
          %max3A_1014 = arith.maximumf %get3A_688, %get3A_701 : vector<16xf32>
          %max3A_1015 = arith.maximumf %get3A_714, %get3A_727 : vector<16xf32>
          %max3A_1016 = arith.maximumf %get3A_740, %get3A_753 : vector<16xf32>
          %max3A_1017 = arith.maximumf %get3A_766, %get3A_779 : vector<16xf32>
          %max3A_1018 = arith.maximumf %max3A_1010, %max3A_1011 : vector<16xf32>
          %max3A_1019 = arith.maximumf %max3A_1012, %max3A_1013 : vector<16xf32>
          %max3A_1020 = arith.maximumf %max3A_1014, %max3A_1015 : vector<16xf32>
          %max3A_1021 = arith.maximumf %max3A_1016, %max3A_1017 : vector<16xf32>
          %max3A_1022 = arith.maximumf %max3A_1018, %max3A_1019 : vector<16xf32>
          %max3A_1023 = arith.maximumf %max3A_1020, %max3A_1021 : vector<16xf32>
          %max3A_1024 = arith.maximumf %max3A_1022, %max3A_1023 : vector<16xf32>
          %get3A_1025 = arith.constant 16 : index
          %get3A_1026 = tpu.vector_load %arg9[%get3A_1025] {strides = array<i32>} : memref<128xf32, #tpu.memory_space<vmem>>, vector<16xf32>,
          %get3A_1027 = vector.shape_cast %get3A_1026 : vector<16xf32> to vector<16xf32>
          %max3A_1028 = arith.maximumf %get3A_1027, %max3A_1024 : vector<16xf32>
          %swap3A_1029 = arith.constant 16 : index
          %swap3A_1030 = tpu.vector_load %arg9[%swap3A_1029] {strides = array<i32>} : memref<128xf32, #tpu.memory_space<vmem>>, vector<16xf32>,
          %swap3A_1031 = vector.shape_cast %swap3A_1030 : vector<16xf32> to vector<16xf32>
          %swap3A_1032 = vector.shape_cast %max3A_1028 : vector<16xf32> to vector<16xf32>
          tpu.vector_store %arg9[%swap3A_1029], %swap3A_1032 {strides = array<i32>} : memref<128xf32, #tpu.memory_space<vmem>>, vector<16xf32>,
          %mul3A_1033 = arith.constant 16 : i32
          %mul3A_1034 = arith.muli %scan3A_343, %mul3A_1033 : i32
          %add3A_1035 = arith.constant 0 : i32
          %add3A_1036 = arith.addi %mul3A_1034, %add3A_1035 : i32
          %mul3A_1037 = arith.constant 128 : i32
          %mul3A_1038 = arith.muli %add3A_1036, %mul3A_1037 : i32
          %add3A_1039 = arith.constant 28672 : i32
          %add3A_1040 = arith.addi %add3A_1039, %mul3A_1038 : i32
          %add3A_1041 = arith.constant 48 : i32
          %add3A_1042 = arith.addi %add3A_1040, %add3A_1041 : i32
          %get3A_1043 = arith.index_cast %add3A_1042 : i32 to index
          %get3A_1044 = tpu.vector_load %arg7[%get3A_1043] {strides = array<i32>} : memref<57344xf32, #tpu.memory_space<vmem>>, vector<16xf32>,
          %get3A_1045 = vector.shape_cast %get3A_1044 : vector<16xf32> to vector<16xf32>
          %mul3A_1046 = arith.constant 16 : i32
          %mul3A_1047 = arith.muli %scan3A_343, %mul3A_1046 : i32
          %add3A_1048 = arith.constant 1 : i32
          %add3A_1049 = arith.addi %mul3A_1047, %add3A_1048 : i32
          %mul3A_1050 = arith.constant 128 : i32
          %mul3A_1051 = arith.muli %add3A_1049, %mul3A_1050 : i32
          %add3A_1052 = arith.constant 28672 : i32
          %add3A_1053 = arith.addi %add3A_1052, %mul3A_1051 : i32
          %add3A_1054 = arith.constant 48 : i32
          %add3A_1055 = arith.addi %add3A_1053, %add3A_1054 : i32
          %get3A_1056 = arith.index_cast %add3A_1055 : i32 to index
          %get3A_1057 = tpu.vector_load %arg7[%get3A_1056] {strides = array<i32>} : memref<57344xf32, #tpu.memory_space<vmem>>, vector<16xf32>,
          %get3A_1058 = vector.shape_cast %get3A_1057 : vector<16xf32> to vector<16xf32>
          %mul3A_1059 = arith.constant 16 : i32
          %mul3A_1060 = arith.muli %scan3A_343, %mul3A_1059 : i32
          %add3A_1061 = arith.constant 2 : i32
          %add3A_1062 = arith.addi %mul3A_1060, %add3A_1061 : i32
          %mul3A_1063 = arith.constant 128 : i32
          %mul3A_1064 = arith.muli %add3A_1062, %mul3A_1063 : i32
          %add3A_1065 = arith.constant 28672 : i32
          %add3A_1066 = arith.addi %add3A_1065, %mul3A_1064 : i32
          %add3A_1067 = arith.constant 48 : i32
          %add3A_1068 = arith.addi %add3A_1066, %add3A_1067 : i32
          %get3A_1069 = arith.index_cast %add3A_1068 : i32 to index
          %get3A_1070 = tpu.vector_load %arg7[%get3A_1069] {strides = array<i32>} : memref<57344xf32, #tpu.memory_space<vmem>>, vector<16xf32>,
          %get3A_1071 = vector.shape_cast %get3A_1070 : vector<16xf32> to vector<16xf32>
          %mul3A_1072 = arith.constant 16 : i32
          %mul3A_1073 = arith.muli %scan3A_343, %mul3A_1072 : i32
          %add3A_1074 = arith.constant 3 : i32
          %add3A_1075 = arith.addi %mul3A_1073, %add3A_1074 : i32
          %mul3A_1076 = arith.constant 128 : i32
          %mul3A_1077 = arith.muli %add3A_1075, %mul3A_1076 : i32
          %add3A_1078 = arith.constant 28672 : i32
          %add3A_1079 = arith.addi %add3A_1078, %mul3A_1077 : i32
          %add3A_1080 = arith.constant 48 : i32
          %add3A_1081 = arith.addi %add3A_1079, %add3A_1080 : i32
          %get3A_1082 = arith.index_cast %add3A_1081 : i32 to index
          %get3A_1083 = tpu.vector_load %arg7[%get3A_1082] {strides = array<i32>} : memref<57344xf32, #tpu.memory_space<vmem>>, vector<16xf32>,
          %get3A_1084 = vector.shape_cast %get3A_1083 : vector<16xf32> to vector<16xf32>
          %mul3A_1085 = arith.constant 16 : i32
          %mul3A_1086 = arith.muli %scan3A_343, %mul3A_1085 : i32
          %add3A_1087 = arith.constant 4 : i32
          %add3A_1088 = arith.addi %mul3A_1086, %add3A_1087 : i32
          %mul3A_1089 = arith.constant 128 : i32
          %mul3A_1090 = arith.muli %add3A_1088, %mul3A_1089 : i32
          %add3A_1091 = arith.constant 28672 : i32
          %add3A_1092 = arith.addi %add3A_1091, %mul3A_1090 : i32
          %add3A_1093 = arith.constant 48 : i32
          %add3A_1094 = arith.addi %add3A_1092, %add3A_1093 : i32
          %get3A_1095 = arith.index_cast %add3A_1094 : i32 to index
          %get3A_1096 = tpu.vector_load %arg7[%get3A_1095] {strides = array<i32>} : memref<57344xf32, #tpu.memory_space<vmem>>, vector<16xf32>,
          %get3A_1097 = vector.shape_cast %get3A_1096 : vector<16xf32> to vector<16xf32>
          %mul3A_1098 = arith.constant 16 : i32
          %mul3A_1099 = arith.muli %scan3A_343, %mul3A_1098 : i32
          %add3A_1100 = arith.constant 5 : i32
          %add3A_1101 = arith.addi %mul3A_1099, %add3A_1100 : i32
          %mul3A_1102 = arith.constant 128 : i32
          %mul3A_1103 = arith.muli %add3A_1101, %mul3A_1102 : i32
          %add3A_1104 = arith.constant 28672 : i32
          %add3A_1105 = arith.addi %add3A_1104, %mul3A_1103 : i32
          %add3A_1106 = arith.constant 48 : i32
          %add3A_1107 = arith.addi %add3A_1105, %add3A_1106 : i32
          %get3A_1108 = arith.index_cast %add3A_1107 : i32 to index
          %get3A_1109 = tpu.vector_load %arg7[%get3A_1108] {strides = array<i32>} : memref<57344xf32, #tpu.memory_space<vmem>>, vector<16xf32>,
          %get3A_1110 = vector.shape_cast %get3A_1109 : vector<16xf32> to vector<16xf32>
          %mul3A_1111 = arith.constant 16 : i32
          %mul3A_1112 = arith.muli %scan3A_343, %mul3A_1111 : i32
          %add3A_1113 = arith.constant 6 : i32
          %add3A_1114 = arith.addi %mul3A_1112, %add3A_1113 : i32
          %mul3A_1115 = arith.constant 128 : i32
          %mul3A_1116 = arith.muli %add3A_1114, %mul3A_1115 : i32
          %add3A_1117 = arith.constant 28672 : i32
          %add3A_1118 = arith.addi %add3A_1117, %mul3A_1116 : i32
          %add3A_1119 = arith.constant 48 : i32
          %add3A_1120 = arith.addi %add3A_1118, %add3A_1119 : i32
          %get3A_1121 = arith.index_cast %add3A_1120 : i32 to index
          %get3A_1122 = tpu.vector_load %arg7[%get3A_1121] {strides = array<i32>} : memref<57344xf32, #tpu.memory_space<vmem>>, vector<16xf32>,
          %get3A_1123 = vector.shape_cast %get3A_1122 : vector<16xf32> to vector<16xf32>
          %mul3A_1124 = arith.constant 16 : i32
          %mul3A_1125 = arith.muli %scan3A_343, %mul3A_1124 : i32
          %add3A_1126 = arith.constant 7 : i32
          %add3A_1127 = arith.addi %mul3A_1125, %add3A_1126 : i32
          %mul3A_1128 = arith.constant 128 : i32
          %mul3A_1129 = arith.muli %add3A_1127, %mul3A_1128 : i32
          %add3A_1130 = arith.constant 28672 : i32
          %add3A_1131 = arith.addi %add3A_1130, %mul3A_1129 : i32
          %add3A_1132 = arith.constant 48 : i32
          %add3A_1133 = arith.addi %add3A_1131, %add3A_1132 : i32
          %get3A_1134 = arith.index_cast %add3A_1133 : i32 to index
          %get3A_1135 = tpu.vector_load %arg7[%get3A_1134] {strides = array<i32>} : memref<57344xf32, #tpu.memory_space<vmem>>, vector<16xf32>,
          %get3A_1136 = vector.shape_cast %get3A_1135 : vector<16xf32> to vector<16xf32>
          %mul3A_1137 = arith.constant 16 : i32
          %mul3A_1138 = arith.muli %scan3A_343, %mul3A_1137 : i32
          %add3A_1139 = arith.constant 8 : i32
          %add3A_1140 = arith.addi %mul3A_1138, %add3A_1139 : i32
          %mul3A_1141 = arith.constant 128 : i32
          %mul3A_1142 = arith.muli %add3A_1140, %mul3A_1141 : i32
          %add3A_1143 = arith.constant 28672 : i32
          %add3A_1144 = arith.addi %add3A_1143, %mul3A_1142 : i32
          %add3A_1145 = arith.constant 48 : i32
          %add3A_1146 = arith.addi %add3A_1144, %add3A_1145 : i32
          %get3A_1147 = arith.index_cast %add3A_1146 : i32 to index
          %get3A_1148 = tpu.vector_load %arg7[%get3A_1147] {strides = array<i32>} : memref<57344xf32, #tpu.memory_space<vmem>>, vector<16xf32>,
          %get3A_1149 = vector.shape_cast %get3A_1148 : vector<16xf32> to vector<16xf32>
          %mul3A_1150 = arith.constant 16 : i32
          %mul3A_1151 = arith.muli %scan3A_343, %mul3A_1150 : i32
          %add3A_1152 = arith.constant 9 : i32
          %add3A_1153 = arith.addi %mul3A_1151, %add3A_1152 : i32
          %mul3A_1154 = arith.constant 128 : i32
          %mul3A_1155 = arith.muli %add3A_1153, %mul3A_1154 : i32
          %add3A_1156 = arith.constant 28672 : i32
          %add3A_1157 = arith.addi %add3A_1156, %mul3A_1155 : i32
          %add3A_1158 = arith.constant 48 : i32
          %add3A_1159 = arith.addi %add3A_1157, %add3A_1158 : i32
          %get3A_1160 = arith.index_cast %add3A_1159 : i32 to index
          %get3A_1161 = tpu.vector_load %arg7[%get3A_1160] {strides = array<i32>} : memref<57344xf32, #tpu.memory_space<vmem>>, vector<16xf32>,
          %get3A_1162 = vector.shape_cast %get3A_1161 : vector<16xf32> to vector<16xf32>
          %mul3A_1163 = arith.constant 16 : i32
          %mul3A_1164 = arith.muli %scan3A_343, %mul3A_1163 : i32
          %add3A_1165 = arith.constant 10 : i32
          %add3A_1166 = arith.addi %mul3A_1164, %add3A_1165 : i32
          %mul3A_1167 = arith.constant 128 : i32
          %mul3A_1168 = arith.muli %add3A_1166, %mul3A_1167 : i32
          %add3A_1169 = arith.constant 28672 : i32
          %add3A_1170 = arith.addi %add3A_1169, %mul3A_1168 : i32
          %add3A_1171 = arith.constant 48 : i32
          %add3A_1172 = arith.addi %add3A_1170, %add3A_1171 : i32
          %get3A_1173 = arith.index_cast %add3A_1172 : i32 to index
          %get3A_1174 = tpu.vector_load %arg7[%get3A_1173] {strides = array<i32>} : memref<57344xf32, #tpu.memory_space<vmem>>, vector<16xf32>,
          %get3A_1175 = vector.shape_cast %get3A_1174 : vector<16xf32> to vector<16xf32>
          %mul3A_1176 = arith.constant 16 : i32
          %mul3A_1177 = arith.muli %scan3A_343, %mul3A_1176 : i32
          %add3A_1178 = arith.constant 11 : i32
          %add3A_1179 = arith.addi %mul3A_1177, %add3A_1178 : i32
          %mul3A_1180 = arith.constant 128 : i32
          %mul3A_1181 = arith.muli %add3A_1179, %mul3A_1180 : i32
          %add3A_1182 = arith.constant 28672 : i32
          %add3A_1183 = arith.addi %add3A_1182, %mul3A_1181 : i32
          %add3A_1184 = arith.constant 48 : i32
          %add3A_1185 = arith.addi %add3A_1183, %add3A_1184 : i32
          %get3A_1186 = arith.index_cast %add3A_1185 : i32 to index
          %get3A_1187 = tpu.vector_load %arg7[%get3A_1186] {strides = array<i32>} : memref<57344xf32, #tpu.memory_space<vmem>>, vector<16xf32>,
          %get3A_1188 = vector.shape_cast %get3A_1187 : vector<16xf32> to vector<16xf32>
          %mul3A_1189 = arith.constant 16 : i32
          %mul3A_1190 = arith.muli %scan3A_343, %mul3A_1189 : i32
          %add3A_1191 = arith.constant 12 : i32
          %add3A_1192 = arith.addi %mul3A_1190, %add3A_1191 : i32
          %mul3A_1193 = arith.constant 128 : i32
          %mul3A_1194 = arith.muli %add3A_1192, %mul3A_1193 : i32
          %add3A_1195 = arith.constant 28672 : i32
          %add3A_1196 = arith.addi %add3A_1195, %mul3A_1194 : i32
          %add3A_1197 = arith.constant 48 : i32
          %add3A_1198 = arith.addi %add3A_1196, %add3A_1197 : i32
          %get3A_1199 = arith.index_cast %add3A_1198 : i32 to index
          %get3A_1200 = tpu.vector_load %arg7[%get3A_1199] {strides = array<i32>} : memref<57344xf32, #tpu.memory_space<vmem>>, vector<16xf32>,
          %get3A_1201 = vector.shape_cast %get3A_1200 : vector<16xf32> to vector<16xf32>
          %mul3A_1202 = arith.constant 16 : i32
          %mul3A_1203 = arith.muli %scan3A_343, %mul3A_1202 : i32
          %add3A_1204 = arith.constant 13 : i32
          %add3A_1205 = arith.addi %mul3A_1203, %add3A_1204 : i32
          %mul3A_1206 = arith.constant 128 : i32
          %mul3A_1207 = arith.muli %add3A_1205, %mul3A_1206 : i32
          %add3A_1208 = arith.constant 28672 : i32
          %add3A_1209 = arith.addi %add3A_1208, %mul3A_1207 : i32
          %add3A_1210 = arith.constant 48 : i32
          %add3A_1211 = arith.addi %add3A_1209, %add3A_1210 : i32
          %get3A_1212 = arith.index_cast %add3A_1211 : i32 to index
          %get3A_1213 = tpu.vector_load %arg7[%get3A_1212] {strides = array<i32>} : memref<57344xf32, #tpu.memory_space<vmem>>, vector<16xf32>,
          %get3A_1214 = vector.shape_cast %get3A_1213 : vector<16xf32> to vector<16xf32>
          %mul3A_1215 = arith.constant 16 : i32
          %mul3A_1216 = arith.muli %scan3A_343, %mul3A_1215 : i32
          %add3A_1217 = arith.constant 14 : i32
          %add3A_1218 = arith.addi %mul3A_1216, %add3A_1217 : i32
          %mul3A_1219 = arith.constant 128 : i32
          %mul3A_1220 = arith.muli %add3A_1218, %mul3A_1219 : i32
          %add3A_1221 = arith.constant 28672 : i32
          %add3A_1222 = arith.addi %add3A_1221, %mul3A_1220 : i32
          %add3A_1223 = arith.constant 48 : i32
          %add3A_1224 = arith.addi %add3A_1222, %add3A_1223 : i32
          %get3A_1225 = arith.index_cast %add3A_1224 : i32 to index
          %get3A_1226 = tpu.vector_load %arg7[%get3A_1225] {strides = array<i32>} : memref<57344xf32, #tpu.memory_space<vmem>>, vector<16xf32>,
          %get3A_1227 = vector.shape_cast %get3A_1226 : vector<16xf32> to vector<16xf32>
          %mul3A_1228 = arith.constant 16 : i32
          %mul3A_1229 = arith.muli %scan3A_343, %mul3A_1228 : i32
          %add3A_1230 = arith.constant 15 : i32
          %add3A_1231 = arith.addi %mul3A_1229, %add3A_1230 : i32
          %mul3A_1232 = arith.constant 128 : i32
          %mul3A_1233 = arith.muli %add3A_1231, %mul3A_1232 : i32
          %add3A_1234 = arith.constant 28672 : i32
          %add3A_1235 = arith.addi %add3A_1234, %mul3A_1233 : i32
          %add3A_1236 = arith.constant 48 : i32
          %add3A_1237 = arith.addi %add3A_1235, %add3A_1236 : i32
          %get3A_1238 = arith.index_cast %add3A_1237 : i32 to index
          %get3A_1239 = tpu.vector_load %arg7[%get3A_1238] {strides = array<i32>} : memref<57344xf32, #tpu.memory_space<vmem>>, vector<16xf32>,
          %get3A_1240 = vector.shape_cast %get3A_1239 : vector<16xf32> to vector<16xf32>
          %max3A_1241 = arith.maximumf %get3A_814, %get3A_827 : vector<16xf32>
          %max3A_1242 = arith.maximumf %get3A_840, %get3A_853 : vector<16xf32>
          %max3A_1243 = arith.maximumf %get3A_866, %get3A_879 : vector<16xf32>
          %max3A_1244 = arith.maximumf %get3A_892, %get3A_905 : vector<16xf32>
          %max3A_1245 = arith.maximumf %get3A_918, %get3A_931 : vector<16xf32>
          %max3A_1246 = arith.maximumf %get3A_944, %get3A_957 : vector<16xf32>
          %max3A_1247 = arith.maximumf %get3A_970, %get3A_983 : vector<16xf32>
          %max3A_1248 = arith.maximumf %get3A_996, %get3A_1009 : vector<16xf32>
          %max3A_1249 = arith.maximumf %max3A_1241, %max3A_1242 : vector<16xf32>
          %max3A_1250 = arith.maximumf %max3A_1243, %max3A_1244 : vector<16xf32>
          %max3A_1251 = arith.maximumf %max3A_1245, %max3A_1246 : vector<16xf32>
          %max3A_1252 = arith.maximumf %max3A_1247, %max3A_1248 : vector<16xf32>
          %max3A_1253 = arith.maximumf %max3A_1249, %max3A_1250 : vector<16xf32>
          %max3A_1254 = arith.maximumf %max3A_1251, %max3A_1252 : vector<16xf32>
          %max3A_1255 = arith.maximumf %max3A_1253, %max3A_1254 : vector<16xf32>
          %get3A_1256 = arith.constant 32 : index
          %get3A_1257 = tpu.vector_load %arg9[%get3A_1256] {strides = array<i32>} : memref<128xf32, #tpu.memory_space<vmem>>, vector<16xf32>,
          %get3A_1258 = vector.shape_cast %get3A_1257 : vector<16xf32> to vector<16xf32>
          %max3A_1259 = arith.maximumf %get3A_1258, %max3A_1255 : vector<16xf32>
          %swap3A_1260 = arith.constant 32 : index
          %swap3A_1261 = tpu.vector_load %arg9[%swap3A_1260] {strides = array<i32>} : memref<128xf32, #tpu.memory_space<vmem>>, vector<16xf32>,
          %swap3A_1262 = vector.shape_cast %swap3A_1261 : vector<16xf32> to vector<16xf32>
          %swap3A_1263 = vector.shape_cast %max3A_1259 : vector<16xf32> to vector<16xf32>
          tpu.vector_store %arg9[%swap3A_1260], %swap3A_1263 {strides = array<i32>} : memref<128xf32, #tpu.memory_space<vmem>>, vector<16xf32>,
          %mul3A_1264 = arith.constant 16 : i32
          %mul3A_1265 = arith.muli %scan3A_343, %mul3A_1264 : i32
          %add3A_1266 = arith.constant 0 : i32
          %add3A_1267 = arith.addi %mul3A_1265, %add3A_1266 : i32
          %mul3A_1268 = arith.constant 128 : i32
          %mul3A_1269 = arith.muli %add3A_1267, %mul3A_1268 : i32
          %add3A_1270 = arith.constant 28672 : i32
          %add3A_1271 = arith.addi %add3A_1270, %mul3A_1269 : i32
          %add3A_1272 = arith.constant 64 : i32
          %add3A_1273 = arith.addi %add3A_1271, %add3A_1272 : i32
          %get3A_1274 = arith.index_cast %add3A_1273 : i32 to index
          %get3A_1275 = tpu.vector_load %arg7[%get3A_1274] {strides = array<i32>} : memref<57344xf32, #tpu.memory_space<vmem>>, vector<16xf32>,
          %get3A_1276 = vector.shape_cast %get3A_1275 : vector<16xf32> to vector<16xf32>
          %mul3A_1277 = arith.constant 16 : i32
          %mul3A_1278 = arith.muli %scan3A_343, %mul3A_1277 : i32
          %add3A_1279 = arith.constant 1 : i32
          %add3A_1280 = arith.addi %mul3A_1278, %add3A_1279 : i32
          %mul3A_1281 = arith.constant 128 : i32
          %mul3A_1282 = arith.muli %add3A_1280, %mul3A_1281 : i32
          %add3A_1283 = arith.constant 28672 : i32
          %add3A_1284 = arith.addi %add3A_1283, %mul3A_1282 : i32
          %add3A_1285 = arith.constant 64 : i32
          %add3A_1286 = arith.addi %add3A_1284, %add3A_1285 : i32
          %get3A_1287 = arith.index_cast %add3A_1286 : i32 to index
          %get3A_1288 = tpu.vector_load %arg7[%get3A_1287] {strides = array<i32>} : memref<57344xf32, #tpu.memory_space<vmem>>, vector<16xf32>,
          %get3A_1289 = vector.shape_cast %get3A_1288 : vector<16xf32> to vector<16xf32>
          %mul3A_1290 = arith.constant 16 : i32
          %mul3A_1291 = arith.muli %scan3A_343, %mul3A_1290 : i32
          %add3A_1292 = arith.constant 2 : i32
          %add3A_1293 = arith.addi %mul3A_1291, %add3A_1292 : i32
          %mul3A_1294 = arith.constant 128 : i32
          %mul3A_1295 = arith.muli %add3A_1293, %mul3A_1294 : i32
          %add3A_1296 = arith.constant 28672 : i32
          %add3A_1297 = arith.addi %add3A_1296, %mul3A_1295 : i32
          %add3A_1298 = arith.constant 64 : i32
          %add3A_1299 = arith.addi %add3A_1297, %add3A_1298 : i32
          %get3A_1300 = arith.index_cast %add3A_1299 : i32 to index
          %get3A_1301 = tpu.vector_load %arg7[%get3A_1300] {strides = array<i32>} : memref<57344xf32, #tpu.memory_space<vmem>>, vector<16xf32>,
          %get3A_1302 = vector.shape_cast %get3A_1301 : vector<16xf32> to vector<16xf32>
          %mul3A_1303 = arith.constant 16 : i32
          %mul3A_1304 = arith.muli %scan3A_343, %mul3A_1303 : i32
          %add3A_1305 = arith.constant 3 : i32
          %add3A_1306 = arith.addi %mul3A_1304, %add3A_1305 : i32
          %mul3A_1307 = arith.constant 128 : i32
          %mul3A_1308 = arith.muli %add3A_1306, %mul3A_1307 : i32
          %add3A_1309 = arith.constant 28672 : i32
          %add3A_1310 = arith.addi %add3A_1309, %mul3A_1308 : i32
          %add3A_1311 = arith.constant 64 : i32
          %add3A_1312 = arith.addi %add3A_1310, %add3A_1311 : i32
          %get3A_1313 = arith.index_cast %add3A_1312 : i32 to index
          %get3A_1314 = tpu.vector_load %arg7[%get3A_1313] {strides = array<i32>} : memref<57344xf32, #tpu.memory_space<vmem>>, vector<16xf32>,
          %get3A_1315 = vector.shape_cast %get3A_1314 : vector<16xf32> to vector<16xf32>
          %mul3A_1316 = arith.constant 16 : i32
          %mul3A_1317 = arith.muli %scan3A_343, %mul3A_1316 : i32
          %add3A_1318 = arith.constant 4 : i32
          %add3A_1319 = arith.addi %mul3A_1317, %add3A_1318 : i32
          %mul3A_1320 = arith.constant 128 : i32
          %mul3A_1321 = arith.muli %add3A_1319, %mul3A_1320 : i32
          %add3A_1322 = arith.constant 28672 : i32
          %add3A_1323 = arith.addi %add3A_1322, %mul3A_1321 : i32
          %add3A_1324 = arith.constant 64 : i32
          %add3A_1325 = arith.addi %add3A_1323, %add3A_1324 : i32
          %get3A_1326 = arith.index_cast %add3A_1325 : i32 to index
          %get3A_1327 = tpu.vector_load %arg7[%get3A_1326] {strides = array<i32>} : memref<57344xf32, #tpu.memory_space<vmem>>, vector<16xf32>,
          %get3A_1328 = vector.shape_cast %get3A_1327 : vector<16xf32> to vector<16xf32>
          %mul3A_1329 = arith.constant 16 : i32
          %mul3A_1330 = arith.muli %scan3A_343, %mul3A_1329 : i32
          %add3A_1331 = arith.constant 5 : i32
          %add3A_1332 = arith.addi %mul3A_1330, %add3A_1331 : i32
          %mul3A_1333 = arith.constant 128 : i32
          %mul3A_1334 = arith.muli %add3A_1332, %mul3A_1333 : i32
          %add3A_1335 = arith.constant 28672 : i32
          %add3A_1336 = arith.addi %add3A_1335, %mul3A_1334 : i32
          %add3A_1337 = arith.constant 64 : i32
          %add3A_1338 = arith.addi %add3A_1336, %add3A_1337 : i32
          %get3A_1339 = arith.index_cast %add3A_1338 : i32 to index
          %get3A_1340 = tpu.vector_load %arg7[%get3A_1339] {strides = array<i32>} : memref<57344xf32, #tpu.memory_space<vmem>>, vector<16xf32>,
          %get3A_1341 = vector.shape_cast %get3A_1340 : vector<16xf32> to vector<16xf32>
          %mul3A_1342 = arith.constant 16 : i32
          %mul3A_1343 = arith.muli %scan3A_343, %mul3A_1342 : i32
          %add3A_1344 = arith.constant 6 : i32
          %add3A_1345 = arith.addi %mul3A_1343, %add3A_1344 : i32
          %mul3A_1346 = arith.constant 128 : i32
          %mul3A_1347 = arith.muli %add3A_1345, %mul3A_1346 : i32
          %add3A_1348 = arith.constant 28672 : i32
          %add3A_1349 = arith.addi %add3A_1348, %mul3A_1347 : i32
          %add3A_1350 = arith.constant 64 : i32
          %add3A_1351 = arith.addi %add3A_1349, %add3A_1350 : i32
          %get3A_1352 = arith.index_cast %add3A_1351 : i32 to index
          %get3A_1353 = tpu.vector_load %arg7[%get3A_1352] {strides = array<i32>} : memref<57344xf32, #tpu.memory_space<vmem>>, vector<16xf32>,
          %get3A_1354 = vector.shape_cast %get3A_1353 : vector<16xf32> to vector<16xf32>
          %mul3A_1355 = arith.constant 16 : i32
          %mul3A_1356 = arith.muli %scan3A_343, %mul3A_1355 : i32
          %add3A_1357 = arith.constant 7 : i32
          %add3A_1358 = arith.addi %mul3A_1356, %add3A_1357 : i32
          %mul3A_1359 = arith.constant 128 : i32
          %mul3A_1360 = arith.muli %add3A_1358, %mul3A_1359 : i32
          %add3A_1361 = arith.constant 28672 : i32
          %add3A_1362 = arith.addi %add3A_1361, %mul3A_1360 : i32
          %add3A_1363 = arith.constant 64 : i32
          %add3A_1364 = arith.addi %add3A_1362, %add3A_1363 : i32
          %get3A_1365 = arith.index_cast %add3A_1364 : i32 to index
          %get3A_1366 = tpu.vector_load %arg7[%get3A_1365] {strides = array<i32>} : memref<57344xf32, #tpu.memory_space<vmem>>, vector<16xf32>,
          %get3A_1367 = vector.shape_cast %get3A_1366 : vector<16xf32> to vector<16xf32>
          %mul3A_1368 = arith.constant 16 : i32
          %mul3A_1369 = arith.muli %scan3A_343, %mul3A_1368 : i32
          %add3A_1370 = arith.constant 8 : i32
          %add3A_1371 = arith.addi %mul3A_1369, %add3A_1370 : i32
          %mul3A_1372 = arith.constant 128 : i32
          %mul3A_1373 = arith.muli %add3A_1371, %mul3A_1372 : i32
          %add3A_1374 = arith.constant 28672 : i32
          %add3A_1375 = arith.addi %add3A_1374, %mul3A_1373 : i32
          %add3A_1376 = arith.constant 64 : i32
          %add3A_1377 = arith.addi %add3A_1375, %add3A_1376 : i32
          %get3A_1378 = arith.index_cast %add3A_1377 : i32 to index
          %get3A_1379 = tpu.vector_load %arg7[%get3A_1378] {strides = array<i32>} : memref<57344xf32, #tpu.memory_space<vmem>>, vector<16xf32>,
          %get3A_1380 = vector.shape_cast %get3A_1379 : vector<16xf32> to vector<16xf32>
          %mul3A_1381 = arith.constant 16 : i32
          %mul3A_1382 = arith.muli %scan3A_343, %mul3A_1381 : i32
          %add3A_1383 = arith.constant 9 : i32
          %add3A_1384 = arith.addi %mul3A_1382, %add3A_1383 : i32
          %mul3A_1385 = arith.constant 128 : i32
          %mul3A_1386 = arith.muli %add3A_1384, %mul3A_1385 : i32
          %add3A_1387 = arith.constant 28672 : i32
          %add3A_1388 = arith.addi %add3A_1387, %mul3A_1386 : i32
          %add3A_1389 = arith.constant 64 : i32
          %add3A_1390 = arith.addi %add3A_1388, %add3A_1389 : i32
          %get3A_1391 = arith.index_cast %add3A_1390 : i32 to index
          %get3A_1392 = tpu.vector_load %arg7[%get3A_1391] {strides = array<i32>} : memref<57344xf32, #tpu.memory_space<vmem>>, vector<16xf32>,
          %get3A_1393 = vector.shape_cast %get3A_1392 : vector<16xf32> to vector<16xf32>
          %mul3A_1394 = arith.constant 16 : i32
          %mul3A_1395 = arith.muli %scan3A_343, %mul3A_1394 : i32
          %add3A_1396 = arith.constant 10 : i32
          %add3A_1397 = arith.addi %mul3A_1395, %add3A_1396 : i32
          %mul3A_1398 = arith.constant 128 : i32
          %mul3A_1399 = arith.muli %add3A_1397, %mul3A_1398 : i32
          %add3A_1400 = arith.constant 28672 : i32
          %add3A_1401 = arith.addi %add3A_1400, %mul3A_1399 : i32
          %add3A_1402 = arith.constant 64 : i32
          %add3A_1403 = arith.addi %add3A_1401, %add3A_1402 : i32
          %get3A_1404 = arith.index_cast %add3A_1403 : i32 to index
          %get3A_1405 = tpu.vector_load %arg7[%get3A_1404] {strides = array<i32>} : memref<57344xf32, #tpu.memory_space<vmem>>, vector<16xf32>,
          %get3A_1406 = vector.shape_cast %get3A_1405 : vector<16xf32> to vector<16xf32>
          %mul3A_1407 = arith.constant 16 : i32
          %mul3A_1408 = arith.muli %scan3A_343, %mul3A_1407 : i32
          %add3A_1409 = arith.constant 11 : i32
          %add3A_1410 = arith.addi %mul3A_1408, %add3A_1409 : i32
          %mul3A_1411 = arith.constant 128 : i32
          %mul3A_1412 = arith.muli %add3A_1410, %mul3A_1411 : i32
          %add3A_1413 = arith.constant 28672 : i32
          %add3A_1414 = arith.addi %add3A_1413, %mul3A_1412 : i32
          %add3A_1415 = arith.constant 64 : i32
          %add3A_1416 = arith.addi %add3A_1414, %add3A_1415 : i32
          %get3A_1417 = arith.index_cast %add3A_1416 : i32 to index
          %get3A_1418 = tpu.vector_load %arg7[%get3A_1417] {strides = array<i32>} : memref<57344xf32, #tpu.memory_space<vmem>>, vector<16xf32>,
          %get3A_1419 = vector.shape_cast %get3A_1418 : vector<16xf32> to vector<16xf32>
          %mul3A_1420 = arith.constant 16 : i32
          %mul3A_1421 = arith.muli %scan3A_343, %mul3A_1420 : i32
          %add3A_1422 = arith.constant 12 : i32
          %add3A_1423 = arith.addi %mul3A_1421, %add3A_1422 : i32
          %mul3A_1424 = arith.constant 128 : i32
          %mul3A_1425 = arith.muli %add3A_1423, %mul3A_1424 : i32
          %add3A_1426 = arith.constant 28672 : i32
          %add3A_1427 = arith.addi %add3A_1426, %mul3A_1425 : i32
          %add3A_1428 = arith.constant 64 : i32
          %add3A_1429 = arith.addi %add3A_1427, %add3A_1428 : i32
          %get3A_1430 = arith.index_cast %add3A_1429 : i32 to index
          %get3A_1431 = tpu.vector_load %arg7[%get3A_1430] {strides = array<i32>} : memref<57344xf32, #tpu.memory_space<vmem>>, vector<16xf32>,
          %get3A_1432 = vector.shape_cast %get3A_1431 : vector<16xf32> to vector<16xf32>
          %mul3A_1433 = arith.constant 16 : i32
          %mul3A_1434 = arith.muli %scan3A_343, %mul3A_1433 : i32
          %add3A_1435 = arith.constant 13 : i32
          %add3A_1436 = arith.addi %mul3A_1434, %add3A_1435 : i32
          %mul3A_1437 = arith.constant 128 : i32
          %mul3A_1438 = arith.muli %add3A_1436, %mul3A_1437 : i32
          %add3A_1439 = arith.constant 28672 : i32
          %add3A_1440 = arith.addi %add3A_1439, %mul3A_1438 : i32
          %add3A_1441 = arith.constant 64 : i32
          %add3A_1442 = arith.addi %add3A_1440, %add3A_1441 : i32
          %get3A_1443 = arith.index_cast %add3A_1442 : i32 to index
          %get3A_1444 = tpu.vector_load %arg7[%get3A_1443] {strides = array<i32>} : memref<57344xf32, #tpu.memory_space<vmem>>, vector<16xf32>,
          %get3A_1445 = vector.shape_cast %get3A_1444 : vector<16xf32> to vector<16xf32>
          %mul3A_1446 = arith.constant 16 : i32
          %mul3A_1447 = arith.muli %scan3A_343, %mul3A_1446 : i32
          %add3A_1448 = arith.constant 14 : i32
          %add3A_1449 = arith.addi %mul3A_1447, %add3A_1448 : i32
          %mul3A_1450 = arith.constant 128 : i32
          %mul3A_1451 = arith.muli %add3A_1449, %mul3A_1450 : i32
          %add3A_1452 = arith.constant 28672 : i32
          %add3A_1453 = arith.addi %add3A_1452, %mul3A_1451 : i32
          %add3A_1454 = arith.constant 64 : i32
          %add3A_1455 = arith.addi %add3A_1453, %add3A_1454 : i32
          %get3A_1456 = arith.index_cast %add3A_1455 : i32 to index
          %get3A_1457 = tpu.vector_load %arg7[%get3A_1456] {strides = array<i32>} : memref<57344xf32, #tpu.memory_space<vmem>>, vector<16xf32>,
          %get3A_1458 = vector.shape_cast %get3A_1457 : vector<16xf32> to vector<16xf32>
          %mul3A_1459 = arith.constant 16 : i32
          %mul3A_1460 = arith.muli %scan3A_343, %mul3A_1459 : i32
          %add3A_1461 = arith.constant 15 : i32
          %add3A_1462 = arith.addi %mul3A_1460, %add3A_1461 : i32
          %mul3A_1463 = arith.constant 128 : i32
          %mul3A_1464 = arith.muli %add3A_1462, %mul3A_1463 : i32
          %add3A_1465 = arith.constant 28672 : i32
          %add3A_1466 = arith.addi %add3A_1465, %mul3A_1464 : i32
          %add3A_1467 = arith.constant 64 : i32
          %add3A_1468 = arith.addi %add3A_1466, %add3A_1467 : i32
          %get3A_1469 = arith.index_cast %add3A_1468 : i32 to index
          %get3A_1470 = tpu.vector_load %arg7[%get3A_1469] {strides = array<i32>} : memref<57344xf32, #tpu.memory_space<vmem>>, vector<16xf32>,
          %get3A_1471 = vector.shape_cast %get3A_1470 : vector<16xf32> to vector<16xf32>
          %max3A_1472 = arith.maximumf %get3A_1045, %get3A_1058 : vector<16xf32>
          %max3A_1473 = arith.maximumf %get3A_1071, %get3A_1084 : vector<16xf32>
          %max3A_1474 = arith.maximumf %get3A_1097, %get3A_1110 : vector<16xf32>
          %max3A_1475 = arith.maximumf %get3A_1123, %get3A_1136 : vector<16xf32>
          %max3A_1476 = arith.maximumf %get3A_1149, %get3A_1162 : vector<16xf32>
          %max3A_1477 = arith.maximumf %get3A_1175, %get3A_1188 : vector<16xf32>
          %max3A_1478 = arith.maximumf %get3A_1201, %get3A_1214 : vector<16xf32>
          %max3A_1479 = arith.maximumf %get3A_1227, %get3A_1240 : vector<16xf32>
          %max3A_1480 = arith.maximumf %max3A_1472, %max3A_1473 : vector<16xf32>
          %max3A_1481 = arith.maximumf %max3A_1474, %max3A_1475 : vector<16xf32>
          %max3A_1482 = arith.maximumf %max3A_1476, %max3A_1477 : vector<16xf32>
          %max3A_1483 = arith.maximumf %max3A_1478, %max3A_1479 : vector<16xf32>
          %max3A_1484 = arith.maximumf %max3A_1480, %max3A_1481 : vector<16xf32>
          %max3A_1485 = arith.maximumf %max3A_1482, %max3A_1483 : vector<16xf32>
          %max3A_1486 = arith.maximumf %max3A_1484, %max3A_1485 : vector<16xf32>
          %get3A_1487 = arith.constant 48 : index
          %get3A_1488 = tpu.vector_load %arg9[%get3A_1487] {strides = array<i32>} : memref<128xf32, #tpu.memory_space<vmem>>, vector<16xf32>,
          %get3A_1489 = vector.shape_cast %get3A_1488 : vector<16xf32> to vector<16xf32>
          %max3A_1490 = arith.maximumf %get3A_1489, %max3A_1486 : vector<16xf32>
          %swap3A_1491 = arith.constant 48 : index
          %swap3A_1492 = tpu.vector_load %arg9[%swap3A_1491] {strides = array<i32>} : memref<128xf32, #tpu.memory_space<vmem>>, vector<16xf32>,
          %swap3A_1493 = vector.shape_cast %swap3A_1492 : vector<16xf32> to vector<16xf32>
          %swap3A_1494 = vector.shape_cast %max3A_1490 : vector<16xf32> to vector<16xf32>
          tpu.vector_store %arg9[%swap3A_1491], %swap3A_1494 {strides = array<i32>} : memref<128xf32, #tpu.memory_space<vmem>>, vector<16xf32>,
          %mul3A_1495 = arith.constant 16 : i32
          %mul3A_1496 = arith.muli %scan3A_343, %mul3A_1495 : i32
          %add3A_1497 = arith.constant 0 : i32
          %add3A_1498 = arith.addi %mul3A_1496, %add3A_1497 : i32
          %mul3A_1499 = arith.constant 128 : i32
          %mul3A_1500 = arith.muli %add3A_1498, %mul3A_1499 : i32
          %add3A_1501 = arith.constant 28672 : i32
          %add3A_1502 = arith.addi %add3A_1501, %mul3A_1500 : i32
          %add3A_1503 = arith.constant 80 : i32
          %add3A_1504 = arith.addi %add3A_1502, %add3A_1503 : i32
          %get3A_1505 = arith.index_cast %add3A_1504 : i32 to index
          %get3A_1506 = tpu.vector_load %arg7[%get3A_1505] {strides = array<i32>} : memref<57344xf32, #tpu.memory_space<vmem>>, vector<16xf32>,
          %get3A_1507 = vector.shape_cast %get3A_1506 : vector<16xf32> to vector<16xf32>
          %mul3A_1508 = arith.constant 16 : i32
          %mul3A_1509 = arith.muli %scan3A_343, %mul3A_1508 : i32
          %add3A_1510 = arith.constant 1 : i32
          %add3A_1511 = arith.addi %mul3A_1509, %add3A_1510 : i32
          %mul3A_1512 = arith.constant 128 : i32
          %mul3A_1513 = arith.muli %add3A_1511, %mul3A_1512 : i32
          %add3A_1514 = arith.constant 28672 : i32
          %add3A_1515 = arith.addi %add3A_1514, %mul3A_1513 : i32
          %add3A_1516 = arith.constant 80 : i32
          %add3A_1517 = arith.addi %add3A_1515, %add3A_1516 : i32
          %get3A_1518 = arith.index_cast %add3A_1517 : i32 to index
          %get3A_1519 = tpu.vector_load %arg7[%get3A_1518] {strides = array<i32>} : memref<57344xf32, #tpu.memory_space<vmem>>, vector<16xf32>,
          %get3A_1520 = vector.shape_cast %get3A_1519 : vector<16xf32> to vector<16xf32>
          %mul3A_1521 = arith.constant 16 : i32
          %mul3A_1522 = arith.muli %scan3A_343, %mul3A_1521 : i32
          %add3A_1523 = arith.constant 2 : i32
          %add3A_1524 = arith.addi %mul3A_1522, %add3A_1523 : i32
          %mul3A_1525 = arith.constant 128 : i32
          %mul3A_1526 = arith.muli %add3A_1524, %mul3A_1525 : i32
          %add3A_1527 = arith.constant 28672 : i32
          %add3A_1528 = arith.addi %add3A_1527, %mul3A_1526 : i32
          %add3A_1529 = arith.constant 80 : i32
          %add3A_1530 = arith.addi %add3A_1528, %add3A_1529 : i32
          %get3A_1531 = arith.index_cast %add3A_1530 : i32 to index
          %get3A_1532 = tpu.vector_load %arg7[%get3A_1531] {strides = array<i32>} : memref<57344xf32, #tpu.memory_space<vmem>>, vector<16xf32>,
          %get3A_1533 = vector.shape_cast %get3A_1532 : vector<16xf32> to vector<16xf32>
          %mul3A_1534 = arith.constant 16 : i32
          %mul3A_1535 = arith.muli %scan3A_343, %mul3A_1534 : i32
          %add3A_1536 = arith.constant 3 : i32
          %add3A_1537 = arith.addi %mul3A_1535, %add3A_1536 : i32
          %mul3A_1538 = arith.constant 128 : i32
          %mul3A_1539 = arith.muli %add3A_1537, %mul3A_1538 : i32
          %add3A_1540 = arith.constant 28672 : i32
          %add3A_1541 = arith.addi %add3A_1540, %mul3A_1539 : i32
          %add3A_1542 = arith.constant 80 : i32
          %add3A_1543 = arith.addi %add3A_1541, %add3A_1542 : i32
          %get3A_1544 = arith.index_cast %add3A_1543 : i32 to index
          %get3A_1545 = tpu.vector_load %arg7[%get3A_1544] {strides = array<i32>} : memref<57344xf32, #tpu.memory_space<vmem>>, vector<16xf32>,
          %get3A_1546 = vector.shape_cast %get3A_1545 : vector<16xf32> to vector<16xf32>
          %mul3A_1547 = arith.constant 16 : i32
          %mul3A_1548 = arith.muli %scan3A_343, %mul3A_1547 : i32
          %add3A_1549 = arith.constant 4 : i32
          %add3A_1550 = arith.addi %mul3A_1548, %add3A_1549 : i32
          %mul3A_1551 = arith.constant 128 : i32
          %mul3A_1552 = arith.muli %add3A_1550, %mul3A_1551 : i32
          %add3A_1553 = arith.constant 28672 : i32
          %add3A_1554 = arith.addi %add3A_1553, %mul3A_1552 : i32
          %add3A_1555 = arith.constant 80 : i32
          %add3A_1556 = arith.addi %add3A_1554, %add3A_1555 : i32
          %get3A_1557 = arith.index_cast %add3A_1556 : i32 to index
          %get3A_1558 = tpu.vector_load %arg7[%get3A_1557] {strides = array<i32>} : memref<57344xf32, #tpu.memory_space<vmem>>, vector<16xf32>,
          %get3A_1559 = vector.shape_cast %get3A_1558 : vector<16xf32> to vector<16xf32>
          %mul3A_1560 = arith.constant 16 : i32
          %mul3A_1561 = arith.muli %scan3A_343, %mul3A_1560 : i32
          %add3A_1562 = arith.constant 5 : i32
          %add3A_1563 = arith.addi %mul3A_1561, %add3A_1562 : i32
          %mul3A_1564 = arith.constant 128 : i32
          %mul3A_1565 = arith.muli %add3A_1563, %mul3A_1564 : i32
          %add3A_1566 = arith.constant 28672 : i32
          %add3A_1567 = arith.addi %add3A_1566, %mul3A_1565 : i32
          %add3A_1568 = arith.constant 80 : i32
          %add3A_1569 = arith.addi %add3A_1567, %add3A_1568 : i32
          %get3A_1570 = arith.index_cast %add3A_1569 : i32 to index
          %get3A_1571 = tpu.vector_load %arg7[%get3A_1570] {strides = array<i32>} : memref<57344xf32, #tpu.memory_space<vmem>>, vector<16xf32>,
          %get3A_1572 = vector.shape_cast %get3A_1571 : vector<16xf32> to vector<16xf32>
          %mul3A_1573 = arith.constant 16 : i32
          %mul3A_1574 = arith.muli %scan3A_343, %mul3A_1573 : i32
          %add3A_1575 = arith.constant 6 : i32
          %add3A_1576 = arith.addi %mul3A_1574, %add3A_1575 : i32
          %mul3A_1577 = arith.constant 128 : i32
          %mul3A_1578 = arith.muli %add3A_1576, %mul3A_1577 : i32
          %add3A_1579 = arith.constant 28672 : i32
          %add3A_1580 = arith.addi %add3A_1579, %mul3A_1578 : i32
          %add3A_1581 = arith.constant 80 : i32
          %add3A_1582 = arith.addi %add3A_1580, %add3A_1581 : i32
          %get3A_1583 = arith.index_cast %add3A_1582 : i32 to index
          %get3A_1584 = tpu.vector_load %arg7[%get3A_1583] {strides = array<i32>} : memref<57344xf32, #tpu.memory_space<vmem>>, vector<16xf32>,
          %get3A_1585 = vector.shape_cast %get3A_1584 : vector<16xf32> to vector<16xf32>
          %mul3A_1586 = arith.constant 16 : i32
          %mul3A_1587 = arith.muli %scan3A_343, %mul3A_1586 : i32
          %add3A_1588 = arith.constant 7 : i32
          %add3A_1589 = arith.addi %mul3A_1587, %add3A_1588 : i32
          %mul3A_1590 = arith.constant 128 : i32
          %mul3A_1591 = arith.muli %add3A_1589, %mul3A_1590 : i32
          %add3A_1592 = arith.constant 28672 : i32
          %add3A_1593 = arith.addi %add3A_1592, %mul3A_1591 : i32
          %add3A_1594 = arith.constant 80 : i32
          %add3A_1595 = arith.addi %add3A_1593, %add3A_1594 : i32
          %get3A_1596 = arith.index_cast %add3A_1595 : i32 to index
          %get3A_1597 = tpu.vector_load %arg7[%get3A_1596] {strides = array<i32>} : memref<57344xf32, #tpu.memory_space<vmem>>, vector<16xf32>,
          %get3A_1598 = vector.shape_cast %get3A_1597 : vector<16xf32> to vector<16xf32>
          %mul3A_1599 = arith.constant 16 : i32
          %mul3A_1600 = arith.muli %scan3A_343, %mul3A_1599 : i32
          %add3A_1601 = arith.constant 8 : i32
          %add3A_1602 = arith.addi %mul3A_1600, %add3A_1601 : i32
          %mul3A_1603 = arith.constant 128 : i32
          %mul3A_1604 = arith.muli %add3A_1602, %mul3A_1603 : i32
          %add3A_1605 = arith.constant 28672 : i32
          %add3A_1606 = arith.addi %add3A_1605, %mul3A_1604 : i32
          %add3A_1607 = arith.constant 80 : i32
          %add3A_1608 = arith.addi %add3A_1606, %add3A_1607 : i32
          %get3A_1609 = arith.index_cast %add3A_1608 : i32 to index
          %get3A_1610 = tpu.vector_load %arg7[%get3A_1609] {strides = array<i32>} : memref<57344xf32, #tpu.memory_space<vmem>>, vector<16xf32>,
          %get3A_1611 = vector.shape_cast %get3A_1610 : vector<16xf32> to vector<16xf32>
          %mul3A_1612 = arith.constant 16 : i32
          %mul3A_1613 = arith.muli %scan3A_343, %mul3A_1612 : i32
          %add3A_1614 = arith.constant 9 : i32
          %add3A_1615 = arith.addi %mul3A_1613, %add3A_1614 : i32
          %mul3A_1616 = arith.constant 128 : i32
          %mul3A_1617 = arith.muli %add3A_1615, %mul3A_1616 : i32
          %add3A_1618 = arith.constant 28672 : i32
          %add3A_1619 = arith.addi %add3A_1618, %mul3A_1617 : i32
          %add3A_1620 = arith.constant 80 : i32
          %add3A_1621 = arith.addi %add3A_1619, %add3A_1620 : i32
          %get3A_1622 = arith.index_cast %add3A_1621 : i32 to index
          %get3A_1623 = tpu.vector_load %arg7[%get3A_1622] {strides = array<i32>} : memref<57344xf32, #tpu.memory_space<vmem>>, vector<16xf32>,
          %get3A_1624 = vector.shape_cast %get3A_1623 : vector<16xf32> to vector<16xf32>
          %mul3A_1625 = arith.constant 16 : i32
          %mul3A_1626 = arith.muli %scan3A_343, %mul3A_1625 : i32
          %add3A_1627 = arith.constant 10 : i32
          %add3A_1628 = arith.addi %mul3A_1626, %add3A_1627 : i32
          %mul3A_1629 = arith.constant 128 : i32
          %mul3A_1630 = arith.muli %add3A_1628, %mul3A_1629 : i32
          %add3A_1631 = arith.constant 28672 : i32
          %add3A_1632 = arith.addi %add3A_1631, %mul3A_1630 : i32
          %add3A_1633 = arith.constant 80 : i32
          %add3A_1634 = arith.addi %add3A_1632, %add3A_1633 : i32
          %get3A_1635 = arith.index_cast %add3A_1634 : i32 to index
          %get3A_1636 = tpu.vector_load %arg7[%get3A_1635] {strides = array<i32>} : memref<57344xf32, #tpu.memory_space<vmem>>, vector<16xf32>,
          %get3A_1637 = vector.shape_cast %get3A_1636 : vector<16xf32> to vector<16xf32>
          %mul3A_1638 = arith.constant 16 : i32
          %mul3A_1639 = arith.muli %scan3A_343, %mul3A_1638 : i32
          %add3A_1640 = arith.constant 11 : i32
          %add3A_1641 = arith.addi %mul3A_1639, %add3A_1640 : i32
          %mul3A_1642 = arith.constant 128 : i32
          %mul3A_1643 = arith.muli %add3A_1641, %mul3A_1642 : i32
          %add3A_1644 = arith.constant 28672 : i32
          %add3A_1645 = arith.addi %add3A_1644, %mul3A_1643 : i32
          %add3A_1646 = arith.constant 80 : i32
          %add3A_1647 = arith.addi %add3A_1645, %add3A_1646 : i32
          %get3A_1648 = arith.index_cast %add3A_1647 : i32 to index
          %get3A_1649 = tpu.vector_load %arg7[%get3A_1648] {strides = array<i32>} : memref<57344xf32, #tpu.memory_space<vmem>>, vector<16xf32>,
          %get3A_1650 = vector.shape_cast %get3A_1649 : vector<16xf32> to vector<16xf32>
          %mul3A_1651 = arith.constant 16 : i32
          %mul3A_1652 = arith.muli %scan3A_343, %mul3A_1651 : i32
          %add3A_1653 = arith.constant 12 : i32
          %add3A_1654 = arith.addi %mul3A_1652, %add3A_1653 : i32
          %mul3A_1655 = arith.constant 128 : i32
          %mul3A_1656 = arith.muli %add3A_1654, %mul3A_1655 : i32
          %add3A_1657 = arith.constant 28672 : i32
          %add3A_1658 = arith.addi %add3A_1657, %mul3A_1656 : i32
          %add3A_1659 = arith.constant 80 : i32
          %add3A_1660 = arith.addi %add3A_1658, %add3A_1659 : i32
          %get3A_1661 = arith.index_cast %add3A_1660 : i32 to index
          %get3A_1662 = tpu.vector_load %arg7[%get3A_1661] {strides = array<i32>} : memref<57344xf32, #tpu.memory_space<vmem>>, vector<16xf32>,
          %get3A_1663 = vector.shape_cast %get3A_1662 : vector<16xf32> to vector<16xf32>
          %mul3A_1664 = arith.constant 16 : i32
          %mul3A_1665 = arith.muli %scan3A_343, %mul3A_1664 : i32
          %add3A_1666 = arith.constant 13 : i32
          %add3A_1667 = arith.addi %mul3A_1665, %add3A_1666 : i32
          %mul3A_1668 = arith.constant 128 : i32
          %mul3A_1669 = arith.muli %add3A_1667, %mul3A_1668 : i32
          %add3A_1670 = arith.constant 28672 : i32
          %add3A_1671 = arith.addi %add3A_1670, %mul3A_1669 : i32
          %add3A_1672 = arith.constant 80 : i32
          %add3A_1673 = arith.addi %add3A_1671, %add3A_1672 : i32
          %get3A_1674 = arith.index_cast %add3A_1673 : i32 to index
          %get3A_1675 = tpu.vector_load %arg7[%get3A_1674] {strides = array<i32>} : memref<57344xf32, #tpu.memory_space<vmem>>, vector<16xf32>,
          %get3A_1676 = vector.shape_cast %get3A_1675 : vector<16xf32> to vector<16xf32>
          %mul3A_1677 = arith.constant 16 : i32
          %mul3A_1678 = arith.muli %scan3A_343, %mul3A_1677 : i32
          %add3A_1679 = arith.constant 14 : i32
          %add3A_1680 = arith.addi %mul3A_1678, %add3A_1679 : i32
          %mul3A_1681 = arith.constant 128 : i32
          %mul3A_1682 = arith.muli %add3A_1680, %mul3A_1681 : i32
          %add3A_1683 = arith.constant 28672 : i32
          %add3A_1684 = arith.addi %add3A_1683, %mul3A_1682 : i32
          %add3A_1685 = arith.constant 80 : i32
          %add3A_1686 = arith.addi %add3A_1684, %add3A_1685 : i32
          %get3A_1687 = arith.index_cast %add3A_1686 : i32 to index
          %get3A_1688 = tpu.vector_load %arg7[%get3A_1687] {strides = array<i32>} : memref<57344xf32, #tpu.memory_space<vmem>>, vector<16xf32>,
          %get3A_1689 = vector.shape_cast %get3A_1688 : vector<16xf32> to vector<16xf32>
          %mul3A_1690 = arith.constant 16 : i32
          %mul3A_1691 = arith.muli %scan3A_343, %mul3A_1690 : i32
          %add3A_1692 = arith.constant 15 : i32
          %add3A_1693 = arith.addi %mul3A_1691, %add3A_1692 : i32
          %mul3A_1694 = arith.constant 128 : i32
          %mul3A_1695 = arith.muli %add3A_1693, %mul3A_1694 : i32
          %add3A_1696 = arith.constant 28672 : i32
          %add3A_1697 = arith.addi %add3A_1696, %mul3A_1695 : i32
          %add3A_1698 = arith.constant 80 : i32
          %add3A_1699 = arith.addi %add3A_1697, %add3A_1698 : i32
          %get3A_1700 = arith.index_cast %add3A_1699 : i32 to index
          %get3A_1701 = tpu.vector_load %arg7[%get3A_1700] {strides = array<i32>} : memref<57344xf32, #tpu.memory_space<vmem>>, vector<16xf32>,
          %get3A_1702 = vector.shape_cast %get3A_1701 : vector<16xf32> to vector<16xf32>
          %max3A_1703 = arith.maximumf %get3A_1276, %get3A_1289 : vector<16xf32>
          %max3A_1704 = arith.maximumf %get3A_1302, %get3A_1315 : vector<16xf32>
          %max3A_1705 = arith.maximumf %get3A_1328, %get3A_1341 : vector<16xf32>
          %max3A_1706 = arith.maximumf %get3A_1354, %get3A_1367 : vector<16xf32>
          %max3A_1707 = arith.maximumf %get3A_1380, %get3A_1393 : vector<16xf32>
          %max3A_1708 = arith.maximumf %get3A_1406, %get3A_1419 : vector<16xf32>
          %max3A_1709 = arith.maximumf %get3A_1432, %get3A_1445 : vector<16xf32>
          %max3A_1710 = arith.maximumf %get3A_1458, %get3A_1471 : vector<16xf32>
          %max3A_1711 = arith.maximumf %max3A_1703, %max3A_1704 : vector<16xf32>
          %max3A_1712 = arith.maximumf %max3A_1705, %max3A_1706 : vector<16xf32>
          %max3A_1713 = arith.maximumf %max3A_1707, %max3A_1708 : vector<16xf32>
          %max3A_1714 = arith.maximumf %max3A_1709, %max3A_1710 : vector<16xf32>
          %max3A_1715 = arith.maximumf %max3A_1711, %max3A_1712 : vector<16xf32>
          %max3A_1716 = arith.maximumf %max3A_1713, %max3A_1714 : vector<16xf32>
          %max3A_1717 = arith.maximumf %max3A_1715, %max3A_1716 : vector<16xf32>
          %get3A_1718 = arith.constant 64 : index
          %get3A_1719 = tpu.vector_load %arg9[%get3A_1718] {strides = array<i32>} : memref<128xf32, #tpu.memory_space<vmem>>, vector<16xf32>,
          %get3A_1720 = vector.shape_cast %get3A_1719 : vector<16xf32> to vector<16xf32>
          %max3A_1721 = arith.maximumf %get3A_1720, %max3A_1717 : vector<16xf32>
          %swap3A_1722 = arith.constant 64 : index
          %swap3A_1723 = tpu.vector_load %arg9[%swap3A_1722] {strides = array<i32>} : memref<128xf32, #tpu.memory_space<vmem>>, vector<16xf32>,
          %swap3A_1724 = vector.shape_cast %swap3A_1723 : vector<16xf32> to vector<16xf32>
          %swap3A_1725 = vector.shape_cast %max3A_1721 : vector<16xf32> to vector<16xf32>
          tpu.vector_store %arg9[%swap3A_1722], %swap3A_1725 {strides = array<i32>} : memref<128xf32, #tpu.memory_space<vmem>>, vector<16xf32>,
          %mul3A_1726 = arith.constant 16 : i32
          %mul3A_1727 = arith.muli %scan3A_343, %mul3A_1726 : i32
          %add3A_1728 = arith.constant 0 : i32
          %add3A_1729 = arith.addi %mul3A_1727, %add3A_1728 : i32
          %mul3A_1730 = arith.constant 128 : i32
          %mul3A_1731 = arith.muli %add3A_1729, %mul3A_1730 : i32
          %add3A_1732 = arith.constant 28672 : i32
          %add3A_1733 = arith.addi %add3A_1732, %mul3A_1731 : i32
          %add3A_1734 = arith.constant 96 : i32
          %add3A_1735 = arith.addi %add3A_1733, %add3A_1734 : i32
          %get3A_1736 = arith.index_cast %add3A_1735 : i32 to index
          %get3A_1737 = tpu.vector_load %arg7[%get3A_1736] {strides = array<i32>} : memref<57344xf32, #tpu.memory_space<vmem>>, vector<16xf32>,
          %get3A_1738 = vector.shape_cast %get3A_1737 : vector<16xf32> to vector<16xf32>
          %mul3A_1739 = arith.constant 16 : i32
          %mul3A_1740 = arith.muli %scan3A_343, %mul3A_1739 : i32
          %add3A_1741 = arith.constant 1 : i32
          %add3A_1742 = arith.addi %mul3A_1740, %add3A_1741 : i32
          %mul3A_1743 = arith.constant 128 : i32
          %mul3A_1744 = arith.muli %add3A_1742, %mul3A_1743 : i32
          %add3A_1745 = arith.constant 28672 : i32
          %add3A_1746 = arith.addi %add3A_1745, %mul3A_1744 : i32
          %add3A_1747 = arith.constant 96 : i32
          %add3A_1748 = arith.addi %add3A_1746, %add3A_1747 : i32
          %get3A_1749 = arith.index_cast %add3A_1748 : i32 to index
          %get3A_1750 = tpu.vector_load %arg7[%get3A_1749] {strides = array<i32>} : memref<57344xf32, #tpu.memory_space<vmem>>, vector<16xf32>,
          %get3A_1751 = vector.shape_cast %get3A_1750 : vector<16xf32> to vector<16xf32>
          %mul3A_1752 = arith.constant 16 : i32
          %mul3A_1753 = arith.muli %scan3A_343, %mul3A_1752 : i32
          %add3A_1754 = arith.constant 2 : i32
          %add3A_1755 = arith.addi %mul3A_1753, %add3A_1754 : i32
          %mul3A_1756 = arith.constant 128 : i32
          %mul3A_1757 = arith.muli %add3A_1755, %mul3A_1756 : i32
          %add3A_1758 = arith.constant 28672 : i32
          %add3A_1759 = arith.addi %add3A_1758, %mul3A_1757 : i32
          %add3A_1760 = arith.constant 96 : i32
          %add3A_1761 = arith.addi %add3A_1759, %add3A_1760 : i32
          %get3A_1762 = arith.index_cast %add3A_1761 : i32 to index
          %get3A_1763 = tpu.vector_load %arg7[%get3A_1762] {strides = array<i32>} : memref<57344xf32, #tpu.memory_space<vmem>>, vector<16xf32>,
          %get3A_1764 = vector.shape_cast %get3A_1763 : vector<16xf32> to vector<16xf32>
          %mul3A_1765 = arith.constant 16 : i32
          %mul3A_1766 = arith.muli %scan3A_343, %mul3A_1765 : i32
          %add3A_1767 = arith.constant 3 : i32
          %add3A_1768 = arith.addi %mul3A_1766, %add3A_1767 : i32
          %mul3A_1769 = arith.constant 128 : i32
          %mul3A_1770 = arith.muli %add3A_1768, %mul3A_1769 : i32
          %add3A_1771 = arith.constant 28672 : i32
          %add3A_1772 = arith.addi %add3A_1771, %mul3A_1770 : i32
          %add3A_1773 = arith.constant 96 : i32
          %add3A_1774 = arith.addi %add3A_1772, %add3A_1773 : i32
          %get3A_1775 = arith.index_cast %add3A_1774 : i32 to index
          %get3A_1776 = tpu.vector_load %arg7[%get3A_1775] {strides = array<i32>} : memref<57344xf32, #tpu.memory_space<vmem>>, vector<16xf32>,
          %get3A_1777 = vector.shape_cast %get3A_1776 : vector<16xf32> to vector<16xf32>
          %mul3A_1778 = arith.constant 16 : i32
          %mul3A_1779 = arith.muli %scan3A_343, %mul3A_1778 : i32
          %add3A_1780 = arith.constant 4 : i32
          %add3A_1781 = arith.addi %mul3A_1779, %add3A_1780 : i32
          %mul3A_1782 = arith.constant 128 : i32
          %mul3A_1783 = arith.muli %add3A_1781, %mul3A_1782 : i32
          %add3A_1784 = arith.constant 28672 : i32
          %add3A_1785 = arith.addi %add3A_1784, %mul3A_1783 : i32
          %add3A_1786 = arith.constant 96 : i32
          %add3A_1787 = arith.addi %add3A_1785, %add3A_1786 : i32
          %get3A_1788 = arith.index_cast %add3A_1787 : i32 to index
          %get3A_1789 = tpu.vector_load %arg7[%get3A_1788] {strides = array<i32>} : memref<57344xf32, #tpu.memory_space<vmem>>, vector<16xf32>,
          %get3A_1790 = vector.shape_cast %get3A_1789 : vector<16xf32> to vector<16xf32>
          %mul3A_1791 = arith.constant 16 : i32
          %mul3A_1792 = arith.muli %scan3A_343, %mul3A_1791 : i32
          %add3A_1793 = arith.constant 5 : i32
          %add3A_1794 = arith.addi %mul3A_1792, %add3A_1793 : i32
          %mul3A_1795 = arith.constant 128 : i32
          %mul3A_1796 = arith.muli %add3A_1794, %mul3A_1795 : i32
          %add3A_1797 = arith.constant 28672 : i32
          %add3A_1798 = arith.addi %add3A_1797, %mul3A_1796 : i32
          %add3A_1799 = arith.constant 96 : i32
          %add3A_1800 = arith.addi %add3A_1798, %add3A_1799 : i32
          %get3A_1801 = arith.index_cast %add3A_1800 : i32 to index
          %get3A_1802 = tpu.vector_load %arg7[%get3A_1801] {strides = array<i32>} : memref<57344xf32, #tpu.memory_space<vmem>>, vector<16xf32>,
          %get3A_1803 = vector.shape_cast %get3A_1802 : vector<16xf32> to vector<16xf32>
          %mul3A_1804 = arith.constant 16 : i32
          %mul3A_1805 = arith.muli %scan3A_343, %mul3A_1804 : i32
          %add3A_1806 = arith.constant 6 : i32
          %add3A_1807 = arith.addi %mul3A_1805, %add3A_1806 : i32
          %mul3A_1808 = arith.constant 128 : i32
          %mul3A_1809 = arith.muli %add3A_1807, %mul3A_1808 : i32
          %add3A_1810 = arith.constant 28672 : i32
          %add3A_1811 = arith.addi %add3A_1810, %mul3A_1809 : i32
          %add3A_1812 = arith.constant 96 : i32
          %add3A_1813 = arith.addi %add3A_1811, %add3A_1812 : i32
          %get3A_1814 = arith.index_cast %add3A_1813 : i32 to index
          %get3A_1815 = tpu.vector_load %arg7[%get3A_1814] {strides = array<i32>} : memref<57344xf32, #tpu.memory_space<vmem>>, vector<16xf32>,
          %get3A_1816 = vector.shape_cast %get3A_1815 : vector<16xf32> to vector<16xf32>
          %mul3A_1817 = arith.constant 16 : i32
          %mul3A_1818 = arith.muli %scan3A_343, %mul3A_1817 : i32
          %add3A_1819 = arith.constant 7 : i32
          %add3A_1820 = arith.addi %mul3A_1818, %add3A_1819 : i32
          %mul3A_1821 = arith.constant 128 : i32
          %mul3A_1822 = arith.muli %add3A_1820, %mul3A_1821 : i32
          %add3A_1823 = arith.constant 28672 : i32
          %add3A_1824 = arith.addi %add3A_1823, %mul3A_1822 : i32
          %add3A_1825 = arith.constant 96 : i32
          %add3A_1826 = arith.addi %add3A_1824, %add3A_1825 : i32
          %get3A_1827 = arith.index_cast %add3A_1826 : i32 to index
          %get3A_1828 = tpu.vector_load %arg7[%get3A_1827] {strides = array<i32>} : memref<57344xf32, #tpu.memory_space<vmem>>, vector<16xf32>,
          %get3A_1829 = vector.shape_cast %get3A_1828 : vector<16xf32> to vector<16xf32>
          %mul3A_1830 = arith.constant 16 : i32
          %mul3A_1831 = arith.muli %scan3A_343, %mul3A_1830 : i32
          %add3A_1832 = arith.constant 8 : i32
          %add3A_1833 = arith.addi %mul3A_1831, %add3A_1832 : i32
          %mul3A_1834 = arith.constant 128 : i32
          %mul3A_1835 = arith.muli %add3A_1833, %mul3A_1834 : i32
          %add3A_1836 = arith.constant 28672 : i32
          %add3A_1837 = arith.addi %add3A_1836, %mul3A_1835 : i32
          %add3A_1838 = arith.constant 96 : i32
          %add3A_1839 = arith.addi %add3A_1837, %add3A_1838 : i32
          %get3A_1840 = arith.index_cast %add3A_1839 : i32 to index
          %get3A_1841 = tpu.vector_load %arg7[%get3A_1840] {strides = array<i32>} : memref<57344xf32, #tpu.memory_space<vmem>>, vector<16xf32>,
          %get3A_1842 = vector.shape_cast %get3A_1841 : vector<16xf32> to vector<16xf32>
          %mul3A_1843 = arith.constant 16 : i32
          %mul3A_1844 = arith.muli %scan3A_343, %mul3A_1843 : i32
          %add3A_1845 = arith.constant 9 : i32
          %add3A_1846 = arith.addi %mul3A_1844, %add3A_1845 : i32
          %mul3A_1847 = arith.constant 128 : i32
          %mul3A_1848 = arith.muli %add3A_1846, %mul3A_1847 : i32
          %add3A_1849 = arith.constant 28672 : i32
          %add3A_1850 = arith.addi %add3A_1849, %mul3A_1848 : i32
          %add3A_1851 = arith.constant 96 : i32
          %add3A_1852 = arith.addi %add3A_1850, %add3A_1851 : i32
          %get3A_1853 = arith.index_cast %add3A_1852 : i32 to index
          %get3A_1854 = tpu.vector_load %arg7[%get3A_1853] {strides = array<i32>} : memref<57344xf32, #tpu.memory_space<vmem>>, vector<16xf32>,
          %get3A_1855 = vector.shape_cast %get3A_1854 : vector<16xf32> to vector<16xf32>
          %mul3A_1856 = arith.constant 16 : i32
          %mul3A_1857 = arith.muli %scan3A_343, %mul3A_1856 : i32
          %add3A_1858 = arith.constant 10 : i32
          %add3A_1859 = arith.addi %mul3A_1857, %add3A_1858 : i32
          %mul3A_1860 = arith.constant 128 : i32
          %mul3A_1861 = arith.muli %add3A_1859, %mul3A_1860 : i32
          %add3A_1862 = arith.constant 28672 : i32
          %add3A_1863 = arith.addi %add3A_1862, %mul3A_1861 : i32
          %add3A_1864 = arith.constant 96 : i32
          %add3A_1865 = arith.addi %add3A_1863, %add3A_1864 : i32
          %get3A_1866 = arith.index_cast %add3A_1865 : i32 to index
          %get3A_1867 = tpu.vector_load %arg7[%get3A_1866] {strides = array<i32>} : memref<57344xf32, #tpu.memory_space<vmem>>, vector<16xf32>,
          %get3A_1868 = vector.shape_cast %get3A_1867 : vector<16xf32> to vector<16xf32>
          %mul3A_1869 = arith.constant 16 : i32
          %mul3A_1870 = arith.muli %scan3A_343, %mul3A_1869 : i32
          %add3A_1871 = arith.constant 11 : i32
          %add3A_1872 = arith.addi %mul3A_1870, %add3A_1871 : i32
          %mul3A_1873 = arith.constant 128 : i32
          %mul3A_1874 = arith.muli %add3A_1872, %mul3A_1873 : i32
          %add3A_1875 = arith.constant 28672 : i32
          %add3A_1876 = arith.addi %add3A_1875, %mul3A_1874 : i32
          %add3A_1877 = arith.constant 96 : i32
          %add3A_1878 = arith.addi %add3A_1876, %add3A_1877 : i32
          %get3A_1879 = arith.index_cast %add3A_1878 : i32 to index
          %get3A_1880 = tpu.vector_load %arg7[%get3A_1879] {strides = array<i32>} : memref<57344xf32, #tpu.memory_space<vmem>>, vector<16xf32>,
          %get3A_1881 = vector.shape_cast %get3A_1880 : vector<16xf32> to vector<16xf32>
          %mul3A_1882 = arith.constant 16 : i32
          %mul3A_1883 = arith.muli %scan3A_343, %mul3A_1882 : i32
          %add3A_1884 = arith.constant 12 : i32
          %add3A_1885 = arith.addi %mul3A_1883, %add3A_1884 : i32
          %mul3A_1886 = arith.constant 128 : i32
          %mul3A_1887 = arith.muli %add3A_1885, %mul3A_1886 : i32
          %add3A_1888 = arith.constant 28672 : i32
          %add3A_1889 = arith.addi %add3A_1888, %mul3A_1887 : i32
          %add3A_1890 = arith.constant 96 : i32
          %add3A_1891 = arith.addi %add3A_1889, %add3A_1890 : i32
          %get3A_1892 = arith.index_cast %add3A_1891 : i32 to index
          %get3A_1893 = tpu.vector_load %arg7[%get3A_1892] {strides = array<i32>} : memref<57344xf32, #tpu.memory_space<vmem>>, vector<16xf32>,
          %get3A_1894 = vector.shape_cast %get3A_1893 : vector<16xf32> to vector<16xf32>
          %mul3A_1895 = arith.constant 16 : i32
          %mul3A_1896 = arith.muli %scan3A_343, %mul3A_1895 : i32
          %add3A_1897 = arith.constant 13 : i32
          %add3A_1898 = arith.addi %mul3A_1896, %add3A_1897 : i32
          %mul3A_1899 = arith.constant 128 : i32
          %mul3A_1900 = arith.muli %add3A_1898, %mul3A_1899 : i32
          %add3A_1901 = arith.constant 28672 : i32
          %add3A_1902 = arith.addi %add3A_1901, %mul3A_1900 : i32
          %add3A_1903 = arith.constant 96 : i32
          %add3A_1904 = arith.addi %add3A_1902, %add3A_1903 : i32
          %get3A_1905 = arith.index_cast %add3A_1904 : i32 to index
          %get3A_1906 = tpu.vector_load %arg7[%get3A_1905] {strides = array<i32>} : memref<57344xf32, #tpu.memory_space<vmem>>, vector<16xf32>,
          %get3A_1907 = vector.shape_cast %get3A_1906 : vector<16xf32> to vector<16xf32>
          %mul3A_1908 = arith.constant 16 : i32
          %mul3A_1909 = arith.muli %scan3A_343, %mul3A_1908 : i32
          %add3A_1910 = arith.constant 14 : i32
          %add3A_1911 = arith.addi %mul3A_1909, %add3A_1910 : i32
          %mul3A_1912 = arith.constant 128 : i32
          %mul3A_1913 = arith.muli %add3A_1911, %mul3A_1912 : i32
          %add3A_1914 = arith.constant 28672 : i32
          %add3A_1915 = arith.addi %add3A_1914, %mul3A_1913 : i32
          %add3A_1916 = arith.constant 96 : i32
          %add3A_1917 = arith.addi %add3A_1915, %add3A_1916 : i32
          %get3A_1918 = arith.index_cast %add3A_1917 : i32 to index
          %get3A_1919 = tpu.vector_load %arg7[%get3A_1918] {strides = array<i32>} : memref<57344xf32, #tpu.memory_space<vmem>>, vector<16xf32>,
          %get3A_1920 = vector.shape_cast %get3A_1919 : vector<16xf32> to vector<16xf32>
          %mul3A_1921 = arith.constant 16 : i32
          %mul3A_1922 = arith.muli %scan3A_343, %mul3A_1921 : i32
          %add3A_1923 = arith.constant 15 : i32
          %add3A_1924 = arith.addi %mul3A_1922, %add3A_1923 : i32
          %mul3A_1925 = arith.constant 128 : i32
          %mul3A_1926 = arith.muli %add3A_1924, %mul3A_1925 : i32
          %add3A_1927 = arith.constant 28672 : i32
          %add3A_1928 = arith.addi %add3A_1927, %mul3A_1926 : i32
          %add3A_1929 = arith.constant 96 : i32
          %add3A_1930 = arith.addi %add3A_1928, %add3A_1929 : i32
          %get3A_1931 = arith.index_cast %add3A_1930 : i32 to index
          %get3A_1932 = tpu.vector_load %arg7[%get3A_1931] {strides = array<i32>} : memref<57344xf32, #tpu.memory_space<vmem>>, vector<16xf32>,
          %get3A_1933 = vector.shape_cast %get3A_1932 : vector<16xf32> to vector<16xf32>
          %max3A_1934 = arith.maximumf %get3A_1507, %get3A_1520 : vector<16xf32>
          %max3A_1935 = arith.maximumf %get3A_1533, %get3A_1546 : vector<16xf32>
          %max3A_1936 = arith.maximumf %get3A_1559, %get3A_1572 : vector<16xf32>
          %max3A_1937 = arith.maximumf %get3A_1585, %get3A_1598 : vector<16xf32>
          %max3A_1938 = arith.maximumf %get3A_1611, %get3A_1624 : vector<16xf32>
          %max3A_1939 = arith.maximumf %get3A_1637, %get3A_1650 : vector<16xf32>
          %max3A_1940 = arith.maximumf %get3A_1663, %get3A_1676 : vector<16xf32>
          %max3A_1941 = arith.maximumf %get3A_1689, %get3A_1702 : vector<16xf32>
          %max3A_1942 = arith.maximumf %max3A_1934, %max3A_1935 : vector<16xf32>
          %max3A_1943 = arith.maximumf %max3A_1936, %max3A_1937 : vector<16xf32>
          %max3A_1944 = arith.maximumf %max3A_1938, %max3A_1939 : vector<16xf32>
          %max3A_1945 = arith.maximumf %max3A_1940, %max3A_1941 : vector<16xf32>
          %max3A_1946 = arith.maximumf %max3A_1942, %max3A_1943 : vector<16xf32>
          %max3A_1947 = arith.maximumf %max3A_1944, %max3A_1945 : vector<16xf32>
          %max3A_1948 = arith.maximumf %max3A_1946, %max3A_1947 : vector<16xf32>
          %get3A_1949 = arith.constant 80 : index
          %get3A_1950 = tpu.vector_load %arg9[%get3A_1949] {strides = array<i32>} : memref<128xf32, #tpu.memory_space<vmem>>, vector<16xf32>,
          %get3A_1951 = vector.shape_cast %get3A_1950 : vector<16xf32> to vector<16xf32>
          %max3A_1952 = arith.maximumf %get3A_1951, %max3A_1948 : vector<16xf32>
          %swap3A_1953 = arith.constant 80 : index
          %swap3A_1954 = tpu.vector_load %arg9[%swap3A_1953] {strides = array<i32>} : memref<128xf32, #tpu.memory_space<vmem>>, vector<16xf32>,
          %swap3A_1955 = vector.shape_cast %swap3A_1954 : vector<16xf32> to vector<16xf32>
          %swap3A_1956 = vector.shape_cast %max3A_1952 : vector<16xf32> to vector<16xf32>
          tpu.vector_store %arg9[%swap3A_1953], %swap3A_1956 {strides = array<i32>} : memref<128xf32, #tpu.memory_space<vmem>>, vector<16xf32>,
          %mul3A_1957 = arith.constant 16 : i32
          %mul3A_1958 = arith.muli %scan3A_343, %mul3A_1957 : i32
          %add3A_1959 = arith.constant 0 : i32
          %add3A_1960 = arith.addi %mul3A_1958, %add3A_1959 : i32
          %mul3A_1961 = arith.constant 128 : i32
          %mul3A_1962 = arith.muli %add3A_1960, %mul3A_1961 : i32
          %add3A_1963 = arith.constant 28672 : i32
          %add3A_1964 = arith.addi %add3A_1963, %mul3A_1962 : i32
          %add3A_1965 = arith.constant 112 : i32
          %add3A_1966 = arith.addi %add3A_1964, %add3A_1965 : i32
          %get3A_1967 = arith.index_cast %add3A_1966 : i32 to index
          %get3A_1968 = tpu.vector_load %arg7[%get3A_1967] {strides = array<i32>} : memref<57344xf32, #tpu.memory_space<vmem>>, vector<16xf32>,
          %get3A_1969 = vector.shape_cast %get3A_1968 : vector<16xf32> to vector<16xf32>
          %mul3A_1970 = arith.constant 16 : i32
          %mul3A_1971 = arith.muli %scan3A_343, %mul3A_1970 : i32
          %add3A_1972 = arith.constant 1 : i32
          %add3A_1973 = arith.addi %mul3A_1971, %add3A_1972 : i32
          %mul3A_1974 = arith.constant 128 : i32
          %mul3A_1975 = arith.muli %add3A_1973, %mul3A_1974 : i32
          %add3A_1976 = arith.constant 28672 : i32
          %add3A_1977 = arith.addi %add3A_1976, %mul3A_1975 : i32
          %add3A_1978 = arith.constant 112 : i32
          %add3A_1979 = arith.addi %add3A_1977, %add3A_1978 : i32
          %get3A_1980 = arith.index_cast %add3A_1979 : i32 to index
          %get3A_1981 = tpu.vector_load %arg7[%get3A_1980] {strides = array<i32>} : memref<57344xf32, #tpu.memory_space<vmem>>, vector<16xf32>,
          %get3A_1982 = vector.shape_cast %get3A_1981 : vector<16xf32> to vector<16xf32>
          %mul3A_1983 = arith.constant 16 : i32
          %mul3A_1984 = arith.muli %scan3A_343, %mul3A_1983 : i32
          %add3A_1985 = arith.constant 2 : i32
          %add3A_1986 = arith.addi %mul3A_1984, %add3A_1985 : i32
          %mul3A_1987 = arith.constant 128 : i32
          %mul3A_1988 = arith.muli %add3A_1986, %mul3A_1987 : i32
          %add3A_1989 = arith.constant 28672 : i32
          %add3A_1990 = arith.addi %add3A_1989, %mul3A_1988 : i32
          %add3A_1991 = arith.constant 112 : i32
          %add3A_1992 = arith.addi %add3A_1990, %add3A_1991 : i32
          %get3A_1993 = arith.index_cast %add3A_1992 : i32 to index
          %get3A_1994 = tpu.vector_load %arg7[%get3A_1993] {strides = array<i32>} : memref<57344xf32, #tpu.memory_space<vmem>>, vector<16xf32>,
          %get3A_1995 = vector.shape_cast %get3A_1994 : vector<16xf32> to vector<16xf32>
          %mul3A_1996 = arith.constant 16 : i32
          %mul3A_1997 = arith.muli %scan3A_343, %mul3A_1996 : i32
          %add3A_1998 = arith.constant 3 : i32
          %add3A_1999 = arith.addi %mul3A_1997, %add3A_1998 : i32
          %mul3A_2000 = arith.constant 128 : i32
          %mul3A_2001 = arith.muli %add3A_1999, %mul3A_2000 : i32
          %add3A_2002 = arith.constant 28672 : i32
          %add3A_2003 = arith.addi %add3A_2002, %mul3A_2001 : i32
          %add3A_2004 = arith.constant 112 : i32
          %add3A_2005 = arith.addi %add3A_2003, %add3A_2004 : i32
          %get3A_2006 = arith.index_cast %add3A_2005 : i32 to index
          %get3A_2007 = tpu.vector_load %arg7[%get3A_2006] {strides = array<i32>} : memref<57344xf32, #tpu.memory_space<vmem>>, vector<16xf32>,
          %get3A_2008 = vector.shape_cast %get3A_2007 : vector<16xf32> to vector<16xf32>
          %mul3A_2009 = arith.constant 16 : i32
          %mul3A_2010 = arith.muli %scan3A_343, %mul3A_2009 : i32
          %add3A_2011 = arith.constant 4 : i32
          %add3A_2012 = arith.addi %mul3A_2010, %add3A_2011 : i32
          %mul3A_2013 = arith.constant 128 : i32
          %mul3A_2014 = arith.muli %add3A_2012, %mul3A_2013 : i32
          %add3A_2015 = arith.constant 28672 : i32
          %add3A_2016 = arith.addi %add3A_2015, %mul3A_2014 : i32
          %add3A_2017 = arith.constant 112 : i32
          %add3A_2018 = arith.addi %add3A_2016, %add3A_2017 : i32
          %get3A_2019 = arith.index_cast %add3A_2018 : i32 to index
          %get3A_2020 = tpu.vector_load %arg7[%get3A_2019] {strides = array<i32>} : memref<57344xf32, #tpu.memory_space<vmem>>, vector<16xf32>,
          %get3A_2021 = vector.shape_cast %get3A_2020 : vector<16xf32> to vector<16xf32>
          %mul3A_2022 = arith.constant 16 : i32
          %mul3A_2023 = arith.muli %scan3A_343, %mul3A_2022 : i32
          %add3A_2024 = arith.constant 5 : i32
          %add3A_2025 = arith.addi %mul3A_2023, %add3A_2024 : i32
          %mul3A_2026 = arith.constant 128 : i32
          %mul3A_2027 = arith.muli %add3A_2025, %mul3A_2026 : i32
          %add3A_2028 = arith.constant 28672 : i32
          %add3A_2029 = arith.addi %add3A_2028, %mul3A_2027 : i32
          %add3A_2030 = arith.constant 112 : i32
          %add3A_2031 = arith.addi %add3A_2029, %add3A_2030 : i32
          %get3A_2032 = arith.index_cast %add3A_2031 : i32 to index
          %get3A_2033 = tpu.vector_load %arg7[%get3A_2032] {strides = array<i32>} : memref<57344xf32, #tpu.memory_space<vmem>>, vector<16xf32>,
          %get3A_2034 = vector.shape_cast %get3A_2033 : vector<16xf32> to vector<16xf32>
          %mul3A_2035 = arith.constant 16 : i32
          %mul3A_2036 = arith.muli %scan3A_343, %mul3A_2035 : i32
          %add3A_2037 = arith.constant 6 : i32
          %add3A_2038 = arith.addi %mul3A_2036, %add3A_2037 : i32
          %mul3A_2039 = arith.constant 128 : i32
          %mul3A_2040 = arith.muli %add3A_2038, %mul3A_2039 : i32
          %add3A_2041 = arith.constant 28672 : i32
          %add3A_2042 = arith.addi %add3A_2041, %mul3A_2040 : i32
          %add3A_2043 = arith.constant 112 : i32
          %add3A_2044 = arith.addi %add3A_2042, %add3A_2043 : i32
          %get3A_2045 = arith.index_cast %add3A_2044 : i32 to index
          %get3A_2046 = tpu.vector_load %arg7[%get3A_2045] {strides = array<i32>} : memref<57344xf32, #tpu.memory_space<vmem>>, vector<16xf32>,
          %get3A_2047 = vector.shape_cast %get3A_2046 : vector<16xf32> to vector<16xf32>
          %mul3A_2048 = arith.constant 16 : i32
          %mul3A_2049 = arith.muli %scan3A_343, %mul3A_2048 : i32
          %add3A_2050 = arith.constant 7 : i32
          %add3A_2051 = arith.addi %mul3A_2049, %add3A_2050 : i32
          %mul3A_2052 = arith.constant 128 : i32
          %mul3A_2053 = arith.muli %add3A_2051, %mul3A_2052 : i32
          %add3A_2054 = arith.constant 28672 : i32
          %add3A_2055 = arith.addi %add3A_2054, %mul3A_2053 : i32
          %add3A_2056 = arith.constant 112 : i32
          %add3A_2057 = arith.addi %add3A_2055, %add3A_2056 : i32
          %get3A_2058 = arith.index_cast %add3A_2057 : i32 to index
          %get3A_2059 = tpu.vector_load %arg7[%get3A_2058] {strides = array<i32>} : memref<57344xf32, #tpu.memory_space<vmem>>, vector<16xf32>,
          %get3A_2060 = vector.shape_cast %get3A_2059 : vector<16xf32> to vector<16xf32>
          %mul3A_2061 = arith.constant 16 : i32
          %mul3A_2062 = arith.muli %scan3A_343, %mul3A_2061 : i32
          %add3A_2063 = arith.constant 8 : i32
          %add3A_2064 = arith.addi %mul3A_2062, %add3A_2063 : i32
          %mul3A_2065 = arith.constant 128 : i32
          %mul3A_2066 = arith.muli %add3A_2064, %mul3A_2065 : i32
          %add3A_2067 = arith.constant 28672 : i32
          %add3A_2068 = arith.addi %add3A_2067, %mul3A_2066 : i32
          %add3A_2069 = arith.constant 112 : i32
          %add3A_2070 = arith.addi %add3A_2068, %add3A_2069 : i32
          %get3A_2071 = arith.index_cast %add3A_2070 : i32 to index
          %get3A_2072 = tpu.vector_load %arg7[%get3A_2071] {strides = array<i32>} : memref<57344xf32, #tpu.memory_space<vmem>>, vector<16xf32>,
          %get3A_2073 = vector.shape_cast %get3A_2072 : vector<16xf32> to vector<16xf32>
          %mul3A_2074 = arith.constant 16 : i32
          %mul3A_2075 = arith.muli %scan3A_343, %mul3A_2074 : i32
          %add3A_2076 = arith.constant 9 : i32
          %add3A_2077 = arith.addi %mul3A_2075, %add3A_2076 : i32
          %mul3A_2078 = arith.constant 128 : i32
          %mul3A_2079 = arith.muli %add3A_2077, %mul3A_2078 : i32
          %add3A_2080 = arith.constant 28672 : i32
          %add3A_2081 = arith.addi %add3A_2080, %mul3A_2079 : i32
          %add3A_2082 = arith.constant 112 : i32
          %add3A_2083 = arith.addi %add3A_2081, %add3A_2082 : i32
          %get3A_2084 = arith.index_cast %add3A_2083 : i32 to index
          %get3A_2085 = tpu.vector_load %arg7[%get3A_2084] {strides = array<i32>} : memref<57344xf32, #tpu.memory_space<vmem>>, vector<16xf32>,
          %get3A_2086 = vector.shape_cast %get3A_2085 : vector<16xf32> to vector<16xf32>
          %mul3A_2087 = arith.constant 16 : i32
          %mul3A_2088 = arith.muli %scan3A_343, %mul3A_2087 : i32
          %add3A_2089 = arith.constant 10 : i32
          %add3A_2090 = arith.addi %mul3A_2088, %add3A_2089 : i32
          %mul3A_2091 = arith.constant 128 : i32
          %mul3A_2092 = arith.muli %add3A_2090, %mul3A_2091 : i32
          %add3A_2093 = arith.constant 28672 : i32
          %add3A_2094 = arith.addi %add3A_2093, %mul3A_2092 : i32
          %add3A_2095 = arith.constant 112 : i32
          %add3A_2096 = arith.addi %add3A_2094, %add3A_2095 : i32
          %get3A_2097 = arith.index_cast %add3A_2096 : i32 to index
          %get3A_2098 = tpu.vector_load %arg7[%get3A_2097] {strides = array<i32>} : memref<57344xf32, #tpu.memory_space<vmem>>, vector<16xf32>,
          %get3A_2099 = vector.shape_cast %get3A_2098 : vector<16xf32> to vector<16xf32>
          %mul3A_2100 = arith.constant 16 : i32
          %mul3A_2101 = arith.muli %scan3A_343, %mul3A_2100 : i32
          %add3A_2102 = arith.constant 11 : i32
          %add3A_2103 = arith.addi %mul3A_2101, %add3A_2102 : i32
          %mul3A_2104 = arith.constant 128 : i32
          %mul3A_2105 = arith.muli %add3A_2103, %mul3A_2104 : i32
          %add3A_2106 = arith.constant 28672 : i32
          %add3A_2107 = arith.addi %add3A_2106, %mul3A_2105 : i32
          %add3A_2108 = arith.constant 112 : i32
          %add3A_2109 = arith.addi %add3A_2107, %add3A_2108 : i32
          %get3A_2110 = arith.index_cast %add3A_2109 : i32 to index
          %get3A_2111 = tpu.vector_load %arg7[%get3A_2110] {strides = array<i32>} : memref<57344xf32, #tpu.memory_space<vmem>>, vector<16xf32>,
          %get3A_2112 = vector.shape_cast %get3A_2111 : vector<16xf32> to vector<16xf32>
          %mul3A_2113 = arith.constant 16 : i32
          %mul3A_2114 = arith.muli %scan3A_343, %mul3A_2113 : i32
          %add3A_2115 = arith.constant 12 : i32
          %add3A_2116 = arith.addi %mul3A_2114, %add3A_2115 : i32
          %mul3A_2117 = arith.constant 128 : i32
          %mul3A_2118 = arith.muli %add3A_2116, %mul3A_2117 : i32
          %add3A_2119 = arith.constant 28672 : i32
          %add3A_2120 = arith.addi %add3A_2119, %mul3A_2118 : i32
          %add3A_2121 = arith.constant 112 : i32
          %add3A_2122 = arith.addi %add3A_2120, %add3A_2121 : i32
          %get3A_2123 = arith.index_cast %add3A_2122 : i32 to index
          %get3A_2124 = tpu.vector_load %arg7[%get3A_2123] {strides = array<i32>} : memref<57344xf32, #tpu.memory_space<vmem>>, vector<16xf32>,
          %get3A_2125 = vector.shape_cast %get3A_2124 : vector<16xf32> to vector<16xf32>
          %mul3A_2126 = arith.constant 16 : i32
          %mul3A_2127 = arith.muli %scan3A_343, %mul3A_2126 : i32
          %add3A_2128 = arith.constant 13 : i32
          %add3A_2129 = arith.addi %mul3A_2127, %add3A_2128 : i32
          %mul3A_2130 = arith.constant 128 : i32
          %mul3A_2131 = arith.muli %add3A_2129, %mul3A_2130 : i32
          %add3A_2132 = arith.constant 28672 : i32
          %add3A_2133 = arith.addi %add3A_2132, %mul3A_2131 : i32
          %add3A_2134 = arith.constant 112 : i32
          %add3A_2135 = arith.addi %add3A_2133, %add3A_2134 : i32
          %get3A_2136 = arith.index_cast %add3A_2135 : i32 to index
          %get3A_2137 = tpu.vector_load %arg7[%get3A_2136] {strides = array<i32>} : memref<57344xf32, #tpu.memory_space<vmem>>, vector<16xf32>,
          %get3A_2138 = vector.shape_cast %get3A_2137 : vector<16xf32> to vector<16xf32>
          %mul3A_2139 = arith.constant 16 : i32
          %mul3A_2140 = arith.muli %scan3A_343, %mul3A_2139 : i32
          %add3A_2141 = arith.constant 14 : i32
          %add3A_2142 = arith.addi %mul3A_2140, %add3A_2141 : i32
          %mul3A_2143 = arith.constant 128 : i32
          %mul3A_2144 = arith.muli %add3A_2142, %mul3A_2143 : i32
          %add3A_2145 = arith.constant 28672 : i32
          %add3A_2146 = arith.addi %add3A_2145, %mul3A_2144 : i32
          %add3A_2147 = arith.constant 112 : i32
          %add3A_2148 = arith.addi %add3A_2146, %add3A_2147 : i32
          %get3A_2149 = arith.index_cast %add3A_2148 : i32 to index
          %get3A_2150 = tpu.vector_load %arg7[%get3A_2149] {strides = array<i32>} : memref<57344xf32, #tpu.memory_space<vmem>>, vector<16xf32>,
          %get3A_2151 = vector.shape_cast %get3A_2150 : vector<16xf32> to vector<16xf32>
          %mul3A_2152 = arith.constant 16 : i32
          %mul3A_2153 = arith.muli %scan3A_343, %mul3A_2152 : i32
          %add3A_2154 = arith.constant 15 : i32
          %add3A_2155 = arith.addi %mul3A_2153, %add3A_2154 : i32
          %mul3A_2156 = arith.constant 128 : i32
          %mul3A_2157 = arith.muli %add3A_2155, %mul3A_2156 : i32
          %add3A_2158 = arith.constant 28672 : i32
          %add3A_2159 = arith.addi %add3A_2158, %mul3A_2157 : i32
          %add3A_2160 = arith.constant 112 : i32
          %add3A_2161 = arith.addi %add3A_2159, %add3A_2160 : i32
          %get3A_2162 = arith.index_cast %add3A_2161 : i32 to index
          %get3A_2163 = tpu.vector_load %arg7[%get3A_2162] {strides = array<i32>} : memref<57344xf32, #tpu.memory_space<vmem>>, vector<16xf32>,
          %get3A_2164 = vector.shape_cast %get3A_2163 : vector<16xf32> to vector<16xf32>
          %max3A_2165 = arith.maximumf %get3A_1738, %get3A_1751 : vector<16xf32>
          %max3A_2166 = arith.maximumf %get3A_1764, %get3A_1777 : vector<16xf32>
          %max3A_2167 = arith.maximumf %get3A_1790, %get3A_1803 : vector<16xf32>
          %max3A_2168 = arith.maximumf %get3A_1816, %get3A_1829 : vector<16xf32>
          %max3A_2169 = arith.maximumf %get3A_1842, %get3A_1855 : vector<16xf32>
          %max3A_2170 = arith.maximumf %get3A_1868, %get3A_1881 : vector<16xf32>
          %max3A_2171 = arith.maximumf %get3A_1894, %get3A_1907 : vector<16xf32>
          %max3A_2172 = arith.maximumf %get3A_1920, %get3A_1933 : vector<16xf32>
          %max3A_2173 = arith.maximumf %max3A_2165, %max3A_2166 : vector<16xf32>
          %max3A_2174 = arith.maximumf %max3A_2167, %max3A_2168 : vector<16xf32>
          %max3A_2175 = arith.maximumf %max3A_2169, %max3A_2170 : vector<16xf32>
          %max3A_2176 = arith.maximumf %max3A_2171, %max3A_2172 : vector<16xf32>
          %max3A_2177 = arith.maximumf %max3A_2173, %max3A_2174 : vector<16xf32>
          %max3A_2178 = arith.maximumf %max3A_2175, %max3A_2176 : vector<16xf32>
          %max3A_2179 = arith.maximumf %max3A_2177, %max3A_2178 : vector<16xf32>
          %get3A_2180 = arith.constant 96 : index
          %get3A_2181 = tpu.vector_load %arg9[%get3A_2180] {strides = array<i32>} : memref<128xf32, #tpu.memory_space<vmem>>, vector<16xf32>,
          %get3A_2182 = vector.shape_cast %get3A_2181 : vector<16xf32> to vector<16xf32>
          %max3A_2183 = arith.maximumf %get3A_2182, %max3A_2179 : vector<16xf32>
          %swap3A_2184 = arith.constant 96 : index
          %swap3A_2185 = tpu.vector_load %arg9[%swap3A_2184] {strides = array<i32>} : memref<128xf32, #tpu.memory_space<vmem>>, vector<16xf32>,
          %swap3A_2186 = vector.shape_cast %swap3A_2185 : vector<16xf32> to vector<16xf32>
          %swap3A_2187 = vector.shape_cast %max3A_2183 : vector<16xf32> to vector<16xf32>
          tpu.vector_store %arg9[%swap3A_2184], %swap3A_2187 {strides = array<i32>} : memref<128xf32, #tpu.memory_space<vmem>>, vector<16xf32>,
          %max3A_2188 = arith.maximumf %get3A_1969, %get3A_1982 : vector<16xf32>
          %max3A_2189 = arith.maximumf %get3A_1995, %get3A_2008 : vector<16xf32>
          %max3A_2190 = arith.maximumf %get3A_2021, %get3A_2034 : vector<16xf32>
          %max3A_2191 = arith.maximumf %get3A_2047, %get3A_2060 : vector<16xf32>
          %max3A_2192 = arith.maximumf %get3A_2073, %get3A_2086 : vector<16xf32>
          %max3A_2193 = arith.maximumf %get3A_2099, %get3A_2112 : vector<16xf32>
          %max3A_2194 = arith.maximumf %get3A_2125, %get3A_2138 : vector<16xf32>
          %max3A_2195 = arith.maximumf %get3A_2151, %get3A_2164 : vector<16xf32>
          %max3A_2196 = arith.maximumf %max3A_2188, %max3A_2189 : vector<16xf32>
          %max3A_2197 = arith.maximumf %max3A_2190, %max3A_2191 : vector<16xf32>
          %max3A_2198 = arith.maximumf %max3A_2192, %max3A_2193 : vector<16xf32>
          %max3A_2199 = arith.maximumf %max3A_2194, %max3A_2195 : vector<16xf32>
          %max3A_2200 = arith.maximumf %max3A_2196, %max3A_2197 : vector<16xf32>
          %max3A_2201 = arith.maximumf %max3A_2198, %max3A_2199 : vector<16xf32>
          %max3A_2202 = arith.maximumf %max3A_2200, %max3A_2201 : vector<16xf32>
          %get3A_2203 = arith.constant 112 : index
          %get3A_2204 = tpu.vector_load %arg9[%get3A_2203] {strides = array<i32>} : memref<128xf32, #tpu.memory_space<vmem>>, vector<16xf32>,
          %get3A_2205 = vector.shape_cast %get3A_2204 : vector<16xf32> to vector<16xf32>
          %max3A_2206 = arith.maximumf %get3A_2205, %max3A_2202 : vector<16xf32>
          %swap3A_2207 = arith.constant 112 : index
          %swap3A_2208 = tpu.vector_load %arg9[%swap3A_2207] {strides = array<i32>} : memref<128xf32, #tpu.memory_space<vmem>>, vector<16xf32>,
          %swap3A_2209 = vector.shape_cast %swap3A_2208 : vector<16xf32> to vector<16xf32>
          %swap3A_2210 = vector.shape_cast %max3A_2206 : vector<16xf32> to vector<16xf32>
          tpu.vector_store %arg9[%swap3A_2207], %swap3A_2210 {strides = array<i32>} : memref<128xf32, #tpu.memory_space<vmem>>, vector<16xf32>,
          scf.yield %scan3A_344 : i32
        } else {
          %scan3A_364 = arith.constant 0 : i32
          %scan3A_365 = arith.constant 16 : i32
          %scan3A_366 = arith.addi %scan3A_364, %scan3A_365 : i32
          %scan3A_367 = arith.constant 1 : i32
          %scan3A_368 = scf.for %scan3A_370 = %scan3A_364 to %scan3A_366 step %scan3A_367 iter_args(%scan3A_371 = %scan3A_344) -> (i32)  : i32 {
            %mul3A_372 = arith.constant 224 : i32
            %mul3A_373 = arith.muli %add3A_318, %mul3A_372 : i32
            %mul3A_374 = arith.constant 16 : i32
            %mul3A_375 = arith.muli %scan3A_343, %mul3A_374 : i32
            %add3A_376 = arith.addi %mul3A_373, %mul3A_375 : i32
            %add3A_377 = arith.addi %add3A_376, %scan3A_370 : i32
            %get3A_378 = arith.index_cast %add3A_377 : i32 to index
            %get3A_379 = tpu.vector_load %arg6[%get3A_378] {strides = array<i32>} : memref<3152xi32, #tpu.memory_space<vmem>>, vector<16xi32>,
            %get3A_380 = vector.shape_cast %get3A_379 : vector<16xi32> to vector<16xi32>
            %slice3A_381 = vector.extract_strided_slice %get3A_380 {offsets = [0], sizes = [1], strides = [1]} : vector<16xi32> to vector<1xi32>
            %squeeze3A_382 = vector.extract %slice3A_381[0] : i32 from vector<1xi32>
            %ne3A = arith.cmpi ne, %squeeze3A_382, %scan3A_371 : i32
            %convert_element_type3A_383 = arith.extui %ne3A : i1 to i32
            %cond3A_384 = arith.constant 0 : i32
            %cond3A_385 = arith.cmpi ne, %convert_element_type3A_383, %cond3A_384 : i32
            scf.if %cond3A_385 {
              %get3A_545 = arith.constant 0 : index
              %get3A_546 = tpu.vector_load %arg9[%get3A_545] {strides = array<i32>} : memref<128xf32, #tpu.memory_space<vmem>>, vector<16xf32>,
              %get3A_547 = vector.shape_cast %get3A_546 : vector<16xf32> to vector<16xf32>
              %mul3A_548 = arith.constant 128 : i32
              %mul3A_549 = arith.muli %scan3A_371, %mul3A_548 : i32
              %add3A_550 = arith.constant 0 : i32
              %add3A_551 = arith.addi %mul3A_549, %add3A_550 : i32
              %swap3A_552 = arith.index_cast %add3A_551 : i32 to index
              %swap3A_553 = tpu.vector_load %arg8[%swap3A_552] {strides = array<i32>} : memref<65536xf32, #tpu.memory_space<vmem>>, vector<16xf32>,
              %swap3A_554 = vector.shape_cast %swap3A_553 : vector<16xf32> to vector<16xf32>
              %swap3A_555 = vector.shape_cast %get3A_547 : vector<16xf32> to vector<16xf32>
              tpu.vector_store %arg8[%swap3A_552], %swap3A_555 {strides = array<i32>} : memref<65536xf32, #tpu.memory_space<vmem>>, vector<16xf32>,
              %get3A_556 = arith.constant 16 : index
              %get3A_557 = tpu.vector_load %arg9[%get3A_556] {strides = array<i32>} : memref<128xf32, #tpu.memory_space<vmem>>, vector<16xf32>,
              %get3A_558 = vector.shape_cast %get3A_557 : vector<16xf32> to vector<16xf32>
              %mul3A_559 = arith.constant 128 : i32
              %mul3A_560 = arith.muli %scan3A_371, %mul3A_559 : i32
              %add3A_561 = arith.constant 16 : i32
              %add3A_562 = arith.addi %mul3A_560, %add3A_561 : i32
              %swap3A_563 = arith.index_cast %add3A_562 : i32 to index
              %swap3A_564 = tpu.vector_load %arg8[%swap3A_563] {strides = array<i32>} : memref<65536xf32, #tpu.memory_space<vmem>>, vector<16xf32>,
              %swap3A_565 = vector.shape_cast %swap3A_564 : vector<16xf32> to vector<16xf32>
              %swap3A_566 = vector.shape_cast %get3A_558 : vector<16xf32> to vector<16xf32>
              tpu.vector_store %arg8[%swap3A_563], %swap3A_566 {strides = array<i32>} : memref<65536xf32, #tpu.memory_space<vmem>>, vector<16xf32>,
              %get3A_567 = arith.constant 32 : index
              %get3A_568 = tpu.vector_load %arg9[%get3A_567] {strides = array<i32>} : memref<128xf32, #tpu.memory_space<vmem>>, vector<16xf32>,
              %get3A_569 = vector.shape_cast %get3A_568 : vector<16xf32> to vector<16xf32>
              %mul3A_570 = arith.constant 128 : i32
              %mul3A_571 = arith.muli %scan3A_371, %mul3A_570 : i32
              %add3A_572 = arith.constant 32 : i32
              %add3A_573 = arith.addi %mul3A_571, %add3A_572 : i32
              %swap3A_574 = arith.index_cast %add3A_573 : i32 to index
              %swap3A_575 = tpu.vector_load %arg8[%swap3A_574] {strides = array<i32>} : memref<65536xf32, #tpu.memory_space<vmem>>, vector<16xf32>,
              %swap3A_576 = vector.shape_cast %swap3A_575 : vector<16xf32> to vector<16xf32>
              %swap3A_577 = vector.shape_cast %get3A_569 : vector<16xf32> to vector<16xf32>
              tpu.vector_store %arg8[%swap3A_574], %swap3A_577 {strides = array<i32>} : memref<65536xf32, #tpu.memory_space<vmem>>, vector<16xf32>,
              %get3A_578 = arith.constant 48 : index
              %get3A_579 = tpu.vector_load %arg9[%get3A_578] {strides = array<i32>} : memref<128xf32, #tpu.memory_space<vmem>>, vector<16xf32>,
              %get3A_580 = vector.shape_cast %get3A_579 : vector<16xf32> to vector<16xf32>
              %mul3A_581 = arith.constant 128 : i32
              %mul3A_582 = arith.muli %scan3A_371, %mul3A_581 : i32
              %add3A_583 = arith.constant 48 : i32
              %add3A_584 = arith.addi %mul3A_582, %add3A_583 : i32
              %swap3A_585 = arith.index_cast %add3A_584 : i32 to index
              %swap3A_586 = tpu.vector_load %arg8[%swap3A_585] {strides = array<i32>} : memref<65536xf32, #tpu.memory_space<vmem>>, vector<16xf32>,
              %swap3A_587 = vector.shape_cast %swap3A_586 : vector<16xf32> to vector<16xf32>
              %swap3A_588 = vector.shape_cast %get3A_580 : vector<16xf32> to vector<16xf32>
              tpu.vector_store %arg8[%swap3A_585], %swap3A_588 {strides = array<i32>} : memref<65536xf32, #tpu.memory_space<vmem>>, vector<16xf32>,
              %get3A_589 = arith.constant 64 : index
              %get3A_590 = tpu.vector_load %arg9[%get3A_589] {strides = array<i32>} : memref<128xf32, #tpu.memory_space<vmem>>, vector<16xf32>,
              %get3A_591 = vector.shape_cast %get3A_590 : vector<16xf32> to vector<16xf32>
              %mul3A_592 = arith.constant 128 : i32
              %mul3A_593 = arith.muli %scan3A_371, %mul3A_592 : i32
              %add3A_594 = arith.constant 64 : i32
              %add3A_595 = arith.addi %mul3A_593, %add3A_594 : i32
              %swap3A_596 = arith.index_cast %add3A_595 : i32 to index
              %swap3A_597 = tpu.vector_load %arg8[%swap3A_596] {strides = array<i32>} : memref<65536xf32, #tpu.memory_space<vmem>>, vector<16xf32>,
              %swap3A_598 = vector.shape_cast %swap3A_597 : vector<16xf32> to vector<16xf32>
              %swap3A_599 = vector.shape_cast %get3A_591 : vector<16xf32> to vector<16xf32>
              tpu.vector_store %arg8[%swap3A_596], %swap3A_599 {strides = array<i32>} : memref<65536xf32, #tpu.memory_space<vmem>>, vector<16xf32>,
              %get3A_600 = arith.constant 80 : index
              %get3A_601 = tpu.vector_load %arg9[%get3A_600] {strides = array<i32>} : memref<128xf32, #tpu.memory_space<vmem>>, vector<16xf32>,
              %get3A_602 = vector.shape_cast %get3A_601 : vector<16xf32> to vector<16xf32>
              %mul3A_603 = arith.constant 128 : i32
              %mul3A_604 = arith.muli %scan3A_371, %mul3A_603 : i32
              %add3A_605 = arith.constant 80 : i32
              %add3A_606 = arith.addi %mul3A_604, %add3A_605 : i32
              %swap3A_607 = arith.index_cast %add3A_606 : i32 to index
              %swap3A_608 = tpu.vector_load %arg8[%swap3A_607] {strides = array<i32>} : memref<65536xf32, #tpu.memory_space<vmem>>, vector<16xf32>,
              %swap3A_609 = vector.shape_cast %swap3A_608 : vector<16xf32> to vector<16xf32>
              %swap3A_610 = vector.shape_cast %get3A_602 : vector<16xf32> to vector<16xf32>
              tpu.vector_store %arg8[%swap3A_607], %swap3A_610 {strides = array<i32>} : memref<65536xf32, #tpu.memory_space<vmem>>, vector<16xf32>,
              %get3A_611 = arith.constant 96 : index
              %get3A_612 = tpu.vector_load %arg9[%get3A_611] {strides = array<i32>} : memref<128xf32, #tpu.memory_space<vmem>>, vector<16xf32>,
              %get3A_613 = vector.shape_cast %get3A_612 : vector<16xf32> to vector<16xf32>
              %mul3A_614 = arith.constant 128 : i32
              %mul3A_615 = arith.muli %scan3A_371, %mul3A_614 : i32
              %add3A_616 = arith.constant 96 : i32
              %add3A_617 = arith.addi %mul3A_615, %add3A_616 : i32
              %swap3A_618 = arith.index_cast %add3A_617 : i32 to index
              %swap3A_619 = tpu.vector_load %arg8[%swap3A_618] {strides = array<i32>} : memref<65536xf32, #tpu.memory_space<vmem>>, vector<16xf32>,
              %swap3A_620 = vector.shape_cast %swap3A_619 : vector<16xf32> to vector<16xf32>
              %swap3A_621 = vector.shape_cast %get3A_613 : vector<16xf32> to vector<16xf32>
              tpu.vector_store %arg8[%swap3A_618], %swap3A_621 {strides = array<i32>} : memref<65536xf32, #tpu.memory_space<vmem>>, vector<16xf32>,
              %get3A_622 = arith.constant 112 : index
              %get3A_623 = tpu.vector_load %arg9[%get3A_622] {strides = array<i32>} : memref<128xf32, #tpu.memory_space<vmem>>, vector<16xf32>,
              %get3A_624 = vector.shape_cast %get3A_623 : vector<16xf32> to vector<16xf32>
              %mul3A_625 = arith.constant 128 : i32
              %mul3A_626 = arith.muli %scan3A_371, %mul3A_625 : i32
              %add3A_627 = arith.constant 112 : i32
              %add3A_628 = arith.addi %mul3A_626, %add3A_627 : i32
              %swap3A_629 = arith.index_cast %add3A_628 : i32 to index
              %swap3A_630 = tpu.vector_load %arg8[%swap3A_629] {strides = array<i32>} : memref<65536xf32, #tpu.memory_space<vmem>>, vector<16xf32>,
              %swap3A_631 = vector.shape_cast %swap3A_630 : vector<16xf32> to vector<16xf32>
              %swap3A_632 = vector.shape_cast %get3A_624 : vector<16xf32> to vector<16xf32>
              tpu.vector_store %arg8[%swap3A_629], %swap3A_632 {strides = array<i32>} : memref<65536xf32, #tpu.memory_space<vmem>>, vector<16xf32>,
              %swap3A_633 = arith.constant 0 : index
              %swap3A_634 = tpu.vector_load %arg9[%swap3A_633] {strides = array<i32>} : memref<128xf32, #tpu.memory_space<vmem>>, vector<16xf32>,
              %swap3A_635 = vector.shape_cast %swap3A_634 : vector<16xf32> to vector<16xf32>
              %swap3A_636 = vector.shape_cast %broadcast_in_dim3A_4 : vector<16xf32> to vector<16xf32>
              tpu.vector_store %arg9[%swap3A_633], %swap3A_636 {strides = array<i32>} : memref<128xf32, #tpu.memory_space<vmem>>, vector<16xf32>,
              %swap3A_637 = arith.constant 16 : index
              %swap3A_638 = tpu.vector_load %arg9[%swap3A_637] {strides = array<i32>} : memref<128xf32, #tpu.memory_space<vmem>>, vector<16xf32>,
              %swap3A_639 = vector.shape_cast %swap3A_638 : vector<16xf32> to vector<16xf32>
              %swap3A_640 = vector.shape_cast %broadcast_in_dim3A_4 : vector<16xf32> to vector<16xf32>
              tpu.vector_store %arg9[%swap3A_637], %swap3A_640 {strides = array<i32>} : memref<128xf32, #tpu.memory_space<vmem>>, vector<16xf32>,
              %swap3A_641 = arith.constant 32 : index
              %swap3A_642 = tpu.vector_load %arg9[%swap3A_641] {strides = array<i32>} : memref<128xf32, #tpu.memory_space<vmem>>, vector<16xf32>,
              %swap3A_643 = vector.shape_cast %swap3A_642 : vector<16xf32> to vector<16xf32>
              %swap3A_644 = vector.shape_cast %broadcast_in_dim3A_4 : vector<16xf32> to vector<16xf32>
              tpu.vector_store %arg9[%swap3A_641], %swap3A_644 {strides = array<i32>} : memref<128xf32, #tpu.memory_space<vmem>>, vector<16xf32>,
              %swap3A_645 = arith.constant 48 : index
              %swap3A_646 = tpu.vector_load %arg9[%swap3A_645] {strides = array<i32>} : memref<128xf32, #tpu.memory_space<vmem>>, vector<16xf32>,
              %swap3A_647 = vector.shape_cast %swap3A_646 : vector<16xf32> to vector<16xf32>
              %swap3A_648 = vector.shape_cast %broadcast_in_dim3A_4 : vector<16xf32> to vector<16xf32>
              tpu.vector_store %arg9[%swap3A_645], %swap3A_648 {strides = array<i32>} : memref<128xf32, #tpu.memory_space<vmem>>, vector<16xf32>,
              %swap3A_649 = arith.constant 64 : index
              %swap3A_650 = tpu.vector_load %arg9[%swap3A_649] {strides = array<i32>} : memref<128xf32, #tpu.memory_space<vmem>>, vector<16xf32>,
              %swap3A_651 = vector.shape_cast %swap3A_650 : vector<16xf32> to vector<16xf32>
              %swap3A_652 = vector.shape_cast %broadcast_in_dim3A_4 : vector<16xf32> to vector<16xf32>
              tpu.vector_store %arg9[%swap3A_649], %swap3A_652 {strides = array<i32>} : memref<128xf32, #tpu.memory_space<vmem>>, vector<16xf32>,
              %swap3A_653 = arith.constant 80 : index
              %swap3A_654 = tpu.vector_load %arg9[%swap3A_653] {strides = array<i32>} : memref<128xf32, #tpu.memory_space<vmem>>, vector<16xf32>,
              %swap3A_655 = vector.shape_cast %swap3A_654 : vector<16xf32> to vector<16xf32>
              %swap3A_656 = vector.shape_cast %broadcast_in_dim3A_4 : vector<16xf32> to vector<16xf32>
              tpu.vector_store %arg9[%swap3A_653], %swap3A_656 {strides = array<i32>} : memref<128xf32, #tpu.memory_space<vmem>>, vector<16xf32>,
              %swap3A_657 = arith.constant 96 : index
              %swap3A_658 = tpu.vector_load %arg9[%swap3A_657] {strides = array<i32>} : memref<128xf32, #tpu.memory_space<vmem>>, vector<16xf32>,
              %swap3A_659 = vector.shape_cast %swap3A_658 : vector<16xf32> to vector<16xf32>
              %swap3A_660 = vector.shape_cast %broadcast_in_dim3A_4 : vector<16xf32> to vector<16xf32>
              tpu.vector_store %arg9[%swap3A_657], %swap3A_660 {strides = array<i32>} : memref<128xf32, #tpu.memory_space<vmem>>, vector<16xf32>,
              %swap3A_661 = arith.constant 112 : index
              %swap3A_662 = tpu.vector_load %arg9[%swap3A_661] {strides = array<i32>} : memref<128xf32, #tpu.memory_space<vmem>>, vector<16xf32>,
              %swap3A_663 = vector.shape_cast %swap3A_662 : vector<16xf32> to vector<16xf32>
              %swap3A_664 = vector.shape_cast %broadcast_in_dim3A_4 : vector<16xf32> to vector<16xf32>
              tpu.vector_store %arg9[%swap3A_661], %swap3A_664 {strides = array<i32>} : memref<128xf32, #tpu.memory_space<vmem>>, vector<16xf32>,
            } else {
            }
            %mul3A_386 = arith.constant 16 : i32
            %mul3A_387 = arith.muli %scan3A_343, %mul3A_386 : i32
            %add3A_388 = arith.addi %mul3A_387, %scan3A_370 : i32
            %mul3A_389 = arith.constant 128 : i32
            %mul3A_390 = arith.muli %add3A_388, %mul3A_389 : i32
            %add3A_391 = arith.constant 28672 : i32
            %add3A_392 = arith.addi %add3A_391, %mul3A_390 : i32
            %add3A_393 = arith.constant 0 : i32
            %add3A_394 = arith.addi %add3A_392, %add3A_393 : i32
            %get3A_395 = arith.index_cast %add3A_394 : i32 to index
            %get3A_396 = tpu.vector_load %arg7[%get3A_395] {strides = array<i32>} : memref<57344xf32, #tpu.memory_space<vmem>>, vector<16xf32>,
            %get3A_397 = vector.shape_cast %get3A_396 : vector<16xf32> to vector<16xf32>
            %get3A_398 = arith.constant 0 : index
            %get3A_399 = tpu.vector_load %arg9[%get3A_398] {strides = array<i32>} : memref<128xf32, #tpu.memory_space<vmem>>, vector<16xf32>,
            %get3A_400 = vector.shape_cast %get3A_399 : vector<16xf32> to vector<16xf32>
            %max3A = arith.maximumf %get3A_400, %get3A_397 : vector<16xf32>
            %swap3A_401 = arith.constant 0 : index
            %swap3A_402 = tpu.vector_load %arg9[%swap3A_401] {strides = array<i32>} : memref<128xf32, #tpu.memory_space<vmem>>, vector<16xf32>,
            %swap3A_403 = vector.shape_cast %swap3A_402 : vector<16xf32> to vector<16xf32>
            %swap3A_404 = vector.shape_cast %max3A : vector<16xf32> to vector<16xf32>
            tpu.vector_store %arg9[%swap3A_401], %swap3A_404 {strides = array<i32>} : memref<128xf32, #tpu.memory_space<vmem>>, vector<16xf32>,
            %mul3A_405 = arith.constant 16 : i32
            %mul3A_406 = arith.muli %scan3A_343, %mul3A_405 : i32
            %add3A_407 = arith.addi %mul3A_406, %scan3A_370 : i32
            %mul3A_408 = arith.constant 128 : i32
            %mul3A_409 = arith.muli %add3A_407, %mul3A_408 : i32
            %add3A_410 = arith.constant 28672 : i32
            %add3A_411 = arith.addi %add3A_410, %mul3A_409 : i32
            %add3A_412 = arith.constant 16 : i32
            %add3A_413 = arith.addi %add3A_411, %add3A_412 : i32
            %get3A_414 = arith.index_cast %add3A_413 : i32 to index
            %get3A_415 = tpu.vector_load %arg7[%get3A_414] {strides = array<i32>} : memref<57344xf32, #tpu.memory_space<vmem>>, vector<16xf32>,
            %get3A_416 = vector.shape_cast %get3A_415 : vector<16xf32> to vector<16xf32>
            %get3A_417 = arith.constant 16 : index
            %get3A_418 = tpu.vector_load %arg9[%get3A_417] {strides = array<i32>} : memref<128xf32, #tpu.memory_space<vmem>>, vector<16xf32>,
            %get3A_419 = vector.shape_cast %get3A_418 : vector<16xf32> to vector<16xf32>
            %max3A_420 = arith.maximumf %get3A_419, %get3A_416 : vector<16xf32>
            %swap3A_421 = arith.constant 16 : index
            %swap3A_422 = tpu.vector_load %arg9[%swap3A_421] {strides = array<i32>} : memref<128xf32, #tpu.memory_space<vmem>>, vector<16xf32>,
            %swap3A_423 = vector.shape_cast %swap3A_422 : vector<16xf32> to vector<16xf32>
            %swap3A_424 = vector.shape_cast %max3A_420 : vector<16xf32> to vector<16xf32>
            tpu.vector_store %arg9[%swap3A_421], %swap3A_424 {strides = array<i32>} : memref<128xf32, #tpu.memory_space<vmem>>, vector<16xf32>,
            %mul3A_425 = arith.constant 16 : i32
            %mul3A_426 = arith.muli %scan3A_343, %mul3A_425 : i32
            %add3A_427 = arith.addi %mul3A_426, %scan3A_370 : i32
            %mul3A_428 = arith.constant 128 : i32
            %mul3A_429 = arith.muli %add3A_427, %mul3A_428 : i32
            %add3A_430 = arith.constant 28672 : i32
            %add3A_431 = arith.addi %add3A_430, %mul3A_429 : i32
            %add3A_432 = arith.constant 32 : i32
            %add3A_433 = arith.addi %add3A_431, %add3A_432 : i32
            %get3A_434 = arith.index_cast %add3A_433 : i32 to index
            %get3A_435 = tpu.vector_load %arg7[%get3A_434] {strides = array<i32>} : memref<57344xf32, #tpu.memory_space<vmem>>, vector<16xf32>,
            %get3A_436 = vector.shape_cast %get3A_435 : vector<16xf32> to vector<16xf32>
            %get3A_437 = arith.constant 32 : index
            %get3A_438 = tpu.vector_load %arg9[%get3A_437] {strides = array<i32>} : memref<128xf32, #tpu.memory_space<vmem>>, vector<16xf32>,
            %get3A_439 = vector.shape_cast %get3A_438 : vector<16xf32> to vector<16xf32>
            %max3A_440 = arith.maximumf %get3A_439, %get3A_436 : vector<16xf32>
            %swap3A_441 = arith.constant 32 : index
            %swap3A_442 = tpu.vector_load %arg9[%swap3A_441] {strides = array<i32>} : memref<128xf32, #tpu.memory_space<vmem>>, vector<16xf32>,
            %swap3A_443 = vector.shape_cast %swap3A_442 : vector<16xf32> to vector<16xf32>
            %swap3A_444 = vector.shape_cast %max3A_440 : vector<16xf32> to vector<16xf32>
            tpu.vector_store %arg9[%swap3A_441], %swap3A_444 {strides = array<i32>} : memref<128xf32, #tpu.memory_space<vmem>>, vector<16xf32>,
            %mul3A_445 = arith.constant 16 : i32
            %mul3A_446 = arith.muli %scan3A_343, %mul3A_445 : i32
            %add3A_447 = arith.addi %mul3A_446, %scan3A_370 : i32
            %mul3A_448 = arith.constant 128 : i32
            %mul3A_449 = arith.muli %add3A_447, %mul3A_448 : i32
            %add3A_450 = arith.constant 28672 : i32
            %add3A_451 = arith.addi %add3A_450, %mul3A_449 : i32
            %add3A_452 = arith.constant 48 : i32
            %add3A_453 = arith.addi %add3A_451, %add3A_452 : i32
            %get3A_454 = arith.index_cast %add3A_453 : i32 to index
            %get3A_455 = tpu.vector_load %arg7[%get3A_454] {strides = array<i32>} : memref<57344xf32, #tpu.memory_space<vmem>>, vector<16xf32>,
            %get3A_456 = vector.shape_cast %get3A_455 : vector<16xf32> to vector<16xf32>
            %get3A_457 = arith.constant 48 : index
            %get3A_458 = tpu.vector_load %arg9[%get3A_457] {strides = array<i32>} : memref<128xf32, #tpu.memory_space<vmem>>, vector<16xf32>,
            %get3A_459 = vector.shape_cast %get3A_458 : vector<16xf32> to vector<16xf32>
            %max3A_460 = arith.maximumf %get3A_459, %get3A_456 : vector<16xf32>
            %swap3A_461 = arith.constant 48 : index
            %swap3A_462 = tpu.vector_load %arg9[%swap3A_461] {strides = array<i32>} : memref<128xf32, #tpu.memory_space<vmem>>, vector<16xf32>,
            %swap3A_463 = vector.shape_cast %swap3A_462 : vector<16xf32> to vector<16xf32>
            %swap3A_464 = vector.shape_cast %max3A_460 : vector<16xf32> to vector<16xf32>
            tpu.vector_store %arg9[%swap3A_461], %swap3A_464 {strides = array<i32>} : memref<128xf32, #tpu.memory_space<vmem>>, vector<16xf32>,
            %mul3A_465 = arith.constant 16 : i32
            %mul3A_466 = arith.muli %scan3A_343, %mul3A_465 : i32
            %add3A_467 = arith.addi %mul3A_466, %scan3A_370 : i32
            %mul3A_468 = arith.constant 128 : i32
            %mul3A_469 = arith.muli %add3A_467, %mul3A_468 : i32
            %add3A_470 = arith.constant 28672 : i32
            %add3A_471 = arith.addi %add3A_470, %mul3A_469 : i32
            %add3A_472 = arith.constant 64 : i32
            %add3A_473 = arith.addi %add3A_471, %add3A_472 : i32
            %get3A_474 = arith.index_cast %add3A_473 : i32 to index
            %get3A_475 = tpu.vector_load %arg7[%get3A_474] {strides = array<i32>} : memref<57344xf32, #tpu.memory_space<vmem>>, vector<16xf32>,
            %get3A_476 = vector.shape_cast %get3A_475 : vector<16xf32> to vector<16xf32>
            %get3A_477 = arith.constant 64 : index
            %get3A_478 = tpu.vector_load %arg9[%get3A_477] {strides = array<i32>} : memref<128xf32, #tpu.memory_space<vmem>>, vector<16xf32>,
            %get3A_479 = vector.shape_cast %get3A_478 : vector<16xf32> to vector<16xf32>
            %max3A_480 = arith.maximumf %get3A_479, %get3A_476 : vector<16xf32>
            %swap3A_481 = arith.constant 64 : index
            %swap3A_482 = tpu.vector_load %arg9[%swap3A_481] {strides = array<i32>} : memref<128xf32, #tpu.memory_space<vmem>>, vector<16xf32>,
            %swap3A_483 = vector.shape_cast %swap3A_482 : vector<16xf32> to vector<16xf32>
            %swap3A_484 = vector.shape_cast %max3A_480 : vector<16xf32> to vector<16xf32>
            tpu.vector_store %arg9[%swap3A_481], %swap3A_484 {strides = array<i32>} : memref<128xf32, #tpu.memory_space<vmem>>, vector<16xf32>,
            %mul3A_485 = arith.constant 16 : i32
            %mul3A_486 = arith.muli %scan3A_343, %mul3A_485 : i32
            %add3A_487 = arith.addi %mul3A_486, %scan3A_370 : i32
            %mul3A_488 = arith.constant 128 : i32
            %mul3A_489 = arith.muli %add3A_487, %mul3A_488 : i32
            %add3A_490 = arith.constant 28672 : i32
            %add3A_491 = arith.addi %add3A_490, %mul3A_489 : i32
            %add3A_492 = arith.constant 80 : i32
            %add3A_493 = arith.addi %add3A_491, %add3A_492 : i32
            %get3A_494 = arith.index_cast %add3A_493 : i32 to index
            %get3A_495 = tpu.vector_load %arg7[%get3A_494] {strides = array<i32>} : memref<57344xf32, #tpu.memory_space<vmem>>, vector<16xf32>,
            %get3A_496 = vector.shape_cast %get3A_495 : vector<16xf32> to vector<16xf32>
            %get3A_497 = arith.constant 80 : index
            %get3A_498 = tpu.vector_load %arg9[%get3A_497] {strides = array<i32>} : memref<128xf32, #tpu.memory_space<vmem>>, vector<16xf32>,
            %get3A_499 = vector.shape_cast %get3A_498 : vector<16xf32> to vector<16xf32>
            %max3A_500 = arith.maximumf %get3A_499, %get3A_496 : vector<16xf32>
            %swap3A_501 = arith.constant 80 : index
            %swap3A_502 = tpu.vector_load %arg9[%swap3A_501] {strides = array<i32>} : memref<128xf32, #tpu.memory_space<vmem>>, vector<16xf32>,
            %swap3A_503 = vector.shape_cast %swap3A_502 : vector<16xf32> to vector<16xf32>
            %swap3A_504 = vector.shape_cast %max3A_500 : vector<16xf32> to vector<16xf32>
            tpu.vector_store %arg9[%swap3A_501], %swap3A_504 {strides = array<i32>} : memref<128xf32, #tpu.memory_space<vmem>>, vector<16xf32>,
            %mul3A_505 = arith.constant 16 : i32
            %mul3A_506 = arith.muli %scan3A_343, %mul3A_505 : i32
            %add3A_507 = arith.addi %mul3A_506, %scan3A_370 : i32
            %mul3A_508 = arith.constant 128 : i32
            %mul3A_509 = arith.muli %add3A_507, %mul3A_508 : i32
            %add3A_510 = arith.constant 28672 : i32
            %add3A_511 = arith.addi %add3A_510, %mul3A_509 : i32
            %add3A_512 = arith.constant 96 : i32
            %add3A_513 = arith.addi %add3A_511, %add3A_512 : i32
            %get3A_514 = arith.index_cast %add3A_513 : i32 to index
            %get3A_515 = tpu.vector_load %arg7[%get3A_514] {strides = array<i32>} : memref<57344xf32, #tpu.memory_space<vmem>>, vector<16xf32>,
            %get3A_516 = vector.shape_cast %get3A_515 : vector<16xf32> to vector<16xf32>
            %get3A_517 = arith.constant 96 : index
            %get3A_518 = tpu.vector_load %arg9[%get3A_517] {strides = array<i32>} : memref<128xf32, #tpu.memory_space<vmem>>, vector<16xf32>,
            %get3A_519 = vector.shape_cast %get3A_518 : vector<16xf32> to vector<16xf32>
            %max3A_520 = arith.maximumf %get3A_519, %get3A_516 : vector<16xf32>
            %swap3A_521 = arith.constant 96 : index
            %swap3A_522 = tpu.vector_load %arg9[%swap3A_521] {strides = array<i32>} : memref<128xf32, #tpu.memory_space<vmem>>, vector<16xf32>,
            %swap3A_523 = vector.shape_cast %swap3A_522 : vector<16xf32> to vector<16xf32>
            %swap3A_524 = vector.shape_cast %max3A_520 : vector<16xf32> to vector<16xf32>
            tpu.vector_store %arg9[%swap3A_521], %swap3A_524 {strides = array<i32>} : memref<128xf32, #tpu.memory_space<vmem>>, vector<16xf32>,
            %mul3A_525 = arith.constant 16 : i32
            %mul3A_526 = arith.muli %scan3A_343, %mul3A_525 : i32
            %add3A_527 = arith.addi %mul3A_526, %scan3A_370 : i32
            %mul3A_528 = arith.constant 128 : i32
            %mul3A_529 = arith.muli %add3A_527, %mul3A_528 : i32
            %add3A_530 = arith.constant 28672 : i32
            %add3A_531 = arith.addi %add3A_530, %mul3A_529 : i32
            %add3A_532 = arith.constant 112 : i32
            %add3A_533 = arith.addi %add3A_531, %add3A_532 : i32
            %get3A_534 = arith.index_cast %add3A_533 : i32 to index
            %get3A_535 = tpu.vector_load %arg7[%get3A_534] {strides = array<i32>} : memref<57344xf32, #tpu.memory_space<vmem>>, vector<16xf32>,
            %get3A_536 = vector.shape_cast %get3A_535 : vector<16xf32> to vector<16xf32>
            %get3A_537 = arith.constant 112 : index
            %get3A_538 = tpu.vector_load %arg9[%get3A_537] {strides = array<i32>} : memref<128xf32, #tpu.memory_space<vmem>>, vector<16xf32>,
            %get3A_539 = vector.shape_cast %get3A_538 : vector<16xf32> to vector<16xf32>
            %max3A_540 = arith.maximumf %get3A_539, %get3A_536 : vector<16xf32>
            %swap3A_541 = arith.constant 112 : index
            %swap3A_542 = tpu.vector_load %arg9[%swap3A_541] {strides = array<i32>} : memref<128xf32, #tpu.memory_space<vmem>>, vector<16xf32>,
            %swap3A_543 = vector.shape_cast %swap3A_542 : vector<16xf32> to vector<16xf32>
            %swap3A_544 = vector.shape_cast %max3A_540 : vector<16xf32> to vector<16xf32>
            tpu.vector_store %arg9[%swap3A_541], %swap3A_544 {strides = array<i32>} : memref<128xf32, #tpu.memory_space<vmem>>, vector<16xf32>,
            scf.yield %squeeze3A_382 : i32
          }
          %scan3A_369 = arith.constant 16 : i32
          scf.yield %scan3A_368 : i32
        }
        scf.yield %cond3A_363 : i32
      }
      %scan3A_324 = arith.constant 14 : i32
      %add3A_325 = arith.constant 1 : i32
      %add3A_326 = arith.addi %mul3A_274, %add3A_325 : i32
      %add3A_327 = arith.constant 2 : i32
      %add3A_328 = arith.addi %add3A_326, %add3A_327 : i32
      %min3A_329 = arith.constant 13 : i32
      %min3A_330 = arith.minsi %add3A_328, %min3A_329 : i32
      %mul3A_331 = arith.constant 224 : i32
      %mul3A_332 = arith.muli %min3A_330, %mul3A_331 : i32
      %add3A_333 = arith.addi %multiple_of3A, %mul3A_332 : i32
      %mul3A_334 = arith.constant 128 : i32
      %mul3A_335 = arith.muli %add3A_333, %mul3A_334 : i32
      %multiple_of3A_336 = tpu.assume_multiple %mul3A_335, 8 : i32
      %dma_start3A_337 = arith.constant 28672 : i32
      %dma_start3A_338 = tpu.memref_slice %arg7[%dma_start3A_337] : memref<57344xf32, #tpu.memory_space<vmem>> -> memref<28672xf32, #tpu.memory_space<vmem>>
      %dma_start3A_339 = tpu.memref_slice %arg2[%multiple_of3A_336] : memref<12800000xf32, #tpu.memory_space<hbm>> -> memref<28672xf32, #tpu.memory_space<hbm>>
      %dma_start3A_340 = arith.constant 28672 : i32
      %dma_start3A_341 = tpu.memref_slice %arg7[%dma_start3A_340] : memref<57344xf32, #tpu.memory_space<vmem>> -> memref<28672xf32, #tpu.memory_space<vmem>>
      %dma_start3A_342 = tpu.memref_slice %arg2[%multiple_of3A_336] : memref<12800000xf32, #tpu.memory_space<hbm>> -> memref<28672xf32, #tpu.memory_space<hbm>>
      tpu.enqueue_dma source(%dma_start3A_342 : memref<28672xf32, #tpu.memory_space<hbm>>) target(%dma_start3A_341 : memref<28672xf32, #tpu.memory_space<vmem>>) target_semaphore(%arg12 : memref<!tpu.dma_semaphore, #tpu.memory_space<semaphore_mem>>)
      scf.yield %scan3A_323 : i32
    }
    %scan3A_93 = arith.constant 7 : i32
    %dma_wait3A = arith.constant 0 : i32
    %dma_wait3A_94 = tpu.memref_slice %arg7[%dma_wait3A] : memref<57344xf32, #tpu.memory_space<vmem>> -> memref<28672xf32, #tpu.memory_space<vmem>>
    %dma_wait3A_95 = arith.constant 0 : i32
    %dma_wait3A_96 = tpu.memref_slice %arg2[%dma_wait3A_95] : memref<12800000xf32, #tpu.memory_space<hbm>> -> memref<28672xf32, #tpu.memory_space<hbm>>
    %dma_wait3A_97 = arith.constant 0 : i32
    %dma_wait3A_98 = tpu.memref_slice %arg7[%dma_wait3A_97] : memref<57344xf32, #tpu.memory_space<vmem>> -> memref<28672xf32, #tpu.memory_space<vmem>>
    %dma_wait3A_99 = arith.constant 0 : i32
    %dma_wait3A_100 = tpu.memref_slice %arg2[%dma_wait3A_99] : memref<12800000xf32, #tpu.memory_space<hbm>> -> memref<28672xf32, #tpu.memory_space<hbm>>
    tpu.wait_dma2 semaphore(%arg11 : memref<!tpu.dma_semaphore, #tpu.memory_space<semaphore_mem>>) src(%dma_wait3A_100 : memref<28672xf32, #tpu.memory_space<hbm>>) dst(%dma_wait3A_98 : memref<28672xf32, #tpu.memory_space<vmem>>)
    %dma_wait3A_101 = arith.constant 28672 : i32
    %dma_wait3A_102 = tpu.memref_slice %arg7[%dma_wait3A_101] : memref<57344xf32, #tpu.memory_space<vmem>> -> memref<28672xf32, #tpu.memory_space<vmem>>
    %dma_wait3A_103 = arith.constant 0 : i32
    %dma_wait3A_104 = tpu.memref_slice %arg2[%dma_wait3A_103] : memref<12800000xf32, #tpu.memory_space<hbm>> -> memref<28672xf32, #tpu.memory_space<hbm>>
    %dma_wait3A_105 = arith.constant 28672 : i32
    %dma_wait3A_106 = tpu.memref_slice %arg7[%dma_wait3A_105] : memref<57344xf32, #tpu.memory_space<vmem>> -> memref<28672xf32, #tpu.memory_space<vmem>>
    %dma_wait3A_107 = arith.constant 0 : i32
    %dma_wait3A_108 = tpu.memref_slice %arg2[%dma_wait3A_107] : memref<12800000xf32, #tpu.memory_space<hbm>> -> memref<28672xf32, #tpu.memory_space<hbm>>
    tpu.wait_dma2 semaphore(%arg12 : memref<!tpu.dma_semaphore, #tpu.memory_space<semaphore_mem>>) src(%dma_wait3A_108 : memref<28672xf32, #tpu.memory_space<hbm>>) dst(%dma_wait3A_106 : memref<28672xf32, #tpu.memory_space<vmem>>)
    %get3A_109 = arith.constant 0 : index
    %get3A_110 = tpu.vector_load %arg9[%get3A_109] {strides = array<i32>} : memref<128xf32, #tpu.memory_space<vmem>>, vector<16xf32>,
    %get3A_111 = vector.shape_cast %get3A_110 : vector<16xf32> to vector<16xf32>
    %mul3A_112 = arith.constant 128 : i32
    %mul3A_113 = arith.muli %scan3A_92, %mul3A_112 : i32
    %add3A_114 = arith.constant 0 : i32
    %add3A_115 = arith.addi %mul3A_113, %add3A_114 : i32
    %swap3A_116 = arith.index_cast %add3A_115 : i32 to index
    %swap3A_117 = tpu.vector_load %arg8[%swap3A_116] {strides = array<i32>} : memref<65536xf32, #tpu.memory_space<vmem>>, vector<16xf32>,
    %swap3A_118 = vector.shape_cast %swap3A_117 : vector<16xf32> to vector<16xf32>
    %swap3A_119 = vector.shape_cast %get3A_111 : vector<16xf32> to vector<16xf32>
    tpu.vector_store %arg8[%swap3A_116], %swap3A_119 {strides = array<i32>} : memref<65536xf32, #tpu.memory_space<vmem>>, vector<16xf32>,
    %get3A_120 = arith.constant 16 : index
    %get3A_121 = tpu.vector_load %arg9[%get3A_120] {strides = array<i32>} : memref<128xf32, #tpu.memory_space<vmem>>, vector<16xf32>,
    %get3A_122 = vector.shape_cast %get3A_121 : vector<16xf32> to vector<16xf32>
    %mul3A_123 = arith.constant 128 : i32
    %mul3A_124 = arith.muli %scan3A_92, %mul3A_123 : i32
    %add3A_125 = arith.constant 16 : i32
    %add3A_126 = arith.addi %mul3A_124, %add3A_125 : i32
    %swap3A_127 = arith.index_cast %add3A_126 : i32 to index
    %swap3A_128 = tpu.vector_load %arg8[%swap3A_127] {strides = array<i32>} : memref<65536xf32, #tpu.memory_space<vmem>>, vector<16xf32>,
    %swap3A_129 = vector.shape_cast %swap3A_128 : vector<16xf32> to vector<16xf32>
    %swap3A_130 = vector.shape_cast %get3A_122 : vector<16xf32> to vector<16xf32>
    tpu.vector_store %arg8[%swap3A_127], %swap3A_130 {strides = array<i32>} : memref<65536xf32, #tpu.memory_space<vmem>>, vector<16xf32>,
    %get3A_131 = arith.constant 32 : index
    %get3A_132 = tpu.vector_load %arg9[%get3A_131] {strides = array<i32>} : memref<128xf32, #tpu.memory_space<vmem>>, vector<16xf32>,
    %get3A_133 = vector.shape_cast %get3A_132 : vector<16xf32> to vector<16xf32>
    %mul3A_134 = arith.constant 128 : i32
    %mul3A_135 = arith.muli %scan3A_92, %mul3A_134 : i32
    %add3A_136 = arith.constant 32 : i32
    %add3A_137 = arith.addi %mul3A_135, %add3A_136 : i32
    %swap3A_138 = arith.index_cast %add3A_137 : i32 to index
    %swap3A_139 = tpu.vector_load %arg8[%swap3A_138] {strides = array<i32>} : memref<65536xf32, #tpu.memory_space<vmem>>, vector<16xf32>,
    %swap3A_140 = vector.shape_cast %swap3A_139 : vector<16xf32> to vector<16xf32>
    %swap3A_141 = vector.shape_cast %get3A_133 : vector<16xf32> to vector<16xf32>
    tpu.vector_store %arg8[%swap3A_138], %swap3A_141 {strides = array<i32>} : memref<65536xf32, #tpu.memory_space<vmem>>, vector<16xf32>,
    %get3A_142 = arith.constant 48 : index
    %get3A_143 = tpu.vector_load %arg9[%get3A_142] {strides = array<i32>} : memref<128xf32, #tpu.memory_space<vmem>>, vector<16xf32>,
    %get3A_144 = vector.shape_cast %get3A_143 : vector<16xf32> to vector<16xf32>
    %mul3A_145 = arith.constant 128 : i32
    %mul3A_146 = arith.muli %scan3A_92, %mul3A_145 : i32
    %add3A_147 = arith.constant 48 : i32
    %add3A_148 = arith.addi %mul3A_146, %add3A_147 : i32
    %swap3A_149 = arith.index_cast %add3A_148 : i32 to index
    %swap3A_150 = tpu.vector_load %arg8[%swap3A_149] {strides = array<i32>} : memref<65536xf32, #tpu.memory_space<vmem>>, vector<16xf32>,
    %swap3A_151 = vector.shape_cast %swap3A_150 : vector<16xf32> to vector<16xf32>
    %swap3A_152 = vector.shape_cast %get3A_144 : vector<16xf32> to vector<16xf32>
    tpu.vector_store %arg8[%swap3A_149], %swap3A_152 {strides = array<i32>} : memref<65536xf32, #tpu.memory_space<vmem>>, vector<16xf32>,
    %get3A_153 = arith.constant 64 : index
    %get3A_154 = tpu.vector_load %arg9[%get3A_153] {strides = array<i32>} : memref<128xf32, #tpu.memory_space<vmem>>, vector<16xf32>,
    %get3A_155 = vector.shape_cast %get3A_154 : vector<16xf32> to vector<16xf32>
    %mul3A_156 = arith.constant 128 : i32
    %mul3A_157 = arith.muli %scan3A_92, %mul3A_156 : i32
    %add3A_158 = arith.constant 64 : i32
    %add3A_159 = arith.addi %mul3A_157, %add3A_158 : i32
    %swap3A_160 = arith.index_cast %add3A_159 : i32 to index
    %swap3A_161 = tpu.vector_load %arg8[%swap3A_160] {strides = array<i32>} : memref<65536xf32, #tpu.memory_space<vmem>>, vector<16xf32>,
    %swap3A_162 = vector.shape_cast %swap3A_161 : vector<16xf32> to vector<16xf32>
    %swap3A_163 = vector.shape_cast %get3A_155 : vector<16xf32> to vector<16xf32>
    tpu.vector_store %arg8[%swap3A_160], %swap3A_163 {strides = array<i32>} : memref<65536xf32, #tpu.memory_space<vmem>>, vector<16xf32>,
    %get3A_164 = arith.constant 80 : index
    %get3A_165 = tpu.vector_load %arg9[%get3A_164] {strides = array<i32>} : memref<128xf32, #tpu.memory_space<vmem>>, vector<16xf32>,
    %get3A_166 = vector.shape_cast %get3A_165 : vector<16xf32> to vector<16xf32>
    %mul3A_167 = arith.constant 128 : i32
    %mul3A_168 = arith.muli %scan3A_92, %mul3A_167 : i32
    %add3A_169 = arith.constant 80 : i32
    %add3A_170 = arith.addi %mul3A_168, %add3A_169 : i32
    %swap3A_171 = arith.index_cast %add3A_170 : i32 to index
    %swap3A_172 = tpu.vector_load %arg8[%swap3A_171] {strides = array<i32>} : memref<65536xf32, #tpu.memory_space<vmem>>, vector<16xf32>,
    %swap3A_173 = vector.shape_cast %swap3A_172 : vector<16xf32> to vector<16xf32>
    %swap3A_174 = vector.shape_cast %get3A_166 : vector<16xf32> to vector<16xf32>
    tpu.vector_store %arg8[%swap3A_171], %swap3A_174 {strides = array<i32>} : memref<65536xf32, #tpu.memory_space<vmem>>, vector<16xf32>,
    %get3A_175 = arith.constant 96 : index
    %get3A_176 = tpu.vector_load %arg9[%get3A_175] {strides = array<i32>} : memref<128xf32, #tpu.memory_space<vmem>>, vector<16xf32>,
    %get3A_177 = vector.shape_cast %get3A_176 : vector<16xf32> to vector<16xf32>
    %mul3A_178 = arith.constant 128 : i32
    %mul3A_179 = arith.muli %scan3A_92, %mul3A_178 : i32
    %add3A_180 = arith.constant 96 : i32
    %add3A_181 = arith.addi %mul3A_179, %add3A_180 : i32
    %swap3A_182 = arith.index_cast %add3A_181 : i32 to index
    %swap3A_183 = tpu.vector_load %arg8[%swap3A_182] {strides = array<i32>} : memref<65536xf32, #tpu.memory_space<vmem>>, vector<16xf32>,
    %swap3A_184 = vector.shape_cast %swap3A_183 : vector<16xf32> to vector<16xf32>
    %swap3A_185 = vector.shape_cast %get3A_177 : vector<16xf32> to vector<16xf32>
    tpu.vector_store %arg8[%swap3A_182], %swap3A_185 {strides = array<i32>} : memref<65536xf32, #tpu.memory_space<vmem>>, vector<16xf32>,
    %get3A_186 = arith.constant 112 : index
    %get3A_187 = tpu.vector_load %arg9[%get3A_186] {strides = array<i32>} : memref<128xf32, #tpu.memory_space<vmem>>, vector<16xf32>,
    %get3A_188 = vector.shape_cast %get3A_187 : vector<16xf32> to vector<16xf32>
    %mul3A_189 = arith.constant 128 : i32
    %mul3A_190 = arith.muli %scan3A_92, %mul3A_189 : i32
    %add3A_191 = arith.constant 112 : i32
    %add3A_192 = arith.addi %mul3A_190, %add3A_191 : i32
    %swap3A_193 = arith.index_cast %add3A_192 : i32 to index
    %swap3A_194 = tpu.vector_load %arg8[%swap3A_193] {strides = array<i32>} : memref<65536xf32, #tpu.memory_space<vmem>>, vector<16xf32>,
    %swap3A_195 = vector.shape_cast %swap3A_194 : vector<16xf32> to vector<16xf32>
    %swap3A_196 = vector.shape_cast %get3A_188 : vector<16xf32> to vector<16xf32>
    tpu.vector_store %arg8[%swap3A_193], %swap3A_196 {strides = array<i32>} : memref<65536xf32, #tpu.memory_space<vmem>>, vector<16xf32>,
    %lt3A = arith.constant 64 : i32
    %lt3A_197 = arith.cmpi slt, %squeeze3A, %lt3A : i32
    %ge3A = arith.constant 0 : i32
    %ge3A_198 = arith.cmpi sge, %squeeze3A_11, %ge3A : i32
    %and3A = arith.andi %lt3A_197, %ge3A_198 : i1
    %convert_element_type3A = arith.extui %and3A : i1 to i32
    %cond3A = arith.constant 0 : i32
    %cond3A_199 = arith.cmpi ne, %convert_element_type3A, %cond3A : i32
    scf.if %cond3A_199 {
      %mul3A_271 = arith.constant 512 : i32
      %mul3A_272 = arith.muli %add3A, %mul3A_271 : i32
      %mul3A_273 = arith.constant 128 : i32
      %mul3A_274 = arith.muli %mul3A_272, %mul3A_273 : i32
      %add3A_275 = arith.constant 0 : i32
      %add3A_276 = arith.addi %mul3A_274, %add3A_275 : i32
      "tpu.region"() ({
        %run_scoped3A = tpu.sem_alloc : memref<!tpu.dma_semaphore, #tpu.memory_space<semaphore_mem>>
        %dma_start3A_277 = arith.constant 0 : i32
        %dma_start3A_278 = tpu.memref_slice %arg8[%dma_start3A_277] : memref<65536xf32, #tpu.memory_space<vmem>> -> memref<8192xf32, #tpu.memory_space<vmem>>
        %dma_start3A_279 = tpu.memref_slice %arg4[%add3A_276] : memref<2097152xf32, #tpu.memory_space<hbm>> -> memref<8192xf32, #tpu.memory_space<hbm>>
        %dma_start3A_280 = tpu.memref_slice %arg4[%add3A_276] : memref<2097152xf32, #tpu.memory_space<hbm>> -> memref<8192xf32, #tpu.memory_space<hbm>>
        %dma_start3A_281 = arith.constant 0 : i32
        %dma_start3A_282 = tpu.memref_slice %arg8[%dma_start3A_281] : memref<65536xf32, #tpu.memory_space<vmem>> -> memref<8192xf32, #tpu.memory_space<vmem>>
        tpu.enqueue_dma source(%dma_start3A_282 : memref<8192xf32, #tpu.memory_space<vmem>>) target(%dma_start3A_280 : memref<8192xf32, #tpu.memory_space<hbm>>) target_semaphore(%run_scoped3A : memref<!tpu.dma_semaphore, #tpu.memory_space<semaphore_mem>>)
        %dma_wait3A_283 = arith.constant 0 : i32
        %dma_wait3A_284 = tpu.memref_slice %arg8[%dma_wait3A_283] : memref<65536xf32, #tpu.memory_space<vmem>> -> memref<8192xf32, #tpu.memory_space<vmem>>
        %dma_wait3A_285 = tpu.memref_slice %arg4[%add3A_276] : memref<2097152xf32, #tpu.memory_space<hbm>> -> memref<8192xf32, #tpu.memory_space<hbm>>
        %dma_wait3A_286 = tpu.memref_slice %arg4[%add3A_276] : memref<2097152xf32, #tpu.memory_space<hbm>> -> memref<8192xf32, #tpu.memory_space<hbm>>
        %dma_wait3A_287 = arith.constant 0 : i32
        %dma_wait3A_288 = tpu.memref_slice %arg8[%dma_wait3A_287] : memref<65536xf32, #tpu.memory_space<vmem>> -> memref<8192xf32, #tpu.memory_space<vmem>>
        tpu.wait_dma2 semaphore(%run_scoped3A : memref<!tpu.dma_semaphore, #tpu.memory_space<semaphore_mem>>) src(%dma_wait3A_288 : memref<8192xf32, #tpu.memory_space<vmem>>) dst(%dma_wait3A_286 : memref<8192xf32, #tpu.memory_space<hbm>>)
        tpu.yield
      }) : () -> ()
    } else {
    }
    %lt3A_200 = arith.constant 128 : i32
    %lt3A_201 = arith.cmpi slt, %squeeze3A, %lt3A_200 : i32
    %ge3A_202 = arith.constant 64 : i32
    %ge3A_203 = arith.cmpi sge, %squeeze3A_11, %ge3A_202 : i32
    %and3A_204 = arith.andi %lt3A_201, %ge3A_203 : i1
    %convert_element_type3A_205 = arith.extui %and3A_204 : i1 to i32
    %cond3A_206 = arith.constant 0 : i32
    %cond3A_207 = arith.cmpi ne, %convert_element_type3A_205, %cond3A_206 : i32
    scf.if %cond3A_207 {
      %mul3A_271 = arith.constant 512 : i32
      %mul3A_272 = arith.muli %add3A, %mul3A_271 : i32
      %mul3A_273 = arith.constant 128 : i32
      %mul3A_274 = arith.muli %mul3A_272, %mul3A_273 : i32
      %add3A_275 = arith.constant 8192 : i32
      %add3A_276 = arith.addi %mul3A_274, %add3A_275 : i32
      "tpu.region"() ({
        %run_scoped3A = tpu.sem_alloc : memref<!tpu.dma_semaphore, #tpu.memory_space<semaphore_mem>>
        %dma_start3A_277 = arith.constant 8192 : i32
        %dma_start3A_278 = tpu.memref_slice %arg8[%dma_start3A_277] : memref<65536xf32, #tpu.memory_space<vmem>> -> memref<8192xf32, #tpu.memory_space<vmem>>
        %dma_start3A_279 = tpu.memref_slice %arg4[%add3A_276] : memref<2097152xf32, #tpu.memory_space<hbm>> -> memref<8192xf32, #tpu.memory_space<hbm>>
        %dma_start3A_280 = tpu.memref_slice %arg4[%add3A_276] : memref<2097152xf32, #tpu.memory_space<hbm>> -> memref<8192xf32, #tpu.memory_space<hbm>>
        %dma_start3A_281 = arith.constant 8192 : i32
        %dma_start3A_282 = tpu.memref_slice %arg8[%dma_start3A_281] : memref<65536xf32, #tpu.memory_space<vmem>> -> memref<8192xf32, #tpu.memory_space<vmem>>
        tpu.enqueue_dma source(%dma_start3A_282 : memref<8192xf32, #tpu.memory_space<vmem>>) target(%dma_start3A_280 : memref<8192xf32, #tpu.memory_space<hbm>>) target_semaphore(%run_scoped3A : memref<!tpu.dma_semaphore, #tpu.memory_space<semaphore_mem>>)
        %dma_wait3A_283 = arith.constant 8192 : i32
        %dma_wait3A_284 = tpu.memref_slice %arg8[%dma_wait3A_283] : memref<65536xf32, #tpu.memory_space<vmem>> -> memref<8192xf32, #tpu.memory_space<vmem>>
        %dma_wait3A_285 = tpu.memref_slice %arg4[%add3A_276] : memref<2097152xf32, #tpu.memory_space<hbm>> -> memref<8192xf32, #tpu.memory_space<hbm>>
        %dma_wait3A_286 = tpu.memref_slice %arg4[%add3A_276] : memref<2097152xf32, #tpu.memory_space<hbm>> -> memref<8192xf32, #tpu.memory_space<hbm>>
        %dma_wait3A_287 = arith.constant 8192 : i32
        %dma_wait3A_288 = tpu.memref_slice %arg8[%dma_wait3A_287] : memref<65536xf32, #tpu.memory_space<vmem>> -> memref<8192xf32, #tpu.memory_space<vmem>>
        tpu.wait_dma2 semaphore(%run_scoped3A : memref<!tpu.dma_semaphore, #tpu.memory_space<semaphore_mem>>) src(%dma_wait3A_288 : memref<8192xf32, #tpu.memory_space<vmem>>) dst(%dma_wait3A_286 : memref<8192xf32, #tpu.memory_space<hbm>>)
        tpu.yield
      }) : () -> ()
    } else {
    }
    %lt3A_208 = arith.constant 192 : i32
    %lt3A_209 = arith.cmpi slt, %squeeze3A, %lt3A_208 : i32
    %ge3A_210 = arith.constant 128 : i32
    %ge3A_211 = arith.cmpi sge, %squeeze3A_11, %ge3A_210 : i32
    %and3A_212 = arith.andi %lt3A_209, %ge3A_211 : i1
    %convert_element_type3A_213 = arith.extui %and3A_212 : i1 to i32
    %cond3A_214 = arith.constant 0 : i32
    %cond3A_215 = arith.cmpi ne, %convert_element_type3A_213, %cond3A_214 : i32
    scf.if %cond3A_215 {
      %mul3A_271 = arith.constant 512 : i32
      %mul3A_272 = arith.muli %add3A, %mul3A_271 : i32
      %mul3A_273 = arith.constant 128 : i32
      %mul3A_274 = arith.muli %mul3A_272, %mul3A_273 : i32
      %add3A_275 = arith.constant 16384 : i32
      %add3A_276 = arith.addi %mul3A_274, %add3A_275 : i32
      "tpu.region"() ({
        %run_scoped3A = tpu.sem_alloc : memref<!tpu.dma_semaphore, #tpu.memory_space<semaphore_mem>>
        %dma_start3A_277 = arith.constant 16384 : i32
        %dma_start3A_278 = tpu.memref_slice %arg8[%dma_start3A_277] : memref<65536xf32, #tpu.memory_space<vmem>> -> memref<8192xf32, #tpu.memory_space<vmem>>
        %dma_start3A_279 = tpu.memref_slice %arg4[%add3A_276] : memref<2097152xf32, #tpu.memory_space<hbm>> -> memref<8192xf32, #tpu.memory_space<hbm>>
        %dma_start3A_280 = tpu.memref_slice %arg4[%add3A_276] : memref<2097152xf32, #tpu.memory_space<hbm>> -> memref<8192xf32, #tpu.memory_space<hbm>>
        %dma_start3A_281 = arith.constant 16384 : i32
        %dma_start3A_282 = tpu.memref_slice %arg8[%dma_start3A_281] : memref<65536xf32, #tpu.memory_space<vmem>> -> memref<8192xf32, #tpu.memory_space<vmem>>
        tpu.enqueue_dma source(%dma_start3A_282 : memref<8192xf32, #tpu.memory_space<vmem>>) target(%dma_start3A_280 : memref<8192xf32, #tpu.memory_space<hbm>>) target_semaphore(%run_scoped3A : memref<!tpu.dma_semaphore, #tpu.memory_space<semaphore_mem>>)
        %dma_wait3A_283 = arith.constant 16384 : i32
        %dma_wait3A_284 = tpu.memref_slice %arg8[%dma_wait3A_283] : memref<65536xf32, #tpu.memory_space<vmem>> -> memref<8192xf32, #tpu.memory_space<vmem>>
        %dma_wait3A_285 = tpu.memref_slice %arg4[%add3A_276] : memref<2097152xf32, #tpu.memory_space<hbm>> -> memref<8192xf32, #tpu.memory_space<hbm>>
        %dma_wait3A_286 = tpu.memref_slice %arg4[%add3A_276] : memref<2097152xf32, #tpu.memory_space<hbm>> -> memref<8192xf32, #tpu.memory_space<hbm>>
        %dma_wait3A_287 = arith.constant 16384 : i32
        %dma_wait3A_288 = tpu.memref_slice %arg8[%dma_wait3A_287] : memref<65536xf32, #tpu.memory_space<vmem>> -> memref<8192xf32, #tpu.memory_space<vmem>>
        tpu.wait_dma2 semaphore(%run_scoped3A : memref<!tpu.dma_semaphore, #tpu.memory_space<semaphore_mem>>) src(%dma_wait3A_288 : memref<8192xf32, #tpu.memory_space<vmem>>) dst(%dma_wait3A_286 : memref<8192xf32, #tpu.memory_space<hbm>>)
        tpu.yield
      }) : () -> ()
    } else {
    }
    %lt3A_216 = arith.constant 256 : i32
    %lt3A_217 = arith.cmpi slt, %squeeze3A, %lt3A_216 : i32
    %ge3A_218 = arith.constant 192 : i32
    %ge3A_219 = arith.cmpi sge, %squeeze3A_11, %ge3A_218 : i32
    %and3A_220 = arith.andi %lt3A_217, %ge3A_219 : i1
    %convert_element_type3A_221 = arith.extui %and3A_220 : i1 to i32
    %cond3A_222 = arith.constant 0 : i32
    %cond3A_223 = arith.cmpi ne, %convert_element_type3A_221, %cond3A_222 : i32
    scf.if %cond3A_223 {
      %mul3A_271 = arith.constant 512 : i32
      %mul3A_272 = arith.muli %add3A, %mul3A_271 : i32
      %mul3A_273 = arith.constant 128 : i32
      %mul3A_274 = arith.muli %mul3A_272, %mul3A_273 : i32
      %add3A_275 = arith.constant 24576 : i32
      %add3A_276 = arith.addi %mul3A_274, %add3A_275 : i32
      "tpu.region"() ({
        %run_scoped3A = tpu.sem_alloc : memref<!tpu.dma_semaphore, #tpu.memory_space<semaphore_mem>>
        %dma_start3A_277 = arith.constant 24576 : i32
        %dma_start3A_278 = tpu.memref_slice %arg8[%dma_start3A_277] : memref<65536xf32, #tpu.memory_space<vmem>> -> memref<8192xf32, #tpu.memory_space<vmem>>
        %dma_start3A_279 = tpu.memref_slice %arg4[%add3A_276] : memref<2097152xf32, #tpu.memory_space<hbm>> -> memref<8192xf32, #tpu.memory_space<hbm>>
        %dma_start3A_280 = tpu.memref_slice %arg4[%add3A_276] : memref<2097152xf32, #tpu.memory_space<hbm>> -> memref<8192xf32, #tpu.memory_space<hbm>>
        %dma_start3A_281 = arith.constant 24576 : i32
        %dma_start3A_282 = tpu.memref_slice %arg8[%dma_start3A_281] : memref<65536xf32, #tpu.memory_space<vmem>> -> memref<8192xf32, #tpu.memory_space<vmem>>
        tpu.enqueue_dma source(%dma_start3A_282 : memref<8192xf32, #tpu.memory_space<vmem>>) target(%dma_start3A_280 : memref<8192xf32, #tpu.memory_space<hbm>>) target_semaphore(%run_scoped3A : memref<!tpu.dma_semaphore, #tpu.memory_space<semaphore_mem>>)
        %dma_wait3A_283 = arith.constant 24576 : i32
        %dma_wait3A_284 = tpu.memref_slice %arg8[%dma_wait3A_283] : memref<65536xf32, #tpu.memory_space<vmem>> -> memref<8192xf32, #tpu.memory_space<vmem>>
        %dma_wait3A_285 = tpu.memref_slice %arg4[%add3A_276] : memref<2097152xf32, #tpu.memory_space<hbm>> -> memref<8192xf32, #tpu.memory_space<hbm>>
        %dma_wait3A_286 = tpu.memref_slice %arg4[%add3A_276] : memref<2097152xf32, #tpu.memory_space<hbm>> -> memref<8192xf32, #tpu.memory_space<hbm>>
        %dma_wait3A_287 = arith.constant 24576 : i32
        %dma_wait3A_288 = tpu.memref_slice %arg8[%dma_wait3A_287] : memref<65536xf32, #tpu.memory_space<vmem>> -> memref<8192xf32, #tpu.memory_space<vmem>>
        tpu.wait_dma2 semaphore(%run_scoped3A : memref<!tpu.dma_semaphore, #tpu.memory_space<semaphore_mem>>) src(%dma_wait3A_288 : memref<8192xf32, #tpu.memory_space<vmem>>) dst(%dma_wait3A_286 : memref<8192xf32, #tpu.memory_space<hbm>>)
        tpu.yield
      }) : () -> ()
    } else {
    }
    %lt3A_224 = arith.constant 320 : i32
    %lt3A_225 = arith.cmpi slt, %squeeze3A, %lt3A_224 : i32
    %ge3A_226 = arith.constant 256 : i32
    %ge3A_227 = arith.cmpi sge, %squeeze3A_11, %ge3A_226 : i32
    %and3A_228 = arith.andi %lt3A_225, %ge3A_227 : i1
    %convert_element_type3A_229 = arith.extui %and3A_228 : i1 to i32
    %cond3A_230 = arith.constant 0 : i32
    %cond3A_231 = arith.cmpi ne, %convert_element_type3A_229, %cond3A_230 : i32
    scf.if %cond3A_231 {
      %mul3A_271 = arith.constant 512 : i32
      %mul3A_272 = arith.muli %add3A, %mul3A_271 : i32
      %mul3A_273 = arith.constant 128 : i32
      %mul3A_274 = arith.muli %mul3A_272, %mul3A_273 : i32
      %add3A_275 = arith.constant 32768 : i32
      %add3A_276 = arith.addi %mul3A_274, %add3A_275 : i32
      "tpu.region"() ({
        %run_scoped3A = tpu.sem_alloc : memref<!tpu.dma_semaphore, #tpu.memory_space<semaphore_mem>>
        %dma_start3A_277 = arith.constant 32768 : i32
        %dma_start3A_278 = tpu.memref_slice %arg8[%dma_start3A_277] : memref<65536xf32, #tpu.memory_space<vmem>> -> memref<8192xf32, #tpu.memory_space<vmem>>
        %dma_start3A_279 = tpu.memref_slice %arg4[%add3A_276] : memref<2097152xf32, #tpu.memory_space<hbm>> -> memref<8192xf32, #tpu.memory_space<hbm>>
        %dma_start3A_280 = tpu.memref_slice %arg4[%add3A_276] : memref<2097152xf32, #tpu.memory_space<hbm>> -> memref<8192xf32, #tpu.memory_space<hbm>>
        %dma_start3A_281 = arith.constant 32768 : i32
        %dma_start3A_282 = tpu.memref_slice %arg8[%dma_start3A_281] : memref<65536xf32, #tpu.memory_space<vmem>> -> memref<8192xf32, #tpu.memory_space<vmem>>
        tpu.enqueue_dma source(%dma_start3A_282 : memref<8192xf32, #tpu.memory_space<vmem>>) target(%dma_start3A_280 : memref<8192xf32, #tpu.memory_space<hbm>>) target_semaphore(%run_scoped3A : memref<!tpu.dma_semaphore, #tpu.memory_space<semaphore_mem>>)
        %dma_wait3A_283 = arith.constant 32768 : i32
        %dma_wait3A_284 = tpu.memref_slice %arg8[%dma_wait3A_283] : memref<65536xf32, #tpu.memory_space<vmem>> -> memref<8192xf32, #tpu.memory_space<vmem>>
        %dma_wait3A_285 = tpu.memref_slice %arg4[%add3A_276] : memref<2097152xf32, #tpu.memory_space<hbm>> -> memref<8192xf32, #tpu.memory_space<hbm>>
        %dma_wait3A_286 = tpu.memref_slice %arg4[%add3A_276] : memref<2097152xf32, #tpu.memory_space<hbm>> -> memref<8192xf32, #tpu.memory_space<hbm>>
        %dma_wait3A_287 = arith.constant 32768 : i32
        %dma_wait3A_288 = tpu.memref_slice %arg8[%dma_wait3A_287] : memref<65536xf32, #tpu.memory_space<vmem>> -> memref<8192xf32, #tpu.memory_space<vmem>>
        tpu.wait_dma2 semaphore(%run_scoped3A : memref<!tpu.dma_semaphore, #tpu.memory_space<semaphore_mem>>) src(%dma_wait3A_288 : memref<8192xf32, #tpu.memory_space<vmem>>) dst(%dma_wait3A_286 : memref<8192xf32, #tpu.memory_space<hbm>>)
        tpu.yield
      }) : () -> ()
    } else {
    }
    %lt3A_232 = arith.constant 384 : i32
    %lt3A_233 = arith.cmpi slt, %squeeze3A, %lt3A_232 : i32
    %ge3A_234 = arith.constant 320 : i32
    %ge3A_235 = arith.cmpi sge, %squeeze3A_11, %ge3A_234 : i32
    %and3A_236 = arith.andi %lt3A_233, %ge3A_235 : i1
    %convert_element_type3A_237 = arith.extui %and3A_236 : i1 to i32
    %cond3A_238 = arith.constant 0 : i32
    %cond3A_239 = arith.cmpi ne, %convert_element_type3A_237, %cond3A_238 : i32
    scf.if %cond3A_239 {
      %mul3A_271 = arith.constant 512 : i32
      %mul3A_272 = arith.muli %add3A, %mul3A_271 : i32
      %mul3A_273 = arith.constant 128 : i32
      %mul3A_274 = arith.muli %mul3A_272, %mul3A_273 : i32
      %add3A_275 = arith.constant 40960 : i32
      %add3A_276 = arith.addi %mul3A_274, %add3A_275 : i32
      "tpu.region"() ({
        %run_scoped3A = tpu.sem_alloc : memref<!tpu.dma_semaphore, #tpu.memory_space<semaphore_mem>>
        %dma_start3A_277 = arith.constant 40960 : i32
        %dma_start3A_278 = tpu.memref_slice %arg8[%dma_start3A_277] : memref<65536xf32, #tpu.memory_space<vmem>> -> memref<8192xf32, #tpu.memory_space<vmem>>
        %dma_start3A_279 = tpu.memref_slice %arg4[%add3A_276] : memref<2097152xf32, #tpu.memory_space<hbm>> -> memref<8192xf32, #tpu.memory_space<hbm>>
        %dma_start3A_280 = tpu.memref_slice %arg4[%add3A_276] : memref<2097152xf32, #tpu.memory_space<hbm>> -> memref<8192xf32, #tpu.memory_space<hbm>>
        %dma_start3A_281 = arith.constant 40960 : i32
        %dma_start3A_282 = tpu.memref_slice %arg8[%dma_start3A_281] : memref<65536xf32, #tpu.memory_space<vmem>> -> memref<8192xf32, #tpu.memory_space<vmem>>
        tpu.enqueue_dma source(%dma_start3A_282 : memref<8192xf32, #tpu.memory_space<vmem>>) target(%dma_start3A_280 : memref<8192xf32, #tpu.memory_space<hbm>>) target_semaphore(%run_scoped3A : memref<!tpu.dma_semaphore, #tpu.memory_space<semaphore_mem>>)
        %dma_wait3A_283 = arith.constant 40960 : i32
        %dma_wait3A_284 = tpu.memref_slice %arg8[%dma_wait3A_283] : memref<65536xf32, #tpu.memory_space<vmem>> -> memref<8192xf32, #tpu.memory_space<vmem>>
        %dma_wait3A_285 = tpu.memref_slice %arg4[%add3A_276] : memref<2097152xf32, #tpu.memory_space<hbm>> -> memref<8192xf32, #tpu.memory_space<hbm>>
        %dma_wait3A_286 = tpu.memref_slice %arg4[%add3A_276] : memref<2097152xf32, #tpu.memory_space<hbm>> -> memref<8192xf32, #tpu.memory_space<hbm>>
        %dma_wait3A_287 = arith.constant 40960 : i32
        %dma_wait3A_288 = tpu.memref_slice %arg8[%dma_wait3A_287] : memref<65536xf32, #tpu.memory_space<vmem>> -> memref<8192xf32, #tpu.memory_space<vmem>>
        tpu.wait_dma2 semaphore(%run_scoped3A : memref<!tpu.dma_semaphore, #tpu.memory_space<semaphore_mem>>) src(%dma_wait3A_288 : memref<8192xf32, #tpu.memory_space<vmem>>) dst(%dma_wait3A_286 : memref<8192xf32, #tpu.memory_space<hbm>>)
        tpu.yield
      }) : () -> ()
    } else {
    }
    %lt3A_240 = arith.constant 448 : i32
    %lt3A_241 = arith.cmpi slt, %squeeze3A, %lt3A_240 : i32
    %ge3A_242 = arith.constant 384 : i32
    %ge3A_243 = arith.cmpi sge, %squeeze3A_11, %ge3A_242 : i32
    %and3A_244 = arith.andi %lt3A_241, %ge3A_243 : i1
    %convert_element_type3A_245 = arith.extui %and3A_244 : i1 to i32
    %cond3A_246 = arith.constant 0 : i32
    %cond3A_247 = arith.cmpi ne, %convert_element_type3A_245, %cond3A_246 : i32
    scf.if %cond3A_247 {
      %mul3A_271 = arith.constant 512 : i32
      %mul3A_272 = arith.muli %add3A, %mul3A_271 : i32
      %mul3A_273 = arith.constant 128 : i32
      %mul3A_274 = arith.muli %mul3A_272, %mul3A_273 : i32
      %add3A_275 = arith.constant 49152 : i32
      %add3A_276 = arith.addi %mul3A_274, %add3A_275 : i32
      "tpu.region"() ({
        %run_scoped3A = tpu.sem_alloc : memref<!tpu.dma_semaphore, #tpu.memory_space<semaphore_mem>>
        %dma_start3A_277 = arith.constant 49152 : i32
        %dma_start3A_278 = tpu.memref_slice %arg8[%dma_start3A_277] : memref<65536xf32, #tpu.memory_space<vmem>> -> memref<8192xf32, #tpu.memory_space<vmem>>
        %dma_start3A_279 = tpu.memref_slice %arg4[%add3A_276] : memref<2097152xf32, #tpu.memory_space<hbm>> -> memref<8192xf32, #tpu.memory_space<hbm>>
        %dma_start3A_280 = tpu.memref_slice %arg4[%add3A_276] : memref<2097152xf32, #tpu.memory_space<hbm>> -> memref<8192xf32, #tpu.memory_space<hbm>>
        %dma_start3A_281 = arith.constant 49152 : i32
        %dma_start3A_282 = tpu.memref_slice %arg8[%dma_start3A_281] : memref<65536xf32, #tpu.memory_space<vmem>> -> memref<8192xf32, #tpu.memory_space<vmem>>
        tpu.enqueue_dma source(%dma_start3A_282 : memref<8192xf32, #tpu.memory_space<vmem>>) target(%dma_start3A_280 : memref<8192xf32, #tpu.memory_space<hbm>>) target_semaphore(%run_scoped3A : memref<!tpu.dma_semaphore, #tpu.memory_space<semaphore_mem>>)
        %dma_wait3A_283 = arith.constant 49152 : i32
        %dma_wait3A_284 = tpu.memref_slice %arg8[%dma_wait3A_283] : memref<65536xf32, #tpu.memory_space<vmem>> -> memref<8192xf32, #tpu.memory_space<vmem>>
        %dma_wait3A_285 = tpu.memref_slice %arg4[%add3A_276] : memref<2097152xf32, #tpu.memory_space<hbm>> -> memref<8192xf32, #tpu.memory_space<hbm>>
        %dma_wait3A_286 = tpu.memref_slice %arg4[%add3A_276] : memref<2097152xf32, #tpu.memory_space<hbm>> -> memref<8192xf32, #tpu.memory_space<hbm>>
        %dma_wait3A_287 = arith.constant 49152 : i32
        %dma_wait3A_288 = tpu.memref_slice %arg8[%dma_wait3A_287] : memref<65536xf32, #tpu.memory_space<vmem>> -> memref<8192xf32, #tpu.memory_space<vmem>>
        tpu.wait_dma2 semaphore(%run_scoped3A : memref<!tpu.dma_semaphore, #tpu.memory_space<semaphore_mem>>) src(%dma_wait3A_288 : memref<8192xf32, #tpu.memory_space<vmem>>) dst(%dma_wait3A_286 : memref<8192xf32, #tpu.memory_space<hbm>>)
        tpu.yield
      }) : () -> ()
    } else {
    }
    %lt3A_248 = arith.constant 512 : i32
    %lt3A_249 = arith.cmpi slt, %squeeze3A, %lt3A_248 : i32
    %ge3A_250 = arith.constant 448 : i32
    %ge3A_251 = arith.cmpi sge, %squeeze3A_11, %ge3A_250 : i32
    %and3A_252 = arith.andi %lt3A_249, %ge3A_251 : i1
    %convert_element_type3A_253 = arith.extui %and3A_252 : i1 to i32
    %cond3A_254 = arith.constant 0 : i32
    %cond3A_255 = arith.cmpi ne, %convert_element_type3A_253, %cond3A_254 : i32
    scf.if %cond3A_255 {
      %mul3A_271 = arith.constant 512 : i32
      %mul3A_272 = arith.muli %add3A, %mul3A_271 : i32
      %mul3A_273 = arith.constant 128 : i32
      %mul3A_274 = arith.muli %mul3A_272, %mul3A_273 : i32
      %add3A_275 = arith.constant 57344 : i32
      %add3A_276 = arith.addi %mul3A_274, %add3A_275 : i32
      "tpu.region"() ({
        %run_scoped3A = tpu.sem_alloc : memref<!tpu.dma_semaphore, #tpu.memory_space<semaphore_mem>>
        %dma_start3A_277 = arith.constant 57344 : i32
        %dma_start3A_278 = tpu.memref_slice %arg8[%dma_start3A_277] : memref<65536xf32, #tpu.memory_space<vmem>> -> memref<8192xf32, #tpu.memory_space<vmem>>
        %dma_start3A_279 = tpu.memref_slice %arg4[%add3A_276] : memref<2097152xf32, #tpu.memory_space<hbm>> -> memref<8192xf32, #tpu.memory_space<hbm>>
        %dma_start3A_280 = tpu.memref_slice %arg4[%add3A_276] : memref<2097152xf32, #tpu.memory_space<hbm>> -> memref<8192xf32, #tpu.memory_space<hbm>>
        %dma_start3A_281 = arith.constant 57344 : i32
        %dma_start3A_282 = tpu.memref_slice %arg8[%dma_start3A_281] : memref<65536xf32, #tpu.memory_space<vmem>> -> memref<8192xf32, #tpu.memory_space<vmem>>
        tpu.enqueue_dma source(%dma_start3A_282 : memref<8192xf32, #tpu.memory_space<vmem>>) target(%dma_start3A_280 : memref<8192xf32, #tpu.memory_space<hbm>>) target_semaphore(%run_scoped3A : memref<!tpu.dma_semaphore, #tpu.memory_space<semaphore_mem>>)
        %dma_wait3A_283 = arith.constant 57344 : i32
        %dma_wait3A_284 = tpu.memref_slice %arg8[%dma_wait3A_283] : memref<65536xf32, #tpu.memory_space<vmem>> -> memref<8192xf32, #tpu.memory_space<vmem>>
        %dma_wait3A_285 = tpu.memref_slice %arg4[%add3A_276] : memref<2097152xf32, #tpu.memory_space<hbm>> -> memref<8192xf32, #tpu.memory_space<hbm>>
        %dma_wait3A_286 = tpu.memref_slice %arg4[%add3A_276] : memref<2097152xf32, #tpu.memory_space<hbm>> -> memref<8192xf32, #tpu.memory_space<hbm>>
        %dma_wait3A_287 = arith.constant 57344 : i32
        %dma_wait3A_288 = tpu.memref_slice %arg8[%dma_wait3A_287] : memref<65536xf32, #tpu.memory_space<vmem>> -> memref<8192xf32, #tpu.memory_space<vmem>>
        tpu.wait_dma2 semaphore(%run_scoped3A : memref<!tpu.dma_semaphore, #tpu.memory_space<semaphore_mem>>) src(%dma_wait3A_288 : memref<8192xf32, #tpu.memory_space<vmem>>) dst(%dma_wait3A_286 : memref<8192xf32, #tpu.memory_space<hbm>>)
        tpu.yield
      }) : () -> ()
    } else {
    }
    %iota3A = tpu.iota {dimensions = array<i32: 0>} : vector<16xi32>
    %eq3A = arith.constant 0 : i32
    %eq3A_256 = vector.broadcast %eq3A : i32 to vector<16xi32>
    %eq3A_257 = arith.cmpi eq, %iota3A, %eq3A_256 : vector<16xi32>
    %eq3A_258 = arith.constant 1 : i32
    %eq3A_259 = vector.broadcast %eq3A_258 : i32 to vector<16xi32>
    %eq3A_260 = arith.cmpi eq, %iota3A, %eq3A_259 : vector<16xi32>
    %jit3A = arith.constant 0 : i32
    %broadcast_in_dim3A_261 = vector.broadcast %squeeze3A_11 : i32 to vector<16xi32>
    %broadcast_in_dim3A_262 = vector.broadcast %jit3A : i32 to vector<16xi32>
    %select_n3A = arith.select %eq3A_260, %broadcast_in_dim3A_261, %broadcast_in_dim3A_262 : vector<16xi1>, vector<16xi32>
    %broadcast_in_dim3A_263 = vector.broadcast %squeeze3A : i32 to vector<16xi32>
    %select_n3A_264 = arith.select %eq3A_257, %broadcast_in_dim3A_263, %select_n3A : vector<16xi1>, vector<16xi32>
    %swap3A_265 = arith.constant 0 : index
    %swap3A_266 = tpu.vector_load %arg10[%swap3A_265] {strides = array<i32>} : memref<16xi32, #tpu.memory_space<vmem>>, vector<16xi32>,
    %swap3A_267 = vector.shape_cast %swap3A_266 : vector<16xi32> to vector<16xi32>
    %swap3A_268 = vector.shape_cast %select_n3A_264 : vector<16xi32> to vector<16xi32>
    tpu.vector_store %arg10[%swap3A_265], %swap3A_268 {strides = array<i32>} : memref<16xi32, #tpu.memory_space<vmem>>, vector<16xi32>,
    %mul3A_269 = arith.constant 16 : i32
    %mul3A_270 = arith.muli %add3A, %mul3A_269 : i32
    "tpu.region"() ({
      %run_scoped3A = tpu.sem_alloc : memref<!tpu.dma_semaphore, #tpu.memory_space<semaphore_mem>>
      %dma_start3A_271 = tpu.memref_slice %arg5[%mul3A_270] : memref<512xi32, #tpu.memory_space<hbm>> -> memref<16xi32, #tpu.memory_space<hbm>>
      %dma_start3A_272 = tpu.memref_slice %arg5[%mul3A_270] : memref<512xi32, #tpu.memory_space<hbm>> -> memref<16xi32, #tpu.memory_space<hbm>>
      tpu.enqueue_dma source(%arg10 : memref<16xi32, #tpu.memory_space<vmem>>) target(%dma_start3A_272 : memref<16xi32, #tpu.memory_space<hbm>>) target_semaphore(%run_scoped3A : memref<!tpu.dma_semaphore, #tpu.memory_space<semaphore_mem>>)
      %dma_wait3A_273 = tpu.memref_slice %arg5[%mul3A_270] : memref<512xi32, #tpu.memory_space<hbm>> -> memref<16xi32, #tpu.memory_space<hbm>>
      %dma_wait3A_274 = tpu.memref_slice %arg5[%mul3A_270] : memref<512xi32, #tpu.memory_space<hbm>> -> memref<16xi32, #tpu.memory_space<hbm>>
      tpu.wait_dma2 semaphore(%run_scoped3A : memref<!tpu.dma_semaphore, #tpu.memory_space<semaphore_mem>>) src(%arg10 : memref<16xi32, #tpu.memory_space<vmem>>) dst(%dma_wait3A_274 : memref<16xi32, #tpu.memory_space<hbm>>)
      tpu.yield
    }) : () -> ()
    return
  }
}

module attributes {stable_mosaic.version = 14 : i64} {
  func.func @_merge_body(%arg0: i32, %arg1: memref<32x64x128xf32, #tpu.memory_space<vmem>>, %arg2: memref<32x16xi32, #tpu.memory_space<vmem>>, %arg3: memref<64x128xf32, #tpu.memory_space<vmem>>) attributes {dimension_semantics = [#tpu.dimension_semantics<arbitrary>], iteration_bounds = array<i64: 8>, scalar_prefetch = 0 : i64, scratch_operands = 0 : i64, tpu.core_type = #tpu.core_type<tc>, window_params = [{transform_indices = @transform_0, window_bounds = array<i64: 32, 64, 128>}, {pipeline_mode = #tpu.pipeline_mode<synchronous>, transform_indices = @transform_1, window_bounds = array<i64: 32, 16>}, {transform_indices = @transform_2, window_bounds = array<i64: 64, 128>}]} {
    %iota3A = tpu.iota {dimensions = array<i32: 1>} : vector<32x64x128xi32>
    %mul3A = arith.constant 64 : i32
    %mul3A_0 = arith.muli %arg0, %mul3A : i32
    %add3A = vector.broadcast %mul3A_0 : i32 to vector<32x64x128xi32>
    %add3A_1 = arith.addi %iota3A, %add3A : vector<32x64x128xi32>
    %get3A = arith.constant 0 : index
    %get3A_2 = arith.constant 0 : index
    %get3A_3 = vector.load %arg2[%get3A, %get3A_2] : memref<32x16xi32, #tpu.memory_space<vmem>>, vector<32x1xi32>
    %get3A_4 = vector.shape_cast %get3A_3 : vector<32x1xi32> to vector<32xi32>
    %broadcast_in_dim3A = vector.shape_cast %get3A_4 : vector<32xi32> to vector<32x1x1xi32>
    %broadcast_in_dim3A_5 = vector.broadcast %broadcast_in_dim3A : vector<32x1x1xi32> to vector<32x64x128xi32>
    %get3A_6 = arith.constant 0 : index
    %get3A_7 = arith.constant 1 : index
    %get3A_8 = vector.load %arg2[%get3A_6, %get3A_7] : memref<32x16xi32, #tpu.memory_space<vmem>>, vector<32x1xi32>
    %get3A_9 = vector.shape_cast %get3A_8 : vector<32x1xi32> to vector<32xi32>
    %broadcast_in_dim3A_10 = vector.shape_cast %get3A_9 : vector<32xi32> to vector<32x1x1xi32>
    %broadcast_in_dim3A_11 = vector.broadcast %broadcast_in_dim3A_10 : vector<32x1x1xi32> to vector<32x64x128xi32>
    %ge3A = arith.cmpi sge, %add3A_1, %broadcast_in_dim3A_5 : vector<32x64x128xi32>
    %le3A = arith.cmpi sle, %add3A_1, %broadcast_in_dim3A_11 : vector<32x64x128xi32>
    %and3A = arith.andi %ge3A, %le3A : vector<32x64x128xi1>
    %get3A_12 = arith.constant 0 : index
    %get3A_13 = arith.constant 0 : index
    %get3A_14 = arith.constant 0 : index
    %get3A_15 = vector.load %arg1[%get3A_12, %get3A_13, %get3A_14] : memref<32x64x128xf32, #tpu.memory_space<vmem>>, vector<32x64x128xf32>
    %jit3A = arith.constant 0xFF800000 : f32
    %broadcast_in_dim3A_16 = vector.broadcast %jit3A : f32 to vector<32x64x128xf32>
    %select_n3A = arith.select %and3A, %get3A_15, %broadcast_in_dim3A_16 : vector<32x64x128xi1>, vector<32x64x128xf32>
    %reduce_max3A = arith.constant dense<0xFF800000> : vector<64x128xf32>
    %reduce_max3A_17 = vector.multi_reduction <maximumf>, %select_n3A, %reduce_max3A [0] : vector<32x64x128xf32> to vector<64x128xf32>
    %swap3A = arith.constant 0 : index
    %swap3A_18 = arith.constant 0 : index
    %swap3A_19 = vector.load %arg3[%swap3A, %swap3A_18] : memref<64x128xf32, #tpu.memory_space<vmem>>, vector<64x128xf32>
    tpu.vector_store %arg3[%swap3A, %swap3A_18], %reduce_max3A_17 {strides = array<i32>} : memref<64x128xf32, #tpu.memory_space<vmem>>, vector<64x128xf32>,
    return
  }
  func.func @transform_0(%arg0: i32) -> (i32, i32, i32) {
    %c0_i32 = arith.constant 0 : i32
    %c0_i32_0 = arith.constant 0 : i32
    %c0_i32_1 = arith.constant 0 : i32
    return %c0_i32, %arg0, %c0_i32_0 : i32, i32, i32
  }
  func.func @transform_1(%arg0: i32) -> (i32, i32) {
    %c0_i32 = arith.constant 0 : i32
    %c0_i32_0 = arith.constant 0 : i32
    %c0_i32_1 = arith.constant 0 : i32
    return %c0_i32, %c0_i32_0 : i32, i32
  }
  func.func @transform_2(%arg0: i32) -> (i32, i32) {
    %c0_i32 = arith.constant 0 : i32
    %c0_i32_0 = arith.constant 0 : i32
    return %arg0, %c0_i32 : i32, i32
  }
}

</mosaic_0001>

<sc_bundles>
// kernel: kernel.4.cloned.1.call-start
scs
__scs_entry_jumppad:
0x0: {  	(pc) =	sbr.rel $0x88, $3  }
0x1: {  	(tag) =	ssettag $0x0;
	lr =	simm.s32 $0x1  }
0x2: {  	[smem:$0x3F9F] =	sst lr;
	_ =	strace $0xD0000000  }
0x3: {  	_ = 	snop  }
0x4: {  	_ = 	snop  }
0x5: {  	_ = 	snop  }
0x6: {  	_ = 	snop  }
0x7: {  	_ = 	snop  }
__scs_overlays_trampoline_lowered:
0x8: {  	[smem:$0x3FAE] =	sst s0  }
0x9: {  	[smem:$0x3FAF] =	sst s1  }
0xa: {  	[smem:$0x3FB0] =	sst s2  }
0xb: {  	[smem:$0x3FB1] =	sst s3  }
0xc: {  	[smem:$0x3FB2] =	sst s4  }
0xd: {  	[smem:$0x3FB3] =	sst s5  }
0xe: {  	[smem:$0x3FB4] =	sst s6  }
0xf: {  	[smem:$0x3FB5] =	sst s7  }
0x10: {  	[smem:$0x3FB6] =	sst s8  }
0x11: {  	[smem:$0x3FB7] =	sst s9;
	s0 =	simm.s32 @!p0 $0x0  }
0x12: {  	s1 =	sld [smem:$0x3F9D];
	s0 =	simm.s32 @p0 $0x1  }
0x13: {  	[smem:$0x3FB8] =	sst s0;
	s0 =	simm.s32 @!p1 $0x0  }
0x14: {  	s2 =	sld [smem:$0x3F9C];
	s0 =	simm.s32 @p1 $0x1  }
0x15: {  	[smem:$0x3FB9] =	sst s0;
	s0 =	simm.s32 @!p2 $0x0  }
0x16: {  	s3 =	sld [smem:$0x3FDB];
	s0 =	simm.s32 @p2 $0x1  }
0x17: {  	s4 =	simm.s32 $0x1BF5;
	[smem:$0x3FBB] =	sst s0  }
0x18: {  	s0 =	sld [smem:$0x3F9E];
	_ =	swait.ge [sflag:s4], $0x0  }
0x19: {  	s7 =	sld [smem:$0x3F9F]  }
0x1a: {  	s8 =	sadd.s32 $0xFFFFE003, lr  }
0x1b: {  	s9 =	sadd.s32 $0xFFFFFEF7, lr;
	s5 =	simm.s32 $0xFFFFFFFF;
	p2 =	slt.u32 s8, $0xFFFFF086  }
0x1c: {  	p1 =	slt.u32 s9, $0xF7A;
	s5 =	simm.s32 @!p2 $0x0  }
0x1d: {  	s5 =	simm.s32 @p1 $0x1;
	p0 =	seq.s32 s7, s2  }
0x1e: {  	s7 =	smul.u32 @!p0 $0xF7A, s2;
	p2 =	seq.s32 @!p0 s5, $0x0  }
0x1f: {  	s9 =	smul.u32 $0xF7A, s1;
	s8 =	simm.s32 @!p0 $0x1BF5;
	p2 =	por !p2, p0  }
0x20: {  	[sflag:s8] =	ssyncset.s32 @!p0 $0xFFFFF086;
	s6 =	sadd.s32 @!p0 s3, s7;
	s7 =	simm.s32 @!p0 $0x108  }
0x21: {  	s3 =	sadd.s32 s3, s9;
	s6 =	sadd.s32 @!p0 $0x88, s6;
	s7 =	simm.s32 @p2 $0x1082  }
0x22: {  	[simem:s7], [sflag:s8] =	dma.local @!p0 [hbm:s6], $0xF7A  }
0x23: {  	s9 =	sor.u32 $0xD0000000, s2;
	s6 =	simm.s32 $0x108;
	_ =	swait.ge @!p0 [sflag:s8], $0x0  }
0x24: {  	s3 =	sadd.s32 $0x88, s3;
	s6 =	simm.s32 @!p1 $0x1082;
	[sflag:s4] =	ssyncset.s32 $0xFFFFF086  }
0x25: {  	[simem:s6], [sflag:s4] =	dma.local [hbm:s3], $0xF7A  }
0x26: {  	[smem:$0x3F9F] =	sst s1;
	(tag) =	ssettag s2;
	_ =	strace s9  }
0x27: {  	s1 =	sld [smem:$0x3FAF]  }
0x28: {  	s2 =	sld [smem:$0x3FB0]  }
0x29: {  	s4 =	sld [smem:$0x3FB2]  }
0x2a: {  	p0 =	seq.s32 s5, $0x0;
	s5 =	sld [smem:$0x3FB3]  }
0x2b: {  	s6 =	sld [smem:$0x3FB4]  }
0x2c: {  	s7 =	sld [smem:$0x3FB5]  }
0x2d: {  	s3 =	simm.s32 $0x108;
	s8 =	sld [smem:$0x3FB6]  }
0x2e: {  	s3 =	simm.s32 @!p0 $0x1082;
	s9 =	sld [smem:$0x3FB7]  }
0x2f: {  	lr =	sadd.s32 s0, s3;
	s0 =	sld [smem:$0x3FAE]  }
0x30: {  	s3 =	sld [smem:$0x3FB1]  }
0x31: {  	[smem:$0x3FBA] =	sst s10  }
0x32: {  	s10 =	sld [smem:$0x3FB8];
	_ =	sdelay $0x3  }
0x33: {  	p0 =	seq.s32 s10, $0x1;
	s10 =	sld [smem:$0x3FBA];
	_ =	sdelay $0x3  }
0x34: {  	[smem:$0x3FBA] =	sst s10  }
0x35: {  	s10 =	sld [smem:$0x3FB9];
	_ =	sdelay $0x3  }
0x36: {  	p1 =	seq.s32 s10, $0x1;
	s10 =	sld [smem:$0x3FBA];
	_ =	sdelay $0x3  }
0x37: {  	[smem:$0x3FBA] =	sst s10  }
0x38: {  	s10 =	sld [smem:$0x3FBB]  }
0x39: {  	_ = 	snop;
	(pc) =	sbr.ind lr, $3  }
0x3a: {  	_ = 	snop  }
0x3b: {  	_ = 	snop  }
0x3c: {  	p2 =	seq.s32 s10, $0x1;
	s10 =	sld [smem:$0x3FBA]  }
0x3d: {  	_ =	shalt  }
0x3e: {  	_ =	shalt  }
0x3f: {  	_ =	shalt  }
0x40: {  	_ =	shalt  }
0x41: {  	_ =	shalt  }
0x42: {  	_ =	shalt  }
0x43: {  	_ =	shalt  }
0x44: {  	_ =	shalt  }
0x45: {  	_ =	shalt  }
0x46: {  	_ =	shalt  }
0x47: {  	_ =	shalt  }
0x48: {  	_ =	shalt  }
0x49: {  	_ =	shalt  }
0x4a: {  	_ =	shalt  }
0x4b: {  	_ =	shalt  }
0x4c: {  	_ =	shalt  }
0x4d: {  	_ =	shalt  }
0x4e: {  	_ =	shalt  }
0x4f: {  	_ =	shalt  }
0x50: {  	_ =	shalt  }
0x51: {  	_ =	shalt  }
0x52: {  	_ =	shalt  }
0x53: {  	_ =	shalt  }
0x54: {  	_ =	shalt  }
0x55: {  	_ =	shalt  }
0x56: {  	_ =	shalt  }
0x57: {  	_ =	shalt  }
0x58: {  	_ =	shalt  }
0x59: {  	_ =	shalt  }
0x5a: {  	_ =	shalt  }
0x5b: {  	_ =	shalt  }
0x5c: {  	_ =	shalt  }
0x5d: {  	_ =	shalt  }
0x5e: {  	_ =	shalt  }
0x5f: {  	_ =	shalt  }
0x60: {  	_ =	shalt  }
0x61: {  	_ =	shalt  }
0x62: {  	_ =	shalt  }
0x63: {  	_ =	shalt  }
0x64: {  	_ =	shalt  }
0x65: {  	_ =	shalt  }
0x66: {  	_ =	shalt  }
0x67: {  	_ =	shalt  }
0x68: {  	_ =	shalt  }
0x69: {  	_ =	shalt  }
0x6a: {  	_ =	shalt  }
0x6b: {  	_ =	shalt  }
0x6c: {  	_ =	shalt  }
0x6d: {  	_ =	shalt  }
0x6e: {  	_ =	shalt  }
0x6f: {  	_ =	shalt  }
0x70: {  	_ =	shalt  }
0x71: {  	_ =	shalt  }
0x72: {  	_ =	shalt  }
0x73: {  	_ =	shalt  }
0x74: {  	_ =	shalt  }
0x75: {  	_ =	shalt  }
0x76: {  	_ =	shalt  }
0x77: {  	_ =	shalt  }
0x78: {  	_ =	shalt  }
0x79: {  	_ =	shalt  }
0x7a: {  	_ =	shalt  }
0x7b: {  	_ =	shalt  }
0x7c: {  	_ =	shalt  }
0x7d: {  	_ =	shalt  }
0x7e: {  	_ =	shalt  }
0x7f: {  	_ =	shalt  }
0x80: {  	_ =	shalt  }
0x81: {  	_ =	shalt  }
0x82: {  	_ =	shalt  }
0x83: {  	_ =	shalt  }
0x84: {  	_ =	shalt  }
0x85: {  	_ =	shalt  }
0x86: {  	_ =	shalt  }
0x87: {  	_ =	shalt  }
.Lfunc_end0:
.L_simem_size_0:
called_computation_lowered:
.L_overlay_start_0:
0x88: {  	s2 =	sld [smem:$0x3FD9]  }
0x89: {  	s3 =	sld [smem:$0x3FFE];
	_ =	sdelay $0x1  }
0x8a: {  	s1 =	srdreg.scid  }
0x8b: {  	s0 =	sand.u32 $0x1, s1  }
0x8c: {  	s17 =	sshll.u32 s0, $0xA;
	s2 =	sadd.s32 s3, s2  }
0x8d: {  	s2 =	sadd.s32 s2, s17  }
0x8e: {  	[smem:$0x3FC6] =	sst s2  }
0x8f: {  	_ = 	snop  }
0x90: {  	s2 =	sld [smem:$0x3FC9]  }
0x91: {  	s18 =	sld [smem:$0x3FC8]  }
0x92: {  	s4 =	sld [smem:$0x3FD0];
	(tm) =	ssettm $0x1  }
0x93: {  	s5 =	sld [smem:$0x3FFB];
	_ =	sdelay $0x3  }
0x94: {  	_ =	strace s5  }
0x95: {  	s5 =	sld [smem:$0x3FFC];
	_ =	sdelay $0x3  }
0x96: {  	_ =	strace s5  }
0x97: {  	s5 =	sld [smem:$0x3FFD];
	_ =	sdelay $0x3  }
0x98: {  	_ =	strace s5  }
0x99: {  	_ =	strace $0x8FFFFFFF  }
0x9a: {  	s19 =	sld [smem:$0x3FDB];
	_ =	sdelay $0x1  }
0x9b: {  	s6 =	simm.s32 $_scs_section_size  }
0x9c: {  	s7 =	simm.s32 $_size__tile_overlayer_lowered;
	s8 =	simm.s32 $_tile_overlayer_lowered  }
0x9d: {  	s22 =	simm.s32 $0x1BFF;
	s21 =	sshll.u32 s8, $0x1;
	s5 =	sadd.s32 s6, s19  }
0x9e: {  	s9 =	simm.s32 $0x0;
	s20 =	sshll.u32 s7, $0x1;
	s7 =	sadd.s32 s21, s5  }
0x9f: {  	[timem:s9], [sflag:s22] =	dma.local [hbm:s7], s20  }
0xa0: {  	_ =	swait.ge [sflag:s22], s20  }
0xa1: {  	s6 =	ssub.s32 $0x0, s20;
	[sflag:s22] =	ssyncset.done $0x0  }
0xa2: {  	[sflag:s22] =	ssyncadd.s32 s6;
	_ =	sdelay $0x1  }
0xa3: {  	s23 =	simm.s32 $0x1B8B  }
0xa4: {  	_ =	swait.ge [sflag:s23], $0x1  }
0xa5: {  	[sflag:s23] =	ssyncset.done $0x0  }
0xa6: {  	s25 =	simm.s32 $0x1B8E;
	s24 =	sld [smem:$0x3FFE];
	[sflag:s23] =	ssyncadd.s32 $0xFFFFFFFF  }
0xa7: {  	s26 =	simm.s32 $execute0_lowered;
	[smem:$0x3FD2] =	sst s25  }
0xa8: {  	s7 =	sshll.u32 s26, $0x1;
	_ =	strace $0x80000046;
	[dreg:$0x1] =	wrdreg $0xFFFFFFFF  }
0xa9: {  	s28 =	simm.s32 $_size_execute0_lowered;
	s5 =	sadd.s32 s5, s7;
	[dreg:$0x0] =	wrdreg $0x0  }
0xaa: {  	s7 =	sshll.u32 s28, $0x1;
	[dreg:$0x2] =	wrdreg s5  }
0xab: {  	[dreg:$0x3] =	wrdreg s7  }
0xac: {  	[dreg:$0x4] =	wrdreg $0xC0  }
0xad: {  	_ =	task [dreg:s9], $0x5FFFF  }
0xae: {  	[dreg:$0x1] =	wrdreg $0xFFFFFFFF  }
0xaf: {  	[dreg:$0x0] =	wrdreg $0x60  }
0xb0: {  	[dreg:$0x2] =	wrdreg s2  }
0xb1: {  	[dreg:$0x3] =	wrdreg s18  }
0xb2: {  	[dreg:$0x4] =	wrdreg s24  }
0xb3: {  	[dreg:$0x5] =	wrdreg s4  }
0xb4: {  	[dreg:$0x6] =	wrdreg $0x9  }
0xb5: {  	_ =	task.clear_ibuf [dreg:s9], $0x7FFFF;
	_ =	strace $0x90000046  }
0xb6: {  	s29 =	simm.s32 $0x9;
	_ =	strace $0x80000048  }
0xb7: {  	_ =	swait.ge [sflag:s29], $0x1  }
0xb8: {  	[sflag:s29] =	ssyncadd.s32 $0xFFFFFFFF  }
0xb9: {  	_ =	strace $0x90000048  }
0xba: {  	_ =	sfence  }
0xbb: {  	s30 =	sld [smem:$0x0];
	_ =	sdelay $0x2  }
0xbc: {  	s31 =	sshll.u32 s1, $0xD;
	s1 =	sshrl.u32 s1, $0x2  }
0xbd: {  	s3 =	sand.u32 $0x4000, s31;
	s1 =	sadd.s32 s1, s30  }
0xbe: {  	s0 =	sor.u32 s3, s0;
	s1 =	sshll.u32 s1, $0x11  }
0xbf: {  	s0 =	sor.u32 s1, s0  }
0xc0: {  	s0 =	sadd.s32 $0x8F2B, s0  }
0xc1: {  	[sflag:s0] =	ssyncadd.remote.s32 $0x1  }
0xc2: {  	_ =	sfence.sel $0xFFFF  }
0xc3: {  	[dreg:$0x0] =	wrdreg $0xFFFFFFFF;
	(pc) =	sbr.abs _section_cstart, $3  }
0xc4: {  	[dreg:$0x1] =	wrdreg $0xFFFFFFFF  }
0xc5: {  	_ =	task.clear_ibuf [dreg:s9], $0x2FFFF;
	_ =	strace $0x9FFFFFFF  }
0xc6: {  	(tm) =	ssettm $0x7FFFFFFF  }
0xc7: {  	_ =	shalt  }
tec
execute0_lowered:
.L_overlay_start_1:
0x0: {  	(tag) =	ssettag $0x1  }
0x1: {  	s1 =	rddreg [dreg:$0x0]  }
0x2: {  	s0 =	rddreg [dreg:$0x1]  }
0x3: {  	s2 =	rddreg [dreg:$0x2];
	s3 =	srdreg.scid  }
0x4: {  	s6 =	stileid.u32;
	s4 =	rddreg [dreg:$0x3];
	s19 =	simm.s32 $0x3  }
0x5: {  	s21 =	simm.s32 $0x7C80;
	s5 =	sand.u32 $0x1, s3;
	s6 =	sshll.u32 s6, $0x1  }
0x6: {  	s22 =	simm.s32 $0x1;
	s3 =	simm.s32 $0x0;
	s6 =	sor.u32 s5, s6  }
0x7: {  	[smem:$0x7FF] =	sst s3;
	s5 =	ssub.s32 $0x2, s5;
	s7 =	smul.u32 $0xC38, s6  }
0x8: {  	_ =	strace $0x80000047;
	s8 =	sshll.u32 s6, $0xD;
	s24 =	sshrl.u32 s5, $0x1  }
0x9: {  	s31 =	sshll.u32 s6, $0x1;
	s2 =	sadd.s32 s8, s2;
	s11 =	ssub.s32 s5, s24  }
0xa: {  	s17 =	sadd.s32 s4, s31;
	s23 =	smin.u32 s7, $0x17A60;
	s26 =	sadd.s32 $0xA00, s2  }
0xb: {  	s28 =	sadd.s32 $0xE00, s2;
	s29 =	sadd.s32 $0x1200, s2;
	s30 =	sadd.s32 $0x1600, s2  }
0xc: {  	s13 =	sadd.s32 $0x1A00, s2;
	s14 =	sadd.s32 $0x1E00, s2;
	s15 =	sadd.s32 $0x2200, s2  }
0xd: {  	s16 =	sadd.s32 $0x2600, s2;
	s18 =	smax.u32 s11, $0x1;
	[dreg:$0x7] =	wrdreg s26  }
.Ltmp0:
0xe: {  	s9 =	sshrl.u32 s23, $0x3;
	[dreg:$0x8] =	wrdreg s28;
	(pc) =	sbr.rel .LBB2_1-.Ltmp0, $4  }
0xf: {  	s10 =	sshll.u32 s23, $0x4;
	s7 =	sadd.s32 $0x1C0, s23;
	[dreg:$0x9] =	wrdreg s29  }
0x10: {  	[dreg:$0xa] =	wrdreg s30;
	s0 =	sadd.s32 s0, s9;
	s5 =	sadd.s32 s1, s10  }
0x11: {  	s8 =	sadd.s32 $0x2A0, s23;
	[dreg:$0x5] =	wrdreg s0;
	s25 =	sadd.s32 $0xE00, s5  }
0x12: {  	v0 =	vimm.f32 $-Inf;
	vm0 =	vcmask $0x704;
	vm1 =	vmmov $0x1;
	s23 =	simm.s32 $0x2;
	[dreg:$0x6] =	wrdreg s25;
	s25 =	simm.s32 $0x0  }
.LBB2_19:
0x13: {  	_ =	swait.ge [sflag:s22], $0x7000  }
0x14: {  	[sflag:s22] =	ssyncset.done $0x0  }
0x15: {  	[sflag:s22] =	ssyncadd.s32 $0xFFFF9000  }
0x16: {  	_ =	swait.ge [sflag:s23], $0x7000  }
0x17: {  	[sflag:s23] =	ssyncset.done $0x0  }
0x18: {  	[sflag:s23] =	ssyncadd.s32 $0xFFFF9000  }
0x19: {  	v3 =	vld [tilespmem:$0x1EC80];
	_ =	sdelay $0x2  }
0x1a: {  	s0 =	sshll.u32 s9, $0x9  }
0x1b: {  	s0 =	sshra.s32 s0, $0x2  }
0x1c: {  	[tilespmem:s0+$0xEC80] =	vst v3  }
0x1d: {  	v3 =	vld [tilespmem:$0x1EC90];
	_ =	sdelay $0x4  }
0x1e: {  	[tilespmem:s0+$0xEC90] =	vst v3  }
0x1f: {  	v3 =	vld [tilespmem:$0x1ECA0];
	_ =	sdelay $0x4  }
0x20: {  	[tilespmem:s0+$0xECA0] =	vst v3  }
0x21: {  	v3 =	vld [tilespmem:$0x1ECB0];
	_ =	sdelay $0x4  }
0x22: {  	[tilespmem:s0+$0xECB0] =	vst v3  }
0x23: {  	v3 =	vld [tilespmem:$0x1ECC0];
	_ =	sdelay $0x4  }
0x24: {  	[tilespmem:s0+$0xECC0] =	vst v3  }
0x25: {  	v3 =	vld [tilespmem:$0x1ECD0];
	_ =	sdelay $0x4  }
0x26: {  	[tilespmem:s0+$0xECD0] =	vst v3  }
0x27: {  	v3 =	vld [tilespmem:$0x1ECE0];
	_ =	sdelay $0x4  }
0x28: {  	[tilespmem:s0+$0xECE0] =	vst v3  }
0x29: {  	v3 =	vld [tilespmem:$0x1ECF0];
	_ =	sdelay $0x1  }
0x2a: {  	p0 =	sgt.s32 s28, $0x3F  }
0x2b: {  	p1 =	slt.s32 @!p0 s26, $0x0  }
0x2c: {  	p0 =	por p1, p0;
	p1 =	sgt.s32 s28, $0x7F  }
0x2d: {  	s2 =	simm.s32 @!p0 $0xEC80;
	s4 =	rddreg [dreg:$0x7];
	[tilespmem:s0+$0xECF0] =	vst v3;
	s0 =	simm.s32 @!p0 $0x0  }
0x2e: {  	[hbm4b:s4+s0] =	stream.linear.scatter @!p0 [tilespmem:s2], [sflag:$0x3], $0x2000, $0x38;
	[tilespmem:$0x1ED80] =	vst v63  }
0x2f: {  	p2 =	slt.s32 @!p1 s26, $0x40;
	s0 =	simm.s32 @!p0 $0x3  }
0x30: {  	p1 =	por p2, p1;
	_ =	swait.ge @!p0 [sflag:s0], $0x2000  }
0x31: {  	s2 =	simm.s32 @!p1 $0x10C80;
	[sflag:s0] =	ssyncset.done @!p0 $0x0;
	s4 =	rddreg [dreg:$0x8]  }
0x32: {  	[sflag:s0] =	ssyncadd.s32 @!p0 $0xFFFFE000;
	s0 =	simm.s32 @!p1 $0x0;
	p0 =	sgt.s32 s28, $0xBF  }
0x33: {  	[hbm4b:s4+s0] =	stream.linear.scatter @!p1 [tilespmem:s2], [sflag:$0x3], $0x2000, $0x38;
	[tilespmem:$0x1ED80] =	vst v63  }
0x34: {  	s0 =	simm.s32 @!p1 $0x3;
	p2 =	slt.s32 @!p0 s26, $0x80  }
0x35: {  	_ =	swait.ge @!p1 [sflag:s0], $0x2000;
	p0 =	por p2, p0  }
0x36: {  	[sflag:s0] =	ssyncset.done @!p1 $0x0;
	s2 =	simm.s32 @!p0 $0x12C80;
	s4 =	rddreg [dreg:$0x9]  }
0x37: {  	[sflag:s0] =	ssyncadd.s32 @!p1 $0xFFFFE000;
	s0 =	simm.s32 @!p0 $0x0;
	p1 =	sgt.s32 s28, $0xFF  }
0x38: {  	[hbm4b:s4+s0] =	stream.linear.scatter @!p0 [tilespmem:s2], [sflag:$0x3], $0x2000, $0x38;
	[tilespmem:$0x1ED80] =	vst v63  }
0x39: {  	s0 =	simm.s32 @!p0 $0x3;
	p2 =	slt.s32 @!p1 s26, $0xC0  }
0x3a: {  	_ =	swait.ge @!p0 [sflag:s0], $0x2000;
	p1 =	por p2, p1  }
0x3b: {  	[sflag:s0] =	ssyncset.done @!p0 $0x0;
	s2 =	simm.s32 @!p1 $0x14C80  }
0x3c: {  	s4 =	rddreg [dreg:$0xa];
	[sflag:s0] =	ssyncadd.s32 @!p0 $0xFFFFE000;
	s0 =	simm.s32 @!p1 $0x0  }
0x3d: {  	[hbm4b:s4+s0] =	stream.linear.scatter @!p1 [tilespmem:s2], [sflag:$0x3], $0x2000, $0x38;
	[tilespmem:$0x1ED80] =	vst v63  }
0x3e: {  	p0 =	sgt.s32 s28, $0x13F;
	s0 =	simm.s32 @!p1 $0x3  }
0x3f: {  	p2 =	slt.s32 @!p0 s26, $0x100;
	_ =	swait.ge @!p1 [sflag:s0], $0x2000  }
0x40: {  	p0 =	por p2, p0;
	[sflag:s0] =	ssyncset.done @!p1 $0x0  }
0x41: {  	s2 =	simm.s32 @!p0 $0x16C80;
	[sflag:s0] =	ssyncadd.s32 @!p1 $0xFFFFE000;
	s0 =	simm.s32 @!p0 $0x0  }
0x42: {  	[hbm4b:s13+s0] =	stream.linear.scatter @!p0 [tilespmem:s2], [sflag:$0x3], $0x2000, $0x38;
	[tilespmem:$0x1ED80] =	vst v63  }
0x43: {  	p1 =	sgt.s32 s28, $0x17F;
	s0 =	simm.s32 @!p0 $0x3  }
0x44: {  	p2 =	slt.s32 @!p1 s26, $0x140;
	_ =	swait.ge @!p0 [sflag:s0], $0x2000  }
0x45: {  	p1 =	por p2, p1;
	[sflag:s0] =	ssyncset.done @!p0 $0x0  }
0x46: {  	s2 =	simm.s32 @!p1 $0x18C80;
	[sflag:s0] =	ssyncadd.s32 @!p0 $0xFFFFE000;
	s0 =	simm.s32 @!p1 $0x0  }
0x47: {  	[hbm4b:s14+s0] =	stream.linear.scatter @!p1 [tilespmem:s2], [sflag:$0x3], $0x2000, $0x38;
	[tilespmem:$0x1ED80] =	vst v63  }
0x48: {  	p0 =	sgt.s32 s28, $0x1BF;
	s0 =	simm.s32 @!p1 $0x3  }
0x49: {  	p2 =	slt.s32 @!p0 s26, $0x180;
	_ =	swait.ge @!p1 [sflag:s0], $0x2000  }
0x4a: {  	p0 =	por p2, p0;
	[sflag:s0] =	ssyncset.done @!p1 $0x0  }
0x4b: {  	s2 =	simm.s32 @!p0 $0x1AC80;
	[sflag:s0] =	ssyncadd.s32 @!p1 $0xFFFFE000;
	s0 =	simm.s32 @!p0 $0x0  }
0x4c: {  	[hbm4b:s15+s0] =	stream.linear.scatter @!p0 [tilespmem:s2], [sflag:$0x3], $0x2000, $0x38;
	[tilespmem:$0x1ED80] =	vst v63  }
0x4d: {  	p1 =	sgt.s32 s28, $0x1FF;
	s0 =	simm.s32 @!p0 $0x3  }
0x4e: {  	p2 =	slt.s32 @!p1 s26, $0x1C0;
	_ =	swait.ge @!p0 [sflag:s0], $0x2000  }
0x4f: {  	p1 =	por p2, p1;
	[sflag:s0] =	ssyncset.done @!p0 $0x0  }
0x50: {  	s2 =	simm.s32 @!p1 $0x1CC80;
	[sflag:s0] =	ssyncadd.s32 @!p0 $0xFFFFE000;
	s0 =	simm.s32 @!p1 $0x0  }
0x51: {  	[hbm4b:s16+s0] =	stream.linear.scatter @!p1 [tilespmem:s2], [sflag:$0x3], $0x2000, $0x38;
	[tilespmem:$0x1ED80] =	vst v63  }
0x52: {  	v2 =	vbroadcast v2, $0xF;
	s0 =	simm.s32 @!p1 $0x3  }
0x53: {  	_ =	swait.ge @!p1 [sflag:s0], $0x2000  }
0x54: {  	s25 =	sadd.s32 $0x1, s25;
	v2 =	vnsel vm0, $0x0, v2;
	[sflag:s0] =	ssyncset.done @!p1 $0x0  }
0x55: {  	v1 =	vsel vm1, v1, v2;
	p0 =	sne.s32 s25, s18;
	[sflag:s0] =	ssyncadd.s32 @!p1 $0xFFFFE000  }
.Ltmp1:
0x56: {  	s31 =	simm.s32 $0x1ED00;
	[tilespmem:$0x1ED00] =	vst v1;
	(pc) =	sbr.rel @!p0 .LBB2_20-.Ltmp1, $4  }
0x57: {  	[hbm4b:s17+s3] =	stream.linear.scatter [tilespmem:s31], [sflag:$0x3], $0x10, $0x38;
	[tilespmem:$0x1ED80] =	vst v63  }
0x58: {  	_ =	swait.ge [sflag:s19], $0x10  }
0x59: {  	[sflag:s19] =	ssyncset.done $0x0  }
0x5a: {  	[sflag:s19] =	ssyncadd.s32 $0xFFFFFFF0  }
.LBB2_1:
0x5b: {  	s0 =	rddreg [dreg:$0x5]  }
0x5c: {  	[tilespmem:s3], [sflag:$0x3] =	stream.linear.gather [hbm4b:s0+s3], $0xC40, $0x38;
	[tilespmem:$0x1ED80] =	vst v63  }
0x5d: {  	_ =	swait.ge [sflag:s19], $0xC40  }
0x5e: {  	[sflag:s19] =	ssyncset.done $0x0  }
0x5f: {  	[sflag:s19] =	ssyncadd.s32 $0xFFFFF3C0  }
0x60: {  	v1 =	vld [tilespmem:$0x0]  }
0x61: {  	v2 =	vld [tilespmem:$0xC30];
	_ =	sdelay $0x3  }
0x62: {  	(v2sf) =	vpush v1, $0x0  }
0x63: {  	(v2sf) =	vpush v2, $0xF;
	_ =	sdelay $0xd  }
0x64: {  	s28 =	spop (v2sf)  }
0x65: {  	s26 =	spop (v2sf)  }
0x66: {  	s31 =	sadd.s32 $0x1, s26  }
0x67: {  	p0 =	sge.s32 s28, s31  }
.Ltmp2:
0x68: {  	_ = 	snop;
	(pc) =	sbr.rel @p0 .LBB2_5-.Ltmp2, $1  }
0x69: {  	_ =	sdelay $0x3  }
0x6a: {  	s0 =	sshll.u32 s28, $0x9  }
0x6b: {  	s0 =	sshra.s32 s0, $0x2  }
0x6c: {  	s2 =	ssub.s32 s26, s28;
	s0 =	sadd.s32 $0xECC0, s0  }
0x6d: {  	s2 =	sadd.s32 $0x1, s2;
	[tilespmem:s0+$0xFFFFFFC0] =	vst v0  }
0x6e: {  	p0 =	sne.s32 s2, $0x1;
	[tilespmem:s0+$0x30] =	vst v0  }
.Ltmp3:
0x6f: {  	[tilespmem:s0+$0x20] =	vst v0;
	(pc) =	sbr.rel @!p0 .LBB2_4-.Ltmp3, $4  }
0x70: {  	[tilespmem:s0+$0x10] =	vst v0  }
0x71: {  	[tilespmem:s0+$0x0] =	vst v0  }
0x72: {  	[tilespmem:s0+$0xFFFFFFF0] =	vst v0  }
0x73: {  	s2 =	sadd.s32 $0xFFFFFFFF, s2;
	[tilespmem:s0+$0xFFFFFFE0] =	vst v0  }
.LBB2_3:
0x74: {  	p0 =	sne.s32 s2, $0x1;
	s2 =	sadd.s32 $0xFFFFFFFF, s2;
	[tilespmem:s0+$0xFFFFFFD0] =	vst v0;
	s0 =	sadd.s32 $0x80, s0  }
0x75: {  	[tilespmem:s0+$0xFFFFFFC0] =	vst v0  }
0x76: {  	[tilespmem:s0+$0x30] =	vst v0  }
.Ltmp4:
0x77: {  	[tilespmem:s0+$0x20] =	vst v0;
	(pc) =	sbr.rel @p0 .LBB2_3-.Ltmp4, $4  }
0x78: {  	[tilespmem:s0+$0x10] =	vst v0  }
0x79: {  	[tilespmem:s0+$0x0] =	vst v0  }
0x7a: {  	[tilespmem:s0+$0xFFFFFFF0] =	vst v0  }
0x7b: {  	[tilespmem:s0+$0xFFFFFFE0] =	vst v0  }
.LBB2_4:
0x7c: {  	[tilespmem:s0+$0xFFFFFFD0] =	vst v0  }
.LBB2_5:
0x7d: {  	[tilespmem:$0x1EC80] =	vst v0  }
0x7e: {  	[tilespmem:$0x1EC90] =	vst v0  }
0x7f: {  	[tilespmem:$0x1ECA0] =	vst v0  }
0x80: {  	[tilespmem:$0x1ECB0] =	vst v0  }
0x81: {  	[tilespmem:$0x1ECC0] =	vst v0  }
0x82: {  	[tilespmem:$0x1ECD0] =	vst v0  }
0x83: {  	[tilespmem:$0x1ECE0] =	vst v0  }
0x84: {  	[tilespmem:$0x1ECF0] =	vst v0;
	s29 =	simm.s32 $0x0;
	s0 =	simm.s32 $0xC80  }
0x85: {  	[tilespmem:s0], [sflag:$0x1] =	stream.linear.gather [hbm4b:s5+s29], $0x7000, $0x38;
	[tilespmem:$0x1ED80] =	vst v63  }
0x86: {  	s30 =	rddreg [dreg:$0x6]  }
0x87: {  	[tilespmem:s21], [sflag:$0x2] =	stream.linear.gather [hbm4b:s30+s29], $0x7000, $0x38;
	[tilespmem:$0x1ED80] =	vst v63  }
0x88: {  	v3 =	vld [tilespmem:$0x0];
	_ =	sdelay $0x4  }
0x89: {  	(v2sf) =	vpush v3, $0x0;
	_ =	sdelay $0xa  }
.Ltmp5:
0x8a: {  	_ = 	snop;
	(pc) =	sbr.rel .LBB2_6-.Ltmp5, $2  }
0x8b: {  	_ =	sdelay $0x2  }
0x8c: {  	s6 =	simm.s32 $0xE0;
	s31 =	simm.s32 $0x0;
	s9 =	spop (v2sf)  }
.LBB2_18:
0x8d: {  	s0 =	smin.u32 s0, $0xA;
	s31 =	sadd.s32 $0x1, s31  }
0x8e: {  	s0 =	smul.u32 $0xE0, s0;
	p0 =	sne.s32 s31, $0x7  }
.Ltmp6:
0x8f: {  	_ = 	snop;
	(pc) =	sbr.rel @!p0 .LBB2_19-.Ltmp6, $4  }
0x90: {  	s0 =	sadd.s32 s0, s8  }
0x91: {  	s0 =	sshll.u32 s0, $0x4  }
0x92: {  	s29 =	sadd.s32 $0x1C0, s29;
	s6 =	sadd.s32 $0x1C0, s6;
	s0 =	sadd.s32 s1, s0  }
0x93: {  	[tilespmem:s21], [sflag:$0x2] =	stream.linear.gather [hbm4b:s0+s3], $0x7000, $0x38;
	[tilespmem:$0x1ED80] =	vst v63  }
.LBB2_6:
.Ltmp7:
0x94: {  	(pc) =	sbr.rel .LBB2_7-.Ltmp7, $4  }
0x95: {  	s0 =	smul.u32 $0x700, s31  }
0x96: {  	_ =	swait.ge [sflag:s22], $0x7000  }
0x97: {  	s10 =	simm.s32 $0xCC0;
	[sflag:s22] =	ssyncset.done $0x0;
	s20 =	sshra.s32 s0, $0x2  }
0x98: {  	s4 =	smov.u32 s29;
	s24 =	simm.s32 $0x0;
	[sflag:s22] =	ssyncadd.s32 $0xFFFF9000;
	v3 =	vmov s20  }
.LBB2_21:
0x99: {  	s0 =	sshll.u32 s24, $0xB;
	v43 =	vld [tilespmem:$0x1EC80]  }
0x9a: {  	v34 =	vld [tilespmem:$0x1EC90];
	s2 =	sand.u32 $0x3FFFF800, s0  }
0x9b: {  	v4 =	vld [tilespmem:s2+$0xC80]  }
0x9c: {  	v5 =	vld [tilespmem:s2+$0xD00]  }
0x9d: {  	v6 =	vld [tilespmem:s2+$0xD80]  }
0x9e: {  	v7 =	vld [tilespmem:s2+$0xE00]  }
0x9f: {  	v8 =	vld [tilespmem:s2+$0xE80]  }
0xa0: {  	v9 =	vld [tilespmem:s2+$0xF00]  }
0xa1: {  	v10 =	vld [tilespmem:s2+$0xF80]  }
0xa2: {  	v11 =	vld [tilespmem:s2+$0x1000]  }
0xa3: {  	v12 =	vld [tilespmem:s2+$0x1080]  }
0xa4: {  	v13 =	vld [tilespmem:s2+$0x1100]  }
0xa5: {  	v14 =	vld [tilespmem:s2+$0x1180]  }
0xa6: {  	v15 =	vld [tilespmem:s2+$0x1200]  }
0xa7: {  	v16 =	vld [tilespmem:s2+$0x1280]  }
0xa8: {  	v17 =	vld [tilespmem:s2+$0x1300]  }
0xa9: {  	v18 =	vld [tilespmem:s2+$0x1380]  }
0xaa: {  	v19 =	vld [tilespmem:s2+$0x1400]  }
0xab: {  	v20 =	vld [tilespmem:s2+$0xC90]  }
0xac: {  	v21 =	vld [tilespmem:s2+$0xD10]  }
0xad: {  	v22 =	vld [tilespmem:s2+$0xD90]  }
0xae: {  	v23 =	vld [tilespmem:s2+$0xE10]  }
0xaf: {  	v24 =	vld [tilespmem:s2+$0xE90]  }
0xb0: {  	v25 =	vld [tilespmem:s2+$0xF10]  }
0xb1: {  	v26 =	vld [tilespmem:s2+$0xF90]  }
0xb2: {  	v27 =	vld [tilespmem:s2+$0x1010]  }
0xb3: {  	v28 =	vld [tilespmem:s2+$0x1090];
	v4 =	vmax.f32 v4, v5;
	v5 =	vmax.f32 v6, v7;
	v39 =	vmax.f32 v8, v9  }
0xb4: {  	v29 =	vld [tilespmem:s2+$0x1110];
	v40 =	vmax.f32 v10, v11;
	v41 =	vmax.f32 v12, v13;
	v42 =	vmax.f32 v14, v15  }
0xb5: {  	v30 =	vld [tilespmem:s2+$0x1190];
	v45 =	vmax.f32 v16, v17;
	v46 =	vmax.f32 v18, v19;
	v4 =	vmax.f32 v4, v5  }
0xb6: {  	v44 =	vld [tilespmem:s2+$0x1210];
	v6 =	vmax.f32 v39, v40;
	v47 =	vmax.f32 v41, v42;
	v48 =	vmax.f32 v45, v46  }
0xb7: {  	v49 =	vld [tilespmem:s2+$0x1310];
	v4 =	vmax.f32 v4, v6;
	v50 =	vmax.f32 v47, v48  }
0xb8: {  	v51 =	vld [tilespmem:s2+$0x1390];
	v4 =	vmax.f32 v4, v50  }
0xb9: {  	v52 =	vld [tilespmem:s2+$0x1410];
	v4 =	vmax.f32 v43, v4  }
0xba: {  	v5 =	vld [tilespmem:s2+$0x1290];
	[tilespmem:$0x1EC80] =	vst v4  }
0xbb: {  	v4 =	vld [tilespmem:s2+$0xCA0]  }
0xbc: {  	v53 =	vld [tilespmem:s2+$0xD20]  }
0xbd: {  	v54 =	vld [tilespmem:s2+$0xDA0]  }
0xbe: {  	v55 =	vld [tilespmem:s2+$0xE20]  }
0xbf: {  	v56 =	vld [tilespmem:s2+$0xEA0]  }
0xc0: {  	v57 =	vld [tilespmem:s2+$0xF20]  }
0xc1: {  	v58 =	vld [tilespmem:s2+$0xFA0]  }
0xc2: {  	v59 =	vld [tilespmem:s2+$0x1020]  }
0xc3: {  	v60 =	vld [tilespmem:s2+$0x10A0]  }
0xc4: {  	v20 =	vmax.f32 v20, v21;
	v63 =	vmax.f32 v22, v23;
	v31 =	vmax.f32 v24, v25;
	v61 =	vld [tilespmem:s2+$0x1120]  }
0xc5: {  	v32 =	vmax.f32 v26, v27;
	v33 =	vmax.f32 v28, v29;
	v11 =	vmax.f32 v30, v44;
	v62 =	vld [tilespmem:s2+$0x11A0]  }
0xc6: {  	v36 =	vmax.f32 v20, v63;
	v6 =	vmax.f32 v51, v52;
	v35 =	vld [tilespmem:s2+$0x1220];
	v5 =	vmax.f32 v5, v49  }
0xc7: {  	v38 =	vmax.f32 v31, v32;
	v11 =	vmax.f32 v33, v11;
	v37 =	vld [tilespmem:s2+$0x12A0];
	v5 =	vmax.f32 v5, v6  }
0xc8: {  	v7 =	vmax.f32 v36, v38;
	v39 =	vld [tilespmem:s2+$0x1320];
	v5 =	vmax.f32 v11, v5  }
0xc9: {  	v40 =	vld [tilespmem:s2+$0x13A0];
	v5 =	vmax.f32 v7, v5  }
0xca: {  	v41 =	vld [tilespmem:s2+$0x1420];
	v5 =	vmax.f32 v34, v5  }
0xcb: {  	[tilespmem:$0x1EC90] =	vst v5;
	v50 =	vmax.f32 v54, v55;
	v55 =	vld [tilespmem:$0x1ECA0]  }
0xcc: {  	v5 =	vld [tilespmem:s2+$0xCB0]  }
0xcd: {  	v20 =	vld [tilespmem:s2+$0xD30]  }
0xce: {  	v21 =	vld [tilespmem:s2+$0xDB0]  }
0xcf: {  	v42 =	vld [tilespmem:s2+$0xE30]  }
0xd0: {  	v43 =	vld [tilespmem:s2+$0xEB0]  }
0xd1: {  	v44 =	vld [tilespmem:s2+$0xF30]  }
0xd2: {  	v45 =	vld [tilespmem:s2+$0xFB0]  }
0xd3: {  	v46 =	vld [tilespmem:s2+$0x1030]  }
0xd4: {  	v47 =	vld [tilespmem:s2+$0x10B0]  }
0xd5: {  	v4 =	vmax.f32 v4, v53;
	v51 =	vmax.f32 v56, v57;
	v48 =	vld [tilespmem:s2+$0x1130]  }
0xd6: {  	v52 =	vmax.f32 v58, v59;
	v53 =	vmax.f32 v60, v61;
	v54 =	vmax.f32 v62, v35;
	v49 =	vld [tilespmem:s2+$0x11B0]  }
0xd7: {  	v6 =	vmax.f32 v37, v39;
	v7 =	vmax.f32 v40, v41;
	v56 =	vld [tilespmem:s2+$0x1230];
	v4 =	vmax.f32 v4, v50  }
0xd8: {  	v57 =	vld [tilespmem:s2+$0x12B0];
	v58 =	vmax.f32 v51, v52;
	v59 =	vmax.f32 v53, v54;
	v6 =	vmax.f32 v6, v7  }
0xd9: {  	v60 =	vld [tilespmem:s2+$0x1330];
	v4 =	vmax.f32 v4, v58;
	v6 =	vmax.f32 v59, v6  }
0xda: {  	v61 =	vld [tilespmem:s2+$0x13B0];
	v4 =	vmax.f32 v4, v6  }
0xdb: {  	v62 =	vld [tilespmem:s2+$0x1430];
	v4 =	vmax.f32 v55, v4  }
0xdc: {  	[tilespmem:$0x1ECA0] =	vst v4;
	v43 =	vmax.f32 v43, v44;
	v44 =	vmax.f32 v45, v46;
	v46 =	vld [tilespmem:$0x1ECB0]  }
0xdd: {  	v4 =	vld [tilespmem:s2+$0xCC0]  }
0xde: {  	v63 =	vld [tilespmem:s2+$0xD40]  }
0xdf: {  	v33 =	vld [tilespmem:s2+$0xDC0]  }
0xe0: {  	v34 =	vld [tilespmem:s2+$0xE40]  }
0xe1: {  	v35 =	vld [tilespmem:s2+$0xEC0]  }
0xe2: {  	v36 =	vld [tilespmem:s2+$0xF40]  }
0xe3: {  	v37 =	vld [tilespmem:s2+$0xFC0]  }
0xe4: {  	v38 =	vld [tilespmem:s2+$0x1040]  }
0xe5: {  	v39 =	vld [tilespmem:s2+$0x10C0]  }
0xe6: {  	v5 =	vmax.f32 v5, v20;
	v40 =	vld [tilespmem:s2+$0x1140]  }
0xe7: {  	v42 =	vmax.f32 v21, v42;
	v45 =	vmax.f32 v47, v48;
	v16 =	vmax.f32 v49, v56;
	v41 =	vld [tilespmem:s2+$0x11C0]  }
0xe8: {  	v7 =	vmax.f32 v57, v60;
	v6 =	vmax.f32 v61, v62;
	v47 =	vld [tilespmem:s2+$0x1240];
	v5 =	vmax.f32 v5, v42  }
0xe9: {  	v48 =	vld [tilespmem:s2+$0x12C0];
	v49 =	vmax.f32 v43, v44;
	v16 =	vmax.f32 v45, v16;
	v6 =	vmax.f32 v7, v6  }
0xea: {  	v50 =	vld [tilespmem:s2+$0x1340];
	v5 =	vmax.f32 v5, v49;
	v6 =	vmax.f32 v16, v6  }
0xeb: {  	v51 =	vld [tilespmem:s2+$0x13C0];
	v5 =	vmax.f32 v5, v6  }
0xec: {  	v52 =	vld [tilespmem:s2+$0x1440];
	v5 =	vmax.f32 v46, v5  }
0xed: {  	[tilespmem:$0x1ECB0] =	vst v5;
	v31 =	vmax.f32 v35, v36;
	v35 =	vld [tilespmem:$0x1ECC0]  }
0xee: {  	v5 =	vld [tilespmem:s2+$0xCD0]  }
0xef: {  	v53 =	vld [tilespmem:s2+$0xD50]  }
0xf0: {  	v54 =	vld [tilespmem:s2+$0xDD0]  }
0xf1: {  	v55 =	vld [tilespmem:s2+$0xE50]  }
0xf2: {  	v56 =	vld [tilespmem:s2+$0xED0]  }
0xf3: {  	v57 =	vld [tilespmem:s2+$0xF50]  }
0xf4: {  	v58 =	vld [tilespmem:s2+$0xFD0]  }
0xf5: {  	v59 =	vld [tilespmem:s2+$0x1050]  }
0xf6: {  	v60 =	vld [tilespmem:s2+$0x10D0]  }
0xf7: {  	v4 =	vmax.f32 v4, v63;
	v63 =	vmax.f32 v33, v34;
	v61 =	vld [tilespmem:s2+$0x1150]  }
0xf8: {  	v32 =	vmax.f32 v37, v38;
	v33 =	vmax.f32 v39, v40;
	v34 =	vmax.f32 v41, v47;
	v62 =	vld [tilespmem:s2+$0x11D0]  }
0xf9: {  	v7 =	vmax.f32 v48, v50;
	v6 =	vmax.f32 v51, v52;
	v36 =	vld [tilespmem:s2+$0x1250];
	v4 =	vmax.f32 v4, v63  }
0xfa: {  	v37 =	vld [tilespmem:s2+$0x12D0];
	v38 =	vmax.f32 v31, v32;
	v39 =	vmax.f32 v33, v34;
	v6 =	vmax.f32 v7, v6  }
0xfb: {  	v40 =	vld [tilespmem:s2+$0x1350];
	v4 =	vmax.f32 v4, v38;
	v6 =	vmax.f32 v39, v6  }
0xfc: {  	v41 =	vld [tilespmem:s2+$0x13D0];
	v4 =	vmax.f32 v4, v6  }
0xfd: {  	v42 =	vld [tilespmem:s2+$0x1450];
	v4 =	vmax.f32 v35, v4  }
0xfe: {  	[tilespmem:$0x1ECC0] =	vst v4;
	v5 =	vmax.f32 v5, v53;
	v53 =	vld [tilespmem:$0x1ECD0]  }
0xff: {  	v4 =	vld [tilespmem:s2+$0xCE0]  }
0x100: {  	v10 =	vld [tilespmem:s2+$0xD60]  }
0x101: {  	v11 =	vld [tilespmem:s2+$0xDE0]  }
0x102: {  	v43 =	vld [tilespmem:s2+$0xE60]  }
0x103: {  	v44 =	vld [tilespmem:s2+$0xEE0]  }
0x104: {  	v45 =	vld [tilespmem:s2+$0xF60]  }
0x105: {  	v15 =	vld [tilespmem:s2+$0xFE0]  }
0x106: {  	v46 =	vld [tilespmem:s2+$0x1060]  }
0x107: {  	v49 =	vmax.f32 v54, v55;
	v50 =	vmax.f32 v56, v57;
	v19 =	vld [tilespmem:s2+$0x10E0]  }
0x108: {  	v51 =	vmax.f32 v58, v59;
	v52 =	vmax.f32 v60, v61;
	v17 =	vmax.f32 v62, v36;
	v47 =	vld [tilespmem:s2+$0x1160]  }
0x109: {  	v7 =	vmax.f32 v37, v40;
	v6 =	vmax.f32 v41, v42;
	v48 =	vld [tilespmem:s2+$0x11E0];
	v5 =	vmax.f32 v5, v49  }
0x10a: {  	v54 =	vld [tilespmem:s2+$0x1260];
	v56 =	vmax.f32 v50, v51;
	v57 =	vmax.f32 v52, v17;
	v6 =	vmax.f32 v7, v6  }
0x10b: {  	v55 =	vld [tilespmem:s2+$0x12E0];
	v5 =	vmax.f32 v5, v56;
	v6 =	vmax.f32 v57, v6  }
0x10c: {  	v58 =	vld [tilespmem:s2+$0x1360];
	v5 =	vmax.f32 v5, v6  }
0x10d: {  	v59 =	vld [tilespmem:s2+$0x13E0];
	v5 =	vmax.f32 v53, v5  }
0x10e: {  	v60 =	vld [tilespmem:s2+$0x1460];
	[tilespmem:$0x1ECD0] =	vst v5  }
0x10f: {  	v5 =	vld [tilespmem:s2+$0xCF0]  }
0x110: {  	v61 =	vld [tilespmem:s2+$0xD70]  }
0x111: {  	v62 =	vld [tilespmem:s2+$0xDF0]  }
0x112: {  	v63 =	vld [tilespmem:s2+$0xE70]  }
0x113: {  	v36 =	vld [tilespmem:s2+$0xEF0]  }
0x114: {  	v37 =	vld [tilespmem:s2+$0xF70]  }
0x115: {  	v38 =	vld [tilespmem:s2+$0xFF0]  }
0x116: {  	v39 =	vld [tilespmem:s2+$0x1070]  }
0x117: {  	v40 =	vld [tilespmem:s2+$0x10F0]  }
0x118: {  	v41 =	vld [tilespmem:s2+$0x1170]  }
0x119: {  	v42 =	vld [tilespmem:s2+$0x11F0]  }
0x11a: {  	v31 =	vld [tilespmem:s2+$0x1270]  }
0x11b: {  	v32 =	vld [tilespmem:s2+$0x12F0]  }
0x11c: {  	v4 =	vmax.f32 v4, v10;
	v43 =	vmax.f32 v11, v43;
	v44 =	vmax.f32 v44, v45;
	v33 =	vld [tilespmem:s2+$0x1370]  }
0x11d: {  	v46 =	vmax.f32 v15, v46;
	v47 =	vmax.f32 v19, v47;
	v48 =	vmax.f32 v48, v54;
	v45 =	vld [tilespmem:s2+$0x13F0]  }
0x11e: {  	v7 =	vmax.f32 v55, v58;
	v6 =	vmax.f32 v59, v60;
	v49 =	vld [tilespmem:s2+$0x1470];
	v4 =	vmax.f32 v4, v43  }
0x11f: {  	v50 =	vmax.f32 v44, v46;
	v51 =	vmax.f32 v47, v48;
	v6 =	vmax.f32 v7, v6  }
0x120: {  	v4 =	vmax.f32 v4, v50;
	v6 =	vmax.f32 v51, v6  }
0x121: {  	v52 =	vld [tilespmem:$0x1ECE0];
	v5 =	vmax.f32 v5, v61;
	v53 =	vmax.f32 v62, v63;
	v54 =	vmax.f32 v36, v37  }
0x122: {  	v58 =	vld [tilespmem:$0x1ECF0];
	v55 =	vmax.f32 v38, v39;
	v56 =	vmax.f32 v40, v41;
	v57 =	vmax.f32 v42, v31  }
0x123: {  	v59 =	vmax.f32 v32, v33;
	v12 =	vmax.f32 v45, v49;
	v5 =	vmax.f32 v5, v53  }
0x124: {  	v60 =	vmax.f32 v54, v55;
	v61 =	vmax.f32 v56, v57;
	v62 =	vmax.f32 v59, v12  }
0x125: {  	v4 =	vmax.f32 v4, v6;
	v5 =	vmax.f32 v5, v60;
	v63 =	vmax.f32 v61, v62  }
0x126: {  	v4 =	vmax.f32 v52, v4;
	v5 =	vmax.f32 v5, v63  }
0x127: {  	[tilespmem:$0x1ECE0] =	vst v4;
	v4 =	vmax.f32 v58, v5  }
0x128: {  	[tilespmem:$0x1ECF0] =	vst v4  }
.LBB2_11:
0x129: {  	s24 =	sadd.s32 $0x1, s24  }
0x12a: {  	p0 =	sne.s32 s24, $0xE  }
.Ltmp8:
0x12b: {  	_ = 	snop;
	(pc) =	sbr.rel @!p0 .LBB2_12-.Ltmp8, $2  }
0x12c: {  	_ =	sdelay $0x2  }
0x12d: {  	s4 =	sadd.s32 $0x10, s4;
	s10 =	sadd.s32 $0x800, s10  }
.LBB2_7:
0x12e: {  	_ =	sdelay $0x2  }
0x12f: {  	s0 =	sshll.u32 s24, $0x4  }
0x130: {  	v4 =	vld.idx.msk [tilespmem:v3+s0+$0x0 ss:$0x1], $0xffff;
	_ =	sdelay $0x4  }
0x131: {  	(v2sf) =	vpush v4, $0x0  }
0x132: {  	(v2sf) =	vpush v4, $0xF;
	_ =	sdelay $0xd  }
0x133: {  	s30 =	spop (v2sf)  }
0x134: {  	p0 =	sne.s32 s30, s9;
	s0 =	spop (v2sf)  }
0x135: {  	p1 =	sne.s32 @!p0 s0, s9  }
0x136: {  	p1 =	por p0, p1  }
.Ltmp9:
0x137: {  	_ = 	snop;
	(pc) =	sbr.rel @!p1 .LBB2_21-.Ltmp9, $1  }
0x138: {  	_ =	sdelay $0x3  }
0x139: {  	v4 =	vmov s4;
	_ =	sdelay $0x1  }
0x13a: {  	s30 =	simm.s32 $0x0  }
0x13b: {  	s30 =	simm.s32 @p0 $0x0  }
0x13c: {  	s2 =	sshra.s32 s30, $0x2  }
0x13d: {  	v5 =	vld.idx.msk [tilespmem:v4+s2+$0x0 ss:$0x1], $0xffff;
	_ =	sdelay $0x4  }
0x13e: {  	(v2sf) =	vpush v5, $0x0;
	_ =	sdelay $0xe  }
0x13f: {  	s0 =	smov.u32 s10;
	s9 =	smov.u32 @p0 s9;
	s2 =	spop (v2sf)  }
0x140: {  	s0 =	smov.u32 @p0 s10;
	p0 =	seq.s32 s2, s9  }
0x141: {  	v5 =	vld @!p0 [tilespmem:$0x1EC80];
	_ =	sdelay $0x2  }
0x142: {  	s9 =	sshll.u32 @!p0 s9, $0x9  }
0x143: {  	s9 =	sshra.s32 @!p0 s9, $0x2  }
0x144: {  	[tilespmem:s9+$0xEC80] =	vst @!p0 v5  }
0x145: {  	v5 =	vld @!p0 [tilespmem:$0x1EC90];
	_ =	sdelay $0x4  }
0x146: {  	[tilespmem:s9+$0xEC90] =	vst @!p0 v5  }
0x147: {  	v5 =	vld @!p0 [tilespmem:$0x1ECA0];
	_ =	sdelay $0x4  }
0x148: {  	[tilespmem:s9+$0xECA0] =	vst @!p0 v5  }
0x149: {  	v5 =	vld @!p0 [tilespmem:$0x1ECB0];
	_ =	sdelay $0x4  }
0x14a: {  	[tilespmem:s9+$0xECB0] =	vst @!p0 v5  }
0x14b: {  	v5 =	vld @!p0 [tilespmem:$0x1ECC0];
	_ =	sdelay $0x4  }
0x14c: {  	[tilespmem:s9+$0xECC0] =	vst @!p0 v5  }
0x14d: {  	v5 =	vld @!p0 [tilespmem:$0x1ECD0];
	_ =	sdelay $0x4  }
0x14e: {  	[tilespmem:s9+$0xECD0] =	vst @!p0 v5  }
0x14f: {  	v5 =	vld @!p0 [tilespmem:$0x1ECE0];
	_ =	sdelay $0x4  }
0x150: {  	[tilespmem:s9+$0xECE0] =	vst @!p0 v5  }
0x151: {  	v5 =	vld @!p0 [tilespmem:$0x1ECF0];
	_ =	sdelay $0x4  }
0x152: {  	[tilespmem:s9+$0xECF0] =	vst @!p0 v5;
	v5 =	vimm.f32 @!p0 $-Inf  }
0x153: {  	[tilespmem:$0x1ECF0] =	vst @!p0 v5  }
0x154: {  	[tilespmem:$0x1ECE0] =	vst @!p0 v5  }
0x155: {  	[tilespmem:$0x1ECD0] =	vst @!p0 v5  }
0x156: {  	[tilespmem:$0x1ECC0] =	vst @!p0 v5  }
0x157: {  	[tilespmem:$0x1ECB0] =	vst @!p0 v5  }
0x158: {  	[tilespmem:$0x1ECA0] =	vst @!p0 v5  }
0x159: {  	[tilespmem:$0x1EC80] =	vst @!p0 v5  }
0x15a: {  	[tilespmem:$0x1EC90] =	vst @!p0 v5;
	v5 =	vld [tilespmem:$0x1EC80]  }
0x15b: {  	v6 =	vld [tilespmem:s0+$0xFFFFFFC0];
	_ =	sdelay $0x4  }
0x15c: {  	v5 =	vmax.f32 v5, v6  }
0x15d: {  	v6 =	vld [tilespmem:$0x1EC90];
	[tilespmem:$0x1EC80] =	vst v5  }
0x15e: {  	v5 =	vld [tilespmem:s0+$0xFFFFFFD0];
	_ =	sdelay $0x4  }
0x15f: {  	v5 =	vmax.f32 v6, v5  }
0x160: {  	v6 =	vld [tilespmem:$0x1ECA0];
	[tilespmem:$0x1EC90] =	vst v5  }
0x161: {  	v5 =	vld [tilespmem:s0+$0xFFFFFFE0];
	_ =	sdelay $0x4  }
0x162: {  	v5 =	vmax.f32 v6, v5  }
0x163: {  	v6 =	vld [tilespmem:$0x1ECB0];
	[tilespmem:$0x1ECA0] =	vst v5  }
0x164: {  	v5 =	vld [tilespmem:s0+$0xFFFFFFF0];
	_ =	sdelay $0x4  }
0x165: {  	v5 =	vmax.f32 v6, v5  }
0x166: {  	v6 =	vld [tilespmem:$0x1ECC0];
	[tilespmem:$0x1ECB0] =	vst v5  }
0x167: {  	v5 =	vld [tilespmem:s0+$0x0];
	_ =	sdelay $0x4  }
0x168: {  	v5 =	vmax.f32 v6, v5  }
0x169: {  	v6 =	vld [tilespmem:$0x1ECD0];
	[tilespmem:$0x1ECC0] =	vst v5  }
0x16a: {  	v5 =	vld [tilespmem:s0+$0x10];
	_ =	sdelay $0x4  }
0x16b: {  	v5 =	vmax.f32 v6, v5  }
0x16c: {  	s9 =	sadd.s32 $0x4, s30;
	v6 =	vld [tilespmem:$0x1ECE0];
	[tilespmem:$0x1ECD0] =	vst v5  }
0x16d: {  	p0 =	sne.s32 s9, $0x40;
	v7 =	vld [tilespmem:s0+$0x20]  }
.Ltmp10:
0x16e: {  	_ = 	snop;
	(pc) =	sbr.rel @!p0 .LBB2_10-.Ltmp10, $2  }
0x16f: {  	_ =	sdelay $0x2  }
0x170: {  	s30 =	smov.u32 s0;
	v5 =	vld [tilespmem:$0x1ECF0];
	v6 =	vmax.f32 v6, v7  }
.LBB2_9:
0x171: {  	[tilespmem:$0x1ECE0] =	vst v6;
	s30 =	sadd.s32 $0x80, s30;
	s11 =	smov.u32 s9;
	s9 =	sadd.s32 $0x4, s9  }
0x172: {  	s12 =	smov.u32 s2;
	p0 =	sne.s32 s9, $0x40;
	v6 =	vld [tilespmem:s0+$0x30];
	s0 =	smov.u32 s30  }
0x173: {  	_ =	sdelay $0x3  }
0x174: {  	v5 =	vmax.f32 v5, v6  }
0x175: {  	s2 =	sshra.s32 s11, $0x2;
	[tilespmem:$0x1ECF0] =	vst v5  }
0x176: {  	v5 =	vld.idx.msk [tilespmem:v4+s2+$0x0 ss:$0x1], $0xffff;
	_ =	sdelay $0x5  }
0x177: {  	(v2sf) =	vpush v5, $0x0;
	_ =	sdelay $0xe  }
0x178: {  	s2 =	spop (v2sf)  }
0x179: {  	p1 =	seq.s32 s2, s12  }
0x17a: {  	v5 =	vld @!p1 [tilespmem:$0x1EC80];
	s11 =	sshll.u32 @!p1 s12, $0x9;
	_ =	sdelay $0x3  }
0x17b: {  	s11 =	sshra.s32 @!p1 s11, $0x2  }
0x17c: {  	[tilespmem:s11+$0xEC80] =	vst @!p1 v5  }
0x17d: {  	v5 =	vld @!p1 [tilespmem:$0x1EC90];
	_ =	sdelay $0x4  }
0x17e: {  	[tilespmem:s11+$0xEC90] =	vst @!p1 v5  }
0x17f: {  	v5 =	vld @!p1 [tilespmem:$0x1ECA0];
	_ =	sdelay $0x4  }
0x180: {  	[tilespmem:s11+$0xECA0] =	vst @!p1 v5  }
0x181: {  	v5 =	vld @!p1 [tilespmem:$0x1ECB0];
	_ =	sdelay $0x4  }
0x182: {  	[tilespmem:s11+$0xECB0] =	vst @!p1 v5  }
0x183: {  	v5 =	vld @!p1 [tilespmem:$0x1ECC0];
	_ =	sdelay $0x4  }
0x184: {  	[tilespmem:s11+$0xECC0] =	vst @!p1 v5  }
0x185: {  	v5 =	vld @!p1 [tilespmem:$0x1ECD0];
	_ =	sdelay $0x4  }
0x186: {  	[tilespmem:s11+$0xECD0] =	vst @!p1 v5  }
0x187: {  	v5 =	vld @!p1 [tilespmem:$0x1ECE0];
	_ =	sdelay $0x4  }
0x188: {  	[tilespmem:s11+$0xECE0] =	vst @!p1 v5  }
0x189: {  	v5 =	vld @!p1 [tilespmem:$0x1ECF0];
	_ =	sdelay $0x4  }
0x18a: {  	v6 =	vimm.f32 @!p1 $-Inf;
	[tilespmem:s11+$0xECF0] =	vst @!p1 v5  }
0x18b: {  	[tilespmem:$0x1ECF0] =	vst @!p1 v6  }
0x18c: {  	[tilespmem:$0x1ECE0] =	vst @!p1 v6;
	v5 =	vld [tilespmem:$0x1ECF0]  }
0x18d: {  	[tilespmem:$0x1ECD0] =	vst @!p1 v6;
	v7 =	vld [tilespmem:$0x1ECE0]  }
0x18e: {  	[tilespmem:$0x1ECC0] =	vst @!p1 v6;
	v8 =	vld [tilespmem:$0x1ECD0]  }
0x18f: {  	[tilespmem:$0x1ECB0] =	vst @!p1 v6;
	v9 =	vld [tilespmem:$0x1ECC0]  }
0x190: {  	[tilespmem:$0x1ECA0] =	vst @!p1 v6;
	v10 =	vld [tilespmem:$0x1ECB0]  }
0x191: {  	[tilespmem:$0x1EC80] =	vst @!p1 v6;
	v11 =	vld [tilespmem:$0x1ECA0]  }
0x192: {  	[tilespmem:$0x1EC90] =	vst @!p1 v6;
	v6 =	vld [tilespmem:$0x1EC80]  }
0x193: {  	v12 =	vld [tilespmem:s30+$0xFFFFFFC0]  }
0x194: {  	v13 =	vld [tilespmem:$0x1EC90];
	_ =	sdelay $0x3  }
0x195: {  	v6 =	vmax.f32 v6, v12  }
0x196: {  	[tilespmem:$0x1EC80] =	vst v6  }
0x197: {  	v6 =	vld [tilespmem:s30+$0xFFFFFFD0];
	_ =	sdelay $0x4  }
0x198: {  	v6 =	vmax.f32 v13, v6  }
0x199: {  	[tilespmem:$0x1EC90] =	vst v6  }
0x19a: {  	v6 =	vld [tilespmem:s30+$0xFFFFFFE0];
	_ =	sdelay $0x4  }
0x19b: {  	v6 =	vmax.f32 v11, v6  }
0x19c: {  	[tilespmem:$0x1ECA0] =	vst v6  }
0x19d: {  	v6 =	vld [tilespmem:s30+$0xFFFFFFF0];
	_ =	sdelay $0x4  }
0x19e: {  	v6 =	vmax.f32 v10, v6  }
0x19f: {  	[tilespmem:$0x1ECB0] =	vst v6  }
0x1a0: {  	v6 =	vld [tilespmem:s30+$0x0];
	_ =	sdelay $0x4  }
0x1a1: {  	v6 =	vmax.f32 v9, v6  }
0x1a2: {  	[tilespmem:$0x1ECC0] =	vst v6  }
0x1a3: {  	v6 =	vld [tilespmem:s30+$0x10];
	_ =	sdelay $0x4  }
0x1a4: {  	v6 =	vmax.f32 v8, v6  }
0x1a5: {  	[tilespmem:$0x1ECD0] =	vst v6  }
0x1a6: {  	v6 =	vld [tilespmem:s30+$0x20]  }
.Ltmp11:
0x1a7: {  	(pc) =	sbr.rel @p0 .LBB2_9-.Ltmp11, $2  }
0x1a8: {  	_ =	sdelay $0x2  }
0x1a9: {  	v6 =	vmax.f32 v7, v6  }
.LBB2_10:
0x1aa: {  	[tilespmem:$0x1ECE0] =	vst v6  }
0x1ab: {  	v4 =	vld [tilespmem:s0+$0x30];
	_ =	sdelay $0x1  }
.Ltmp12:
0x1ac: {  	_ = 	snop;
	(pc) =	sbr.rel .LBB2_11-.Ltmp12, $3  }
0x1ad: {  	_ =	sdelay $0x1  }
0x1ae: {  	v4 =	vmax.f32 v5, v4  }
0x1af: {  	s9 =	smov.u32 s2;
	[tilespmem:$0x1ECF0] =	vst v4  }
.LBB2_12:
0x1b0: {  	s0 =	sshll.u32 s31, $0x1  }
0x1b1: {  	s2 =	smin.u32 s0, $0xB  }
0x1b2: {  	s2 =	smul.u32 $0xE0, s2;
	_ =	sdelay $0x1  }
0x1b3: {  	s2 =	sadd.s32 s2, s7  }
0x1b4: {  	s24 =	simm.s32 $0x0;
	s2 =	sshll.u32 s2, $0x4  }
.Ltmp13:
0x1b5: {  	s4 =	simm.s32 $0xC80;
	s2 =	sadd.s32 s1, s2;
	(pc) =	sbr.rel .LBB2_13-.Ltmp13, $4  }
0x1b6: {  	[tilespmem:s4], [sflag:$0x1] =	stream.linear.gather [hbm4b:s2+s24], $0x7000, $0x38;
	[tilespmem:$0x1ED80] =	vst v63  }
0x1b7: {  	_ =	swait.ge [sflag:s23], $0x7000  }
0x1b8: {  	s20 =	sadd.s32 $0xE0, s20;
	[sflag:s23] =	ssyncset.done $0x0  }
0x1b9: {  	s30 =	smov.u32 s6;
	v3 =	vmov s20;
	[sflag:s23] =	ssyncadd.s32 $0xFFFF9000  }
.LBB2_22:
0x1ba: {  	s2 =	sshll.u32 s24, $0xB;
	v43 =	vld [tilespmem:$0x1EC80]  }
0x1bb: {  	v34 =	vld [tilespmem:$0x1EC90];
	s2 =	sand.u32 $0x3FFFF800, s2  }
0x1bc: {  	v4 =	vld [tilespmem:s2+$0x7C80]  }
0x1bd: {  	v5 =	vld [tilespmem:s2+$0x7D00]  }
0x1be: {  	v6 =	vld [tilespmem:s2+$0x7D80]  }
0x1bf: {  	v7 =	vld [tilespmem:s2+$0x7E00]  }
0x1c0: {  	v8 =	vld [tilespmem:s2+$0x7E80]  }
0x1c1: {  	v9 =	vld [tilespmem:s2+$0x7F00]  }
0x1c2: {  	v10 =	vld [tilespmem:s2+$0x7F80]  }
0x1c3: {  	v11 =	vld [tilespmem:s2+$0x8000]  }
0x1c4: {  	v12 =	vld [tilespmem:s2+$0x8080]  }
0x1c5: {  	v13 =	vld [tilespmem:s2+$0x8100]  }
0x1c6: {  	v14 =	vld [tilespmem:s2+$0x8180]  }
0x1c7: {  	v15 =	vld [tilespmem:s2+$0x8200]  }
0x1c8: {  	v16 =	vld [tilespmem:s2+$0x8280]  }
0x1c9: {  	v17 =	vld [tilespmem:s2+$0x8300]  }
0x1ca: {  	v18 =	vld [tilespmem:s2+$0x8380]  }
0x1cb: {  	v19 =	vld [tilespmem:s2+$0x8400]  }
0x1cc: {  	v20 =	vld [tilespmem:s2+$0x7C90]  }
0x1cd: {  	v21 =	vld [tilespmem:s2+$0x7D10]  }
0x1ce: {  	v22 =	vld [tilespmem:s2+$0x7D90]  }
0x1cf: {  	v23 =	vld [tilespmem:s2+$0x7E10]  }
0x1d0: {  	v24 =	vld [tilespmem:s2+$0x7E90]  }
0x1d1: {  	v25 =	vld [tilespmem:s2+$0x7F10]  }
0x1d2: {  	v26 =	vld [tilespmem:s2+$0x7F90]  }
0x1d3: {  	v27 =	vld [tilespmem:s2+$0x8010]  }
0x1d4: {  	v28 =	vld [tilespmem:s2+$0x8090];
	v4 =	vmax.f32 v4, v5;
	v5 =	vmax.f32 v6, v7;
	v39 =	vmax.f32 v8, v9  }
0x1d5: {  	v29 =	vld [tilespmem:s2+$0x8110];
	v40 =	vmax.f32 v10, v11;
	v41 =	vmax.f32 v12, v13;
	v42 =	vmax.f32 v14, v15  }
0x1d6: {  	v30 =	vld [tilespmem:s2+$0x8190];
	v45 =	vmax.f32 v16, v17;
	v46 =	vmax.f32 v18, v19;
	v4 =	vmax.f32 v4, v5  }
0x1d7: {  	v44 =	vld [tilespmem:s2+$0x8210];
	v6 =	vmax.f32 v39, v40;
	v47 =	vmax.f32 v41, v42;
	v48 =	vmax.f32 v45, v46  }
0x1d8: {  	v49 =	vld [tilespmem:s2+$0x8310];
	v4 =	vmax.f32 v4, v6;
	v50 =	vmax.f32 v47, v48  }
0x1d9: {  	v51 =	vld [tilespmem:s2+$0x8390];
	v4 =	vmax.f32 v4, v50  }
0x1da: {  	v52 =	vld [tilespmem:s2+$0x8410];
	v4 =	vmax.f32 v43, v4  }
0x1db: {  	v5 =	vld [tilespmem:s2+$0x8290];
	[tilespmem:$0x1EC80] =	vst v4  }
0x1dc: {  	v4 =	vld [tilespmem:s2+$0x7CA0]  }
0x1dd: {  	v53 =	vld [tilespmem:s2+$0x7D20]  }
0x1de: {  	v54 =	vld [tilespmem:s2+$0x7DA0]  }
0x1df: {  	v55 =	vld [tilespmem:s2+$0x7E20]  }
0x1e0: {  	v56 =	vld [tilespmem:s2+$0x7EA0]  }
0x1e1: {  	v57 =	vld [tilespmem:s2+$0x7F20]  }
0x1e2: {  	v58 =	vld [tilespmem:s2+$0x7FA0]  }
0x1e3: {  	v59 =	vld [tilespmem:s2+$0x8020]  }
0x1e4: {  	v60 =	vld [tilespmem:s2+$0x80A0]  }
0x1e5: {  	v20 =	vmax.f32 v20, v21;
	v63 =	vmax.f32 v22, v23;
	v31 =	vmax.f32 v24, v25;
	v61 =	vld [tilespmem:s2+$0x8120]  }
0x1e6: {  	v32 =	vmax.f32 v26, v27;
	v33 =	vmax.f32 v28, v29;
	v11 =	vmax.f32 v30, v44;
	v62 =	vld [tilespmem:s2+$0x81A0]  }
0x1e7: {  	v36 =	vmax.f32 v20, v63;
	v6 =	vmax.f32 v51, v52;
	v35 =	vld [tilespmem:s2+$0x8220];
	v5 =	vmax.f32 v5, v49  }
0x1e8: {  	v38 =	vmax.f32 v31, v32;
	v11 =	vmax.f32 v33, v11;
	v37 =	vld [tilespmem:s2+$0x82A0];
	v5 =	vmax.f32 v5, v6  }
0x1e9: {  	v7 =	vmax.f32 v36, v38;
	v39 =	vld [tilespmem:s2+$0x8320];
	v5 =	vmax.f32 v11, v5  }
0x1ea: {  	v40 =	vld [tilespmem:s2+$0x83A0];
	v5 =	vmax.f32 v7, v5  }
0x1eb: {  	v41 =	vld [tilespmem:s2+$0x8420];
	v5 =	vmax.f32 v34, v5  }
0x1ec: {  	[tilespmem:$0x1EC90] =	vst v5;
	v50 =	vmax.f32 v54, v55;
	v55 =	vld [tilespmem:$0x1ECA0]  }
0x1ed: {  	v5 =	vld [tilespmem:s2+$0x7CB0]  }
0x1ee: {  	v20 =	vld [tilespmem:s2+$0x7D30]  }
0x1ef: {  	v21 =	vld [tilespmem:s2+$0x7DB0]  }
0x1f0: {  	v42 =	vld [tilespmem:s2+$0x7E30]  }
0x1f1: {  	v43 =	vld [tilespmem:s2+$0x7EB0]  }
0x1f2: {  	v44 =	vld [tilespmem:s2+$0x7F30]  }
0x1f3: {  	v45 =	vld [tilespmem:s2+$0x7FB0]  }
0x1f4: {  	v46 =	vld [tilespmem:s2+$0x8030]  }
0x1f5: {  	v47 =	vld [tilespmem:s2+$0x80B0]  }
0x1f6: {  	v4 =	vmax.f32 v4, v53;
	v51 =	vmax.f32 v56, v57;
	v48 =	vld [tilespmem:s2+$0x8130]  }
0x1f7: {  	v52 =	vmax.f32 v58, v59;
	v53 =	vmax.f32 v60, v61;
	v54 =	vmax.f32 v62, v35;
	v49 =	vld [tilespmem:s2+$0x81B0]  }
0x1f8: {  	v6 =	vmax.f32 v37, v39;
	v7 =	vmax.f32 v40, v41;
	v56 =	vld [tilespmem:s2+$0x8230];
	v4 =	vmax.f32 v4, v50  }
0x1f9: {  	v57 =	vld [tilespmem:s2+$0x82B0];
	v58 =	vmax.f32 v51, v52;
	v59 =	vmax.f32 v53, v54;
	v6 =	vmax.f32 v6, v7  }
0x1fa: {  	v60 =	vld [tilespmem:s2+$0x8330];
	v4 =	vmax.f32 v4, v58;
	v6 =	vmax.f32 v59, v6  }
0x1fb: {  	v61 =	vld [tilespmem:s2+$0x83B0];
	v4 =	vmax.f32 v4, v6  }
0x1fc: {  	v62 =	vld [tilespmem:s2+$0x8430];
	v4 =	vmax.f32 v55, v4  }
0x1fd: {  	[tilespmem:$0x1ECA0] =	vst v4;
	v43 =	vmax.f32 v43, v44;
	v44 =	vmax.f32 v45, v46;
	v46 =	vld [tilespmem:$0x1ECB0]  }
0x1fe: {  	v4 =	vld [tilespmem:s2+$0x7CC0]  }
0x1ff: {  	v63 =	vld [tilespmem:s2+$0x7D40]  }
0x200: {  	v33 =	vld [tilespmem:s2+$0x7DC0]  }
0x201: {  	v34 =	vld [tilespmem:s2+$0x7E40]  }
0x202: {  	v35 =	vld [tilespmem:s2+$0x7EC0]  }
0x203: {  	v36 =	vld [tilespmem:s2+$0x7F40]  }
0x204: {  	v37 =	vld [tilespmem:s2+$0x7FC0]  }
0x205: {  	v38 =	vld [tilespmem:s2+$0x8040]  }
0x206: {  	v39 =	vld [tilespmem:s2+$0x80C0]  }
0x207: {  	v5 =	vmax.f32 v5, v20;
	v40 =	vld [tilespmem:s2+$0x8140]  }
0x208: {  	v42 =	vmax.f32 v21, v42;
	v45 =	vmax.f32 v47, v48;
	v16 =	vmax.f32 v49, v56;
	v41 =	vld [tilespmem:s2+$0x81C0]  }
0x209: {  	v7 =	vmax.f32 v57, v60;
	v6 =	vmax.f32 v61, v62;
	v47 =	vld [tilespmem:s2+$0x8240];
	v5 =	vmax.f32 v5, v42  }
0x20a: {  	v48 =	vld [tilespmem:s2+$0x82C0];
	v49 =	vmax.f32 v43, v44;
	v16 =	vmax.f32 v45, v16;
	v6 =	vmax.f32 v7, v6  }
0x20b: {  	v50 =	vld [tilespmem:s2+$0x8340];
	v5 =	vmax.f32 v5, v49;
	v6 =	vmax.f32 v16, v6  }
0x20c: {  	v51 =	vld [tilespmem:s2+$0x83C0];
	v5 =	vmax.f32 v5, v6  }
0x20d: {  	v52 =	vld [tilespmem:s2+$0x8440];
	v5 =	vmax.f32 v46, v5  }
0x20e: {  	[tilespmem:$0x1ECB0] =	vst v5;
	v31 =	vmax.f32 v35, v36;
	v35 =	vld [tilespmem:$0x1ECC0]  }
0x20f: {  	v5 =	vld [tilespmem:s2+$0x7CD0]  }
0x210: {  	v53 =	vld [tilespmem:s2+$0x7D50]  }
0x211: {  	v54 =	vld [tilespmem:s2+$0x7DD0]  }
0x212: {  	v55 =	vld [tilespmem:s2+$0x7E50]  }
0x213: {  	v56 =	vld [tilespmem:s2+$0x7ED0]  }
0x214: {  	v57 =	vld [tilespmem:s2+$0x7F50]  }
0x215: {  	v58 =	vld [tilespmem:s2+$0x7FD0]  }
0x216: {  	v59 =	vld [tilespmem:s2+$0x8050]  }
0x217: {  	v60 =	vld [tilespmem:s2+$0x80D0]  }
0x218: {  	v4 =	vmax.f32 v4, v63;
	v63 =	vmax.f32 v33, v34;
	v61 =	vld [tilespmem:s2+$0x8150]  }
0x219: {  	v32 =	vmax.f32 v37, v38;
	v33 =	vmax.f32 v39, v40;
	v34 =	vmax.f32 v41, v47;
	v62 =	vld [tilespmem:s2+$0x81D0]  }
0x21a: {  	v7 =	vmax.f32 v48, v50;
	v6 =	vmax.f32 v51, v52;
	v36 =	vld [tilespmem:s2+$0x8250];
	v4 =	vmax.f32 v4, v63  }
0x21b: {  	v37 =	vld [tilespmem:s2+$0x82D0];
	v38 =	vmax.f32 v31, v32;
	v39 =	vmax.f32 v33, v34;
	v6 =	vmax.f32 v7, v6  }
0x21c: {  	v40 =	vld [tilespmem:s2+$0x8350];
	v4 =	vmax.f32 v4, v38;
	v6 =	vmax.f32 v39, v6  }
0x21d: {  	v41 =	vld [tilespmem:s2+$0x83D0];
	v4 =	vmax.f32 v4, v6  }
0x21e: {  	v42 =	vld [tilespmem:s2+$0x8450];
	v4 =	vmax.f32 v35, v4  }
0x21f: {  	[tilespmem:$0x1ECC0] =	vst v4;
	v5 =	vmax.f32 v5, v53;
	v53 =	vld [tilespmem:$0x1ECD0]  }
0x220: {  	v4 =	vld [tilespmem:s2+$0x7CE0]  }
0x221: {  	v10 =	vld [tilespmem:s2+$0x7D60]  }
0x222: {  	v11 =	vld [tilespmem:s2+$0x7DE0]  }
0x223: {  	v43 =	vld [tilespmem:s2+$0x7E60]  }
0x224: {  	v44 =	vld [tilespmem:s2+$0x7EE0]  }
0x225: {  	v45 =	vld [tilespmem:s2+$0x7F60]  }
0x226: {  	v15 =	vld [tilespmem:s2+$0x7FE0]  }
0x227: {  	v46 =	vld [tilespmem:s2+$0x8060]  }
0x228: {  	v49 =	vmax.f32 v54, v55;
	v50 =	vmax.f32 v56, v57;
	v19 =	vld [tilespmem:s2+$0x80E0]  }
0x229: {  	v51 =	vmax.f32 v58, v59;
	v52 =	vmax.f32 v60, v61;
	v17 =	vmax.f32 v62, v36;
	v47 =	vld [tilespmem:s2+$0x8160]  }
0x22a: {  	v7 =	vmax.f32 v37, v40;
	v6 =	vmax.f32 v41, v42;
	v48 =	vld [tilespmem:s2+$0x81E0];
	v5 =	vmax.f32 v5, v49  }
0x22b: {  	v54 =	vld [tilespmem:s2+$0x8260];
	v56 =	vmax.f32 v50, v51;
	v57 =	vmax.f32 v52, v17;
	v6 =	vmax.f32 v7, v6  }
0x22c: {  	v55 =	vld [tilespmem:s2+$0x82E0];
	v5 =	vmax.f32 v5, v56;
	v6 =	vmax.f32 v57, v6  }
0x22d: {  	v58 =	vld [tilespmem:s2+$0x8360];
	v5 =	vmax.f32 v5, v6  }
0x22e: {  	v59 =	vld [tilespmem:s2+$0x83E0];
	v5 =	vmax.f32 v53, v5  }
0x22f: {  	v60 =	vld [tilespmem:s2+$0x8460];
	[tilespmem:$0x1ECD0] =	vst v5  }
0x230: {  	v5 =	vld [tilespmem:s2+$0x7CF0]  }
0x231: {  	v61 =	vld [tilespmem:s2+$0x7D70]  }
0x232: {  	v62 =	vld [tilespmem:s2+$0x7DF0]  }
0x233: {  	v63 =	vld [tilespmem:s2+$0x7E70]  }
0x234: {  	v36 =	vld [tilespmem:s2+$0x7EF0]  }
0x235: {  	v37 =	vld [tilespmem:s2+$0x7F70]  }
0x236: {  	v38 =	vld [tilespmem:s2+$0x7FF0]  }
0x237: {  	v39 =	vld [tilespmem:s2+$0x8070]  }
0x238: {  	v40 =	vld [tilespmem:s2+$0x80F0]  }
0x239: {  	v41 =	vld [tilespmem:s2+$0x8170]  }
0x23a: {  	v42 =	vld [tilespmem:s2+$0x81F0]  }
0x23b: {  	v31 =	vld [tilespmem:s2+$0x8270]  }
0x23c: {  	v32 =	vld [tilespmem:s2+$0x82F0]  }
0x23d: {  	v4 =	vmax.f32 v4, v10;
	v43 =	vmax.f32 v11, v43;
	v44 =	vmax.f32 v44, v45;
	v33 =	vld [tilespmem:s2+$0x8370]  }
0x23e: {  	v46 =	vmax.f32 v15, v46;
	v47 =	vmax.f32 v19, v47;
	v48 =	vmax.f32 v48, v54;
	v45 =	vld [tilespmem:s2+$0x83F0]  }
0x23f: {  	v7 =	vmax.f32 v55, v58;
	v6 =	vmax.f32 v59, v60;
	v49 =	vld [tilespmem:s2+$0x8470];
	v4 =	vmax.f32 v4, v43  }
0x240: {  	v50 =	vmax.f32 v44, v46;
	v51 =	vmax.f32 v47, v48;
	v6 =	vmax.f32 v7, v6  }
0x241: {  	v4 =	vmax.f32 v4, v50;
	v6 =	vmax.f32 v51, v6  }
0x242: {  	v52 =	vld [tilespmem:$0x1ECE0];
	v5 =	vmax.f32 v5, v61;
	v53 =	vmax.f32 v62, v63;
	v54 =	vmax.f32 v36, v37  }
0x243: {  	v58 =	vld [tilespmem:$0x1ECF0];
	v55 =	vmax.f32 v38, v39;
	v56 =	vmax.f32 v40, v41;
	v57 =	vmax.f32 v42, v31  }
0x244: {  	v59 =	vmax.f32 v32, v33;
	v12 =	vmax.f32 v45, v49;
	v5 =	vmax.f32 v5, v53  }
0x245: {  	v60 =	vmax.f32 v54, v55;
	v61 =	vmax.f32 v56, v57;
	v62 =	vmax.f32 v59, v12  }
0x246: {  	v4 =	vmax.f32 v4, v6;
	v5 =	vmax.f32 v5, v60;
	v63 =	vmax.f32 v61, v62  }
0x247: {  	v4 =	vmax.f32 v52, v4;
	v5 =	vmax.f32 v5, v63  }
0x248: {  	[tilespmem:$0x1ECE0] =	vst v4;
	v4 =	vmax.f32 v58, v5  }
0x249: {  	[tilespmem:$0x1ECF0] =	vst v4  }
.LBB2_17:
0x24a: {  	s24 =	sadd.s32 $0x1, s24  }
0x24b: {  	p0 =	sne.s32 s24, $0xE  }
.Ltmp14:
0x24c: {  	_ = 	snop;
	(pc) =	sbr.rel @!p0 .LBB2_18-.Ltmp14, $2  }
0x24d: {  	_ =	sdelay $0x2  }
0x24e: {  	s30 =	sadd.s32 $0x10, s30;
	s4 =	sadd.s32 $0x800, s4  }
.LBB2_13:
0x24f: {  	_ =	sdelay $0x2  }
0x250: {  	s2 =	sshll.u32 s24, $0x4  }
0x251: {  	v4 =	vld.idx.msk [tilespmem:v3+s2+$0x0 ss:$0x1], $0xffff;
	_ =	sdelay $0x4  }
0x252: {  	(v2sf) =	vpush v4, $0x0  }
0x253: {  	(v2sf) =	vpush v4, $0xF;
	_ =	sdelay $0xd  }
0x254: {  	s20 =	spop (v2sf)  }
0x255: {  	p0 =	sne.s32 s20, s9;
	s2 =	spop (v2sf)  }
0x256: {  	p1 =	sne.s32 @!p0 s2, s9  }
0x257: {  	p1 =	por p0, p1  }
.Ltmp15:
0x258: {  	_ = 	snop;
	(pc) =	sbr.rel @!p1 .LBB2_22-.Ltmp15, $1  }
0x259: {  	_ =	sdelay $0x3  }
0x25a: {  	s20 =	smov.u32 s30  }
0x25b: {  	s20 =	smov.u32 @p0 s30  }
0x25c: {  	v5 =	vld [tilespmem:s20+$0x0];
	_ =	sdelay $0x4  }
0x25d: {  	(v2sf) =	vpush v5, $0x0;
	_ =	sdelay $0xe  }
0x25e: {  	s11 =	simm.s32 $0x0;
	s9 =	smov.u32 @p0 s9;
	s2 =	spop (v2sf)  }
0x25f: {  	s11 =	simm.s32 @p0 $0x0;
	p0 =	seq.s32 s2, s9  }
0x260: {  	v5 =	vld @!p0 [tilespmem:$0x1EC80];
	_ =	sdelay $0x2  }
0x261: {  	s9 =	sshll.u32 @!p0 s9, $0x9  }
0x262: {  	s9 =	sshra.s32 @!p0 s9, $0x2  }
0x263: {  	[tilespmem:s9+$0xEC80] =	vst @!p0 v5  }
0x264: {  	v5 =	vld @!p0 [tilespmem:$0x1EC90];
	_ =	sdelay $0x4  }
0x265: {  	[tilespmem:s9+$0xEC90] =	vst @!p0 v5  }
0x266: {  	v5 =	vld @!p0 [tilespmem:$0x1ECA0];
	_ =	sdelay $0x4  }
0x267: {  	[tilespmem:s9+$0xECA0] =	vst @!p0 v5  }
0x268: {  	v5 =	vld @!p0 [tilespmem:$0x1ECB0];
	_ =	sdelay $0x4  }
0x269: {  	[tilespmem:s9+$0xECB0] =	vst @!p0 v5  }
0x26a: {  	v5 =	vld @!p0 [tilespmem:$0x1ECC0];
	_ =	sdelay $0x4  }
0x26b: {  	[tilespmem:s9+$0xECC0] =	vst @!p0 v5  }
0x26c: {  	v5 =	vld @!p0 [tilespmem:$0x1ECD0];
	_ =	sdelay $0x4  }
0x26d: {  	[tilespmem:s9+$0xECD0] =	vst @!p0 v5  }
0x26e: {  	v5 =	vld @!p0 [tilespmem:$0x1ECE0];
	_ =	sdelay $0x4  }
0x26f: {  	[tilespmem:s9+$0xECE0] =	vst @!p0 v5  }
0x270: {  	v5 =	vld @!p0 [tilespmem:$0x1ECF0];
	_ =	sdelay $0x4  }
0x271: {  	[tilespmem:s9+$0xECF0] =	vst @!p0 v5;
	v5 =	vimm.f32 @!p0 $-Inf  }
0x272: {  	[tilespmem:$0x1ECF0] =	vst @!p0 v5  }
0x273: {  	[tilespmem:$0x1ECE0] =	vst @!p0 v5  }
0x274: {  	[tilespmem:$0x1ECD0] =	vst @!p0 v5  }
0x275: {  	v4 =	vmov s4;
	[tilespmem:$0x1ECC0] =	vst @!p0 v5  }
0x276: {  	[tilespmem:$0x1ECB0] =	vst @!p0 v5  }
0x277: {  	[tilespmem:$0x1ECA0] =	vst @!p0 v5  }
0x278: {  	[tilespmem:$0x1EC80] =	vst @!p0 v5  }
0x279: {  	s10 =	sshra.s32 s11, $0x2;
	[tilespmem:$0x1EC90] =	vst @!p0 v5;
	v5 =	vld [tilespmem:$0x1EC80]  }
0x27a: {  	v6 =	vld.idx.msk [tilespmem:v4+s10+$0x7000 ss:$0x1], $0xffff;
	_ =	sdelay $0x4  }
0x27b: {  	v5 =	vmax.f32 v5, v6  }
0x27c: {  	v6 =	vld [tilespmem:$0x1EC90];
	[tilespmem:$0x1EC80] =	vst v5  }
0x27d: {  	v5 =	vld.idx.msk [tilespmem:v4+s10+$0x7010 ss:$0x1], $0xffff;
	_ =	sdelay $0x4  }
0x27e: {  	v5 =	vmax.f32 v6, v5  }
0x27f: {  	v6 =	vld [tilespmem:$0x1ECA0];
	[tilespmem:$0x1EC90] =	vst v5  }
0x280: {  	v5 =	vld.idx.msk [tilespmem:v4+s10+$0x7020 ss:$0x1], $0xffff;
	_ =	sdelay $0x4  }
0x281: {  	v5 =	vmax.f32 v6, v5  }
0x282: {  	v6 =	vld [tilespmem:$0x1ECB0];
	[tilespmem:$0x1ECA0] =	vst v5  }
0x283: {  	v5 =	vld.idx.msk [tilespmem:v4+s10+$0x7030 ss:$0x1], $0xffff;
	_ =	sdelay $0x4  }
0x284: {  	v5 =	vmax.f32 v6, v5  }
0x285: {  	v6 =	vld [tilespmem:$0x1ECC0];
	[tilespmem:$0x1ECB0] =	vst v5  }
0x286: {  	v5 =	vld.idx.msk [tilespmem:v4+s10+$0x7040 ss:$0x1], $0xffff;
	_ =	sdelay $0x4  }
0x287: {  	v5 =	vmax.f32 v6, v5  }
0x288: {  	v6 =	vld [tilespmem:$0x1ECD0];
	[tilespmem:$0x1ECC0] =	vst v5  }
0x289: {  	v5 =	vld.idx.msk [tilespmem:v4+s10+$0x7050 ss:$0x1], $0xffff;
	_ =	sdelay $0x4  }
0x28a: {  	v5 =	vmax.f32 v6, v5  }
0x28b: {  	v6 =	vld [tilespmem:$0x1ECE0];
	[tilespmem:$0x1ECD0] =	vst v5  }
0x28c: {  	s9 =	sadd.s32 $0x200, s11;
	v5 =	vld.idx.msk [tilespmem:v4+s10+$0x7060 ss:$0x1], $0xffff  }
0x28d: {  	p0 =	sne.s32 s9, $0x2000  }
.Ltmp16:
0x28e: {  	_ = 	snop;
	(pc) =	sbr.rel @!p0 .LBB2_16-.Ltmp16, $3  }
0x28f: {  	_ =	sdelay $0x1  }
0x290: {  	v6 =	vmax.f32 v6, v5  }
0x291: {  	v5 =	vld [tilespmem:$0x1ECF0];
	[tilespmem:$0x1ECE0] =	vst v6  }
.LBB2_15:
0x292: {  	v6 =	vld.idx.msk [tilespmem:v4+s10+$0x7070 ss:$0x1], $0xffff;
	s20 =	sadd.s32 $0x1, s20;
	s10 =	smov.u32 s9;
	s9 =	sadd.s32 $0x200, s9  }
0x293: {  	s11 =	smov.u32 s2;
	p0 =	sne.s32 s9, $0x2000;
	_ =	sdelay $0x4  }
0x294: {  	v5 =	vmax.f32 v5, v6  }
0x295: {  	[tilespmem:$0x1ECF0] =	vst v5  }
0x296: {  	v5 =	vld [tilespmem:s20+$0x0];
	_ =	sdelay $0x4  }
0x297: {  	(v2sf) =	vpush v5, $0x0;
	_ =	sdelay $0xe  }
0x298: {  	s2 =	spop (v2sf)  }
0x299: {  	p1 =	seq.s32 s2, s11  }
0x29a: {  	v5 =	vld @!p1 [tilespmem:$0x1EC80];
	s11 =	sshll.u32 @!p1 s11, $0x9;
	_ =	sdelay $0x3  }
0x29b: {  	s11 =	sshra.s32 @!p1 s11, $0x2  }
0x29c: {  	[tilespmem:s11+$0xEC80] =	vst @!p1 v5  }
0x29d: {  	v5 =	vld @!p1 [tilespmem:$0x1EC90];
	_ =	sdelay $0x4  }
0x29e: {  	[tilespmem:s11+$0xEC90] =	vst @!p1 v5  }
0x29f: {  	v5 =	vld @!p1 [tilespmem:$0x1ECA0];
	_ =	sdelay $0x4  }
0x2a0: {  	[tilespmem:s11+$0xECA0] =	vst @!p1 v5  }
0x2a1: {  	v5 =	vld @!p1 [tilespmem:$0x1ECB0];
	_ =	sdelay $0x4  }
0x2a2: {  	[tilespmem:s11+$0xECB0] =	vst @!p1 v5  }
0x2a3: {  	v5 =	vld @!p1 [tilespmem:$0x1ECC0];
	_ =	sdelay $0x4  }
0x2a4: {  	[tilespmem:s11+$0xECC0] =	vst @!p1 v5  }
0x2a5: {  	v5 =	vld @!p1 [tilespmem:$0x1ECD0];
	_ =	sdelay $0x4  }
0x2a6: {  	[tilespmem:s11+$0xECD0] =	vst @!p1 v5  }
0x2a7: {  	v5 =	vld @!p1 [tilespmem:$0x1ECE0];
	_ =	sdelay $0x4  }
0x2a8: {  	[tilespmem:s11+$0xECE0] =	vst @!p1 v5  }
0x2a9: {  	v5 =	vld @!p1 [tilespmem:$0x1ECF0];
	_ =	sdelay $0x4  }
0x2aa: {  	v6 =	vimm.f32 @!p1 $-Inf;
	[tilespmem:s11+$0xECF0] =	vst @!p1 v5  }
0x2ab: {  	[tilespmem:$0x1ECF0] =	vst @!p1 v6  }
0x2ac: {  	[tilespmem:$0x1ECE0] =	vst @!p1 v6;
	v5 =	vld [tilespmem:$0x1ECF0]  }
0x2ad: {  	[tilespmem:$0x1ECD0] =	vst @!p1 v6;
	v7 =	vld [tilespmem:$0x1ECE0]  }
0x2ae: {  	[tilespmem:$0x1ECC0] =	vst @!p1 v6;
	v8 =	vld [tilespmem:$0x1ECD0]  }
0x2af: {  	[tilespmem:$0x1ECB0] =	vst @!p1 v6;
	v9 =	vld [tilespmem:$0x1ECC0]  }
0x2b0: {  	[tilespmem:$0x1ECA0] =	vst @!p1 v6;
	v10 =	vld [tilespmem:$0x1ECB0]  }
0x2b1: {  	s10 =	sshra.s32 s10, $0x2;
	[tilespmem:$0x1EC80] =	vst @!p1 v6;
	v11 =	vld [tilespmem:$0x1ECA0]  }
0x2b2: {  	[tilespmem:$0x1EC90] =	vst @!p1 v6;
	v6 =	vld [tilespmem:$0x1EC80]  }
0x2b3: {  	v12 =	vld.idx.msk [tilespmem:v4+s10+$0x7000 ss:$0x1], $0xffff  }
0x2b4: {  	v13 =	vld [tilespmem:$0x1EC90];
	_ =	sdelay $0x4  }
0x2b5: {  	v6 =	vmax.f32 v6, v12  }
0x2b6: {  	[tilespmem:$0x1EC80] =	vst v6  }
0x2b7: {  	v6 =	vld.idx.msk [tilespmem:v4+s10+$0x7010 ss:$0x1], $0xffff;
	_ =	sdelay $0x5  }
0x2b8: {  	v6 =	vmax.f32 v13, v6  }
0x2b9: {  	[tilespmem:$0x1EC90] =	vst v6  }
0x2ba: {  	v6 =	vld.idx.msk [tilespmem:v4+s10+$0x7020 ss:$0x1], $0xffff;
	_ =	sdelay $0x5  }
0x2bb: {  	v6 =	vmax.f32 v11, v6  }
0x2bc: {  	[tilespmem:$0x1ECA0] =	vst v6  }
0x2bd: {  	v6 =	vld.idx.msk [tilespmem:v4+s10+$0x7030 ss:$0x1], $0xffff;
	_ =	sdelay $0x5  }
0x2be: {  	v6 =	vmax.f32 v10, v6  }
0x2bf: {  	[tilespmem:$0x1ECB0] =	vst v6  }
0x2c0: {  	v6 =	vld.idx.msk [tilespmem:v4+s10+$0x7040 ss:$0x1], $0xffff;
	_ =	sdelay $0x5  }
0x2c1: {  	v6 =	vmax.f32 v9, v6  }
0x2c2: {  	[tilespmem:$0x1ECC0] =	vst v6  }
0x2c3: {  	v6 =	vld.idx.msk [tilespmem:v4+s10+$0x7050 ss:$0x1], $0xffff;
	_ =	sdelay $0x5  }
0x2c4: {  	v6 =	vmax.f32 v8, v6  }
0x2c5: {  	[tilespmem:$0x1ECD0] =	vst v6  }
0x2c6: {  	v6 =	vld.idx.msk [tilespmem:v4+s10+$0x7060 ss:$0x1], $0xffff;
	_ =	sdelay $0x2  }
.Ltmp17:
0x2c7: {  	(pc) =	sbr.rel @p0 .LBB2_15-.Ltmp17, $3  }
0x2c8: {  	_ =	sdelay $0x1  }
0x2c9: {  	v6 =	vmax.f32 v7, v6  }
0x2ca: {  	[tilespmem:$0x1ECE0] =	vst v6  }
.LBB2_16:
0x2cb: {  	_ =	sdelay $0x3  }
0x2cc: {  	v4 =	vld.idx.msk [tilespmem:v4+s10+$0x7070 ss:$0x1], $0xffff;
	_ =	sdelay $0x1  }
.Ltmp18:
0x2cd: {  	_ = 	snop;
	(pc) =	sbr.rel .LBB2_17-.Ltmp18, $3  }
0x2ce: {  	_ =	sdelay $0x1  }
0x2cf: {  	v4 =	vmax.f32 v5, v4  }
0x2d0: {  	s9 =	smov.u32 s2;
	[tilespmem:$0x1ECF0] =	vst v4  }
.LBB2_20:
0x2d1: {  	_ =	sfence.sel $0x180000  }
0x2d2: {  	[bflag:$0x0] =	sbarrier.arrive $0xFFFF  }
0x2d3: {  	_ =	strace $0x90000047  }
0x2d4: {  	s0 =	stileid.u32;
	[bflag:$0x2] =	sbarrier.arrive $0xFFFF  }
0x2d5: {  	p0 =	sne.s32 s0, $0x0;
	s0 =	rddreg [dreg:$0x4]  }
0x2d6: {  	s0 =	sadd.s32 @!p0 $0x100000, s0  }
0x2d7: {  	[sflag:s0] =	ssyncadd.tile.s32 @!p0 $0x1;
	_ =	shalt  }
.Lfunc_end2:
_tile_overlayer_lowered:
.L_overlay_start_2:
0x2d8: {  	(tag) =	ssettag $0x2  }
0x2d9: {  	s0 =	rddreg [dreg:$0x0];
	s2 =	stileid.u32  }
0x2da: {  	s1 =	rddreg [dreg:$0x1];
	p0 =	sne.s32 s2, $0x0  }
0x2db: {  	s3 =	rddreg [dreg:$0x2];
	[bflag:$0x3] =	sbarrier.arrive $0xFFFF;
	s2 =	simm.s32 @!p0 $0x1C03  }
0x2dc: {  	[timem:s3], [sflag:s2] =	dma.local @!p0 [hbm:s0], s1  }
0x2dd: {  	s0 =	simm.s32 @!p0 $0x3  }
0x2de: {  	_ =	swait.ge @!p0 [sflag:s0], s1  }
0x2df: {  	s1 =	ssub.s32 @!p0 $0x0, s1;
	[sflag:s0] =	ssyncset.done @!p0 $0x0  }
0x2e0: {  	[sflag:s0] =	ssyncadd.s32 @!p0 s1  }
0x2e1: {  	[bflag:$0x3] =	sbarrier.arrive $0xFFFF  }
0x2e2: {  	_ =	shalt  }

</sc_bundles>
